<compile_context>
chip_gen: v7x
topology: tpu7x:2x2x1
jax: 0.10.2.dev20260603
libtpu: 0.0.44.dev20260713+nightly
codegen_flags: <defaults>
</compile_context>

<pallas_src>
import numpy as np
import jax
import jax.numpy as jnp
from jax import lax
from jax.experimental import pallas as pl
from jax.experimental.pallas import tpu as pltpu
from jax.experimental.pallas import tpu_sc as plsc

D = 128
P = D * (D + 1) // 2
NK = D // 2 + 1
G = 512
N = 10000
NPAD = 10240
BT = 320

NTILES = 16
ROWS_PT = NPAD // NTILES
IDXROWS_PT = ROWS_PT // 128
GH = G // 2
GACC = 384
ZROWS_PT = GACC // NTILES

_SELU_SCALE = 1.0507009873554804934193349852946
_SELU_ALPHA = 1.6732632423543772848170429916717
_RSQRT_P = 1.0 / np.sqrt(np.float32(P))
_QROOT2 = np.float32(2.0) ** 0.25

_iu, _ju = np.triu_indices(D)
_pair = np.zeros((D, D), np.int32)
_pair[_iu, _ju] = np.arange(P, dtype=np.int32)
_pair[_ju, _iu] = np.arange(P, dtype=np.int32)
_ii = np.tile(np.arange(D)[None, :], (NK, 1))
_jj = (_ii + np.arange(NK)[:, None]) % D
_PIDX = _pair[_ii, _jj]
_MASKK = np.ones((NK, D), np.float32)
_MASKK[NK - 1, D // 2:] = 0.0
_TILE_OF = (np.arange(NPAD) // ROWS_PT).astype(np.int32)


def _dense_body(f_ref, idx_ref, wk_ref, a2_ref, y_ref, z_ref, zacc_ref):
    i = pl.program_id(0)
    nsteps = pl.num_programs(0)
    F = f_ref[...]
    Fs = F * _QROOT2

    acc2d = jnp.zeros((BT, D), jnp.float32)
    for k in range(1, NK):
        Fr = jnp.concatenate([Fs[:, k:], Fs[:, :k]], axis=1)
        T = Fs * Fr
        E = jnp.exp(jnp.minimum(T, 0.0))
        acc2d = acc2d + E * wk_ref[k:k + 1, :]
    Fa = jnp.abs(F)
    qf1 = jnp.sum(jnp.dot(F, a2_ref[...], preferred_element_type=jnp.float32)
                  * F, axis=1, keepdims=True)
    qf2 = jnp.sum(jnp.dot(Fa, a2_ref[...], preferred_element_type=jnp.float32)
                  * Fa, axis=1, keepdims=True)
    const = jnp.sum(wk_ref[...])
    logit = qf1 + qf2 + jnp.sum(acc2d, axis=1, keepdims=True) - const
    row = i * BT + lax.broadcasted_iota(jnp.int32, (BT, 1), 0)
    e = jnp.where(row < N, jnp.exp(logit), 0.0)
    y_ref[...] = F * e

    idx = idx_ref[...].reshape(1, BT)
    onehot_t = (lax.broadcasted_iota(jnp.int32, (G, BT), 0) == idx
                ).astype(jnp.float32)

    @pl.when(i == 0)
    def _init():
        zacc_ref[...] = jnp.zeros_like(zacc_ref)

    zacc_ref[...] += jnp.dot(onehot_t, jnp.broadcast_to(e, (BT, D)),
                             preferred_element_type=jnp.float32)

    @pl.when(i == nsteps - 1)
    def _finish():
        z_ref[...] = zacc_ref[...]


def _dense_stage(node_ft_pad, idx3, wk, a2):
    return pl.pallas_call(
        _dense_body,
        grid=(NPAD // BT,),
        in_specs=[
            pl.BlockSpec((BT, D), lambda i: (i, 0)),
            pl.BlockSpec((1, 1, BT), lambda i: (i, 0, 0)),
            pl.BlockSpec((72, D), lambda i: (0, 0)),
            pl.BlockSpec((D, D), lambda i: (0, 0)),
        ],
        out_specs=[
            pl.BlockSpec((BT, D), lambda i: (i, 0)),
            pl.BlockSpec((G, D), lambda i: (0, 0)),
        ],
        out_shape=[
            jax.ShapeDtypeStruct((NPAD, D), jnp.float32),
            jax.ShapeDtypeStruct((G, D), jnp.float32),
        ],
        scratch_shapes=[pltpu.VMEM((G, D), jnp.float32)],
    )(node_ft_pad, idx3, wk, a2)


def _sc_body(y_hbm, idx_hbm, z_hbm, zy_hbm, out_hbm,
             y_v, idx_v, accy_gather, z_gather, out_v, accy):
    c = lax.axis_index("c")
    s = lax.axis_index("s")
    glo = c * GH

    pltpu.sync_copy(zy_hbm.at[pl.ds(s * ZROWS_PT, ZROWS_PT)],
                    accy.at[pl.ds(s * ZROWS_PT, ZROWS_PT)])
    pltpu.sync_copy(idx_hbm.at[c * NTILES + s], idx_v)

    plsc.subcore_barrier()

    for j in range(IDXROWS_PT):
        pltpu.sync_copy(y_hbm.at[pl.ds(s * ROWS_PT + 128 * j, 128)], y_v)
        pltpu.sync_copy(y_v, accy.at[idx_v.at[j]], add=True)

    plsc.subcore_barrier()

    pltpu.sync_copy(accy.at[pl.ds(s * 16, 16)], accy_gather)
    pltpu.sync_copy(z_hbm.at[pl.ds(glo + s * 16, 16)], z_gather)
    for r in range(16):
        for q in range(8):
            z = jnp.maximum(z_gather[r, pl.ds(16 * q, 16)], 1e-30)
            out_v[r, pl.ds(16 * q, 16)] = accy_gather[r, pl.ds(16 * q, 16)] / z
    pltpu.sync_copy(out_v, out_hbm.at[pl.ds(glo + s * 16, 16)])


def _sc_stage():
    return pl.kernel(
        _sc_body,
        mesh=plsc.VectorSubcoreMesh(core_axis_name="c", subcore_axis_name="s"),
        out_type=jax.ShapeDtypeStruct((G, D), jnp.float32),
        scratch_types=[
            pltpu.VMEM((128, D), jnp.float32),
            pltpu.VMEM((IDXROWS_PT, 128), jnp.int32),
            pltpu.VMEM((16, D), jnp.float32),
            pltpu.VMEM((16, D), jnp.float32),
            pltpu.VMEM((16, D), jnp.float32),
            pltpu.VMEM_SHARED((GACC, D), jnp.float32),
        ],
    )


def _prep_weights(W):
    mask0 = np.copy(_MASKK)
    mask0[0] = 0.0
    wk = W[_PIDX] * jnp.asarray(mask0) * (_SELU_SCALE * _SELU_ALPHA
                                          * _RSQRT_P)
    wk = jnp.pad(wk, ((0, 72 - NK), (0, 0)))
    coefm = jnp.asarray(np.where(np.eye(D, dtype=bool), 2.0,
                                 np.sqrt(2.0)).astype(np.float32))
    a2 = W[jnp.asarray(_pair)] * coefm * np.float32(
        _SELU_SCALE * _RSQRT_P / 4.0)
    return wk, a2


def kernel(node_ft, batch_index, num_graphs, W):
    wk, a2 = _prep_weights(W)
    f_pad = jnp.pad(node_ft, ((0, NPAD - N), (0, 0)))
    idx = batch_index.astype(jnp.int32)
    idx_pad = jnp.pad(idx, (0, NPAD - N), constant_values=G)
    idx3 = jnp.where(idx_pad < G, idx_pad, 0).reshape(NPAD // BT, 1, BT)

    y, z = _dense_stage(f_pad, idx3, wk, a2)

    tile_of = jnp.asarray(_TILE_OF)
    parts = []
    for c in range(2):
        loc = idx_pad - c * GH
        ok = (loc >= 0) & (loc < GH)
        parts.append(jnp.where(ok, loc, GH + tile_of))
    idx6 = jnp.stack(parts).reshape(2 * NTILES, IDXROWS_PT, 128)

    zy = jnp.zeros((GACC, D), jnp.float32)
    out = _sc_stage()(y, idx6, z, zy)

    valid = jnp.arange(G) < num_graphs
    return jnp.where(valid[:, None], out, jnp.zeros_like(out))

# --- scband reference (transcript-rebuilt; emitter-appended) ---
"""Pipeline reference for scband-global-attention-pooling-48137993454068 (READ-ONLY COPY).

The authoritative reference and input builder live on the scoring server;
editing this copy changes nothing except your own understanding.
"""

import jax, jax.numpy as jnp
import numpy as np

D = 128
P = D * (D + 1) // 2
N = 10000
G = 512

_IU, _JU = np.triu_indices(D)
_COEF = np.where(_IU == _JU, 1.0, np.sqrt(2.0)).astype(np.float32)


def _tensor_square_scalars(x):
    # Symmetric tensor square of pure-scalar irreps (128x0e -> 8256x0e),
    # component normalization: diagonal x_u^2, off-diagonal sqrt(2)*x_u*x_v.
    return x[:, _IU] * x[:, _JU] * jnp.asarray(_COEF)


def setup_inputs(seed: int = 0) -> dict:
    key = jax.random.key(seed)
    k1, k2, k3 = jax.random.split(key, 3)
    node_ft = jax.random.normal(k1, (N, D), dtype=jnp.float32)
    batch_index = jnp.sort(jax.random.randint(k2, (N,), 0, G)).astype(jnp.int64)
    # e3nn o3.Linear(8256x0e -> 1x0e): weight ~ N(0,1), normalized by sqrt(fan_in) at forward
    W = jax.random.normal(k3, (P,), dtype=jnp.float32)
    return {"node_ft": node_ft, "batch_index": batch_index, "num_graphs": G, "W": W}


def reference(node_ft, batch_index, num_graphs, W):
    x = _tensor_square_scalars(node_ft)                      # [N, P]
    x = jax.nn.selu(x)
    logit = (x @ W) / jnp.sqrt(jnp.float32(P))               # [N]
    exp = jnp.exp(logit)                                     # [N]
    z = jax.ops.segment_sum(exp, batch_index, num_segments=G)  # [G]
    attn = exp / z[batch_index]                              # [N]
    out = jax.ops.segment_sum(node_ft * attn[:, None], batch_index, num_segments=G)  # [G, D]
    valid = jnp.arange(G) < num_graphs                       # [G]
    out = jnp.where(valid[:, None], out, jnp.zeros_like(out))
    return out

if __name__ == "__main__":
    import jax
    _d = setup_inputs()
    print(jax.jit(kernel)(*tuple(_d.values())))

</pallas_src>

<mosaic_0001>
#map = affine_map<(d0, d1) -> (0, 0)>
#map1 = affine_map<(d0, d1) -> (0, 0, 0)>
module attributes {stable_mosaic.version = 14 : i64} {
  func.func @_sc_body(%arg0: i32, %arg1: i32, %arg2: memref<10240x128xf32, #tpu.memory_space<hbm>>, %arg3: memref<32x5x128xi32, #tpu.memory_space<hbm>>, %arg4: memref<512x128xf32, #tpu.memory_space<hbm>>, %arg5: memref<384x128xf32, #tpu.memory_space<hbm>>, %arg6: memref<512x128xf32, #tpu.memory_space<hbm>>, %arg7: memref<128x128xf32, #tpu.memory_space<vmem>>, %arg8: memref<5x128xi32, #tpu.memory_space<vmem>>, %arg9: memref<16x128xf32, #tpu.memory_space<vmem>>, %arg10: memref<16x128xf32, #tpu.memory_space<vmem>>, %arg11: memref<16x128xf32, #tpu.memory_space<vmem>>, %arg12: memref<384x128xf32, #tpu.memory_space<vmem_shared>>) attributes {dimension_semantics = [#tpu.dimension_semantics<core_parallel>, #tpu.dimension_semantics<subcore_parallel>], iteration_bounds = array<i64: 2, 16>, scalar_prefetch = 0 : i64, scratch_operands = 6 : i64, tpu.core_type = #tpu.core_type<sc_vector_subcore>, window_params = [{transform_indices = #map}, {transform_indices = #map1}, {transform_indices = #map}, {transform_indices = #map}, {transform_indices = #map}]} {
    %mul3A = arith.constant 256 : i32
    %mul3A_0 = arith.muli %arg0, %mul3A : i32
    %mul3A_1 = arith.constant 24 : i32
    %mul3A_2 = arith.muli %arg1, %mul3A_1 : i32
    %mul3A_3 = arith.constant 24 : i32
    %mul3A_4 = arith.muli %arg1, %mul3A_3 : i32
    "tpu.region"() ({
      %run_scoped3A_2596 = tpu.sem_alloc : memref<!tpu.dma_semaphore, #tpu.memory_space<semaphore_mem>>
      %dma_start3A = arith.constant 0 : i32
      %dma_start3A_2597 = tpu.memref_slice %arg12[%mul3A_4, %dma_start3A] : memref<384x128xf32, #tpu.memory_space<vmem_shared>> -> memref<24x128xf32, #tpu.memory_space<vmem_shared>>
      %dma_start3A_2598 = arith.constant 0 : i32
      %dma_start3A_2599 = tpu.memref_slice %arg5[%mul3A_2, %dma_start3A_2598] : memref<384x128xf32, #tpu.memory_space<hbm>> -> memref<24x128xf32, #tpu.memory_space<hbm>>
      tpu.enqueue_dma source(%dma_start3A_2599 : memref<24x128xf32, #tpu.memory_space<hbm>>) target(%dma_start3A_2597 : memref<24x128xf32, #tpu.memory_space<vmem_shared>>) target_semaphore(%run_scoped3A_2596 : memref<!tpu.dma_semaphore, #tpu.memory_space<semaphore_mem>>)
      %dma_wait3A = arith.constant 0 : i32
      %dma_wait3A_2600 = tpu.memref_slice %arg12[%mul3A_4, %dma_wait3A] : memref<384x128xf32, #tpu.memory_space<vmem_shared>> -> memref<24x128xf32, #tpu.memory_space<vmem_shared>>
      %dma_wait3A_2601 = arith.constant 0 : i32
      %dma_wait3A_2602 = tpu.memref_slice %arg5[%mul3A_2, %dma_wait3A_2601] : memref<384x128xf32, #tpu.memory_space<hbm>> -> memref<24x128xf32, #tpu.memory_space<hbm>>
      tpu.wait_dma2 semaphore(%run_scoped3A_2596 : memref<!tpu.dma_semaphore, #tpu.memory_space<semaphore_mem>>) src(%dma_wait3A_2602 : memref<24x128xf32, #tpu.memory_space<hbm>>) dst(%dma_wait3A_2600 : memref<24x128xf32, #tpu.memory_space<vmem_shared>>)
      tpu.yield
    }) : () -> ()
    %mul3A_5 = arith.constant 16 : i32
    %mul3A_6 = arith.muli %arg0, %mul3A_5 : i32
    %add3A = arith.addi %mul3A_6, %arg1 : i32
    "tpu.region"() ({
      %run_scoped3A_2596 = tpu.sem_alloc : memref<!tpu.dma_semaphore, #tpu.memory_space<semaphore_mem>>
      %dma_start3A = arith.constant 0 : i32
      %dma_start3A_2597 = arith.constant 0 : i32
      %dma_start3A_2598 = tpu.memref_slice %arg3[%add3A, %dma_start3A, %dma_start3A_2597] : memref<32x5x128xi32, #tpu.memory_space<hbm>> -> memref<1x5x128xi32, #tpu.memory_space<hbm>>
      %dma_start3A_2599 = tpu.memref_squeeze %dma_start3A_2598 : memref<1x5x128xi32, #tpu.memory_space<hbm>> -> memref<5x128xi32, #tpu.memory_space<hbm>>
      %dma_start3A_2600 = arith.constant 0 : i32
      %dma_start3A_2601 = arith.constant 0 : i32
      %dma_start3A_2602 = tpu.memref_slice %arg3[%add3A, %dma_start3A_2600, %dma_start3A_2601] : memref<32x5x128xi32, #tpu.memory_space<hbm>> -> memref<1x5x128xi32, #tpu.memory_space<hbm>>
      %dma_start3A_2603 = tpu.memref_squeeze %dma_start3A_2602 : memref<1x5x128xi32, #tpu.memory_space<hbm>> -> memref<5x128xi32, #tpu.memory_space<hbm>>
      tpu.enqueue_dma source(%dma_start3A_2603 : memref<5x128xi32, #tpu.memory_space<hbm>>) target(%arg8 : memref<5x128xi32, #tpu.memory_space<vmem>>) target_semaphore(%run_scoped3A_2596 : memref<!tpu.dma_semaphore, #tpu.memory_space<semaphore_mem>>)
      %dma_wait3A = arith.constant 0 : i32
      %dma_wait3A_2604 = arith.constant 0 : i32
      %dma_wait3A_2605 = tpu.memref_slice %arg3[%add3A, %dma_wait3A, %dma_wait3A_2604] : memref<32x5x128xi32, #tpu.memory_space<hbm>> -> memref<1x5x128xi32, #tpu.memory_space<hbm>>
      %dma_wait3A_2606 = tpu.memref_squeeze %dma_wait3A_2605 : memref<1x5x128xi32, #tpu.memory_space<hbm>> -> memref<5x128xi32, #tpu.memory_space<hbm>>
      %dma_wait3A_2607 = arith.constant 0 : i32
      %dma_wait3A_2608 = arith.constant 0 : i32
      %dma_wait3A_2609 = tpu.memref_slice %arg3[%add3A, %dma_wait3A_2607, %dma_wait3A_2608] : memref<32x5x128xi32, #tpu.memory_space<hbm>> -> memref<1x5x128xi32, #tpu.memory_space<hbm>>
      %dma_wait3A_2610 = tpu.memref_squeeze %dma_wait3A_2609 : memref<1x5x128xi32, #tpu.memory_space<hbm>> -> memref<5x128xi32, #tpu.memory_space<hbm>>
      tpu.wait_dma2 semaphore(%run_scoped3A_2596 : memref<!tpu.dma_semaphore, #tpu.memory_space<semaphore_mem>>) src(%dma_wait3A_2610 : memref<5x128xi32, #tpu.memory_space<hbm>>) dst(%arg8 : memref<5x128xi32, #tpu.memory_space<vmem>>)
      tpu.yield
    }) : () -> ()
    %barrier3A = arith.constant 0 : index
    tpu.barrier barrier_id(%barrier3A)
    %mul3A_7 = arith.constant 640 : i32
    %mul3A_8 = arith.muli %arg1, %mul3A_7 : i32
    %add3A_9 = arith.constant 0 : i32
    %add3A_10 = arith.addi %mul3A_8, %add3A_9 : i32
    "tpu.region"() ({
      %run_scoped3A_2596 = tpu.sem_alloc : memref<!tpu.dma_semaphore, #tpu.memory_space<semaphore_mem>>
      %dma_start3A = arith.constant 0 : i32
      %dma_start3A_2597 = tpu.memref_slice %arg2[%add3A_10, %dma_start3A] : memref<10240x128xf32, #tpu.memory_space<hbm>> -> memref<128x128xf32, #tpu.memory_space<hbm>>
      %dma_start3A_2598 = arith.constant 0 : i32
      %dma_start3A_2599 = tpu.memref_slice %arg2[%add3A_10, %dma_start3A_2598] : memref<10240x128xf32, #tpu.memory_space<hbm>> -> memref<128x128xf32, #tpu.memory_space<hbm>>
      tpu.enqueue_dma source(%dma_start3A_2599 : memref<128x128xf32, #tpu.memory_space<hbm>>) target(%arg7 : memref<128x128xf32, #tpu.memory_space<vmem>>) target_semaphore(%run_scoped3A_2596 : memref<!tpu.dma_semaphore, #tpu.memory_space<semaphore_mem>>)
      %dma_wait3A = arith.constant 0 : i32
      %dma_wait3A_2600 = tpu.memref_slice %arg2[%add3A_10, %dma_wait3A] : memref<10240x128xf32, #tpu.memory_space<hbm>> -> memref<128x128xf32, #tpu.memory_space<hbm>>
      %dma_wait3A_2601 = arith.constant 0 : i32
      %dma_wait3A_2602 = tpu.memref_slice %arg2[%add3A_10, %dma_wait3A_2601] : memref<10240x128xf32, #tpu.memory_space<hbm>> -> memref<128x128xf32, #tpu.memory_space<hbm>>
      tpu.wait_dma2 semaphore(%run_scoped3A_2596 : memref<!tpu.dma_semaphore, #tpu.memory_space<semaphore_mem>>) src(%dma_wait3A_2602 : memref<128x128xf32, #tpu.memory_space<hbm>>) dst(%arg7 : memref<128x128xf32, #tpu.memory_space<vmem>>)
      tpu.yield
    }) : () -> ()
    %run_scoped3A = arith.constant 0 : i32
    "tpu.region"() ({
      %run_scoped3A_2596 = tpu.sem_alloc : memref<!tpu.dma_semaphore, #tpu.memory_space<semaphore_mem>>
      %dma_start3A = arith.constant 0 : i32
      %dma_start3A_2597 = tpu.memref_slice %arg8[%run_scoped3A, %dma_start3A] : memref<5x128xi32, #tpu.memory_space<vmem>> -> memref<1x128xi32, #tpu.memory_space<vmem>>
      %dma_start3A_2598 = tpu.memref_squeeze %dma_start3A_2597 : memref<1x128xi32, #tpu.memory_space<vmem>> -> memref<128xi32, #tpu.memory_space<vmem>>
      %dma_start3A_2599 = arith.constant 0 : i32
      %dma_start3A_2600 = arith.constant 0 : i32
      %dma_start3A_2601 = tpu.memref_slice %arg12[%dma_start3A_2599, %dma_start3A_2600] : memref<384x128xf32, #tpu.memory_space<vmem_shared>> -> memref<384x128xf32, #tpu.memory_space<vmem_shared>>
      tpu.enqueue_indirect_dma source(%arg7 : memref<128x128xf32, #tpu.memory_space<vmem>>) target(%dma_start3A_2601 : memref<384x128xf32, #tpu.memory_space<vmem_shared>>) offsets(%dma_start3A_2598 : memref<128xi32, #tpu.memory_space<vmem>>) semaphore(%run_scoped3A_2596 : memref<!tpu.dma_semaphore, #tpu.memory_space<semaphore_mem>>) {add = true}
      %dma_wait3A = arith.constant 0 : i32
      %dma_wait3A_2602 = tpu.memref_slice %arg8[%run_scoped3A, %dma_wait3A] : memref<5x128xi32, #tpu.memory_space<vmem>> -> memref<1x128xi32, #tpu.memory_space<vmem>>
      %dma_wait3A_2603 = tpu.memref_squeeze %dma_wait3A_2602 : memref<1x128xi32, #tpu.memory_space<vmem>> -> memref<128xi32, #tpu.memory_space<vmem>>
      %dma_wait3A_2604 = arith.constant 0 : i32
      %dma_wait3A_2605 = arith.constant 0 : i32
      %dma_wait3A_2606 = tpu.memref_slice %arg12[%dma_wait3A_2604, %dma_wait3A_2605] : memref<384x128xf32, #tpu.memory_space<vmem_shared>> -> memref<384x128xf32, #tpu.memory_space<vmem_shared>>
      tpu.wait_indirect_dma semaphore(%run_scoped3A_2596 : memref<!tpu.dma_semaphore, #tpu.memory_space<semaphore_mem>>) src(%arg7 : memref<128x128xf32, #tpu.memory_space<vmem>>) dst(%dma_wait3A_2606 : memref<384x128xf32, #tpu.memory_space<vmem_shared>>)
      tpu.yield
    }) : () -> ()
    %mul3A_11 = arith.constant 640 : i32
    %mul3A_12 = arith.muli %arg1, %mul3A_11 : i32
    %add3A_13 = arith.constant 128 : i32
    %add3A_14 = arith.addi %mul3A_12, %add3A_13 : i32
    "tpu.region"() ({
      %run_scoped3A_2596 = tpu.sem_alloc : memref<!tpu.dma_semaphore, #tpu.memory_space<semaphore_mem>>
      %dma_start3A = arith.constant 0 : i32
      %dma_start3A_2597 = tpu.memref_slice %arg2[%add3A_14, %dma_start3A] : memref<10240x128xf32, #tpu.memory_space<hbm>> -> memref<128x128xf32, #tpu.memory_space<hbm>>
      %dma_start3A_2598 = arith.constant 0 : i32
      %dma_start3A_2599 = tpu.memref_slice %arg2[%add3A_14, %dma_start3A_2598] : memref<10240x128xf32, #tpu.memory_space<hbm>> -> memref<128x128xf32, #tpu.memory_space<hbm>>
      tpu.enqueue_dma source(%dma_start3A_2599 : memref<128x128xf32, #tpu.memory_space<hbm>>) target(%arg7 : memref<128x128xf32, #tpu.memory_space<vmem>>) target_semaphore(%run_scoped3A_2596 : memref<!tpu.dma_semaphore, #tpu.memory_space<semaphore_mem>>)
      %dma_wait3A = arith.constant 0 : i32
      %dma_wait3A_2600 = tpu.memref_slice %arg2[%add3A_14, %dma_wait3A] : memref<10240x128xf32, #tpu.memory_space<hbm>> -> memref<128x128xf32, #tpu.memory_space<hbm>>
      %dma_wait3A_2601 = arith.constant 0 : i32
      %dma_wait3A_2602 = tpu.memref_slice %arg2[%add3A_14, %dma_wait3A_2601] : memref<10240x128xf32, #tpu.memory_space<hbm>> -> memref<128x128xf32, #tpu.memory_space<hbm>>
      tpu.wait_dma2 semaphore(%run_scoped3A_2596 : memref<!tpu.dma_semaphore, #tpu.memory_space<semaphore_mem>>) src(%dma_wait3A_2602 : memref<128x128xf32, #tpu.memory_space<hbm>>) dst(%arg7 : memref<128x128xf32, #tpu.memory_space<vmem>>)
      tpu.yield
    }) : () -> ()
    %run_scoped3A_15 = arith.constant 1 : i32
    "tpu.region"() ({
      %run_scoped3A_2596 = tpu.sem_alloc : memref<!tpu.dma_semaphore, #tpu.memory_space<semaphore_mem>>
      %dma_start3A = arith.constant 0 : i32
      %dma_start3A_2597 = tpu.memref_slice %arg8[%run_scoped3A_15, %dma_start3A] : memref<5x128xi32, #tpu.memory_space<vmem>> -> memref<1x128xi32, #tpu.memory_space<vmem>>
      %dma_start3A_2598 = tpu.memref_squeeze %dma_start3A_2597 : memref<1x128xi32, #tpu.memory_space<vmem>> -> memref<128xi32, #tpu.memory_space<vmem>>
      %dma_start3A_2599 = arith.constant 0 : i32
      %dma_start3A_2600 = arith.constant 0 : i32
      %dma_start3A_2601 = tpu.memref_slice %arg12[%dma_start3A_2599, %dma_start3A_2600] : memref<384x128xf32, #tpu.memory_space<vmem_shared>> -> memref<384x128xf32, #tpu.memory_space<vmem_shared>>
      tpu.enqueue_indirect_dma source(%arg7 : memref<128x128xf32, #tpu.memory_space<vmem>>) target(%dma_start3A_2601 : memref<384x128xf32, #tpu.memory_space<vmem_shared>>) offsets(%dma_start3A_2598 : memref<128xi32, #tpu.memory_space<vmem>>) semaphore(%run_scoped3A_2596 : memref<!tpu.dma_semaphore, #tpu.memory_space<semaphore_mem>>) {add = true}
      %dma_wait3A = arith.constant 0 : i32
      %dma_wait3A_2602 = tpu.memref_slice %arg8[%run_scoped3A_15, %dma_wait3A] : memref<5x128xi32, #tpu.memory_space<vmem>> -> memref<1x128xi32, #tpu.memory_space<vmem>>
      %dma_wait3A_2603 = tpu.memref_squeeze %dma_wait3A_2602 : memref<1x128xi32, #tpu.memory_space<vmem>> -> memref<128xi32, #tpu.memory_space<vmem>>
      %dma_wait3A_2604 = arith.constant 0 : i32
      %dma_wait3A_2605 = arith.constant 0 : i32
      %dma_wait3A_2606 = tpu.memref_slice %arg12[%dma_wait3A_2604, %dma_wait3A_2605] : memref<384x128xf32, #tpu.memory_space<vmem_shared>> -> memref<384x128xf32, #tpu.memory_space<vmem_shared>>
      tpu.wait_indirect_dma semaphore(%run_scoped3A_2596 : memref<!tpu.dma_semaphore, #tpu.memory_space<semaphore_mem>>) src(%arg7 : memref<128x128xf32, #tpu.memory_space<vmem>>) dst(%dma_wait3A_2606 : memref<384x128xf32, #tpu.memory_space<vmem_shared>>)
      tpu.yield
    }) : () -> ()
    %mul3A_16 = arith.constant 640 : i32
    %mul3A_17 = arith.muli %arg1, %mul3A_16 : i32
    %add3A_18 = arith.constant 256 : i32
    %add3A_19 = arith.addi %mul3A_17, %add3A_18 : i32
    "tpu.region"() ({
      %run_scoped3A_2596 = tpu.sem_alloc : memref<!tpu.dma_semaphore, #tpu.memory_space<semaphore_mem>>
      %dma_start3A = arith.constant 0 : i32
      %dma_start3A_2597 = tpu.memref_slice %arg2[%add3A_19, %dma_start3A] : memref<10240x128xf32, #tpu.memory_space<hbm>> -> memref<128x128xf32, #tpu.memory_space<hbm>>
      %dma_start3A_2598 = arith.constant 0 : i32
      %dma_start3A_2599 = tpu.memref_slice %arg2[%add3A_19, %dma_start3A_2598] : memref<10240x128xf32, #tpu.memory_space<hbm>> -> memref<128x128xf32, #tpu.memory_space<hbm>>
      tpu.enqueue_dma source(%dma_start3A_2599 : memref<128x128xf32, #tpu.memory_space<hbm>>) target(%arg7 : memref<128x128xf32, #tpu.memory_space<vmem>>) target_semaphore(%run_scoped3A_2596 : memref<!tpu.dma_semaphore, #tpu.memory_space<semaphore_mem>>)
      %dma_wait3A = arith.constant 0 : i32
      %dma_wait3A_2600 = tpu.memref_slice %arg2[%add3A_19, %dma_wait3A] : memref<10240x128xf32, #tpu.memory_space<hbm>> -> memref<128x128xf32, #tpu.memory_space<hbm>>
      %dma_wait3A_2601 = arith.constant 0 : i32
      %dma_wait3A_2602 = tpu.memref_slice %arg2[%add3A_19, %dma_wait3A_2601] : memref<10240x128xf32, #tpu.memory_space<hbm>> -> memref<128x128xf32, #tpu.memory_space<hbm>>
      tpu.wait_dma2 semaphore(%run_scoped3A_2596 : memref<!tpu.dma_semaphore, #tpu.memory_space<semaphore_mem>>) src(%dma_wait3A_2602 : memref<128x128xf32, #tpu.memory_space<hbm>>) dst(%arg7 : memref<128x128xf32, #tpu.memory_space<vmem>>)
      tpu.yield
    }) : () -> ()
    %run_scoped3A_20 = arith.constant 2 : i32
    "tpu.region"() ({
      %run_scoped3A_2596 = tpu.sem_alloc : memref<!tpu.dma_semaphore, #tpu.memory_space<semaphore_mem>>
      %dma_start3A = arith.constant 0 : i32
      %dma_start3A_2597 = tpu.memref_slice %arg8[%run_scoped3A_20, %dma_start3A] : memref<5x128xi32, #tpu.memory_space<vmem>> -> memref<1x128xi32, #tpu.memory_space<vmem>>
      %dma_start3A_2598 = tpu.memref_squeeze %dma_start3A_2597 : memref<1x128xi32, #tpu.memory_space<vmem>> -> memref<128xi32, #tpu.memory_space<vmem>>
      %dma_start3A_2599 = arith.constant 0 : i32
      %dma_start3A_2600 = arith.constant 0 : i32
      %dma_start3A_2601 = tpu.memref_slice %arg12[%dma_start3A_2599, %dma_start3A_2600] : memref<384x128xf32, #tpu.memory_space<vmem_shared>> -> memref<384x128xf32, #tpu.memory_space<vmem_shared>>
      tpu.enqueue_indirect_dma source(%arg7 : memref<128x128xf32, #tpu.memory_space<vmem>>) target(%dma_start3A_2601 : memref<384x128xf32, #tpu.memory_space<vmem_shared>>) offsets(%dma_start3A_2598 : memref<128xi32, #tpu.memory_space<vmem>>) semaphore(%run_scoped3A_2596 : memref<!tpu.dma_semaphore, #tpu.memory_space<semaphore_mem>>) {add = true}
      %dma_wait3A = arith.constant 0 : i32
      %dma_wait3A_2602 = tpu.memref_slice %arg8[%run_scoped3A_20, %dma_wait3A] : memref<5x128xi32, #tpu.memory_space<vmem>> -> memref<1x128xi32, #tpu.memory_space<vmem>>
      %dma_wait3A_2603 = tpu.memref_squeeze %dma_wait3A_2602 : memref<1x128xi32, #tpu.memory_space<vmem>> -> memref<128xi32, #tpu.memory_space<vmem>>
      %dma_wait3A_2604 = arith.constant 0 : i32
      %dma_wait3A_2605 = arith.constant 0 : i32
      %dma_wait3A_2606 = tpu.memref_slice %arg12[%dma_wait3A_2604, %dma_wait3A_2605] : memref<384x128xf32, #tpu.memory_space<vmem_shared>> -> memref<384x128xf32, #tpu.memory_space<vmem_shared>>
      tpu.wait_indirect_dma semaphore(%run_scoped3A_2596 : memref<!tpu.dma_semaphore, #tpu.memory_space<semaphore_mem>>) src(%arg7 : memref<128x128xf32, #tpu.memory_space<vmem>>) dst(%dma_wait3A_2606 : memref<384x128xf32, #tpu.memory_space<vmem_shared>>)
      tpu.yield
    }) : () -> ()
    %mul3A_21 = arith.constant 640 : i32
    %mul3A_22 = arith.muli %arg1, %mul3A_21 : i32
    %add3A_23 = arith.constant 384 : i32
    %add3A_24 = arith.addi %mul3A_22, %add3A_23 : i32
    "tpu.region"() ({
      %run_scoped3A_2596 = tpu.sem_alloc : memref<!tpu.dma_semaphore, #tpu.memory_space<semaphore_mem>>
      %dma_start3A = arith.constant 0 : i32
      %dma_start3A_2597 = tpu.memref_slice %arg2[%add3A_24, %dma_start3A] : memref<10240x128xf32, #tpu.memory_space<hbm>> -> memref<128x128xf32, #tpu.memory_space<hbm>>
      %dma_start3A_2598 = arith.constant 0 : i32
      %dma_start3A_2599 = tpu.memref_slice %arg2[%add3A_24, %dma_start3A_2598] : memref<10240x128xf32, #tpu.memory_space<hbm>> -> memref<128x128xf32, #tpu.memory_space<hbm>>
      tpu.enqueue_dma source(%dma_start3A_2599 : memref<128x128xf32, #tpu.memory_space<hbm>>) target(%arg7 : memref<128x128xf32, #tpu.memory_space<vmem>>) target_semaphore(%run_scoped3A_2596 : memref<!tpu.dma_semaphore, #tpu.memory_space<semaphore_mem>>)
      %dma_wait3A = arith.constant 0 : i32
      %dma_wait3A_2600 = tpu.memref_slice %arg2[%add3A_24, %dma_wait3A] : memref<10240x128xf32, #tpu.memory_space<hbm>> -> memref<128x128xf32, #tpu.memory_space<hbm>>
      %dma_wait3A_2601 = arith.constant 0 : i32
      %dma_wait3A_2602 = tpu.memref_slice %arg2[%add3A_24, %dma_wait3A_2601] : memref<10240x128xf32, #tpu.memory_space<hbm>> -> memref<128x128xf32, #tpu.memory_space<hbm>>
      tpu.wait_dma2 semaphore(%run_scoped3A_2596 : memref<!tpu.dma_semaphore, #tpu.memory_space<semaphore_mem>>) src(%dma_wait3A_2602 : memref<128x128xf32, #tpu.memory_space<hbm>>) dst(%arg7 : memref<128x128xf32, #tpu.memory_space<vmem>>)
      tpu.yield
    }) : () -> ()
    %run_scoped3A_25 = arith.constant 3 : i32
    "tpu.region"() ({
      %run_scoped3A_2596 = tpu.sem_alloc : memref<!tpu.dma_semaphore, #tpu.memory_space<semaphore_mem>>
      %dma_start3A = arith.constant 0 : i32
      %dma_start3A_2597 = tpu.memref_slice %arg8[%run_scoped3A_25, %dma_start3A] : memref<5x128xi32, #tpu.memory_space<vmem>> -> memref<1x128xi32, #tpu.memory_space<vmem>>
      %dma_start3A_2598 = tpu.memref_squeeze %dma_start3A_2597 : memref<1x128xi32, #tpu.memory_space<vmem>> -> memref<128xi32, #tpu.memory_space<vmem>>
      %dma_start3A_2599 = arith.constant 0 : i32
      %dma_start3A_2600 = arith.constant 0 : i32
      %dma_start3A_2601 = tpu.memref_slice %arg12[%dma_start3A_2599, %dma_start3A_2600] : memref<384x128xf32, #tpu.memory_space<vmem_shared>> -> memref<384x128xf32, #tpu.memory_space<vmem_shared>>
      tpu.enqueue_indirect_dma source(%arg7 : memref<128x128xf32, #tpu.memory_space<vmem>>) target(%dma_start3A_2601 : memref<384x128xf32, #tpu.memory_space<vmem_shared>>) offsets(%dma_start3A_2598 : memref<128xi32, #tpu.memory_space<vmem>>) semaphore(%run_scoped3A_2596 : memref<!tpu.dma_semaphore, #tpu.memory_space<semaphore_mem>>) {add = true}
      %dma_wait3A = arith.constant 0 : i32
      %dma_wait3A_2602 = tpu.memref_slice %arg8[%run_scoped3A_25, %dma_wait3A] : memref<5x128xi32, #tpu.memory_space<vmem>> -> memref<1x128xi32, #tpu.memory_space<vmem>>
      %dma_wait3A_2603 = tpu.memref_squeeze %dma_wait3A_2602 : memref<1x128xi32, #tpu.memory_space<vmem>> -> memref<128xi32, #tpu.memory_space<vmem>>
      %dma_wait3A_2604 = arith.constant 0 : i32
      %dma_wait3A_2605 = arith.constant 0 : i32
      %dma_wait3A_2606 = tpu.memref_slice %arg12[%dma_wait3A_2604, %dma_wait3A_2605] : memref<384x128xf32, #tpu.memory_space<vmem_shared>> -> memref<384x128xf32, #tpu.memory_space<vmem_shared>>
      tpu.wait_indirect_dma semaphore(%run_scoped3A_2596 : memref<!tpu.dma_semaphore, #tpu.memory_space<semaphore_mem>>) src(%arg7 : memref<128x128xf32, #tpu.memory_space<vmem>>) dst(%dma_wait3A_2606 : memref<384x128xf32, #tpu.memory_space<vmem_shared>>)
      tpu.yield
    }) : () -> ()
    %mul3A_26 = arith.constant 640 : i32
    %mul3A_27 = arith.muli %arg1, %mul3A_26 : i32
    %add3A_28 = arith.constant 512 : i32
    %add3A_29 = arith.addi %mul3A_27, %add3A_28 : i32
    "tpu.region"() ({
      %run_scoped3A_2596 = tpu.sem_alloc : memref<!tpu.dma_semaphore, #tpu.memory_space<semaphore_mem>>
      %dma_start3A = arith.constant 0 : i32
      %dma_start3A_2597 = tpu.memref_slice %arg2[%add3A_29, %dma_start3A] : memref<10240x128xf32, #tpu.memory_space<hbm>> -> memref<128x128xf32, #tpu.memory_space<hbm>>
      %dma_start3A_2598 = arith.constant 0 : i32
      %dma_start3A_2599 = tpu.memref_slice %arg2[%add3A_29, %dma_start3A_2598] : memref<10240x128xf32, #tpu.memory_space<hbm>> -> memref<128x128xf32, #tpu.memory_space<hbm>>
      tpu.enqueue_dma source(%dma_start3A_2599 : memref<128x128xf32, #tpu.memory_space<hbm>>) target(%arg7 : memref<128x128xf32, #tpu.memory_space<vmem>>) target_semaphore(%run_scoped3A_2596 : memref<!tpu.dma_semaphore, #tpu.memory_space<semaphore_mem>>)
      %dma_wait3A = arith.constant 0 : i32
      %dma_wait3A_2600 = tpu.memref_slice %arg2[%add3A_29, %dma_wait3A] : memref<10240x128xf32, #tpu.memory_space<hbm>> -> memref<128x128xf32, #tpu.memory_space<hbm>>
      %dma_wait3A_2601 = arith.constant 0 : i32
      %dma_wait3A_2602 = tpu.memref_slice %arg2[%add3A_29, %dma_wait3A_2601] : memref<10240x128xf32, #tpu.memory_space<hbm>> -> memref<128x128xf32, #tpu.memory_space<hbm>>
      tpu.wait_dma2 semaphore(%run_scoped3A_2596 : memref<!tpu.dma_semaphore, #tpu.memory_space<semaphore_mem>>) src(%dma_wait3A_2602 : memref<128x128xf32, #tpu.memory_space<hbm>>) dst(%arg7 : memref<128x128xf32, #tpu.memory_space<vmem>>)
      tpu.yield
    }) : () -> ()
    %run_scoped3A_30 = arith.constant 4 : i32
    "tpu.region"() ({
      %run_scoped3A_2596 = tpu.sem_alloc : memref<!tpu.dma_semaphore, #tpu.memory_space<semaphore_mem>>
      %dma_start3A = arith.constant 0 : i32
      %dma_start3A_2597 = tpu.memref_slice %arg8[%run_scoped3A_30, %dma_start3A] : memref<5x128xi32, #tpu.memory_space<vmem>> -> memref<1x128xi32, #tpu.memory_space<vmem>>
      %dma_start3A_2598 = tpu.memref_squeeze %dma_start3A_2597 : memref<1x128xi32, #tpu.memory_space<vmem>> -> memref<128xi32, #tpu.memory_space<vmem>>
      %dma_start3A_2599 = arith.constant 0 : i32
      %dma_start3A_2600 = arith.constant 0 : i32
      %dma_start3A_2601 = tpu.memref_slice %arg12[%dma_start3A_2599, %dma_start3A_2600] : memref<384x128xf32, #tpu.memory_space<vmem_shared>> -> memref<384x128xf32, #tpu.memory_space<vmem_shared>>
      tpu.enqueue_indirect_dma source(%arg7 : memref<128x128xf32, #tpu.memory_space<vmem>>) target(%dma_start3A_2601 : memref<384x128xf32, #tpu.memory_space<vmem_shared>>) offsets(%dma_start3A_2598 : memref<128xi32, #tpu.memory_space<vmem>>) semaphore(%run_scoped3A_2596 : memref<!tpu.dma_semaphore, #tpu.memory_space<semaphore_mem>>) {add = true}
      %dma_wait3A = arith.constant 0 : i32
      %dma_wait3A_2602 = tpu.memref_slice %arg8[%run_scoped3A_30, %dma_wait3A] : memref<5x128xi32, #tpu.memory_space<vmem>> -> memref<1x128xi32, #tpu.memory_space<vmem>>
      %dma_wait3A_2603 = tpu.memref_squeeze %dma_wait3A_2602 : memref<1x128xi32, #tpu.memory_space<vmem>> -> memref<128xi32, #tpu.memory_space<vmem>>
      %dma_wait3A_2604 = arith.constant 0 : i32
      %dma_wait3A_2605 = arith.constant 0 : i32
      %dma_wait3A_2606 = tpu.memref_slice %arg12[%dma_wait3A_2604, %dma_wait3A_2605] : memref<384x128xf32, #tpu.memory_space<vmem_shared>> -> memref<384x128xf32, #tpu.memory_space<vmem_shared>>
      tpu.wait_indirect_dma semaphore(%run_scoped3A_2596 : memref<!tpu.dma_semaphore, #tpu.memory_space<semaphore_mem>>) src(%arg7 : memref<128x128xf32, #tpu.memory_space<vmem>>) dst(%dma_wait3A_2606 : memref<384x128xf32, #tpu.memory_space<vmem_shared>>)
      tpu.yield
    }) : () -> ()
    %barrier3A_31 = arith.constant 0 : index
    tpu.barrier barrier_id(%barrier3A_31)
    %mul3A_32 = arith.constant 16 : i32
    %mul3A_33 = arith.muli %arg1, %mul3A_32 : i32
    "tpu.region"() ({
      %run_scoped3A_2596 = tpu.sem_alloc : memref<!tpu.dma_semaphore, #tpu.memory_space<semaphore_mem>>
      %dma_start3A = arith.constant 0 : i32
      %dma_start3A_2597 = tpu.memref_slice %arg12[%mul3A_33, %dma_start3A] : memref<384x128xf32, #tpu.memory_space<vmem_shared>> -> memref<16x128xf32, #tpu.memory_space<vmem_shared>>
      %dma_start3A_2598 = arith.constant 0 : i32
      %dma_start3A_2599 = tpu.memref_slice %arg12[%mul3A_33, %dma_start3A_2598] : memref<384x128xf32, #tpu.memory_space<vmem_shared>> -> memref<16x128xf32, #tpu.memory_space<vmem_shared>>
      tpu.enqueue_dma source(%dma_start3A_2599 : memref<16x128xf32, #tpu.memory_space<vmem_shared>>) target(%arg9 : memref<16x128xf32, #tpu.memory_space<vmem>>) target_semaphore(%run_scoped3A_2596 : memref<!tpu.dma_semaphore, #tpu.memory_space<semaphore_mem>>)
      %dma_wait3A = arith.constant 0 : i32
      %dma_wait3A_2600 = tpu.memref_slice %arg12[%mul3A_33, %dma_wait3A] : memref<384x128xf32, #tpu.memory_space<vmem_shared>> -> memref<16x128xf32, #tpu.memory_space<vmem_shared>>
      %dma_wait3A_2601 = arith.constant 0 : i32
      %dma_wait3A_2602 = tpu.memref_slice %arg12[%mul3A_33, %dma_wait3A_2601] : memref<384x128xf32, #tpu.memory_space<vmem_shared>> -> memref<16x128xf32, #tpu.memory_space<vmem_shared>>
      tpu.wait_dma2 semaphore(%run_scoped3A_2596 : memref<!tpu.dma_semaphore, #tpu.memory_space<semaphore_mem>>) src(%dma_wait3A_2602 : memref<16x128xf32, #tpu.memory_space<vmem_shared>>) dst(%arg9 : memref<16x128xf32, #tpu.memory_space<vmem>>)
      tpu.yield
    }) : () -> ()
    %mul3A_34 = arith.constant 16 : i32
    %mul3A_35 = arith.muli %arg1, %mul3A_34 : i32
    %add3A_36 = arith.addi %mul3A_0, %mul3A_35 : i32
    "tpu.region"() ({
      %run_scoped3A_2596 = tpu.sem_alloc : memref<!tpu.dma_semaphore, #tpu.memory_space<semaphore_mem>>
      %dma_start3A = arith.constant 0 : i32
      %dma_start3A_2597 = tpu.memref_slice %arg4[%add3A_36, %dma_start3A] : memref<512x128xf32, #tpu.memory_space<hbm>> -> memref<16x128xf32, #tpu.memory_space<hbm>>
      %dma_start3A_2598 = arith.constant 0 : i32
      %dma_start3A_2599 = tpu.memref_slice %arg4[%add3A_36, %dma_start3A_2598] : memref<512x128xf32, #tpu.memory_space<hbm>> -> memref<16x128xf32, #tpu.memory_space<hbm>>
      tpu.enqueue_dma source(%dma_start3A_2599 : memref<16x128xf32, #tpu.memory_space<hbm>>) target(%arg10 : memref<16x128xf32, #tpu.memory_space<vmem>>) target_semaphore(%run_scoped3A_2596 : memref<!tpu.dma_semaphore, #tpu.memory_space<semaphore_mem>>)
      %dma_wait3A = arith.constant 0 : i32
      %dma_wait3A_2600 = tpu.memref_slice %arg4[%add3A_36, %dma_wait3A] : memref<512x128xf32, #tpu.memory_space<hbm>> -> memref<16x128xf32, #tpu.memory_space<hbm>>
      %dma_wait3A_2601 = arith.constant 0 : i32
      %dma_wait3A_2602 = tpu.memref_slice %arg4[%add3A_36, %dma_wait3A_2601] : memref<512x128xf32, #tpu.memory_space<hbm>> -> memref<16x128xf32, #tpu.memory_space<hbm>>
      tpu.wait_dma2 semaphore(%run_scoped3A_2596 : memref<!tpu.dma_semaphore, #tpu.memory_space<semaphore_mem>>) src(%dma_wait3A_2602 : memref<16x128xf32, #tpu.memory_space<hbm>>) dst(%arg10 : memref<16x128xf32, #tpu.memory_space<vmem>>)
      tpu.yield
    }) : () -> ()
    %get3A = arith.constant 0 : i32
    %get3A_37 = arith.index_cast %get3A : i32 to index
    %get3A_38 = arith.constant 0 : index
    %get3A_39 = tpu.vector_load %arg10[%get3A_37, %get3A_38] {strides = array<i32>} : memref<16x128xf32, #tpu.memory_space<vmem>>, vector<1x16xf32>,
    %get3A_40 = vector.shape_cast %get3A_39 : vector<1x16xf32> to vector<16xf32>
    %max3A = arith.constant 1.000000e-30 : f32
    %max3A_41 = vector.broadcast %max3A : f32 to vector<16xf32>
    %max3A_42 = arith.maximumf %get3A_40, %max3A_41 : vector<16xf32>
    %get3A_43 = arith.constant 0 : i32
    %get3A_44 = arith.index_cast %get3A_43 : i32 to index
    %get3A_45 = arith.constant 0 : index
    %get3A_46 = tpu.vector_load %arg9[%get3A_44, %get3A_45] {strides = array<i32>} : memref<16x128xf32, #tpu.memory_space<vmem>>, vector<1x16xf32>,
    %get3A_47 = vector.shape_cast %get3A_46 : vector<1x16xf32> to vector<16xf32>
    %div3A = arith.divf %get3A_47, %max3A_42 : vector<16xf32>
    %swap3A = arith.constant 0 : i32
    %swap3A_48 = arith.index_cast %swap3A : i32 to index
    %swap3A_49 = arith.constant 0 : index
    %swap3A_50 = tpu.vector_load %arg11[%swap3A_48, %swap3A_49] {strides = array<i32>} : memref<16x128xf32, #tpu.memory_space<vmem>>, vector<1x16xf32>,
    %swap3A_51 = vector.shape_cast %swap3A_50 : vector<1x16xf32> to vector<16xf32>
    %swap3A_52 = vector.shape_cast %div3A : vector<16xf32> to vector<1x16xf32>
    tpu.vector_store %arg11[%swap3A_48, %swap3A_49], %swap3A_52 {strides = array<i32>} : memref<16x128xf32, #tpu.memory_space<vmem>>, vector<1x16xf32>,
    %get3A_53 = arith.constant 0 : i32
    %get3A_54 = arith.index_cast %get3A_53 : i32 to index
    %get3A_55 = arith.constant 16 : index
    %get3A_56 = tpu.vector_load %arg10[%get3A_54, %get3A_55] {strides = array<i32>} : memref<16x128xf32, #tpu.memory_space<vmem>>, vector<1x16xf32>,
    %get3A_57 = vector.shape_cast %get3A_56 : vector<1x16xf32> to vector<16xf32>
    %max3A_58 = arith.constant 1.000000e-30 : f32
    %max3A_59 = vector.broadcast %max3A_58 : f32 to vector<16xf32>
    %max3A_60 = arith.maximumf %get3A_57, %max3A_59 : vector<16xf32>
    %get3A_61 = arith.constant 0 : i32
    %get3A_62 = arith.index_cast %get3A_61 : i32 to index
    %get3A_63 = arith.constant 16 : index
    %get3A_64 = tpu.vector_load %arg9[%get3A_62, %get3A_63] {strides = array<i32>} : memref<16x128xf32, #tpu.memory_space<vmem>>, vector<1x16xf32>,
    %get3A_65 = vector.shape_cast %get3A_64 : vector<1x16xf32> to vector<16xf32>
    %div3A_66 = arith.divf %get3A_65, %max3A_60 : vector<16xf32>
    %swap3A_67 = arith.constant 0 : i32
    %swap3A_68 = arith.index_cast %swap3A_67 : i32 to index
    %swap3A_69 = arith.constant 16 : index
    %swap3A_70 = tpu.vector_load %arg11[%swap3A_68, %swap3A_69] {strides = array<i32>} : memref<16x128xf32, #tpu.memory_space<vmem>>, vector<1x16xf32>,
    %swap3A_71 = vector.shape_cast %swap3A_70 : vector<1x16xf32> to vector<16xf32>
    %swap3A_72 = vector.shape_cast %div3A_66 : vector<16xf32> to vector<1x16xf32>
    tpu.vector_store %arg11[%swap3A_68, %swap3A_69], %swap3A_72 {strides = array<i32>} : memref<16x128xf32, #tpu.memory_space<vmem>>, vector<1x16xf32>,
    %get3A_73 = arith.constant 0 : i32
    %get3A_74 = arith.index_cast %get3A_73 : i32 to index
    %get3A_75 = arith.constant 32 : index
    %get3A_76 = tpu.vector_load %arg10[%get3A_74, %get3A_75] {strides = array<i32>} : memref<16x128xf32, #tpu.memory_space<vmem>>, vector<1x16xf32>,
    %get3A_77 = vector.shape_cast %get3A_76 : vector<1x16xf32> to vector<16xf32>
    %max3A_78 = arith.constant 1.000000e-30 : f32
    %max3A_79 = vector.broadcast %max3A_78 : f32 to vector<16xf32>
    %max3A_80 = arith.maximumf %get3A_77, %max3A_79 : vector<16xf32>
    %get3A_81 = arith.constant 0 : i32
    %get3A_82 = arith.index_cast %get3A_81 : i32 to index
    %get3A_83 = arith.constant 32 : index
    %get3A_84 = tpu.vector_load %arg9[%get3A_82, %get3A_83] {strides = array<i32>} : memref<16x128xf32, #tpu.memory_space<vmem>>, vector<1x16xf32>,
    %get3A_85 = vector.shape_cast %get3A_84 : vector<1x16xf32> to vector<16xf32>
    %div3A_86 = arith.divf %get3A_85, %max3A_80 : vector<16xf32>
    %swap3A_87 = arith.constant 0 : i32
    %swap3A_88 = arith.index_cast %swap3A_87 : i32 to index
    %swap3A_89 = arith.constant 32 : index
    %swap3A_90 = tpu.vector_load %arg11[%swap3A_88, %swap3A_89] {strides = array<i32>} : memref<16x128xf32, #tpu.memory_space<vmem>>, vector<1x16xf32>,
    %swap3A_91 = vector.shape_cast %swap3A_90 : vector<1x16xf32> to vector<16xf32>
    %swap3A_92 = vector.shape_cast %div3A_86 : vector<16xf32> to vector<1x16xf32>
    tpu.vector_store %arg11[%swap3A_88, %swap3A_89], %swap3A_92 {strides = array<i32>} : memref<16x128xf32, #tpu.memory_space<vmem>>, vector<1x16xf32>,
    %get3A_93 = arith.constant 0 : i32
    %get3A_94 = arith.index_cast %get3A_93 : i32 to index
    %get3A_95 = arith.constant 48 : index
    %get3A_96 = tpu.vector_load %arg10[%get3A_94, %get3A_95] {strides = array<i32>} : memref<16x128xf32, #tpu.memory_space<vmem>>, vector<1x16xf32>,
    %get3A_97 = vector.shape_cast %get3A_96 : vector<1x16xf32> to vector<16xf32>
    %max3A_98 = arith.constant 1.000000e-30 : f32
    %max3A_99 = vector.broadcast %max3A_98 : f32 to vector<16xf32>
    %max3A_100 = arith.maximumf %get3A_97, %max3A_99 : vector<16xf32>
    %get3A_101 = arith.constant 0 : i32
    %get3A_102 = arith.index_cast %get3A_101 : i32 to index
    %get3A_103 = arith.constant 48 : index
    %get3A_104 = tpu.vector_load %arg9[%get3A_102, %get3A_103] {strides = array<i32>} : memref<16x128xf32, #tpu.memory_space<vmem>>, vector<1x16xf32>,
    %get3A_105 = vector.shape_cast %get3A_104 : vector<1x16xf32> to vector<16xf32>
    %div3A_106 = arith.divf %get3A_105, %max3A_100 : vector<16xf32>
    %swap3A_107 = arith.constant 0 : i32
    %swap3A_108 = arith.index_cast %swap3A_107 : i32 to index
    %swap3A_109 = arith.constant 48 : index
    %swap3A_110 = tpu.vector_load %arg11[%swap3A_108, %swap3A_109] {strides = array<i32>} : memref<16x128xf32, #tpu.memory_space<vmem>>, vector<1x16xf32>,
    %swap3A_111 = vector.shape_cast %swap3A_110 : vector<1x16xf32> to vector<16xf32>
    %swap3A_112 = vector.shape_cast %div3A_106 : vector<16xf32> to vector<1x16xf32>
    tpu.vector_store %arg11[%swap3A_108, %swap3A_109], %swap3A_112 {strides = array<i32>} : memref<16x128xf32, #tpu.memory_space<vmem>>, vector<1x16xf32>,
    %get3A_113 = arith.constant 0 : i32
    %get3A_114 = arith.index_cast %get3A_113 : i32 to index
    %get3A_115 = arith.constant 64 : index
    %get3A_116 = tpu.vector_load %arg10[%get3A_114, %get3A_115] {strides = array<i32>} : memref<16x128xf32, #tpu.memory_space<vmem>>, vector<1x16xf32>,
    %get3A_117 = vector.shape_cast %get3A_116 : vector<1x16xf32> to vector<16xf32>
    %max3A_118 = arith.constant 1.000000e-30 : f32
    %max3A_119 = vector.broadcast %max3A_118 : f32 to vector<16xf32>
    %max3A_120 = arith.maximumf %get3A_117, %max3A_119 : vector<16xf32>
    %get3A_121 = arith.constant 0 : i32
    %get3A_122 = arith.index_cast %get3A_121 : i32 to index
    %get3A_123 = arith.constant 64 : index
    %get3A_124 = tpu.vector_load %arg9[%get3A_122, %get3A_123] {strides = array<i32>} : memref<16x128xf32, #tpu.memory_space<vmem>>, vector<1x16xf32>,
    %get3A_125 = vector.shape_cast %get3A_124 : vector<1x16xf32> to vector<16xf32>
    %div3A_126 = arith.divf %get3A_125, %max3A_120 : vector<16xf32>
    %swap3A_127 = arith.constant 0 : i32
    %swap3A_128 = arith.index_cast %swap3A_127 : i32 to index
    %swap3A_129 = arith.constant 64 : index
    %swap3A_130 = tpu.vector_load %arg11[%swap3A_128, %swap3A_129] {strides = array<i32>} : memref<16x128xf32, #tpu.memory_space<vmem>>, vector<1x16xf32>,
    %swap3A_131 = vector.shape_cast %swap3A_130 : vector<1x16xf32> to vector<16xf32>
    %swap3A_132 = vector.shape_cast %div3A_126 : vector<16xf32> to vector<1x16xf32>
    tpu.vector_store %arg11[%swap3A_128, %swap3A_129], %swap3A_132 {strides = array<i32>} : memref<16x128xf32, #tpu.memory_space<vmem>>, vector<1x16xf32>,
    %get3A_133 = arith.constant 0 : i32
    %get3A_134 = arith.index_cast %get3A_133 : i32 to index
    %get3A_135 = arith.constant 80 : index
    %get3A_136 = tpu.vector_load %arg10[%get3A_134, %get3A_135] {strides = array<i32>} : memref<16x128xf32, #tpu.memory_space<vmem>>, vector<1x16xf32>,
    %get3A_137 = vector.shape_cast %get3A_136 : vector<1x16xf32> to vector<16xf32>
    %max3A_138 = arith.constant 1.000000e-30 : f32
    %max3A_139 = vector.broadcast %max3A_138 : f32 to vector<16xf32>
    %max3A_140 = arith.maximumf %get3A_137, %max3A_139 : vector<16xf32>
    %get3A_141 = arith.constant 0 : i32
    %get3A_142 = arith.index_cast %get3A_141 : i32 to index
    %get3A_143 = arith.constant 80 : index
    %get3A_144 = tpu.vector_load %arg9[%get3A_142, %get3A_143] {strides = array<i32>} : memref<16x128xf32, #tpu.memory_space<vmem>>, vector<1x16xf32>,
    %get3A_145 = vector.shape_cast %get3A_144 : vector<1x16xf32> to vector<16xf32>
    %div3A_146 = arith.divf %get3A_145, %max3A_140 : vector<16xf32>
    %swap3A_147 = arith.constant 0 : i32
    %swap3A_148 = arith.index_cast %swap3A_147 : i32 to index
    %swap3A_149 = arith.constant 80 : index
    %swap3A_150 = tpu.vector_load %arg11[%swap3A_148, %swap3A_149] {strides = array<i32>} : memref<16x128xf32, #tpu.memory_space<vmem>>, vector<1x16xf32>,
    %swap3A_151 = vector.shape_cast %swap3A_150 : vector<1x16xf32> to vector<16xf32>
    %swap3A_152 = vector.shape_cast %div3A_146 : vector<16xf32> to vector<1x16xf32>
    tpu.vector_store %arg11[%swap3A_148, %swap3A_149], %swap3A_152 {strides = array<i32>} : memref<16x128xf32, #tpu.memory_space<vmem>>, vector<1x16xf32>,
    %get3A_153 = arith.constant 0 : i32
    %get3A_154 = arith.index_cast %get3A_153 : i32 to index
    %get3A_155 = arith.constant 96 : index
    %get3A_156 = tpu.vector_load %arg10[%get3A_154, %get3A_155] {strides = array<i32>} : memref<16x128xf32, #tpu.memory_space<vmem>>, vector<1x16xf32>,
    %get3A_157 = vector.shape_cast %get3A_156 : vector<1x16xf32> to vector<16xf32>
    %max3A_158 = arith.constant 1.000000e-30 : f32
    %max3A_159 = vector.broadcast %max3A_158 : f32 to vector<16xf32>
    %max3A_160 = arith.maximumf %get3A_157, %max3A_159 : vector<16xf32>
    %get3A_161 = arith.constant 0 : i32
    %get3A_162 = arith.index_cast %get3A_161 : i32 to index
    %get3A_163 = arith.constant 96 : index
    %get3A_164 = tpu.vector_load %arg9[%get3A_162, %get3A_163] {strides = array<i32>} : memref<16x128xf32, #tpu.memory_space<vmem>>, vector<1x16xf32>,
    %get3A_165 = vector.shape_cast %get3A_164 : vector<1x16xf32> to vector<16xf32>
    %div3A_166 = arith.divf %get3A_165, %max3A_160 : vector<16xf32>
    %swap3A_167 = arith.constant 0 : i32
    %swap3A_168 = arith.index_cast %swap3A_167 : i32 to index
    %swap3A_169 = arith.constant 96 : index
    %swap3A_170 = tpu.vector_load %arg11[%swap3A_168, %swap3A_169] {strides = array<i32>} : memref<16x128xf32, #tpu.memory_space<vmem>>, vector<1x16xf32>,
    %swap3A_171 = vector.shape_cast %swap3A_170 : vector<1x16xf32> to vector<16xf32>
    %swap3A_172 = vector.shape_cast %div3A_166 : vector<16xf32> to vector<1x16xf32>
    tpu.vector_store %arg11[%swap3A_168, %swap3A_169], %swap3A_172 {strides = array<i32>} : memref<16x128xf32, #tpu.memory_space<vmem>>, vector<1x16xf32>,
    %get3A_173 = arith.constant 0 : i32
    %get3A_174 = arith.index_cast %get3A_173 : i32 to index
    %get3A_175 = arith.constant 112 : index
    %get3A_176 = tpu.vector_load %arg10[%get3A_174, %get3A_175] {strides = array<i32>} : memref<16x128xf32, #tpu.memory_space<vmem>>, vector<1x16xf32>,
    %get3A_177 = vector.shape_cast %get3A_176 : vector<1x16xf32> to vector<16xf32>
    %max3A_178 = arith.constant 1.000000e-30 : f32
    %max3A_179 = vector.broadcast %max3A_178 : f32 to vector<16xf32>
    %max3A_180 = arith.maximumf %get3A_177, %max3A_179 : vector<16xf32>
    %get3A_181 = arith.constant 0 : i32
    %get3A_182 = arith.index_cast %get3A_181 : i32 to index
    %get3A_183 = arith.constant 112 : index
    %get3A_184 = tpu.vector_load %arg9[%get3A_182, %get3A_183] {strides = array<i32>} : memref<16x128xf32, #tpu.memory_space<vmem>>, vector<1x16xf32>,
    %get3A_185 = vector.shape_cast %get3A_184 : vector<1x16xf32> to vector<16xf32>
    %div3A_186 = arith.divf %get3A_185, %max3A_180 : vector<16xf32>
    %swap3A_187 = arith.constant 0 : i32
    %swap3A_188 = arith.index_cast %swap3A_187 : i32 to index
    %swap3A_189 = arith.constant 112 : index
    %swap3A_190 = tpu.vector_load %arg11[%swap3A_188, %swap3A_189] {strides = array<i32>} : memref<16x128xf32, #tpu.memory_space<vmem>>, vector<1x16xf32>,
    %swap3A_191 = vector.shape_cast %swap3A_190 : vector<1x16xf32> to vector<16xf32>
    %swap3A_192 = vector.shape_cast %div3A_186 : vector<16xf32> to vector<1x16xf32>
    tpu.vector_store %arg11[%swap3A_188, %swap3A_189], %swap3A_192 {strides = array<i32>} : memref<16x128xf32, #tpu.memory_space<vmem>>, vector<1x16xf32>,
    %get3A_193 = arith.constant 1 : i32
    %get3A_194 = arith.index_cast %get3A_193 : i32 to index
    %get3A_195 = arith.constant 0 : index
    %get3A_196 = tpu.vector_load %arg10[%get3A_194, %get3A_195] {strides = array<i32>} : memref<16x128xf32, #tpu.memory_space<vmem>>, vector<1x16xf32>,
    %get3A_197 = vector.shape_cast %get3A_196 : vector<1x16xf32> to vector<16xf32>
    %max3A_198 = arith.constant 1.000000e-30 : f32
    %max3A_199 = vector.broadcast %max3A_198 : f32 to vector<16xf32>
    %max3A_200 = arith.maximumf %get3A_197, %max3A_199 : vector<16xf32>
    %get3A_201 = arith.constant 1 : i32
    %get3A_202 = arith.index_cast %get3A_201 : i32 to index
    %get3A_203 = arith.constant 0 : index
    %get3A_204 = tpu.vector_load %arg9[%get3A_202, %get3A_203] {strides = array<i32>} : memref<16x128xf32, #tpu.memory_space<vmem>>, vector<1x16xf32>,
    %get3A_205 = vector.shape_cast %get3A_204 : vector<1x16xf32> to vector<16xf32>
    %div3A_206 = arith.divf %get3A_205, %max3A_200 : vector<16xf32>
    %swap3A_207 = arith.constant 1 : i32
    %swap3A_208 = arith.index_cast %swap3A_207 : i32 to index
    %swap3A_209 = arith.constant 0 : index
    %swap3A_210 = tpu.vector_load %arg11[%swap3A_208, %swap3A_209] {strides = array<i32>} : memref<16x128xf32, #tpu.memory_space<vmem>>, vector<1x16xf32>,
    %swap3A_211 = vector.shape_cast %swap3A_210 : vector<1x16xf32> to vector<16xf32>
    %swap3A_212 = vector.shape_cast %div3A_206 : vector<16xf32> to vector<1x16xf32>
    tpu.vector_store %arg11[%swap3A_208, %swap3A_209], %swap3A_212 {strides = array<i32>} : memref<16x128xf32, #tpu.memory_space<vmem>>, vector<1x16xf32>,
    %get3A_213 = arith.constant 1 : i32
    %get3A_214 = arith.index_cast %get3A_213 : i32 to index
    %get3A_215 = arith.constant 16 : index
    %get3A_216 = tpu.vector_load %arg10[%get3A_214, %get3A_215] {strides = array<i32>} : memref<16x128xf32, #tpu.memory_space<vmem>>, vector<1x16xf32>,
    %get3A_217 = vector.shape_cast %get3A_216 : vector<1x16xf32> to vector<16xf32>
    %max3A_218 = arith.constant 1.000000e-30 : f32
    %max3A_219 = vector.broadcast %max3A_218 : f32 to vector<16xf32>
    %max3A_220 = arith.maximumf %get3A_217, %max3A_219 : vector<16xf32>
    %get3A_221 = arith.constant 1 : i32
    %get3A_222 = arith.index_cast %get3A_221 : i32 to index
    %get3A_223 = arith.constant 16 : index
    %get3A_224 = tpu.vector_load %arg9[%get3A_222, %get3A_223] {strides = array<i32>} : memref<16x128xf32, #tpu.memory_space<vmem>>, vector<1x16xf32>,
    %get3A_225 = vector.shape_cast %get3A_224 : vector<1x16xf32> to vector<16xf32>
    %div3A_226 = arith.divf %get3A_225, %max3A_220 : vector<16xf32>
    %swap3A_227 = arith.constant 1 : i32
    %swap3A_228 = arith.index_cast %swap3A_227 : i32 to index
    %swap3A_229 = arith.constant 16 : index
    %swap3A_230 = tpu.vector_load %arg11[%swap3A_228, %swap3A_229] {strides = array<i32>} : memref<16x128xf32, #tpu.memory_space<vmem>>, vector<1x16xf32>,
    %swap3A_231 = vector.shape_cast %swap3A_230 : vector<1x16xf32> to vector<16xf32>
    %swap3A_232 = vector.shape_cast %div3A_226 : vector<16xf32> to vector<1x16xf32>
    tpu.vector_store %arg11[%swap3A_228, %swap3A_229], %swap3A_232 {strides = array<i32>} : memref<16x128xf32, #tpu.memory_space<vmem>>, vector<1x16xf32>,
    %get3A_233 = arith.constant 1 : i32
    %get3A_234 = arith.index_cast %get3A_233 : i32 to index
    %get3A_235 = arith.constant 32 : index
    %get3A_236 = tpu.vector_load %arg10[%get3A_234, %get3A_235] {strides = array<i32>} : memref<16x128xf32, #tpu.memory_space<vmem>>, vector<1x16xf32>,
    %get3A_237 = vector.shape_cast %get3A_236 : vector<1x16xf32> to vector<16xf32>
    %max3A_238 = arith.constant 1.000000e-30 : f32
    %max3A_239 = vector.broadcast %max3A_238 : f32 to vector<16xf32>
    %max3A_240 = arith.maximumf %get3A_237, %max3A_239 : vector<16xf32>
    %get3A_241 = arith.constant 1 : i32
    %get3A_242 = arith.index_cast %get3A_241 : i32 to index
    %get3A_243 = arith.constant 32 : index
    %get3A_244 = tpu.vector_load %arg9[%get3A_242, %get3A_243] {strides = array<i32>} : memref<16x128xf32, #tpu.memory_space<vmem>>, vector<1x16xf32>,
    %get3A_245 = vector.shape_cast %get3A_244 : vector<1x16xf32> to vector<16xf32>
    %div3A_246 = arith.divf %get3A_245, %max3A_240 : vector<16xf32>
    %swap3A_247 = arith.constant 1 : i32
    %swap3A_248 = arith.index_cast %swap3A_247 : i32 to index
    %swap3A_249 = arith.constant 32 : index
    %swap3A_250 = tpu.vector_load %arg11[%swap3A_248, %swap3A_249] {strides = array<i32>} : memref<16x128xf32, #tpu.memory_space<vmem>>, vector<1x16xf32>,
    %swap3A_251 = vector.shape_cast %swap3A_250 : vector<1x16xf32> to vector<16xf32>
    %swap3A_252 = vector.shape_cast %div3A_246 : vector<16xf32> to vector<1x16xf32>
    tpu.vector_store %arg11[%swap3A_248, %swap3A_249], %swap3A_252 {strides = array<i32>} : memref<16x128xf32, #tpu.memory_space<vmem>>, vector<1x16xf32>,
    %get3A_253 = arith.constant 1 : i32
    %get3A_254 = arith.index_cast %get3A_253 : i32 to index
    %get3A_255 = arith.constant 48 : index
    %get3A_256 = tpu.vector_load %arg10[%get3A_254, %get3A_255] {strides = array<i32>} : memref<16x128xf32, #tpu.memory_space<vmem>>, vector<1x16xf32>,
    %get3A_257 = vector.shape_cast %get3A_256 : vector<1x16xf32> to vector<16xf32>
    %max3A_258 = arith.constant 1.000000e-30 : f32
    %max3A_259 = vector.broadcast %max3A_258 : f32 to vector<16xf32>
    %max3A_260 = arith.maximumf %get3A_257, %max3A_259 : vector<16xf32>
    %get3A_261 = arith.constant 1 : i32
    %get3A_262 = arith.index_cast %get3A_261 : i32 to index
    %get3A_263 = arith.constant 48 : index
    %get3A_264 = tpu.vector_load %arg9[%get3A_262, %get3A_263] {strides = array<i32>} : memref<16x128xf32, #tpu.memory_space<vmem>>, vector<1x16xf32>,
    %get3A_265 = vector.shape_cast %get3A_264 : vector<1x16xf32> to vector<16xf32>
    %div3A_266 = arith.divf %get3A_265, %max3A_260 : vector<16xf32>
    %swap3A_267 = arith.constant 1 : i32
    %swap3A_268 = arith.index_cast %swap3A_267 : i32 to index
    %swap3A_269 = arith.constant 48 : index
    %swap3A_270 = tpu.vector_load %arg11[%swap3A_268, %swap3A_269] {strides = array<i32>} : memref<16x128xf32, #tpu.memory_space<vmem>>, vector<1x16xf32>,
    %swap3A_271 = vector.shape_cast %swap3A_270 : vector<1x16xf32> to vector<16xf32>
    %swap3A_272 = vector.shape_cast %div3A_266 : vector<16xf32> to vector<1x16xf32>
    tpu.vector_store %arg11[%swap3A_268, %swap3A_269], %swap3A_272 {strides = array<i32>} : memref<16x128xf32, #tpu.memory_space<vmem>>, vector<1x16xf32>,
    %get3A_273 = arith.constant 1 : i32
    %get3A_274 = arith.index_cast %get3A_273 : i32 to index
    %get3A_275 = arith.constant 64 : index
    %get3A_276 = tpu.vector_load %arg10[%get3A_274, %get3A_275] {strides = array<i32>} : memref<16x128xf32, #tpu.memory_space<vmem>>, vector<1x16xf32>,
    %get3A_277 = vector.shape_cast %get3A_276 : vector<1x16xf32> to vector<16xf32>
    %max3A_278 = arith.constant 1.000000e-30 : f32
    %max3A_279 = vector.broadcast %max3A_278 : f32 to vector<16xf32>
    %max3A_280 = arith.maximumf %get3A_277, %max3A_279 : vector<16xf32>
    %get3A_281 = arith.constant 1 : i32
    %get3A_282 = arith.index_cast %get3A_281 : i32 to index
    %get3A_283 = arith.constant 64 : index
    %get3A_284 = tpu.vector_load %arg9[%get3A_282, %get3A_283] {strides = array<i32>} : memref<16x128xf32, #tpu.memory_space<vmem>>, vector<1x16xf32>,
    %get3A_285 = vector.shape_cast %get3A_284 : vector<1x16xf32> to vector<16xf32>
    %div3A_286 = arith.divf %get3A_285, %max3A_280 : vector<16xf32>
    %swap3A_287 = arith.constant 1 : i32
    %swap3A_288 = arith.index_cast %swap3A_287 : i32 to index
    %swap3A_289 = arith.constant 64 : index
    %swap3A_290 = tpu.vector_load %arg11[%swap3A_288, %swap3A_289] {strides = array<i32>} : memref<16x128xf32, #tpu.memory_space<vmem>>, vector<1x16xf32>,
    %swap3A_291 = vector.shape_cast %swap3A_290 : vector<1x16xf32> to vector<16xf32>
    %swap3A_292 = vector.shape_cast %div3A_286 : vector<16xf32> to vector<1x16xf32>
    tpu.vector_store %arg11[%swap3A_288, %swap3A_289], %swap3A_292 {strides = array<i32>} : memref<16x128xf32, #tpu.memory_space<vmem>>, vector<1x16xf32>,
    %get3A_293 = arith.constant 1 : i32
    %get3A_294 = arith.index_cast %get3A_293 : i32 to index
    %get3A_295 = arith.constant 80 : index
    %get3A_296 = tpu.vector_load %arg10[%get3A_294, %get3A_295] {strides = array<i32>} : memref<16x128xf32, #tpu.memory_space<vmem>>, vector<1x16xf32>,
    %get3A_297 = vector.shape_cast %get3A_296 : vector<1x16xf32> to vector<16xf32>
    %max3A_298 = arith.constant 1.000000e-30 : f32
    %max3A_299 = vector.broadcast %max3A_298 : f32 to vector<16xf32>
    %max3A_300 = arith.maximumf %get3A_297, %max3A_299 : vector<16xf32>
    %get3A_301 = arith.constant 1 : i32
    %get3A_302 = arith.index_cast %get3A_301 : i32 to index
    %get3A_303 = arith.constant 80 : index
    %get3A_304 = tpu.vector_load %arg9[%get3A_302, %get3A_303] {strides = array<i32>} : memref<16x128xf32, #tpu.memory_space<vmem>>, vector<1x16xf32>,
    %get3A_305 = vector.shape_cast %get3A_304 : vector<1x16xf32> to vector<16xf32>
    %div3A_306 = arith.divf %get3A_305, %max3A_300 : vector<16xf32>
    %swap3A_307 = arith.constant 1 : i32
    %swap3A_308 = arith.index_cast %swap3A_307 : i32 to index
    %swap3A_309 = arith.constant 80 : index
    %swap3A_310 = tpu.vector_load %arg11[%swap3A_308, %swap3A_309] {strides = array<i32>} : memref<16x128xf32, #tpu.memory_space<vmem>>, vector<1x16xf32>,
    %swap3A_311 = vector.shape_cast %swap3A_310 : vector<1x16xf32> to vector<16xf32>
    %swap3A_312 = vector.shape_cast %div3A_306 : vector<16xf32> to vector<1x16xf32>
    tpu.vector_store %arg11[%swap3A_308, %swap3A_309], %swap3A_312 {strides = array<i32>} : memref<16x128xf32, #tpu.memory_space<vmem>>, vector<1x16xf32>,
    %get3A_313 = arith.constant 1 : i32
    %get3A_314 = arith.index_cast %get3A_313 : i32 to index
    %get3A_315 = arith.constant 96 : index
    %get3A_316 = tpu.vector_load %arg10[%get3A_314, %get3A_315] {strides = array<i32>} : memref<16x128xf32, #tpu.memory_space<vmem>>, vector<1x16xf32>,
    %get3A_317 = vector.shape_cast %get3A_316 : vector<1x16xf32> to vector<16xf32>
    %max3A_318 = arith.constant 1.000000e-30 : f32
    %max3A_319 = vector.broadcast %max3A_318 : f32 to vector<16xf32>
    %max3A_320 = arith.maximumf %get3A_317, %max3A_319 : vector<16xf32>
    %get3A_321 = arith.constant 1 : i32
    %get3A_322 = arith.index_cast %get3A_321 : i32 to index
    %get3A_323 = arith.constant 96 : index
    %get3A_324 = tpu.vector_load %arg9[%get3A_322, %get3A_323] {strides = array<i32>} : memref<16x128xf32, #tpu.memory_space<vmem>>, vector<1x16xf32>,
    %get3A_325 = vector.shape_cast %get3A_324 : vector<1x16xf32> to vector<16xf32>
    %div3A_326 = arith.divf %get3A_325, %max3A_320 : vector<16xf32>
    %swap3A_327 = arith.constant 1 : i32
    %swap3A_328 = arith.index_cast %swap3A_327 : i32 to index
    %swap3A_329 = arith.constant 96 : index
    %swap3A_330 = tpu.vector_load %arg11[%swap3A_328, %swap3A_329] {strides = array<i32>} : memref<16x128xf32, #tpu.memory_space<vmem>>, vector<1x16xf32>,
    %swap3A_331 = vector.shape_cast %swap3A_330 : vector<1x16xf32> to vector<16xf32>
    %swap3A_332 = vector.shape_cast %div3A_326 : vector<16xf32> to vector<1x16xf32>
    tpu.vector_store %arg11[%swap3A_328, %swap3A_329], %swap3A_332 {strides = array<i32>} : memref<16x128xf32, #tpu.memory_space<vmem>>, vector<1x16xf32>,
    %get3A_333 = arith.constant 1 : i32
    %get3A_334 = arith.index_cast %get3A_333 : i32 to index
    %get3A_335 = arith.constant 112 : index
    %get3A_336 = tpu.vector_load %arg10[%get3A_334, %get3A_335] {strides = array<i32>} : memref<16x128xf32, #tpu.memory_space<vmem>>, vector<1x16xf32>,
    %get3A_337 = vector.shape_cast %get3A_336 : vector<1x16xf32> to vector<16xf32>
    %max3A_338 = arith.constant 1.000000e-30 : f32
    %max3A_339 = vector.broadcast %max3A_338 : f32 to vector<16xf32>
    %max3A_340 = arith.maximumf %get3A_337, %max3A_339 : vector<16xf32>
    %get3A_341 = arith.constant 1 : i32
    %get3A_342 = arith.index_cast %get3A_341 : i32 to index
    %get3A_343 = arith.constant 112 : index
    %get3A_344 = tpu.vector_load %arg9[%get3A_342, %get3A_343] {strides = array<i32>} : memref<16x128xf32, #tpu.memory_space<vmem>>, vector<1x16xf32>,
    %get3A_345 = vector.shape_cast %get3A_344 : vector<1x16xf32> to vector<16xf32>
    %div3A_346 = arith.divf %get3A_345, %max3A_340 : vector<16xf32>
    %swap3A_347 = arith.constant 1 : i32
    %swap3A_348 = arith.index_cast %swap3A_347 : i32 to index
    %swap3A_349 = arith.constant 112 : index
    %swap3A_350 = tpu.vector_load %arg11[%swap3A_348, %swap3A_349] {strides = array<i32>} : memref<16x128xf32, #tpu.memory_space<vmem>>, vector<1x16xf32>,
    %swap3A_351 = vector.shape_cast %swap3A_350 : vector<1x16xf32> to vector<16xf32>
    %swap3A_352 = vector.shape_cast %div3A_346 : vector<16xf32> to vector<1x16xf32>
    tpu.vector_store %arg11[%swap3A_348, %swap3A_349], %swap3A_352 {strides = array<i32>} : memref<16x128xf32, #tpu.memory_space<vmem>>, vector<1x16xf32>,
    %get3A_353 = arith.constant 2 : i32
    %get3A_354 = arith.index_cast %get3A_353 : i32 to index
    %get3A_355 = arith.constant 0 : index
    %get3A_356 = tpu.vector_load %arg10[%get3A_354, %get3A_355] {strides = array<i32>} : memref<16x128xf32, #tpu.memory_space<vmem>>, vector<1x16xf32>,
    %get3A_357 = vector.shape_cast %get3A_356 : vector<1x16xf32> to vector<16xf32>
    %max3A_358 = arith.constant 1.000000e-30 : f32
    %max3A_359 = vector.broadcast %max3A_358 : f32 to vector<16xf32>
    %max3A_360 = arith.maximumf %get3A_357, %max3A_359 : vector<16xf32>
    %get3A_361 = arith.constant 2 : i32
    %get3A_362 = arith.index_cast %get3A_361 : i32 to index
    %get3A_363 = arith.constant 0 : index
    %get3A_364 = tpu.vector_load %arg9[%get3A_362, %get3A_363] {strides = array<i32>} : memref<16x128xf32, #tpu.memory_space<vmem>>, vector<1x16xf32>,
    %get3A_365 = vector.shape_cast %get3A_364 : vector<1x16xf32> to vector<16xf32>
    %div3A_366 = arith.divf %get3A_365, %max3A_360 : vector<16xf32>
    %swap3A_367 = arith.constant 2 : i32
    %swap3A_368 = arith.index_cast %swap3A_367 : i32 to index
    %swap3A_369 = arith.constant 0 : index
    %swap3A_370 = tpu.vector_load %arg11[%swap3A_368, %swap3A_369] {strides = array<i32>} : memref<16x128xf32, #tpu.memory_space<vmem>>, vector<1x16xf32>,
    %swap3A_371 = vector.shape_cast %swap3A_370 : vector<1x16xf32> to vector<16xf32>
    %swap3A_372 = vector.shape_cast %div3A_366 : vector<16xf32> to vector<1x16xf32>
    tpu.vector_store %arg11[%swap3A_368, %swap3A_369], %swap3A_372 {strides = array<i32>} : memref<16x128xf32, #tpu.memory_space<vmem>>, vector<1x16xf32>,
    %get3A_373 = arith.constant 2 : i32
    %get3A_374 = arith.index_cast %get3A_373 : i32 to index
    %get3A_375 = arith.constant 16 : index
    %get3A_376 = tpu.vector_load %arg10[%get3A_374, %get3A_375] {strides = array<i32>} : memref<16x128xf32, #tpu.memory_space<vmem>>, vector<1x16xf32>,
    %get3A_377 = vector.shape_cast %get3A_376 : vector<1x16xf32> to vector<16xf32>
    %max3A_378 = arith.constant 1.000000e-30 : f32
    %max3A_379 = vector.broadcast %max3A_378 : f32 to vector<16xf32>
    %max3A_380 = arith.maximumf %get3A_377, %max3A_379 : vector<16xf32>
    %get3A_381 = arith.constant 2 : i32
    %get3A_382 = arith.index_cast %get3A_381 : i32 to index
    %get3A_383 = arith.constant 16 : index
    %get3A_384 = tpu.vector_load %arg9[%get3A_382, %get3A_383] {strides = array<i32>} : memref<16x128xf32, #tpu.memory_space<vmem>>, vector<1x16xf32>,
    %get3A_385 = vector.shape_cast %get3A_384 : vector<1x16xf32> to vector<16xf32>
    %div3A_386 = arith.divf %get3A_385, %max3A_380 : vector<16xf32>
    %swap3A_387 = arith.constant 2 : i32
    %swap3A_388 = arith.index_cast %swap3A_387 : i32 to index
    %swap3A_389 = arith.constant 16 : index
    %swap3A_390 = tpu.vector_load %arg11[%swap3A_388, %swap3A_389] {strides = array<i32>} : memref<16x128xf32, #tpu.memory_space<vmem>>, vector<1x16xf32>,
    %swap3A_391 = vector.shape_cast %swap3A_390 : vector<1x16xf32> to vector<16xf32>
    %swap3A_392 = vector.shape_cast %div3A_386 : vector<16xf32> to vector<1x16xf32>
    tpu.vector_store %arg11[%swap3A_388, %swap3A_389], %swap3A_392 {strides = array<i32>} : memref<16x128xf32, #tpu.memory_space<vmem>>, vector<1x16xf32>,
    %get3A_393 = arith.constant 2 : i32
    %get3A_394 = arith.index_cast %get3A_393 : i32 to index
    %get3A_395 = arith.constant 32 : index
    %get3A_396 = tpu.vector_load %arg10[%get3A_394, %get3A_395] {strides = array<i32>} : memref<16x128xf32, #tpu.memory_space<vmem>>, vector<1x16xf32>,
    %get3A_397 = vector.shape_cast %get3A_396 : vector<1x16xf32> to vector<16xf32>
    %max3A_398 = arith.constant 1.000000e-30 : f32
    %max3A_399 = vector.broadcast %max3A_398 : f32 to vector<16xf32>
    %max3A_400 = arith.maximumf %get3A_397, %max3A_399 : vector<16xf32>
    %get3A_401 = arith.constant 2 : i32
    %get3A_402 = arith.index_cast %get3A_401 : i32 to index
    %get3A_403 = arith.constant 32 : index
    %get3A_404 = tpu.vector_load %arg9[%get3A_402, %get3A_403] {strides = array<i32>} : memref<16x128xf32, #tpu.memory_space<vmem>>, vector<1x16xf32>,
    %get3A_405 = vector.shape_cast %get3A_404 : vector<1x16xf32> to vector<16xf32>
    %div3A_406 = arith.divf %get3A_405, %max3A_400 : vector<16xf32>
    %swap3A_407 = arith.constant 2 : i32
    %swap3A_408 = arith.index_cast %swap3A_407 : i32 to index
    %swap3A_409 = arith.constant 32 : index
    %swap3A_410 = tpu.vector_load %arg11[%swap3A_408, %swap3A_409] {strides = array<i32>} : memref<16x128xf32, #tpu.memory_space<vmem>>, vector<1x16xf32>,
    %swap3A_411 = vector.shape_cast %swap3A_410 : vector<1x16xf32> to vector<16xf32>
    %swap3A_412 = vector.shape_cast %div3A_406 : vector<16xf32> to vector<1x16xf32>
    tpu.vector_store %arg11[%swap3A_408, %swap3A_409], %swap3A_412 {strides = array<i32>} : memref<16x128xf32, #tpu.memory_space<vmem>>, vector<1x16xf32>,
    %get3A_413 = arith.constant 2 : i32
    %get3A_414 = arith.index_cast %get3A_413 : i32 to index
    %get3A_415 = arith.constant 48 : index
    %get3A_416 = tpu.vector_load %arg10[%get3A_414, %get3A_415] {strides = array<i32>} : memref<16x128xf32, #tpu.memory_space<vmem>>, vector<1x16xf32>,
    %get3A_417 = vector.shape_cast %get3A_416 : vector<1x16xf32> to vector<16xf32>
    %max3A_418 = arith.constant 1.000000e-30 : f32
    %max3A_419 = vector.broadcast %max3A_418 : f32 to vector<16xf32>
    %max3A_420 = arith.maximumf %get3A_417, %max3A_419 : vector<16xf32>
    %get3A_421 = arith.constant 2 : i32
    %get3A_422 = arith.index_cast %get3A_421 : i32 to index
    %get3A_423 = arith.constant 48 : index
    %get3A_424 = tpu.vector_load %arg9[%get3A_422, %get3A_423] {strides = array<i32>} : memref<16x128xf32, #tpu.memory_space<vmem>>, vector<1x16xf32>,
    %get3A_425 = vector.shape_cast %get3A_424 : vector<1x16xf32> to vector<16xf32>
    %div3A_426 = arith.divf %get3A_425, %max3A_420 : vector<16xf32>
    %swap3A_427 = arith.constant 2 : i32
    %swap3A_428 = arith.index_cast %swap3A_427 : i32 to index
    %swap3A_429 = arith.constant 48 : index
    %swap3A_430 = tpu.vector_load %arg11[%swap3A_428, %swap3A_429] {strides = array<i32>} : memref<16x128xf32, #tpu.memory_space<vmem>>, vector<1x16xf32>,
    %swap3A_431 = vector.shape_cast %swap3A_430 : vector<1x16xf32> to vector<16xf32>
    %swap3A_432 = vector.shape_cast %div3A_426 : vector<16xf32> to vector<1x16xf32>
    tpu.vector_store %arg11[%swap3A_428, %swap3A_429], %swap3A_432 {strides = array<i32>} : memref<16x128xf32, #tpu.memory_space<vmem>>, vector<1x16xf32>,
    %get3A_433 = arith.constant 2 : i32
    %get3A_434 = arith.index_cast %get3A_433 : i32 to index
    %get3A_435 = arith.constant 64 : index
    %get3A_436 = tpu.vector_load %arg10[%get3A_434, %get3A_435] {strides = array<i32>} : memref<16x128xf32, #tpu.memory_space<vmem>>, vector<1x16xf32>,
    %get3A_437 = vector.shape_cast %get3A_436 : vector<1x16xf32> to vector<16xf32>
    %max3A_438 = arith.constant 1.000000e-30 : f32
    %max3A_439 = vector.broadcast %max3A_438 : f32 to vector<16xf32>
    %max3A_440 = arith.maximumf %get3A_437, %max3A_439 : vector<16xf32>
    %get3A_441 = arith.constant 2 : i32
    %get3A_442 = arith.index_cast %get3A_441 : i32 to index
    %get3A_443 = arith.constant 64 : index
    %get3A_444 = tpu.vector_load %arg9[%get3A_442, %get3A_443] {strides = array<i32>} : memref<16x128xf32, #tpu.memory_space<vmem>>, vector<1x16xf32>,
    %get3A_445 = vector.shape_cast %get3A_444 : vector<1x16xf32> to vector<16xf32>
    %div3A_446 = arith.divf %get3A_445, %max3A_440 : vector<16xf32>
    %swap3A_447 = arith.constant 2 : i32
    %swap3A_448 = arith.index_cast %swap3A_447 : i32 to index
    %swap3A_449 = arith.constant 64 : index
    %swap3A_450 = tpu.vector_load %arg11[%swap3A_448, %swap3A_449] {strides = array<i32>} : memref<16x128xf32, #tpu.memory_space<vmem>>, vector<1x16xf32>,
    %swap3A_451 = vector.shape_cast %swap3A_450 : vector<1x16xf32> to vector<16xf32>
    %swap3A_452 = vector.shape_cast %div3A_446 : vector<16xf32> to vector<1x16xf32>
    tpu.vector_store %arg11[%swap3A_448, %swap3A_449], %swap3A_452 {strides = array<i32>} : memref<16x128xf32, #tpu.memory_space<vmem>>, vector<1x16xf32>,
    %get3A_453 = arith.constant 2 : i32
    %get3A_454 = arith.index_cast %get3A_453 : i32 to index
    %get3A_455 = arith.constant 80 : index
    %get3A_456 = tpu.vector_load %arg10[%get3A_454, %get3A_455] {strides = array<i32>} : memref<16x128xf32, #tpu.memory_space<vmem>>, vector<1x16xf32>,
    %get3A_457 = vector.shape_cast %get3A_456 : vector<1x16xf32> to vector<16xf32>
    %max3A_458 = arith.constant 1.000000e-30 : f32
    %max3A_459 = vector.broadcast %max3A_458 : f32 to vector<16xf32>
    %max3A_460 = arith.maximumf %get3A_457, %max3A_459 : vector<16xf32>
    %get3A_461 = arith.constant 2 : i32
    %get3A_462 = arith.index_cast %get3A_461 : i32 to index
    %get3A_463 = arith.constant 80 : index
    %get3A_464 = tpu.vector_load %arg9[%get3A_462, %get3A_463] {strides = array<i32>} : memref<16x128xf32, #tpu.memory_space<vmem>>, vector<1x16xf32>,
    %get3A_465 = vector.shape_cast %get3A_464 : vector<1x16xf32> to vector<16xf32>
    %div3A_466 = arith.divf %get3A_465, %max3A_460 : vector<16xf32>
    %swap3A_467 = arith.constant 2 : i32
    %swap3A_468 = arith.index_cast %swap3A_467 : i32 to index
    %swap3A_469 = arith.constant 80 : index
    %swap3A_470 = tpu.vector_load %arg11[%swap3A_468, %swap3A_469] {strides = array<i32>} : memref<16x128xf32, #tpu.memory_space<vmem>>, vector<1x16xf32>,
    %swap3A_471 = vector.shape_cast %swap3A_470 : vector<1x16xf32> to vector<16xf32>
    %swap3A_472 = vector.shape_cast %div3A_466 : vector<16xf32> to vector<1x16xf32>
    tpu.vector_store %arg11[%swap3A_468, %swap3A_469], %swap3A_472 {strides = array<i32>} : memref<16x128xf32, #tpu.memory_space<vmem>>, vector<1x16xf32>,
    %get3A_473 = arith.constant 2 : i32
    %get3A_474 = arith.index_cast %get3A_473 : i32 to index
    %get3A_475 = arith.constant 96 : index
    %get3A_476 = tpu.vector_load %arg10[%get3A_474, %get3A_475] {strides = array<i32>} : memref<16x128xf32, #tpu.memory_space<vmem>>, vector<1x16xf32>,
    %get3A_477 = vector.shape_cast %get3A_476 : vector<1x16xf32> to vector<16xf32>
    %max3A_478 = arith.constant 1.000000e-30 : f32
    %max3A_479 = vector.broadcast %max3A_478 : f32 to vector<16xf32>
    %max3A_480 = arith.maximumf %get3A_477, %max3A_479 : vector<16xf32>
    %get3A_481 = arith.constant 2 : i32
    %get3A_482 = arith.index_cast %get3A_481 : i32 to index
    %get3A_483 = arith.constant 96 : index
    %get3A_484 = tpu.vector_load %arg9[%get3A_482, %get3A_483] {strides = array<i32>} : memref<16x128xf32, #tpu.memory_space<vmem>>, vector<1x16xf32>,
    %get3A_485 = vector.shape_cast %get3A_484 : vector<1x16xf32> to vector<16xf32>
    %div3A_486 = arith.divf %get3A_485, %max3A_480 : vector<16xf32>
    %swap3A_487 = arith.constant 2 : i32
    %swap3A_488 = arith.index_cast %swap3A_487 : i32 to index
    %swap3A_489 = arith.constant 96 : index
    %swap3A_490 = tpu.vector_load %arg11[%swap3A_488, %swap3A_489] {strides = array<i32>} : memref<16x128xf32, #tpu.memory_space<vmem>>, vector<1x16xf32>,
    %swap3A_491 = vector.shape_cast %swap3A_490 : vector<1x16xf32> to vector<16xf32>
    %swap3A_492 = vector.shape_cast %div3A_486 : vector<16xf32> to vector<1x16xf32>
    tpu.vector_store %arg11[%swap3A_488, %swap3A_489], %swap3A_492 {strides = array<i32>} : memref<16x128xf32, #tpu.memory_space<vmem>>, vector<1x16xf32>,
    %get3A_493 = arith.constant 2 : i32
    %get3A_494 = arith.index_cast %get3A_493 : i32 to index
    %get3A_495 = arith.constant 112 : index
    %get3A_496 = tpu.vector_load %arg10[%get3A_494, %get3A_495] {strides = array<i32>} : memref<16x128xf32, #tpu.memory_space<vmem>>, vector<1x16xf32>,
    %get3A_497 = vector.shape_cast %get3A_496 : vector<1x16xf32> to vector<16xf32>
    %max3A_498 = arith.constant 1.000000e-30 : f32
    %max3A_499 = vector.broadcast %max3A_498 : f32 to vector<16xf32>
    %max3A_500 = arith.maximumf %get3A_497, %max3A_499 : vector<16xf32>
    %get3A_501 = arith.constant 2 : i32
    %get3A_502 = arith.index_cast %get3A_501 : i32 to index
    %get3A_503 = arith.constant 112 : index
    %get3A_504 = tpu.vector_load %arg9[%get3A_502, %get3A_503] {strides = array<i32>} : memref<16x128xf32, #tpu.memory_space<vmem>>, vector<1x16xf32>,
    %get3A_505 = vector.shape_cast %get3A_504 : vector<1x16xf32> to vector<16xf32>
    %div3A_506 = arith.divf %get3A_505, %max3A_500 : vector<16xf32>
    %swap3A_507 = arith.constant 2 : i32
    %swap3A_508 = arith.index_cast %swap3A_507 : i32 to index
    %swap3A_509 = arith.constant 112 : index
    %swap3A_510 = tpu.vector_load %arg11[%swap3A_508, %swap3A_509] {strides = array<i32>} : memref<16x128xf32, #tpu.memory_space<vmem>>, vector<1x16xf32>,
    %swap3A_511 = vector.shape_cast %swap3A_510 : vector<1x16xf32> to vector<16xf32>
    %swap3A_512 = vector.shape_cast %div3A_506 : vector<16xf32> to vector<1x16xf32>
    tpu.vector_store %arg11[%swap3A_508, %swap3A_509], %swap3A_512 {strides = array<i32>} : memref<16x128xf32, #tpu.memory_space<vmem>>, vector<1x16xf32>,
    %get3A_513 = arith.constant 3 : i32
    %get3A_514 = arith.index_cast %get3A_513 : i32 to index
    %get3A_515 = arith.constant 0 : index
    %get3A_516 = tpu.vector_load %arg10[%get3A_514, %get3A_515] {strides = array<i32>} : memref<16x128xf32, #tpu.memory_space<vmem>>, vector<1x16xf32>,
    %get3A_517 = vector.shape_cast %get3A_516 : vector<1x16xf32> to vector<16xf32>
    %max3A_518 = arith.constant 1.000000e-30 : f32
    %max3A_519 = vector.broadcast %max3A_518 : f32 to vector<16xf32>
    %max3A_520 = arith.maximumf %get3A_517, %max3A_519 : vector<16xf32>
    %get3A_521 = arith.constant 3 : i32
    %get3A_522 = arith.index_cast %get3A_521 : i32 to index
    %get3A_523 = arith.constant 0 : index
    %get3A_524 = tpu.vector_load %arg9[%get3A_522, %get3A_523] {strides = array<i32>} : memref<16x128xf32, #tpu.memory_space<vmem>>, vector<1x16xf32>,
    %get3A_525 = vector.shape_cast %get3A_524 : vector<1x16xf32> to vector<16xf32>
    %div3A_526 = arith.divf %get3A_525, %max3A_520 : vector<16xf32>
    %swap3A_527 = arith.constant 3 : i32
    %swap3A_528 = arith.index_cast %swap3A_527 : i32 to index
    %swap3A_529 = arith.constant 0 : index
    %swap3A_530 = tpu.vector_load %arg11[%swap3A_528, %swap3A_529] {strides = array<i32>} : memref<16x128xf32, #tpu.memory_space<vmem>>, vector<1x16xf32>,
    %swap3A_531 = vector.shape_cast %swap3A_530 : vector<1x16xf32> to vector<16xf32>
    %swap3A_532 = vector.shape_cast %div3A_526 : vector<16xf32> to vector<1x16xf32>
    tpu.vector_store %arg11[%swap3A_528, %swap3A_529], %swap3A_532 {strides = array<i32>} : memref<16x128xf32, #tpu.memory_space<vmem>>, vector<1x16xf32>,
    %get3A_533 = arith.constant 3 : i32
    %get3A_534 = arith.index_cast %get3A_533 : i32 to index
    %get3A_535 = arith.constant 16 : index
    %get3A_536 = tpu.vector_load %arg10[%get3A_534, %get3A_535] {strides = array<i32>} : memref<16x128xf32, #tpu.memory_space<vmem>>, vector<1x16xf32>,
    %get3A_537 = vector.shape_cast %get3A_536 : vector<1x16xf32> to vector<16xf32>
    %max3A_538 = arith.constant 1.000000e-30 : f32
    %max3A_539 = vector.broadcast %max3A_538 : f32 to vector<16xf32>
    %max3A_540 = arith.maximumf %get3A_537, %max3A_539 : vector<16xf32>
    %get3A_541 = arith.constant 3 : i32
    %get3A_542 = arith.index_cast %get3A_541 : i32 to index
    %get3A_543 = arith.constant 16 : index
    %get3A_544 = tpu.vector_load %arg9[%get3A_542, %get3A_543] {strides = array<i32>} : memref<16x128xf32, #tpu.memory_space<vmem>>, vector<1x16xf32>,
    %get3A_545 = vector.shape_cast %get3A_544 : vector<1x16xf32> to vector<16xf32>
    %div3A_546 = arith.divf %get3A_545, %max3A_540 : vector<16xf32>
    %swap3A_547 = arith.constant 3 : i32
    %swap3A_548 = arith.index_cast %swap3A_547 : i32 to index
    %swap3A_549 = arith.constant 16 : index
    %swap3A_550 = tpu.vector_load %arg11[%swap3A_548, %swap3A_549] {strides = array<i32>} : memref<16x128xf32, #tpu.memory_space<vmem>>, vector<1x16xf32>,
    %swap3A_551 = vector.shape_cast %swap3A_550 : vector<1x16xf32> to vector<16xf32>
    %swap3A_552 = vector.shape_cast %div3A_546 : vector<16xf32> to vector<1x16xf32>
    tpu.vector_store %arg11[%swap3A_548, %swap3A_549], %swap3A_552 {strides = array<i32>} : memref<16x128xf32, #tpu.memory_space<vmem>>, vector<1x16xf32>,
    %get3A_553 = arith.constant 3 : i32
    %get3A_554 = arith.index_cast %get3A_553 : i32 to index
    %get3A_555 = arith.constant 32 : index
    %get3A_556 = tpu.vector_load %arg10[%get3A_554, %get3A_555] {strides = array<i32>} : memref<16x128xf32, #tpu.memory_space<vmem>>, vector<1x16xf32>,
    %get3A_557 = vector.shape_cast %get3A_556 : vector<1x16xf32> to vector<16xf32>
    %max3A_558 = arith.constant 1.000000e-30 : f32
    %max3A_559 = vector.broadcast %max3A_558 : f32 to vector<16xf32>
    %max3A_560 = arith.maximumf %get3A_557, %max3A_559 : vector<16xf32>
    %get3A_561 = arith.constant 3 : i32
    %get3A_562 = arith.index_cast %get3A_561 : i32 to index
    %get3A_563 = arith.constant 32 : index
    %get3A_564 = tpu.vector_load %arg9[%get3A_562, %get3A_563] {strides = array<i32>} : memref<16x128xf32, #tpu.memory_space<vmem>>, vector<1x16xf32>,
    %get3A_565 = vector.shape_cast %get3A_564 : vector<1x16xf32> to vector<16xf32>
    %div3A_566 = arith.divf %get3A_565, %max3A_560 : vector<16xf32>
    %swap3A_567 = arith.constant 3 : i32
    %swap3A_568 = arith.index_cast %swap3A_567 : i32 to index
    %swap3A_569 = arith.constant 32 : index
    %swap3A_570 = tpu.vector_load %arg11[%swap3A_568, %swap3A_569] {strides = array<i32>} : memref<16x128xf32, #tpu.memory_space<vmem>>, vector<1x16xf32>,
    %swap3A_571 = vector.shape_cast %swap3A_570 : vector<1x16xf32> to vector<16xf32>
    %swap3A_572 = vector.shape_cast %div3A_566 : vector<16xf32> to vector<1x16xf32>
    tpu.vector_store %arg11[%swap3A_568, %swap3A_569], %swap3A_572 {strides = array<i32>} : memref<16x128xf32, #tpu.memory_space<vmem>>, vector<1x16xf32>,
    %get3A_573 = arith.constant 3 : i32
    %get3A_574 = arith.index_cast %get3A_573 : i32 to index
    %get3A_575 = arith.constant 48 : index
    %get3A_576 = tpu.vector_load %arg10[%get3A_574, %get3A_575] {strides = array<i32>} : memref<16x128xf32, #tpu.memory_space<vmem>>, vector<1x16xf32>,
    %get3A_577 = vector.shape_cast %get3A_576 : vector<1x16xf32> to vector<16xf32>
    %max3A_578 = arith.constant 1.000000e-30 : f32
    %max3A_579 = vector.broadcast %max3A_578 : f32 to vector<16xf32>
    %max3A_580 = arith.maximumf %get3A_577, %max3A_579 : vector<16xf32>
    %get3A_581 = arith.constant 3 : i32
    %get3A_582 = arith.index_cast %get3A_581 : i32 to index
    %get3A_583 = arith.constant 48 : index
    %get3A_584 = tpu.vector_load %arg9[%get3A_582, %get3A_583] {strides = array<i32>} : memref<16x128xf32, #tpu.memory_space<vmem>>, vector<1x16xf32>,
    %get3A_585 = vector.shape_cast %get3A_584 : vector<1x16xf32> to vector<16xf32>
    %div3A_586 = arith.divf %get3A_585, %max3A_580 : vector<16xf32>
    %swap3A_587 = arith.constant 3 : i32
    %swap3A_588 = arith.index_cast %swap3A_587 : i32 to index
    %swap3A_589 = arith.constant 48 : index
    %swap3A_590 = tpu.vector_load %arg11[%swap3A_588, %swap3A_589] {strides = array<i32>} : memref<16x128xf32, #tpu.memory_space<vmem>>, vector<1x16xf32>,
    %swap3A_591 = vector.shape_cast %swap3A_590 : vector<1x16xf32> to vector<16xf32>
    %swap3A_592 = vector.shape_cast %div3A_586 : vector<16xf32> to vector<1x16xf32>
    tpu.vector_store %arg11[%swap3A_588, %swap3A_589], %swap3A_592 {strides = array<i32>} : memref<16x128xf32, #tpu.memory_space<vmem>>, vector<1x16xf32>,
    %get3A_593 = arith.constant 3 : i32
    %get3A_594 = arith.index_cast %get3A_593 : i32 to index
    %get3A_595 = arith.constant 64 : index
    %get3A_596 = tpu.vector_load %arg10[%get3A_594, %get3A_595] {strides = array<i32>} : memref<16x128xf32, #tpu.memory_space<vmem>>, vector<1x16xf32>,
    %get3A_597 = vector.shape_cast %get3A_596 : vector<1x16xf32> to vector<16xf32>
    %max3A_598 = arith.constant 1.000000e-30 : f32
    %max3A_599 = vector.broadcast %max3A_598 : f32 to vector<16xf32>
    %max3A_600 = arith.maximumf %get3A_597, %max3A_599 : vector<16xf32>
    %get3A_601 = arith.constant 3 : i32
    %get3A_602 = arith.index_cast %get3A_601 : i32 to index
    %get3A_603 = arith.constant 64 : index
    %get3A_604 = tpu.vector_load %arg9[%get3A_602, %get3A_603] {strides = array<i32>} : memref<16x128xf32, #tpu.memory_space<vmem>>, vector<1x16xf32>,
    %get3A_605 = vector.shape_cast %get3A_604 : vector<1x16xf32> to vector<16xf32>
    %div3A_606 = arith.divf %get3A_605, %max3A_600 : vector<16xf32>
    %swap3A_607 = arith.constant 3 : i32
    %swap3A_608 = arith.index_cast %swap3A_607 : i32 to index
    %swap3A_609 = arith.constant 64 : index
    %swap3A_610 = tpu.vector_load %arg11[%swap3A_608, %swap3A_609] {strides = array<i32>} : memref<16x128xf32, #tpu.memory_space<vmem>>, vector<1x16xf32>,
    %swap3A_611 = vector.shape_cast %swap3A_610 : vector<1x16xf32> to vector<16xf32>
    %swap3A_612 = vector.shape_cast %div3A_606 : vector<16xf32> to vector<1x16xf32>
    tpu.vector_store %arg11[%swap3A_608, %swap3A_609], %swap3A_612 {strides = array<i32>} : memref<16x128xf32, #tpu.memory_space<vmem>>, vector<1x16xf32>,
    %get3A_613 = arith.constant 3 : i32
    %get3A_614 = arith.index_cast %get3A_613 : i32 to index
    %get3A_615 = arith.constant 80 : index
    %get3A_616 = tpu.vector_load %arg10[%get3A_614, %get3A_615] {strides = array<i32>} : memref<16x128xf32, #tpu.memory_space<vmem>>, vector<1x16xf32>,
    %get3A_617 = vector.shape_cast %get3A_616 : vector<1x16xf32> to vector<16xf32>
    %max3A_618 = arith.constant 1.000000e-30 : f32
    %max3A_619 = vector.broadcast %max3A_618 : f32 to vector<16xf32>
    %max3A_620 = arith.maximumf %get3A_617, %max3A_619 : vector<16xf32>
    %get3A_621 = arith.constant 3 : i32
    %get3A_622 = arith.index_cast %get3A_621 : i32 to index
    %get3A_623 = arith.constant 80 : index
    %get3A_624 = tpu.vector_load %arg9[%get3A_622, %get3A_623] {strides = array<i32>} : memref<16x128xf32, #tpu.memory_space<vmem>>, vector<1x16xf32>,
    %get3A_625 = vector.shape_cast %get3A_624 : vector<1x16xf32> to vector<16xf32>
    %div3A_626 = arith.divf %get3A_625, %max3A_620 : vector<16xf32>
    %swap3A_627 = arith.constant 3 : i32
    %swap3A_628 = arith.index_cast %swap3A_627 : i32 to index
    %swap3A_629 = arith.constant 80 : index
    %swap3A_630 = tpu.vector_load %arg11[%swap3A_628, %swap3A_629] {strides = array<i32>} : memref<16x128xf32, #tpu.memory_space<vmem>>, vector<1x16xf32>,
    %swap3A_631 = vector.shape_cast %swap3A_630 : vector<1x16xf32> to vector<16xf32>
    %swap3A_632 = vector.shape_cast %div3A_626 : vector<16xf32> to vector<1x16xf32>
    tpu.vector_store %arg11[%swap3A_628, %swap3A_629], %swap3A_632 {strides = array<i32>} : memref<16x128xf32, #tpu.memory_space<vmem>>, vector<1x16xf32>,
    %get3A_633 = arith.constant 3 : i32
    %get3A_634 = arith.index_cast %get3A_633 : i32 to index
    %get3A_635 = arith.constant 96 : index
    %get3A_636 = tpu.vector_load %arg10[%get3A_634, %get3A_635] {strides = array<i32>} : memref<16x128xf32, #tpu.memory_space<vmem>>, vector<1x16xf32>,
    %get3A_637 = vector.shape_cast %get3A_636 : vector<1x16xf32> to vector<16xf32>
    %max3A_638 = arith.constant 1.000000e-30 : f32
    %max3A_639 = vector.broadcast %max3A_638 : f32 to vector<16xf32>
    %max3A_640 = arith.maximumf %get3A_637, %max3A_639 : vector<16xf32>
    %get3A_641 = arith.constant 3 : i32
    %get3A_642 = arith.index_cast %get3A_641 : i32 to index
    %get3A_643 = arith.constant 96 : index
    %get3A_644 = tpu.vector_load %arg9[%get3A_642, %get3A_643] {strides = array<i32>} : memref<16x128xf32, #tpu.memory_space<vmem>>, vector<1x16xf32>,
    %get3A_645 = vector.shape_cast %get3A_644 : vector<1x16xf32> to vector<16xf32>
    %div3A_646 = arith.divf %get3A_645, %max3A_640 : vector<16xf32>
    %swap3A_647 = arith.constant 3 : i32
    %swap3A_648 = arith.index_cast %swap3A_647 : i32 to index
    %swap3A_649 = arith.constant 96 : index
    %swap3A_650 = tpu.vector_load %arg11[%swap3A_648, %swap3A_649] {strides = array<i32>} : memref<16x128xf32, #tpu.memory_space<vmem>>, vector<1x16xf32>,
    %swap3A_651 = vector.shape_cast %swap3A_650 : vector<1x16xf32> to vector<16xf32>
    %swap3A_652 = vector.shape_cast %div3A_646 : vector<16xf32> to vector<1x16xf32>
    tpu.vector_store %arg11[%swap3A_648, %swap3A_649], %swap3A_652 {strides = array<i32>} : memref<16x128xf32, #tpu.memory_space<vmem>>, vector<1x16xf32>,
    %get3A_653 = arith.constant 3 : i32
    %get3A_654 = arith.index_cast %get3A_653 : i32 to index
    %get3A_655 = arith.constant 112 : index
    %get3A_656 = tpu.vector_load %arg10[%get3A_654, %get3A_655] {strides = array<i32>} : memref<16x128xf32, #tpu.memory_space<vmem>>, vector<1x16xf32>,
    %get3A_657 = vector.shape_cast %get3A_656 : vector<1x16xf32> to vector<16xf32>
    %max3A_658 = arith.constant 1.000000e-30 : f32
    %max3A_659 = vector.broadcast %max3A_658 : f32 to vector<16xf32>
    %max3A_660 = arith.maximumf %get3A_657, %max3A_659 : vector<16xf32>
    %get3A_661 = arith.constant 3 : i32
    %get3A_662 = arith.index_cast %get3A_661 : i32 to index
    %get3A_663 = arith.constant 112 : index
    %get3A_664 = tpu.vector_load %arg9[%get3A_662, %get3A_663] {strides = array<i32>} : memref<16x128xf32, #tpu.memory_space<vmem>>, vector<1x16xf32>,
    %get3A_665 = vector.shape_cast %get3A_664 : vector<1x16xf32> to vector<16xf32>
    %div3A_666 = arith.divf %get3A_665, %max3A_660 : vector<16xf32>
    %swap3A_667 = arith.constant 3 : i32
    %swap3A_668 = arith.index_cast %swap3A_667 : i32 to index
    %swap3A_669 = arith.constant 112 : index
    %swap3A_670 = tpu.vector_load %arg11[%swap3A_668, %swap3A_669] {strides = array<i32>} : memref<16x128xf32, #tpu.memory_space<vmem>>, vector<1x16xf32>,
    %swap3A_671 = vector.shape_cast %swap3A_670 : vector<1x16xf32> to vector<16xf32>
    %swap3A_672 = vector.shape_cast %div3A_666 : vector<16xf32> to vector<1x16xf32>
    tpu.vector_store %arg11[%swap3A_668, %swap3A_669], %swap3A_672 {strides = array<i32>} : memref<16x128xf32, #tpu.memory_space<vmem>>, vector<1x16xf32>,
    %get3A_673 = arith.constant 4 : i32
    %get3A_674 = arith.index_cast %get3A_673 : i32 to index
    %get3A_675 = arith.constant 0 : index
    %get3A_676 = tpu.vector_load %arg10[%get3A_674, %get3A_675] {strides = array<i32>} : memref<16x128xf32, #tpu.memory_space<vmem>>, vector<1x16xf32>,
    %get3A_677 = vector.shape_cast %get3A_676 : vector<1x16xf32> to vector<16xf32>
    %max3A_678 = arith.constant 1.000000e-30 : f32
    %max3A_679 = vector.broadcast %max3A_678 : f32 to vector<16xf32>
    %max3A_680 = arith.maximumf %get3A_677, %max3A_679 : vector<16xf32>
    %get3A_681 = arith.constant 4 : i32
    %get3A_682 = arith.index_cast %get3A_681 : i32 to index
    %get3A_683 = arith.constant 0 : index
    %get3A_684 = tpu.vector_load %arg9[%get3A_682, %get3A_683] {strides = array<i32>} : memref<16x128xf32, #tpu.memory_space<vmem>>, vector<1x16xf32>,
    %get3A_685 = vector.shape_cast %get3A_684 : vector<1x16xf32> to vector<16xf32>
    %div3A_686 = arith.divf %get3A_685, %max3A_680 : vector<16xf32>
    %swap3A_687 = arith.constant 4 : i32
    %swap3A_688 = arith.index_cast %swap3A_687 : i32 to index
    %swap3A_689 = arith.constant 0 : index
    %swap3A_690 = tpu.vector_load %arg11[%swap3A_688, %swap3A_689] {strides = array<i32>} : memref<16x128xf32, #tpu.memory_space<vmem>>, vector<1x16xf32>,
    %swap3A_691 = vector.shape_cast %swap3A_690 : vector<1x16xf32> to vector<16xf32>
    %swap3A_692 = vector.shape_cast %div3A_686 : vector<16xf32> to vector<1x16xf32>
    tpu.vector_store %arg11[%swap3A_688, %swap3A_689], %swap3A_692 {strides = array<i32>} : memref<16x128xf32, #tpu.memory_space<vmem>>, vector<1x16xf32>,
    %get3A_693 = arith.constant 4 : i32
    %get3A_694 = arith.index_cast %get3A_693 : i32 to index
    %get3A_695 = arith.constant 16 : index
    %get3A_696 = tpu.vector_load %arg10[%get3A_694, %get3A_695] {strides = array<i32>} : memref<16x128xf32, #tpu.memory_space<vmem>>, vector<1x16xf32>,
    %get3A_697 = vector.shape_cast %get3A_696 : vector<1x16xf32> to vector<16xf32>
    %max3A_698 = arith.constant 1.000000e-30 : f32
    %max3A_699 = vector.broadcast %max3A_698 : f32 to vector<16xf32>
    %max3A_700 = arith.maximumf %get3A_697, %max3A_699 : vector<16xf32>
    %get3A_701 = arith.constant 4 : i32
    %get3A_702 = arith.index_cast %get3A_701 : i32 to index
    %get3A_703 = arith.constant 16 : index
    %get3A_704 = tpu.vector_load %arg9[%get3A_702, %get3A_703] {strides = array<i32>} : memref<16x128xf32, #tpu.memory_space<vmem>>, vector<1x16xf32>,
    %get3A_705 = vector.shape_cast %get3A_704 : vector<1x16xf32> to vector<16xf32>
    %div3A_706 = arith.divf %get3A_705, %max3A_700 : vector<16xf32>
    %swap3A_707 = arith.constant 4 : i32
    %swap3A_708 = arith.index_cast %swap3A_707 : i32 to index
    %swap3A_709 = arith.constant 16 : index
    %swap3A_710 = tpu.vector_load %arg11[%swap3A_708, %swap3A_709] {strides = array<i32>} : memref<16x128xf32, #tpu.memory_space<vmem>>, vector<1x16xf32>,
    %swap3A_711 = vector.shape_cast %swap3A_710 : vector<1x16xf32> to vector<16xf32>
    %swap3A_712 = vector.shape_cast %div3A_706 : vector<16xf32> to vector<1x16xf32>
    tpu.vector_store %arg11[%swap3A_708, %swap3A_709], %swap3A_712 {strides = array<i32>} : memref<16x128xf32, #tpu.memory_space<vmem>>, vector<1x16xf32>,
    %get3A_713 = arith.constant 4 : i32
    %get3A_714 = arith.index_cast %get3A_713 : i32 to index
    %get3A_715 = arith.constant 32 : index
    %get3A_716 = tpu.vector_load %arg10[%get3A_714, %get3A_715] {strides = array<i32>} : memref<16x128xf32, #tpu.memory_space<vmem>>, vector<1x16xf32>,
    %get3A_717 = vector.shape_cast %get3A_716 : vector<1x16xf32> to vector<16xf32>
    %max3A_718 = arith.constant 1.000000e-30 : f32
    %max3A_719 = vector.broadcast %max3A_718 : f32 to vector<16xf32>
    %max3A_720 = arith.maximumf %get3A_717, %max3A_719 : vector<16xf32>
    %get3A_721 = arith.constant 4 : i32
    %get3A_722 = arith.index_cast %get3A_721 : i32 to index
    %get3A_723 = arith.constant 32 : index
    %get3A_724 = tpu.vector_load %arg9[%get3A_722, %get3A_723] {strides = array<i32>} : memref<16x128xf32, #tpu.memory_space<vmem>>, vector<1x16xf32>,
    %get3A_725 = vector.shape_cast %get3A_724 : vector<1x16xf32> to vector<16xf32>
    %div3A_726 = arith.divf %get3A_725, %max3A_720 : vector<16xf32>
    %swap3A_727 = arith.constant 4 : i32
    %swap3A_728 = arith.index_cast %swap3A_727 : i32 to index
    %swap3A_729 = arith.constant 32 : index
    %swap3A_730 = tpu.vector_load %arg11[%swap3A_728, %swap3A_729] {strides = array<i32>} : memref<16x128xf32, #tpu.memory_space<vmem>>, vector<1x16xf32>,
    %swap3A_731 = vector.shape_cast %swap3A_730 : vector<1x16xf32> to vector<16xf32>
    %swap3A_732 = vector.shape_cast %div3A_726 : vector<16xf32> to vector<1x16xf32>
    tpu.vector_store %arg11[%swap3A_728, %swap3A_729], %swap3A_732 {strides = array<i32>} : memref<16x128xf32, #tpu.memory_space<vmem>>, vector<1x16xf32>,
    %get3A_733 = arith.constant 4 : i32
    %get3A_734 = arith.index_cast %get3A_733 : i32 to index
    %get3A_735 = arith.constant 48 : index
    %get3A_736 = tpu.vector_load %arg10[%get3A_734, %get3A_735] {strides = array<i32>} : memref<16x128xf32, #tpu.memory_space<vmem>>, vector<1x16xf32>,
    %get3A_737 = vector.shape_cast %get3A_736 : vector<1x16xf32> to vector<16xf32>
    %max3A_738 = arith.constant 1.000000e-30 : f32
    %max3A_739 = vector.broadcast %max3A_738 : f32 to vector<16xf32>
    %max3A_740 = arith.maximumf %get3A_737, %max3A_739 : vector<16xf32>
    %get3A_741 = arith.constant 4 : i32
    %get3A_742 = arith.index_cast %get3A_741 : i32 to index
    %get3A_743 = arith.constant 48 : index
    %get3A_744 = tpu.vector_load %arg9[%get3A_742, %get3A_743] {strides = array<i32>} : memref<16x128xf32, #tpu.memory_space<vmem>>, vector<1x16xf32>,
    %get3A_745 = vector.shape_cast %get3A_744 : vector<1x16xf32> to vector<16xf32>
    %div3A_746 = arith.divf %get3A_745, %max3A_740 : vector<16xf32>
    %swap3A_747 = arith.constant 4 : i32
    %swap3A_748 = arith.index_cast %swap3A_747 : i32 to index
    %swap3A_749 = arith.constant 48 : index
    %swap3A_750 = tpu.vector_load %arg11[%swap3A_748, %swap3A_749] {strides = array<i32>} : memref<16x128xf32, #tpu.memory_space<vmem>>, vector<1x16xf32>,
    %swap3A_751 = vector.shape_cast %swap3A_750 : vector<1x16xf32> to vector<16xf32>
    %swap3A_752 = vector.shape_cast %div3A_746 : vector<16xf32> to vector<1x16xf32>
    tpu.vector_store %arg11[%swap3A_748, %swap3A_749], %swap3A_752 {strides = array<i32>} : memref<16x128xf32, #tpu.memory_space<vmem>>, vector<1x16xf32>,
    %get3A_753 = arith.constant 4 : i32
    %get3A_754 = arith.index_cast %get3A_753 : i32 to index
    %get3A_755 = arith.constant 64 : index
    %get3A_756 = tpu.vector_load %arg10[%get3A_754, %get3A_755] {strides = array<i32>} : memref<16x128xf32, #tpu.memory_space<vmem>>, vector<1x16xf32>,
    %get3A_757 = vector.shape_cast %get3A_756 : vector<1x16xf32> to vector<16xf32>
    %max3A_758 = arith.constant 1.000000e-30 : f32
    %max3A_759 = vector.broadcast %max3A_758 : f32 to vector<16xf32>
    %max3A_760 = arith.maximumf %get3A_757, %max3A_759 : vector<16xf32>
    %get3A_761 = arith.constant 4 : i32
    %get3A_762 = arith.index_cast %get3A_761 : i32 to index
    %get3A_763 = arith.constant 64 : index
    %get3A_764 = tpu.vector_load %arg9[%get3A_762, %get3A_763] {strides = array<i32>} : memref<16x128xf32, #tpu.memory_space<vmem>>, vector<1x16xf32>,
    %get3A_765 = vector.shape_cast %get3A_764 : vector<1x16xf32> to vector<16xf32>
    %div3A_766 = arith.divf %get3A_765, %max3A_760 : vector<16xf32>
    %swap3A_767 = arith.constant 4 : i32
    %swap3A_768 = arith.index_cast %swap3A_767 : i32 to index
    %swap3A_769 = arith.constant 64 : index
    %swap3A_770 = tpu.vector_load %arg11[%swap3A_768, %swap3A_769] {strides = array<i32>} : memref<16x128xf32, #tpu.memory_space<vmem>>, vector<1x16xf32>,
    %swap3A_771 = vector.shape_cast %swap3A_770 : vector<1x16xf32> to vector<16xf32>
    %swap3A_772 = vector.shape_cast %div3A_766 : vector<16xf32> to vector<1x16xf32>
    tpu.vector_store %arg11[%swap3A_768, %swap3A_769], %swap3A_772 {strides = array<i32>} : memref<16x128xf32, #tpu.memory_space<vmem>>, vector<1x16xf32>,
    %get3A_773 = arith.constant 4 : i32
    %get3A_774 = arith.index_cast %get3A_773 : i32 to index
    %get3A_775 = arith.constant 80 : index
    %get3A_776 = tpu.vector_load %arg10[%get3A_774, %get3A_775] {strides = array<i32>} : memref<16x128xf32, #tpu.memory_space<vmem>>, vector<1x16xf32>,
    %get3A_777 = vector.shape_cast %get3A_776 : vector<1x16xf32> to vector<16xf32>
    %max3A_778 = arith.constant 1.000000e-30 : f32
    %max3A_779 = vector.broadcast %max3A_778 : f32 to vector<16xf32>
    %max3A_780 = arith.maximumf %get3A_777, %max3A_779 : vector<16xf32>
    %get3A_781 = arith.constant 4 : i32
    %get3A_782 = arith.index_cast %get3A_781 : i32 to index
    %get3A_783 = arith.constant 80 : index
    %get3A_784 = tpu.vector_load %arg9[%get3A_782, %get3A_783] {strides = array<i32>} : memref<16x128xf32, #tpu.memory_space<vmem>>, vector<1x16xf32>,
    %get3A_785 = vector.shape_cast %get3A_784 : vector<1x16xf32> to vector<16xf32>
    %div3A_786 = arith.divf %get3A_785, %max3A_780 : vector<16xf32>
    %swap3A_787 = arith.constant 4 : i32
    %swap3A_788 = arith.index_cast %swap3A_787 : i32 to index
    %swap3A_789 = arith.constant 80 : index
    %swap3A_790 = tpu.vector_load %arg11[%swap3A_788, %swap3A_789] {strides = array<i32>} : memref<16x128xf32, #tpu.memory_space<vmem>>, vector<1x16xf32>,
    %swap3A_791 = vector.shape_cast %swap3A_790 : vector<1x16xf32> to vector<16xf32>
    %swap3A_792 = vector.shape_cast %div3A_786 : vector<16xf32> to vector<1x16xf32>
    tpu.vector_store %arg11[%swap3A_788, %swap3A_789], %swap3A_792 {strides = array<i32>} : memref<16x128xf32, #tpu.memory_space<vmem>>, vector<1x16xf32>,
    %get3A_793 = arith.constant 4 : i32
    %get3A_794 = arith.index_cast %get3A_793 : i32 to index
    %get3A_795 = arith.constant 96 : index
    %get3A_796 = tpu.vector_load %arg10[%get3A_794, %get3A_795] {strides = array<i32>} : memref<16x128xf32, #tpu.memory_space<vmem>>, vector<1x16xf32>,
    %get3A_797 = vector.shape_cast %get3A_796 : vector<1x16xf32> to vector<16xf32>
    %max3A_798 = arith.constant 1.000000e-30 : f32
    %max3A_799 = vector.broadcast %max3A_798 : f32 to vector<16xf32>
    %max3A_800 = arith.maximumf %get3A_797, %max3A_799 : vector<16xf32>
    %get3A_801 = arith.constant 4 : i32
    %get3A_802 = arith.index_cast %get3A_801 : i32 to index
    %get3A_803 = arith.constant 96 : index
    %get3A_804 = tpu.vector_load %arg9[%get3A_802, %get3A_803] {strides = array<i32>} : memref<16x128xf32, #tpu.memory_space<vmem>>, vector<1x16xf32>,
    %get3A_805 = vector.shape_cast %get3A_804 : vector<1x16xf32> to vector<16xf32>
    %div3A_806 = arith.divf %get3A_805, %max3A_800 : vector<16xf32>
    %swap3A_807 = arith.constant 4 : i32
    %swap3A_808 = arith.index_cast %swap3A_807 : i32 to index
    %swap3A_809 = arith.constant 96 : index
    %swap3A_810 = tpu.vector_load %arg11[%swap3A_808, %swap3A_809] {strides = array<i32>} : memref<16x128xf32, #tpu.memory_space<vmem>>, vector<1x16xf32>,
    %swap3A_811 = vector.shape_cast %swap3A_810 : vector<1x16xf32> to vector<16xf32>
    %swap3A_812 = vector.shape_cast %div3A_806 : vector<16xf32> to vector<1x16xf32>
    tpu.vector_store %arg11[%swap3A_808, %swap3A_809], %swap3A_812 {strides = array<i32>} : memref<16x128xf32, #tpu.memory_space<vmem>>, vector<1x16xf32>,
    %get3A_813 = arith.constant 4 : i32
    %get3A_814 = arith.index_cast %get3A_813 : i32 to index
    %get3A_815 = arith.constant 112 : index
    %get3A_816 = tpu.vector_load %arg10[%get3A_814, %get3A_815] {strides = array<i32>} : memref<16x128xf32, #tpu.memory_space<vmem>>, vector<1x16xf32>,
    %get3A_817 = vector.shape_cast %get3A_816 : vector<1x16xf32> to vector<16xf32>
    %max3A_818 = arith.constant 1.000000e-30 : f32
    %max3A_819 = vector.broadcast %max3A_818 : f32 to vector<16xf32>
    %max3A_820 = arith.maximumf %get3A_817, %max3A_819 : vector<16xf32>
    %get3A_821 = arith.constant 4 : i32
    %get3A_822 = arith.index_cast %get3A_821 : i32 to index
    %get3A_823 = arith.constant 112 : index
    %get3A_824 = tpu.vector_load %arg9[%get3A_822, %get3A_823] {strides = array<i32>} : memref<16x128xf32, #tpu.memory_space<vmem>>, vector<1x16xf32>,
    %get3A_825 = vector.shape_cast %get3A_824 : vector<1x16xf32> to vector<16xf32>
    %div3A_826 = arith.divf %get3A_825, %max3A_820 : vector<16xf32>
    %swap3A_827 = arith.constant 4 : i32
    %swap3A_828 = arith.index_cast %swap3A_827 : i32 to index
    %swap3A_829 = arith.constant 112 : index
    %swap3A_830 = tpu.vector_load %arg11[%swap3A_828, %swap3A_829] {strides = array<i32>} : memref<16x128xf32, #tpu.memory_space<vmem>>, vector<1x16xf32>,
    %swap3A_831 = vector.shape_cast %swap3A_830 : vector<1x16xf32> to vector<16xf32>
    %swap3A_832 = vector.shape_cast %div3A_826 : vector<16xf32> to vector<1x16xf32>
    tpu.vector_store %arg11[%swap3A_828, %swap3A_829], %swap3A_832 {strides = array<i32>} : memref<16x128xf32, #tpu.memory_space<vmem>>, vector<1x16xf32>,
    %get3A_833 = arith.constant 5 : i32
    %get3A_834 = arith.index_cast %get3A_833 : i32 to index
    %get3A_835 = arith.constant 0 : index
    %get3A_836 = tpu.vector_load %arg10[%get3A_834, %get3A_835] {strides = array<i32>} : memref<16x128xf32, #tpu.memory_space<vmem>>, vector<1x16xf32>,
    %get3A_837 = vector.shape_cast %get3A_836 : vector<1x16xf32> to vector<16xf32>
    %max3A_838 = arith.constant 1.000000e-30 : f32
    %max3A_839 = vector.broadcast %max3A_838 : f32 to vector<16xf32>
    %max3A_840 = arith.maximumf %get3A_837, %max3A_839 : vector<16xf32>
    %get3A_841 = arith.constant 5 : i32
    %get3A_842 = arith.index_cast %get3A_841 : i32 to index
    %get3A_843 = arith.constant 0 : index
    %get3A_844 = tpu.vector_load %arg9[%get3A_842, %get3A_843] {strides = array<i32>} : memref<16x128xf32, #tpu.memory_space<vmem>>, vector<1x16xf32>,
    %get3A_845 = vector.shape_cast %get3A_844 : vector<1x16xf32> to vector<16xf32>
    %div3A_846 = arith.divf %get3A_845, %max3A_840 : vector<16xf32>
    %swap3A_847 = arith.constant 5 : i32
    %swap3A_848 = arith.index_cast %swap3A_847 : i32 to index
    %swap3A_849 = arith.constant 0 : index
    %swap3A_850 = tpu.vector_load %arg11[%swap3A_848, %swap3A_849] {strides = array<i32>} : memref<16x128xf32, #tpu.memory_space<vmem>>, vector<1x16xf32>,
    %swap3A_851 = vector.shape_cast %swap3A_850 : vector<1x16xf32> to vector<16xf32>
    %swap3A_852 = vector.shape_cast %div3A_846 : vector<16xf32> to vector<1x16xf32>
    tpu.vector_store %arg11[%swap3A_848, %swap3A_849], %swap3A_852 {strides = array<i32>} : memref<16x128xf32, #tpu.memory_space<vmem>>, vector<1x16xf32>,
    %get3A_853 = arith.constant 5 : i32
    %get3A_854 = arith.index_cast %get3A_853 : i32 to index
    %get3A_855 = arith.constant 16 : index
    %get3A_856 = tpu.vector_load %arg10[%get3A_854, %get3A_855] {strides = array<i32>} : memref<16x128xf32, #tpu.memory_space<vmem>>, vector<1x16xf32>,
    %get3A_857 = vector.shape_cast %get3A_856 : vector<1x16xf32> to vector<16xf32>
    %max3A_858 = arith.constant 1.000000e-30 : f32
    %max3A_859 = vector.broadcast %max3A_858 : f32 to vector<16xf32>
    %max3A_860 = arith.maximumf %get3A_857, %max3A_859 : vector<16xf32>
    %get3A_861 = arith.constant 5 : i32
    %get3A_862 = arith.index_cast %get3A_861 : i32 to index
    %get3A_863 = arith.constant 16 : index
    %get3A_864 = tpu.vector_load %arg9[%get3A_862, %get3A_863] {strides = array<i32>} : memref<16x128xf32, #tpu.memory_space<vmem>>, vector<1x16xf32>,
    %get3A_865 = vector.shape_cast %get3A_864 : vector<1x16xf32> to vector<16xf32>
    %div3A_866 = arith.divf %get3A_865, %max3A_860 : vector<16xf32>
    %swap3A_867 = arith.constant 5 : i32
    %swap3A_868 = arith.index_cast %swap3A_867 : i32 to index
    %swap3A_869 = arith.constant 16 : index
    %swap3A_870 = tpu.vector_load %arg11[%swap3A_868, %swap3A_869] {strides = array<i32>} : memref<16x128xf32, #tpu.memory_space<vmem>>, vector<1x16xf32>,
    %swap3A_871 = vector.shape_cast %swap3A_870 : vector<1x16xf32> to vector<16xf32>
    %swap3A_872 = vector.shape_cast %div3A_866 : vector<16xf32> to vector<1x16xf32>
    tpu.vector_store %arg11[%swap3A_868, %swap3A_869], %swap3A_872 {strides = array<i32>} : memref<16x128xf32, #tpu.memory_space<vmem>>, vector<1x16xf32>,
    %get3A_873 = arith.constant 5 : i32
    %get3A_874 = arith.index_cast %get3A_873 : i32 to index
    %get3A_875 = arith.constant 32 : index
    %get3A_876 = tpu.vector_load %arg10[%get3A_874, %get3A_875] {strides = array<i32>} : memref<16x128xf32, #tpu.memory_space<vmem>>, vector<1x16xf32>,
    %get3A_877 = vector.shape_cast %get3A_876 : vector<1x16xf32> to vector<16xf32>
    %max3A_878 = arith.constant 1.000000e-30 : f32
    %max3A_879 = vector.broadcast %max3A_878 : f32 to vector<16xf32>
    %max3A_880 = arith.maximumf %get3A_877, %max3A_879 : vector<16xf32>
    %get3A_881 = arith.constant 5 : i32
    %get3A_882 = arith.index_cast %get3A_881 : i32 to index
    %get3A_883 = arith.constant 32 : index
    %get3A_884 = tpu.vector_load %arg9[%get3A_882, %get3A_883] {strides = array<i32>} : memref<16x128xf32, #tpu.memory_space<vmem>>, vector<1x16xf32>,
    %get3A_885 = vector.shape_cast %get3A_884 : vector<1x16xf32> to vector<16xf32>
    %div3A_886 = arith.divf %get3A_885, %max3A_880 : vector<16xf32>
    %swap3A_887 = arith.constant 5 : i32
    %swap3A_888 = arith.index_cast %swap3A_887 : i32 to index
    %swap3A_889 = arith.constant 32 : index
    %swap3A_890 = tpu.vector_load %arg11[%swap3A_888, %swap3A_889] {strides = array<i32>} : memref<16x128xf32, #tpu.memory_space<vmem>>, vector<1x16xf32>,
    %swap3A_891 = vector.shape_cast %swap3A_890 : vector<1x16xf32> to vector<16xf32>
    %swap3A_892 = vector.shape_cast %div3A_886 : vector<16xf32> to vector<1x16xf32>
    tpu.vector_store %arg11[%swap3A_888, %swap3A_889], %swap3A_892 {strides = array<i32>} : memref<16x128xf32, #tpu.memory_space<vmem>>, vector<1x16xf32>,
    %get3A_893 = arith.constant 5 : i32
    %get3A_894 = arith.index_cast %get3A_893 : i32 to index
    %get3A_895 = arith.constant 48 : index
    %get3A_896 = tpu.vector_load %arg10[%get3A_894, %get3A_895] {strides = array<i32>} : memref<16x128xf32, #tpu.memory_space<vmem>>, vector<1x16xf32>,
    %get3A_897 = vector.shape_cast %get3A_896 : vector<1x16xf32> to vector<16xf32>
    %max3A_898 = arith.constant 1.000000e-30 : f32
    %max3A_899 = vector.broadcast %max3A_898 : f32 to vector<16xf32>
    %max3A_900 = arith.maximumf %get3A_897, %max3A_899 : vector<16xf32>
    %get3A_901 = arith.constant 5 : i32
    %get3A_902 = arith.index_cast %get3A_901 : i32 to index
    %get3A_903 = arith.constant 48 : index
    %get3A_904 = tpu.vector_load %arg9[%get3A_902, %get3A_903] {strides = array<i32>} : memref<16x128xf32, #tpu.memory_space<vmem>>, vector<1x16xf32>,
    %get3A_905 = vector.shape_cast %get3A_904 : vector<1x16xf32> to vector<16xf32>
    %div3A_906 = arith.divf %get3A_905, %max3A_900 : vector<16xf32>
    %swap3A_907 = arith.constant 5 : i32
    %swap3A_908 = arith.index_cast %swap3A_907 : i32 to index
    %swap3A_909 = arith.constant 48 : index
    %swap3A_910 = tpu.vector_load %arg11[%swap3A_908, %swap3A_909] {strides = array<i32>} : memref<16x128xf32, #tpu.memory_space<vmem>>, vector<1x16xf32>,
    %swap3A_911 = vector.shape_cast %swap3A_910 : vector<1x16xf32> to vector<16xf32>
    %swap3A_912 = vector.shape_cast %div3A_906 : vector<16xf32> to vector<1x16xf32>
    tpu.vector_store %arg11[%swap3A_908, %swap3A_909], %swap3A_912 {strides = array<i32>} : memref<16x128xf32, #tpu.memory_space<vmem>>, vector<1x16xf32>,
    %get3A_913 = arith.constant 5 : i32
    %get3A_914 = arith.index_cast %get3A_913 : i32 to index
    %get3A_915 = arith.constant 64 : index
    %get3A_916 = tpu.vector_load %arg10[%get3A_914, %get3A_915] {strides = array<i32>} : memref<16x128xf32, #tpu.memory_space<vmem>>, vector<1x16xf32>,
    %get3A_917 = vector.shape_cast %get3A_916 : vector<1x16xf32> to vector<16xf32>
    %max3A_918 = arith.constant 1.000000e-30 : f32
    %max3A_919 = vector.broadcast %max3A_918 : f32 to vector<16xf32>
    %max3A_920 = arith.maximumf %get3A_917, %max3A_919 : vector<16xf32>
    %get3A_921 = arith.constant 5 : i32
    %get3A_922 = arith.index_cast %get3A_921 : i32 to index
    %get3A_923 = arith.constant 64 : index
    %get3A_924 = tpu.vector_load %arg9[%get3A_922, %get3A_923] {strides = array<i32>} : memref<16x128xf32, #tpu.memory_space<vmem>>, vector<1x16xf32>,
    %get3A_925 = vector.shape_cast %get3A_924 : vector<1x16xf32> to vector<16xf32>
    %div3A_926 = arith.divf %get3A_925, %max3A_920 : vector<16xf32>
    %swap3A_927 = arith.constant 5 : i32
    %swap3A_928 = arith.index_cast %swap3A_927 : i32 to index
    %swap3A_929 = arith.constant 64 : index
    %swap3A_930 = tpu.vector_load %arg11[%swap3A_928, %swap3A_929] {strides = array<i32>} : memref<16x128xf32, #tpu.memory_space<vmem>>, vector<1x16xf32>,
    %swap3A_931 = vector.shape_cast %swap3A_930 : vector<1x16xf32> to vector<16xf32>
    %swap3A_932 = vector.shape_cast %div3A_926 : vector<16xf32> to vector<1x16xf32>
    tpu.vector_store %arg11[%swap3A_928, %swap3A_929], %swap3A_932 {strides = array<i32>} : memref<16x128xf32, #tpu.memory_space<vmem>>, vector<1x16xf32>,
    %get3A_933 = arith.constant 5 : i32
    %get3A_934 = arith.index_cast %get3A_933 : i32 to index
    %get3A_935 = arith.constant 80 : index
    %get3A_936 = tpu.vector_load %arg10[%get3A_934, %get3A_935] {strides = array<i32>} : memref<16x128xf32, #tpu.memory_space<vmem>>, vector<1x16xf32>,
    %get3A_937 = vector.shape_cast %get3A_936 : vector<1x16xf32> to vector<16xf32>
    %max3A_938 = arith.constant 1.000000e-30 : f32
    %max3A_939 = vector.broadcast %max3A_938 : f32 to vector<16xf32>
    %max3A_940 = arith.maximumf %get3A_937, %max3A_939 : vector<16xf32>
    %get3A_941 = arith.constant 5 : i32
    %get3A_942 = arith.index_cast %get3A_941 : i32 to index
    %get3A_943 = arith.constant 80 : index
    %get3A_944 = tpu.vector_load %arg9[%get3A_942, %get3A_943] {strides = array<i32>} : memref<16x128xf32, #tpu.memory_space<vmem>>, vector<1x16xf32>,
    %get3A_945 = vector.shape_cast %get3A_944 : vector<1x16xf32> to vector<16xf32>
    %div3A_946 = arith.divf %get3A_945, %max3A_940 : vector<16xf32>
    %swap3A_947 = arith.constant 5 : i32
    %swap3A_948 = arith.index_cast %swap3A_947 : i32 to index
    %swap3A_949 = arith.constant 80 : index
    %swap3A_950 = tpu.vector_load %arg11[%swap3A_948, %swap3A_949] {strides = array<i32>} : memref<16x128xf32, #tpu.memory_space<vmem>>, vector<1x16xf32>,
    %swap3A_951 = vector.shape_cast %swap3A_950 : vector<1x16xf32> to vector<16xf32>
    %swap3A_952 = vector.shape_cast %div3A_946 : vector<16xf32> to vector<1x16xf32>
    tpu.vector_store %arg11[%swap3A_948, %swap3A_949], %swap3A_952 {strides = array<i32>} : memref<16x128xf32, #tpu.memory_space<vmem>>, vector<1x16xf32>,
    %get3A_953 = arith.constant 5 : i32
    %get3A_954 = arith.index_cast %get3A_953 : i32 to index
    %get3A_955 = arith.constant 96 : index
    %get3A_956 = tpu.vector_load %arg10[%get3A_954, %get3A_955] {strides = array<i32>} : memref<16x128xf32, #tpu.memory_space<vmem>>, vector<1x16xf32>,
    %get3A_957 = vector.shape_cast %get3A_956 : vector<1x16xf32> to vector<16xf32>
    %max3A_958 = arith.constant 1.000000e-30 : f32
    %max3A_959 = vector.broadcast %max3A_958 : f32 to vector<16xf32>
    %max3A_960 = arith.maximumf %get3A_957, %max3A_959 : vector<16xf32>
    %get3A_961 = arith.constant 5 : i32
    %get3A_962 = arith.index_cast %get3A_961 : i32 to index
    %get3A_963 = arith.constant 96 : index
    %get3A_964 = tpu.vector_load %arg9[%get3A_962, %get3A_963] {strides = array<i32>} : memref<16x128xf32, #tpu.memory_space<vmem>>, vector<1x16xf32>,
    %get3A_965 = vector.shape_cast %get3A_964 : vector<1x16xf32> to vector<16xf32>
    %div3A_966 = arith.divf %get3A_965, %max3A_960 : vector<16xf32>
    %swap3A_967 = arith.constant 5 : i32
    %swap3A_968 = arith.index_cast %swap3A_967 : i32 to index
    %swap3A_969 = arith.constant 96 : index
    %swap3A_970 = tpu.vector_load %arg11[%swap3A_968, %swap3A_969] {strides = array<i32>} : memref<16x128xf32, #tpu.memory_space<vmem>>, vector<1x16xf32>,
    %swap3A_971 = vector.shape_cast %swap3A_970 : vector<1x16xf32> to vector<16xf32>
    %swap3A_972 = vector.shape_cast %div3A_966 : vector<16xf32> to vector<1x16xf32>
    tpu.vector_store %arg11[%swap3A_968, %swap3A_969], %swap3A_972 {strides = array<i32>} : memref<16x128xf32, #tpu.memory_space<vmem>>, vector<1x16xf32>,
    %get3A_973 = arith.constant 5 : i32
    %get3A_974 = arith.index_cast %get3A_973 : i32 to index
    %get3A_975 = arith.constant 112 : index
    %get3A_976 = tpu.vector_load %arg10[%get3A_974, %get3A_975] {strides = array<i32>} : memref<16x128xf32, #tpu.memory_space<vmem>>, vector<1x16xf32>,
    %get3A_977 = vector.shape_cast %get3A_976 : vector<1x16xf32> to vector<16xf32>
    %max3A_978 = arith.constant 1.000000e-30 : f32
    %max3A_979 = vector.broadcast %max3A_978 : f32 to vector<16xf32>
    %max3A_980 = arith.maximumf %get3A_977, %max3A_979 : vector<16xf32>
    %get3A_981 = arith.constant 5 : i32
    %get3A_982 = arith.index_cast %get3A_981 : i32 to index
    %get3A_983 = arith.constant 112 : index
    %get3A_984 = tpu.vector_load %arg9[%get3A_982, %get3A_983] {strides = array<i32>} : memref<16x128xf32, #tpu.memory_space<vmem>>, vector<1x16xf32>,
    %get3A_985 = vector.shape_cast %get3A_984 : vector<1x16xf32> to vector<16xf32>
    %div3A_986 = arith.divf %get3A_985, %max3A_980 : vector<16xf32>
    %swap3A_987 = arith.constant 5 : i32
    %swap3A_988 = arith.index_cast %swap3A_987 : i32 to index
    %swap3A_989 = arith.constant 112 : index
    %swap3A_990 = tpu.vector_load %arg11[%swap3A_988, %swap3A_989] {strides = array<i32>} : memref<16x128xf32, #tpu.memory_space<vmem>>, vector<1x16xf32>,
    %swap3A_991 = vector.shape_cast %swap3A_990 : vector<1x16xf32> to vector<16xf32>
    %swap3A_992 = vector.shape_cast %div3A_986 : vector<16xf32> to vector<1x16xf32>
    tpu.vector_store %arg11[%swap3A_988, %swap3A_989], %swap3A_992 {strides = array<i32>} : memref<16x128xf32, #tpu.memory_space<vmem>>, vector<1x16xf32>,
    %get3A_993 = arith.constant 6 : i32
    %get3A_994 = arith.index_cast %get3A_993 : i32 to index
    %get3A_995 = arith.constant 0 : index
    %get3A_996 = tpu.vector_load %arg10[%get3A_994, %get3A_995] {strides = array<i32>} : memref<16x128xf32, #tpu.memory_space<vmem>>, vector<1x16xf32>,
    %get3A_997 = vector.shape_cast %get3A_996 : vector<1x16xf32> to vector<16xf32>
    %max3A_998 = arith.constant 1.000000e-30 : f32
    %max3A_999 = vector.broadcast %max3A_998 : f32 to vector<16xf32>
    %max3A_1000 = arith.maximumf %get3A_997, %max3A_999 : vector<16xf32>
    %get3A_1001 = arith.constant 6 : i32
    %get3A_1002 = arith.index_cast %get3A_1001 : i32 to index
    %get3A_1003 = arith.constant 0 : index
    %get3A_1004 = tpu.vector_load %arg9[%get3A_1002, %get3A_1003] {strides = array<i32>} : memref<16x128xf32, #tpu.memory_space<vmem>>, vector<1x16xf32>,
    %get3A_1005 = vector.shape_cast %get3A_1004 : vector<1x16xf32> to vector<16xf32>
    %div3A_1006 = arith.divf %get3A_1005, %max3A_1000 : vector<16xf32>
    %swap3A_1007 = arith.constant 6 : i32
    %swap3A_1008 = arith.index_cast %swap3A_1007 : i32 to index
    %swap3A_1009 = arith.constant 0 : index
    %swap3A_1010 = tpu.vector_load %arg11[%swap3A_1008, %swap3A_1009] {strides = array<i32>} : memref<16x128xf32, #tpu.memory_space<vmem>>, vector<1x16xf32>,
    %swap3A_1011 = vector.shape_cast %swap3A_1010 : vector<1x16xf32> to vector<16xf32>
    %swap3A_1012 = vector.shape_cast %div3A_1006 : vector<16xf32> to vector<1x16xf32>
    tpu.vector_store %arg11[%swap3A_1008, %swap3A_1009], %swap3A_1012 {strides = array<i32>} : memref<16x128xf32, #tpu.memory_space<vmem>>, vector<1x16xf32>,
    %get3A_1013 = arith.constant 6 : i32
    %get3A_1014 = arith.index_cast %get3A_1013 : i32 to index
    %get3A_1015 = arith.constant 16 : index
    %get3A_1016 = tpu.vector_load %arg10[%get3A_1014, %get3A_1015] {strides = array<i32>} : memref<16x128xf32, #tpu.memory_space<vmem>>, vector<1x16xf32>,
    %get3A_1017 = vector.shape_cast %get3A_1016 : vector<1x16xf32> to vector<16xf32>
    %max3A_1018 = arith.constant 1.000000e-30 : f32
    %max3A_1019 = vector.broadcast %max3A_1018 : f32 to vector<16xf32>
    %max3A_1020 = arith.maximumf %get3A_1017, %max3A_1019 : vector<16xf32>
    %get3A_1021 = arith.constant 6 : i32
    %get3A_1022 = arith.index_cast %get3A_1021 : i32 to index
    %get3A_1023 = arith.constant 16 : index
    %get3A_1024 = tpu.vector_load %arg9[%get3A_1022, %get3A_1023] {strides = array<i32>} : memref<16x128xf32, #tpu.memory_space<vmem>>, vector<1x16xf32>,
    %get3A_1025 = vector.shape_cast %get3A_1024 : vector<1x16xf32> to vector<16xf32>
    %div3A_1026 = arith.divf %get3A_1025, %max3A_1020 : vector<16xf32>
    %swap3A_1027 = arith.constant 6 : i32
    %swap3A_1028 = arith.index_cast %swap3A_1027 : i32 to index
    %swap3A_1029 = arith.constant 16 : index
    %swap3A_1030 = tpu.vector_load %arg11[%swap3A_1028, %swap3A_1029] {strides = array<i32>} : memref<16x128xf32, #tpu.memory_space<vmem>>, vector<1x16xf32>,
    %swap3A_1031 = vector.shape_cast %swap3A_1030 : vector<1x16xf32> to vector<16xf32>
    %swap3A_1032 = vector.shape_cast %div3A_1026 : vector<16xf32> to vector<1x16xf32>
    tpu.vector_store %arg11[%swap3A_1028, %swap3A_1029], %swap3A_1032 {strides = array<i32>} : memref<16x128xf32, #tpu.memory_space<vmem>>, vector<1x16xf32>,
    %get3A_1033 = arith.constant 6 : i32
    %get3A_1034 = arith.index_cast %get3A_1033 : i32 to index
    %get3A_1035 = arith.constant 32 : index
    %get3A_1036 = tpu.vector_load %arg10[%get3A_1034, %get3A_1035] {strides = array<i32>} : memref<16x128xf32, #tpu.memory_space<vmem>>, vector<1x16xf32>,
    %get3A_1037 = vector.shape_cast %get3A_1036 : vector<1x16xf32> to vector<16xf32>
    %max3A_1038 = arith.constant 1.000000e-30 : f32
    %max3A_1039 = vector.broadcast %max3A_1038 : f32 to vector<16xf32>
    %max3A_1040 = arith.maximumf %get3A_1037, %max3A_1039 : vector<16xf32>
    %get3A_1041 = arith.constant 6 : i32
    %get3A_1042 = arith.index_cast %get3A_1041 : i32 to index
    %get3A_1043 = arith.constant 32 : index
    %get3A_1044 = tpu.vector_load %arg9[%get3A_1042, %get3A_1043] {strides = array<i32>} : memref<16x128xf32, #tpu.memory_space<vmem>>, vector<1x16xf32>,
    %get3A_1045 = vector.shape_cast %get3A_1044 : vector<1x16xf32> to vector<16xf32>
    %div3A_1046 = arith.divf %get3A_1045, %max3A_1040 : vector<16xf32>
    %swap3A_1047 = arith.constant 6 : i32
    %swap3A_1048 = arith.index_cast %swap3A_1047 : i32 to index
    %swap3A_1049 = arith.constant 32 : index
    %swap3A_1050 = tpu.vector_load %arg11[%swap3A_1048, %swap3A_1049] {strides = array<i32>} : memref<16x128xf32, #tpu.memory_space<vmem>>, vector<1x16xf32>,
    %swap3A_1051 = vector.shape_cast %swap3A_1050 : vector<1x16xf32> to vector<16xf32>
    %swap3A_1052 = vector.shape_cast %div3A_1046 : vector<16xf32> to vector<1x16xf32>
    tpu.vector_store %arg11[%swap3A_1048, %swap3A_1049], %swap3A_1052 {strides = array<i32>} : memref<16x128xf32, #tpu.memory_space<vmem>>, vector<1x16xf32>,
    %get3A_1053 = arith.constant 6 : i32
    %get3A_1054 = arith.index_cast %get3A_1053 : i32 to index
    %get3A_1055 = arith.constant 48 : index
    %get3A_1056 = tpu.vector_load %arg10[%get3A_1054, %get3A_1055] {strides = array<i32>} : memref<16x128xf32, #tpu.memory_space<vmem>>, vector<1x16xf32>,
    %get3A_1057 = vector.shape_cast %get3A_1056 : vector<1x16xf32> to vector<16xf32>
    %max3A_1058 = arith.constant 1.000000e-30 : f32
    %max3A_1059 = vector.broadcast %max3A_1058 : f32 to vector<16xf32>
    %max3A_1060 = arith.maximumf %get3A_1057, %max3A_1059 : vector<16xf32>
    %get3A_1061 = arith.constant 6 : i32
    %get3A_1062 = arith.index_cast %get3A_1061 : i32 to index
    %get3A_1063 = arith.constant 48 : index
    %get3A_1064 = tpu.vector_load %arg9[%get3A_1062, %get3A_1063] {strides = array<i32>} : memref<16x128xf32, #tpu.memory_space<vmem>>, vector<1x16xf32>,
    %get3A_1065 = vector.shape_cast %get3A_1064 : vector<1x16xf32> to vector<16xf32>
    %div3A_1066 = arith.divf %get3A_1065, %max3A_1060 : vector<16xf32>
    %swap3A_1067 = arith.constant 6 : i32
    %swap3A_1068 = arith.index_cast %swap3A_1067 : i32 to index
    %swap3A_1069 = arith.constant 48 : index
    %swap3A_1070 = tpu.vector_load %arg11[%swap3A_1068, %swap3A_1069] {strides = array<i32>} : memref<16x128xf32, #tpu.memory_space<vmem>>, vector<1x16xf32>,
    %swap3A_1071 = vector.shape_cast %swap3A_1070 : vector<1x16xf32> to vector<16xf32>
    %swap3A_1072 = vector.shape_cast %div3A_1066 : vector<16xf32> to vector<1x16xf32>
    tpu.vector_store %arg11[%swap3A_1068, %swap3A_1069], %swap3A_1072 {strides = array<i32>} : memref<16x128xf32, #tpu.memory_space<vmem>>, vector<1x16xf32>,
    %get3A_1073 = arith.constant 6 : i32
    %get3A_1074 = arith.index_cast %get3A_1073 : i32 to index
    %get3A_1075 = arith.constant 64 : index
    %get3A_1076 = tpu.vector_load %arg10[%get3A_1074, %get3A_1075] {strides = array<i32>} : memref<16x128xf32, #tpu.memory_space<vmem>>, vector<1x16xf32>,
    %get3A_1077 = vector.shape_cast %get3A_1076 : vector<1x16xf32> to vector<16xf32>
    %max3A_1078 = arith.constant 1.000000e-30 : f32
    %max3A_1079 = vector.broadcast %max3A_1078 : f32 to vector<16xf32>
    %max3A_1080 = arith.maximumf %get3A_1077, %max3A_1079 : vector<16xf32>
    %get3A_1081 = arith.constant 6 : i32
    %get3A_1082 = arith.index_cast %get3A_1081 : i32 to index
    %get3A_1083 = arith.constant 64 : index
    %get3A_1084 = tpu.vector_load %arg9[%get3A_1082, %get3A_1083] {strides = array<i32>} : memref<16x128xf32, #tpu.memory_space<vmem>>, vector<1x16xf32>,
    %get3A_1085 = vector.shape_cast %get3A_1084 : vector<1x16xf32> to vector<16xf32>
    %div3A_1086 = arith.divf %get3A_1085, %max3A_1080 : vector<16xf32>
    %swap3A_1087 = arith.constant 6 : i32
    %swap3A_1088 = arith.index_cast %swap3A_1087 : i32 to index
    %swap3A_1089 = arith.constant 64 : index
    %swap3A_1090 = tpu.vector_load %arg11[%swap3A_1088, %swap3A_1089] {strides = array<i32>} : memref<16x128xf32, #tpu.memory_space<vmem>>, vector<1x16xf32>,
    %swap3A_1091 = vector.shape_cast %swap3A_1090 : vector<1x16xf32> to vector<16xf32>
    %swap3A_1092 = vector.shape_cast %div3A_1086 : vector<16xf32> to vector<1x16xf32>
    tpu.vector_store %arg11[%swap3A_1088, %swap3A_1089], %swap3A_1092 {strides = array<i32>} : memref<16x128xf32, #tpu.memory_space<vmem>>, vector<1x16xf32>,
    %get3A_1093 = arith.constant 6 : i32
    %get3A_1094 = arith.index_cast %get3A_1093 : i32 to index
    %get3A_1095 = arith.constant 80 : index
    %get3A_1096 = tpu.vector_load %arg10[%get3A_1094, %get3A_1095] {strides = array<i32>} : memref<16x128xf32, #tpu.memory_space<vmem>>, vector<1x16xf32>,
    %get3A_1097 = vector.shape_cast %get3A_1096 : vector<1x16xf32> to vector<16xf32>
    %max3A_1098 = arith.constant 1.000000e-30 : f32
    %max3A_1099 = vector.broadcast %max3A_1098 : f32 to vector<16xf32>
    %max3A_1100 = arith.maximumf %get3A_1097, %max3A_1099 : vector<16xf32>
    %get3A_1101 = arith.constant 6 : i32
    %get3A_1102 = arith.index_cast %get3A_1101 : i32 to index
    %get3A_1103 = arith.constant 80 : index
    %get3A_1104 = tpu.vector_load %arg9[%get3A_1102, %get3A_1103] {strides = array<i32>} : memref<16x128xf32, #tpu.memory_space<vmem>>, vector<1x16xf32>,
    %get3A_1105 = vector.shape_cast %get3A_1104 : vector<1x16xf32> to vector<16xf32>
    %div3A_1106 = arith.divf %get3A_1105, %max3A_1100 : vector<16xf32>
    %swap3A_1107 = arith.constant 6 : i32
    %swap3A_1108 = arith.index_cast %swap3A_1107 : i32 to index
    %swap3A_1109 = arith.constant 80 : index
    %swap3A_1110 = tpu.vector_load %arg11[%swap3A_1108, %swap3A_1109] {strides = array<i32>} : memref<16x128xf32, #tpu.memory_space<vmem>>, vector<1x16xf32>,
    %swap3A_1111 = vector.shape_cast %swap3A_1110 : vector<1x16xf32> to vector<16xf32>
    %swap3A_1112 = vector.shape_cast %div3A_1106 : vector<16xf32> to vector<1x16xf32>
    tpu.vector_store %arg11[%swap3A_1108, %swap3A_1109], %swap3A_1112 {strides = array<i32>} : memref<16x128xf32, #tpu.memory_space<vmem>>, vector<1x16xf32>,
    %get3A_1113 = arith.constant 6 : i32
    %get3A_1114 = arith.index_cast %get3A_1113 : i32 to index
    %get3A_1115 = arith.constant 96 : index
    %get3A_1116 = tpu.vector_load %arg10[%get3A_1114, %get3A_1115] {strides = array<i32>} : memref<16x128xf32, #tpu.memory_space<vmem>>, vector<1x16xf32>,
    %get3A_1117 = vector.shape_cast %get3A_1116 : vector<1x16xf32> to vector<16xf32>
    %max3A_1118 = arith.constant 1.000000e-30 : f32
    %max3A_1119 = vector.broadcast %max3A_1118 : f32 to vector<16xf32>
    %max3A_1120 = arith.maximumf %get3A_1117, %max3A_1119 : vector<16xf32>
    %get3A_1121 = arith.constant 6 : i32
    %get3A_1122 = arith.index_cast %get3A_1121 : i32 to index
    %get3A_1123 = arith.constant 96 : index
    %get3A_1124 = tpu.vector_load %arg9[%get3A_1122, %get3A_1123] {strides = array<i32>} : memref<16x128xf32, #tpu.memory_space<vmem>>, vector<1x16xf32>,
    %get3A_1125 = vector.shape_cast %get3A_1124 : vector<1x16xf32> to vector<16xf32>
    %div3A_1126 = arith.divf %get3A_1125, %max3A_1120 : vector<16xf32>
    %swap3A_1127 = arith.constant 6 : i32
    %swap3A_1128 = arith.index_cast %swap3A_1127 : i32 to index
    %swap3A_1129 = arith.constant 96 : index
    %swap3A_1130 = tpu.vector_load %arg11[%swap3A_1128, %swap3A_1129] {strides = array<i32>} : memref<16x128xf32, #tpu.memory_space<vmem>>, vector<1x16xf32>,
    %swap3A_1131 = vector.shape_cast %swap3A_1130 : vector<1x16xf32> to vector<16xf32>
    %swap3A_1132 = vector.shape_cast %div3A_1126 : vector<16xf32> to vector<1x16xf32>
    tpu.vector_store %arg11[%swap3A_1128, %swap3A_1129], %swap3A_1132 {strides = array<i32>} : memref<16x128xf32, #tpu.memory_space<vmem>>, vector<1x16xf32>,
    %get3A_1133 = arith.constant 6 : i32
    %get3A_1134 = arith.index_cast %get3A_1133 : i32 to index
    %get3A_1135 = arith.constant 112 : index
    %get3A_1136 = tpu.vector_load %arg10[%get3A_1134, %get3A_1135] {strides = array<i32>} : memref<16x128xf32, #tpu.memory_space<vmem>>, vector<1x16xf32>,
    %get3A_1137 = vector.shape_cast %get3A_1136 : vector<1x16xf32> to vector<16xf32>
    %max3A_1138 = arith.constant 1.000000e-30 : f32
    %max3A_1139 = vector.broadcast %max3A_1138 : f32 to vector<16xf32>
    %max3A_1140 = arith.maximumf %get3A_1137, %max3A_1139 : vector<16xf32>
    %get3A_1141 = arith.constant 6 : i32
    %get3A_1142 = arith.index_cast %get3A_1141 : i32 to index
    %get3A_1143 = arith.constant 112 : index
    %get3A_1144 = tpu.vector_load %arg9[%get3A_1142, %get3A_1143] {strides = array<i32>} : memref<16x128xf32, #tpu.memory_space<vmem>>, vector<1x16xf32>,
    %get3A_1145 = vector.shape_cast %get3A_1144 : vector<1x16xf32> to vector<16xf32>
    %div3A_1146 = arith.divf %get3A_1145, %max3A_1140 : vector<16xf32>
    %swap3A_1147 = arith.constant 6 : i32
    %swap3A_1148 = arith.index_cast %swap3A_1147 : i32 to index
    %swap3A_1149 = arith.constant 112 : index
    %swap3A_1150 = tpu.vector_load %arg11[%swap3A_1148, %swap3A_1149] {strides = array<i32>} : memref<16x128xf32, #tpu.memory_space<vmem>>, vector<1x16xf32>,
    %swap3A_1151 = vector.shape_cast %swap3A_1150 : vector<1x16xf32> to vector<16xf32>
    %swap3A_1152 = vector.shape_cast %div3A_1146 : vector<16xf32> to vector<1x16xf32>
    tpu.vector_store %arg11[%swap3A_1148, %swap3A_1149], %swap3A_1152 {strides = array<i32>} : memref<16x128xf32, #tpu.memory_space<vmem>>, vector<1x16xf32>,
    %get3A_1153 = arith.constant 7 : i32
    %get3A_1154 = arith.index_cast %get3A_1153 : i32 to index
    %get3A_1155 = arith.constant 0 : index
    %get3A_1156 = tpu.vector_load %arg10[%get3A_1154, %get3A_1155] {strides = array<i32>} : memref<16x128xf32, #tpu.memory_space<vmem>>, vector<1x16xf32>,
    %get3A_1157 = vector.shape_cast %get3A_1156 : vector<1x16xf32> to vector<16xf32>
    %max3A_1158 = arith.constant 1.000000e-30 : f32
    %max3A_1159 = vector.broadcast %max3A_1158 : f32 to vector<16xf32>
    %max3A_1160 = arith.maximumf %get3A_1157, %max3A_1159 : vector<16xf32>
    %get3A_1161 = arith.constant 7 : i32
    %get3A_1162 = arith.index_cast %get3A_1161 : i32 to index
    %get3A_1163 = arith.constant 0 : index
    %get3A_1164 = tpu.vector_load %arg9[%get3A_1162, %get3A_1163] {strides = array<i32>} : memref<16x128xf32, #tpu.memory_space<vmem>>, vector<1x16xf32>,
    %get3A_1165 = vector.shape_cast %get3A_1164 : vector<1x16xf32> to vector<16xf32>
    %div3A_1166 = arith.divf %get3A_1165, %max3A_1160 : vector<16xf32>
    %swap3A_1167 = arith.constant 7 : i32
    %swap3A_1168 = arith.index_cast %swap3A_1167 : i32 to index
    %swap3A_1169 = arith.constant 0 : index
    %swap3A_1170 = tpu.vector_load %arg11[%swap3A_1168, %swap3A_1169] {strides = array<i32>} : memref<16x128xf32, #tpu.memory_space<vmem>>, vector<1x16xf32>,
    %swap3A_1171 = vector.shape_cast %swap3A_1170 : vector<1x16xf32> to vector<16xf32>
    %swap3A_1172 = vector.shape_cast %div3A_1166 : vector<16xf32> to vector<1x16xf32>
    tpu.vector_store %arg11[%swap3A_1168, %swap3A_1169], %swap3A_1172 {strides = array<i32>} : memref<16x128xf32, #tpu.memory_space<vmem>>, vector<1x16xf32>,
    %get3A_1173 = arith.constant 7 : i32
    %get3A_1174 = arith.index_cast %get3A_1173 : i32 to index
    %get3A_1175 = arith.constant 16 : index
    %get3A_1176 = tpu.vector_load %arg10[%get3A_1174, %get3A_1175] {strides = array<i32>} : memref<16x128xf32, #tpu.memory_space<vmem>>, vector<1x16xf32>,
    %get3A_1177 = vector.shape_cast %get3A_1176 : vector<1x16xf32> to vector<16xf32>
    %max3A_1178 = arith.constant 1.000000e-30 : f32
    %max3A_1179 = vector.broadcast %max3A_1178 : f32 to vector<16xf32>
    %max3A_1180 = arith.maximumf %get3A_1177, %max3A_1179 : vector<16xf32>
    %get3A_1181 = arith.constant 7 : i32
    %get3A_1182 = arith.index_cast %get3A_1181 : i32 to index
    %get3A_1183 = arith.constant 16 : index
    %get3A_1184 = tpu.vector_load %arg9[%get3A_1182, %get3A_1183] {strides = array<i32>} : memref<16x128xf32, #tpu.memory_space<vmem>>, vector<1x16xf32>,
    %get3A_1185 = vector.shape_cast %get3A_1184 : vector<1x16xf32> to vector<16xf32>
    %div3A_1186 = arith.divf %get3A_1185, %max3A_1180 : vector<16xf32>
    %swap3A_1187 = arith.constant 7 : i32
    %swap3A_1188 = arith.index_cast %swap3A_1187 : i32 to index
    %swap3A_1189 = arith.constant 16 : index
    %swap3A_1190 = tpu.vector_load %arg11[%swap3A_1188, %swap3A_1189] {strides = array<i32>} : memref<16x128xf32, #tpu.memory_space<vmem>>, vector<1x16xf32>,
    %swap3A_1191 = vector.shape_cast %swap3A_1190 : vector<1x16xf32> to vector<16xf32>
    %swap3A_1192 = vector.shape_cast %div3A_1186 : vector<16xf32> to vector<1x16xf32>
    tpu.vector_store %arg11[%swap3A_1188, %swap3A_1189], %swap3A_1192 {strides = array<i32>} : memref<16x128xf32, #tpu.memory_space<vmem>>, vector<1x16xf32>,
    %get3A_1193 = arith.constant 7 : i32
    %get3A_1194 = arith.index_cast %get3A_1193 : i32 to index
    %get3A_1195 = arith.constant 32 : index
    %get3A_1196 = tpu.vector_load %arg10[%get3A_1194, %get3A_1195] {strides = array<i32>} : memref<16x128xf32, #tpu.memory_space<vmem>>, vector<1x16xf32>,
    %get3A_1197 = vector.shape_cast %get3A_1196 : vector<1x16xf32> to vector<16xf32>
    %max3A_1198 = arith.constant 1.000000e-30 : f32
    %max3A_1199 = vector.broadcast %max3A_1198 : f32 to vector<16xf32>
    %max3A_1200 = arith.maximumf %get3A_1197, %max3A_1199 : vector<16xf32>
    %get3A_1201 = arith.constant 7 : i32
    %get3A_1202 = arith.index_cast %get3A_1201 : i32 to index
    %get3A_1203 = arith.constant 32 : index
    %get3A_1204 = tpu.vector_load %arg9[%get3A_1202, %get3A_1203] {strides = array<i32>} : memref<16x128xf32, #tpu.memory_space<vmem>>, vector<1x16xf32>,
    %get3A_1205 = vector.shape_cast %get3A_1204 : vector<1x16xf32> to vector<16xf32>
    %div3A_1206 = arith.divf %get3A_1205, %max3A_1200 : vector<16xf32>
    %swap3A_1207 = arith.constant 7 : i32
    %swap3A_1208 = arith.index_cast %swap3A_1207 : i32 to index
    %swap3A_1209 = arith.constant 32 : index
    %swap3A_1210 = tpu.vector_load %arg11[%swap3A_1208, %swap3A_1209] {strides = array<i32>} : memref<16x128xf32, #tpu.memory_space<vmem>>, vector<1x16xf32>,
    %swap3A_1211 = vector.shape_cast %swap3A_1210 : vector<1x16xf32> to vector<16xf32>
    %swap3A_1212 = vector.shape_cast %div3A_1206 : vector<16xf32> to vector<1x16xf32>
    tpu.vector_store %arg11[%swap3A_1208, %swap3A_1209], %swap3A_1212 {strides = array<i32>} : memref<16x128xf32, #tpu.memory_space<vmem>>, vector<1x16xf32>,
    %get3A_1213 = arith.constant 7 : i32
    %get3A_1214 = arith.index_cast %get3A_1213 : i32 to index
    %get3A_1215 = arith.constant 48 : index
    %get3A_1216 = tpu.vector_load %arg10[%get3A_1214, %get3A_1215] {strides = array<i32>} : memref<16x128xf32, #tpu.memory_space<vmem>>, vector<1x16xf32>,
    %get3A_1217 = vector.shape_cast %get3A_1216 : vector<1x16xf32> to vector<16xf32>
    %max3A_1218 = arith.constant 1.000000e-30 : f32
    %max3A_1219 = vector.broadcast %max3A_1218 : f32 to vector<16xf32>
    %max3A_1220 = arith.maximumf %get3A_1217, %max3A_1219 : vector<16xf32>
    %get3A_1221 = arith.constant 7 : i32
    %get3A_1222 = arith.index_cast %get3A_1221 : i32 to index
    %get3A_1223 = arith.constant 48 : index
    %get3A_1224 = tpu.vector_load %arg9[%get3A_1222, %get3A_1223] {strides = array<i32>} : memref<16x128xf32, #tpu.memory_space<vmem>>, vector<1x16xf32>,
    %get3A_1225 = vector.shape_cast %get3A_1224 : vector<1x16xf32> to vector<16xf32>
    %div3A_1226 = arith.divf %get3A_1225, %max3A_1220 : vector<16xf32>
    %swap3A_1227 = arith.constant 7 : i32
    %swap3A_1228 = arith.index_cast %swap3A_1227 : i32 to index
    %swap3A_1229 = arith.constant 48 : index
    %swap3A_1230 = tpu.vector_load %arg11[%swap3A_1228, %swap3A_1229] {strides = array<i32>} : memref<16x128xf32, #tpu.memory_space<vmem>>, vector<1x16xf32>,
    %swap3A_1231 = vector.shape_cast %swap3A_1230 : vector<1x16xf32> to vector<16xf32>
    %swap3A_1232 = vector.shape_cast %div3A_1226 : vector<16xf32> to vector<1x16xf32>
    tpu.vector_store %arg11[%swap3A_1228, %swap3A_1229], %swap3A_1232 {strides = array<i32>} : memref<16x128xf32, #tpu.memory_space<vmem>>, vector<1x16xf32>,
    %get3A_1233 = arith.constant 7 : i32
    %get3A_1234 = arith.index_cast %get3A_1233 : i32 to index
    %get3A_1235 = arith.constant 64 : index
    %get3A_1236 = tpu.vector_load %arg10[%get3A_1234, %get3A_1235] {strides = array<i32>} : memref<16x128xf32, #tpu.memory_space<vmem>>, vector<1x16xf32>,
    %get3A_1237 = vector.shape_cast %get3A_1236 : vector<1x16xf32> to vector<16xf32>
    %max3A_1238 = arith.constant 1.000000e-30 : f32
    %max3A_1239 = vector.broadcast %max3A_1238 : f32 to vector<16xf32>
    %max3A_1240 = arith.maximumf %get3A_1237, %max3A_1239 : vector<16xf32>
    %get3A_1241 = arith.constant 7 : i32
    %get3A_1242 = arith.index_cast %get3A_1241 : i32 to index
    %get3A_1243 = arith.constant 64 : index
    %get3A_1244 = tpu.vector_load %arg9[%get3A_1242, %get3A_1243] {strides = array<i32>} : memref<16x128xf32, #tpu.memory_space<vmem>>, vector<1x16xf32>,
    %get3A_1245 = vector.shape_cast %get3A_1244 : vector<1x16xf32> to vector<16xf32>
    %div3A_1246 = arith.divf %get3A_1245, %max3A_1240 : vector<16xf32>
    %swap3A_1247 = arith.constant 7 : i32
    %swap3A_1248 = arith.index_cast %swap3A_1247 : i32 to index
    %swap3A_1249 = arith.constant 64 : index
    %swap3A_1250 = tpu.vector_load %arg11[%swap3A_1248, %swap3A_1249] {strides = array<i32>} : memref<16x128xf32, #tpu.memory_space<vmem>>, vector<1x16xf32>,
    %swap3A_1251 = vector.shape_cast %swap3A_1250 : vector<1x16xf32> to vector<16xf32>
    %swap3A_1252 = vector.shape_cast %div3A_1246 : vector<16xf32> to vector<1x16xf32>
    tpu.vector_store %arg11[%swap3A_1248, %swap3A_1249], %swap3A_1252 {strides = array<i32>} : memref<16x128xf32, #tpu.memory_space<vmem>>, vector<1x16xf32>,
    %get3A_1253 = arith.constant 7 : i32
    %get3A_1254 = arith.index_cast %get3A_1253 : i32 to index
    %get3A_1255 = arith.constant 80 : index
    %get3A_1256 = tpu.vector_load %arg10[%get3A_1254, %get3A_1255] {strides = array<i32>} : memref<16x128xf32, #tpu.memory_space<vmem>>, vector<1x16xf32>,
    %get3A_1257 = vector.shape_cast %get3A_1256 : vector<1x16xf32> to vector<16xf32>
    %max3A_1258 = arith.constant 1.000000e-30 : f32
    %max3A_1259 = vector.broadcast %max3A_1258 : f32 to vector<16xf32>
    %max3A_1260 = arith.maximumf %get3A_1257, %max3A_1259 : vector<16xf32>
    %get3A_1261 = arith.constant 7 : i32
    %get3A_1262 = arith.index_cast %get3A_1261 : i32 to index
    %get3A_1263 = arith.constant 80 : index
    %get3A_1264 = tpu.vector_load %arg9[%get3A_1262, %get3A_1263] {strides = array<i32>} : memref<16x128xf32, #tpu.memory_space<vmem>>, vector<1x16xf32>,
    %get3A_1265 = vector.shape_cast %get3A_1264 : vector<1x16xf32> to vector<16xf32>
    %div3A_1266 = arith.divf %get3A_1265, %max3A_1260 : vector<16xf32>
    %swap3A_1267 = arith.constant 7 : i32
    %swap3A_1268 = arith.index_cast %swap3A_1267 : i32 to index
    %swap3A_1269 = arith.constant 80 : index
    %swap3A_1270 = tpu.vector_load %arg11[%swap3A_1268, %swap3A_1269] {strides = array<i32>} : memref<16x128xf32, #tpu.memory_space<vmem>>, vector<1x16xf32>,
    %swap3A_1271 = vector.shape_cast %swap3A_1270 : vector<1x16xf32> to vector<16xf32>
    %swap3A_1272 = vector.shape_cast %div3A_1266 : vector<16xf32> to vector<1x16xf32>
    tpu.vector_store %arg11[%swap3A_1268, %swap3A_1269], %swap3A_1272 {strides = array<i32>} : memref<16x128xf32, #tpu.memory_space<vmem>>, vector<1x16xf32>,
    %get3A_1273 = arith.constant 7 : i32
    %get3A_1274 = arith.index_cast %get3A_1273 : i32 to index
    %get3A_1275 = arith.constant 96 : index
    %get3A_1276 = tpu.vector_load %arg10[%get3A_1274, %get3A_1275] {strides = array<i32>} : memref<16x128xf32, #tpu.memory_space<vmem>>, vector<1x16xf32>,
    %get3A_1277 = vector.shape_cast %get3A_1276 : vector<1x16xf32> to vector<16xf32>
    %max3A_1278 = arith.constant 1.000000e-30 : f32
    %max3A_1279 = vector.broadcast %max3A_1278 : f32 to vector<16xf32>
    %max3A_1280 = arith.maximumf %get3A_1277, %max3A_1279 : vector<16xf32>
    %get3A_1281 = arith.constant 7 : i32
    %get3A_1282 = arith.index_cast %get3A_1281 : i32 to index
    %get3A_1283 = arith.constant 96 : index
    %get3A_1284 = tpu.vector_load %arg9[%get3A_1282, %get3A_1283] {strides = array<i32>} : memref<16x128xf32, #tpu.memory_space<vmem>>, vector<1x16xf32>,
    %get3A_1285 = vector.shape_cast %get3A_1284 : vector<1x16xf32> to vector<16xf32>
    %div3A_1286 = arith.divf %get3A_1285, %max3A_1280 : vector<16xf32>
    %swap3A_1287 = arith.constant 7 : i32
    %swap3A_1288 = arith.index_cast %swap3A_1287 : i32 to index
    %swap3A_1289 = arith.constant 96 : index
    %swap3A_1290 = tpu.vector_load %arg11[%swap3A_1288, %swap3A_1289] {strides = array<i32>} : memref<16x128xf32, #tpu.memory_space<vmem>>, vector<1x16xf32>,
    %swap3A_1291 = vector.shape_cast %swap3A_1290 : vector<1x16xf32> to vector<16xf32>
    %swap3A_1292 = vector.shape_cast %div3A_1286 : vector<16xf32> to vector<1x16xf32>
    tpu.vector_store %arg11[%swap3A_1288, %swap3A_1289], %swap3A_1292 {strides = array<i32>} : memref<16x128xf32, #tpu.memory_space<vmem>>, vector<1x16xf32>,
    %get3A_1293 = arith.constant 7 : i32
    %get3A_1294 = arith.index_cast %get3A_1293 : i32 to index
    %get3A_1295 = arith.constant 112 : index
    %get3A_1296 = tpu.vector_load %arg10[%get3A_1294, %get3A_1295] {strides = array<i32>} : memref<16x128xf32, #tpu.memory_space<vmem>>, vector<1x16xf32>,
    %get3A_1297 = vector.shape_cast %get3A_1296 : vector<1x16xf32> to vector<16xf32>
    %max3A_1298 = arith.constant 1.000000e-30 : f32
    %max3A_1299 = vector.broadcast %max3A_1298 : f32 to vector<16xf32>
    %max3A_1300 = arith.maximumf %get3A_1297, %max3A_1299 : vector<16xf32>
    %get3A_1301 = arith.constant 7 : i32
    %get3A_1302 = arith.index_cast %get3A_1301 : i32 to index
    %get3A_1303 = arith.constant 112 : index
    %get3A_1304 = tpu.vector_load %arg9[%get3A_1302, %get3A_1303] {strides = array<i32>} : memref<16x128xf32, #tpu.memory_space<vmem>>, vector<1x16xf32>,
    %get3A_1305 = vector.shape_cast %get3A_1304 : vector<1x16xf32> to vector<16xf32>
    %div3A_1306 = arith.divf %get3A_1305, %max3A_1300 : vector<16xf32>
    %swap3A_1307 = arith.constant 7 : i32
    %swap3A_1308 = arith.index_cast %swap3A_1307 : i32 to index
    %swap3A_1309 = arith.constant 112 : index
    %swap3A_1310 = tpu.vector_load %arg11[%swap3A_1308, %swap3A_1309] {strides = array<i32>} : memref<16x128xf32, #tpu.memory_space<vmem>>, vector<1x16xf32>,
    %swap3A_1311 = vector.shape_cast %swap3A_1310 : vector<1x16xf32> to vector<16xf32>
    %swap3A_1312 = vector.shape_cast %div3A_1306 : vector<16xf32> to vector<1x16xf32>
    tpu.vector_store %arg11[%swap3A_1308, %swap3A_1309], %swap3A_1312 {strides = array<i32>} : memref<16x128xf32, #tpu.memory_space<vmem>>, vector<1x16xf32>,
    %get3A_1313 = arith.constant 8 : i32
    %get3A_1314 = arith.index_cast %get3A_1313 : i32 to index
    %get3A_1315 = arith.constant 0 : index
    %get3A_1316 = tpu.vector_load %arg10[%get3A_1314, %get3A_1315] {strides = array<i32>} : memref<16x128xf32, #tpu.memory_space<vmem>>, vector<1x16xf32>,
    %get3A_1317 = vector.shape_cast %get3A_1316 : vector<1x16xf32> to vector<16xf32>
    %max3A_1318 = arith.constant 1.000000e-30 : f32
    %max3A_1319 = vector.broadcast %max3A_1318 : f32 to vector<16xf32>
    %max3A_1320 = arith.maximumf %get3A_1317, %max3A_1319 : vector<16xf32>
    %get3A_1321 = arith.constant 8 : i32
    %get3A_1322 = arith.index_cast %get3A_1321 : i32 to index
    %get3A_1323 = arith.constant 0 : index
    %get3A_1324 = tpu.vector_load %arg9[%get3A_1322, %get3A_1323] {strides = array<i32>} : memref<16x128xf32, #tpu.memory_space<vmem>>, vector<1x16xf32>,
    %get3A_1325 = vector.shape_cast %get3A_1324 : vector<1x16xf32> to vector<16xf32>
    %div3A_1326 = arith.divf %get3A_1325, %max3A_1320 : vector<16xf32>
    %swap3A_1327 = arith.constant 8 : i32
    %swap3A_1328 = arith.index_cast %swap3A_1327 : i32 to index
    %swap3A_1329 = arith.constant 0 : index
    %swap3A_1330 = tpu.vector_load %arg11[%swap3A_1328, %swap3A_1329] {strides = array<i32>} : memref<16x128xf32, #tpu.memory_space<vmem>>, vector<1x16xf32>,
    %swap3A_1331 = vector.shape_cast %swap3A_1330 : vector<1x16xf32> to vector<16xf32>
    %swap3A_1332 = vector.shape_cast %div3A_1326 : vector<16xf32> to vector<1x16xf32>
    tpu.vector_store %arg11[%swap3A_1328, %swap3A_1329], %swap3A_1332 {strides = array<i32>} : memref<16x128xf32, #tpu.memory_space<vmem>>, vector<1x16xf32>,
    %get3A_1333 = arith.constant 8 : i32
    %get3A_1334 = arith.index_cast %get3A_1333 : i32 to index
    %get3A_1335 = arith.constant 16 : index
    %get3A_1336 = tpu.vector_load %arg10[%get3A_1334, %get3A_1335] {strides = array<i32>} : memref<16x128xf32, #tpu.memory_space<vmem>>, vector<1x16xf32>,
    %get3A_1337 = vector.shape_cast %get3A_1336 : vector<1x16xf32> to vector<16xf32>
    %max3A_1338 = arith.constant 1.000000e-30 : f32
    %max3A_1339 = vector.broadcast %max3A_1338 : f32 to vector<16xf32>
    %max3A_1340 = arith.maximumf %get3A_1337, %max3A_1339 : vector<16xf32>
    %get3A_1341 = arith.constant 8 : i32
    %get3A_1342 = arith.index_cast %get3A_1341 : i32 to index
    %get3A_1343 = arith.constant 16 : index
    %get3A_1344 = tpu.vector_load %arg9[%get3A_1342, %get3A_1343] {strides = array<i32>} : memref<16x128xf32, #tpu.memory_space<vmem>>, vector<1x16xf32>,
    %get3A_1345 = vector.shape_cast %get3A_1344 : vector<1x16xf32> to vector<16xf32>
    %div3A_1346 = arith.divf %get3A_1345, %max3A_1340 : vector<16xf32>
    %swap3A_1347 = arith.constant 8 : i32
    %swap3A_1348 = arith.index_cast %swap3A_1347 : i32 to index
    %swap3A_1349 = arith.constant 16 : index
    %swap3A_1350 = tpu.vector_load %arg11[%swap3A_1348, %swap3A_1349] {strides = array<i32>} : memref<16x128xf32, #tpu.memory_space<vmem>>, vector<1x16xf32>,
    %swap3A_1351 = vector.shape_cast %swap3A_1350 : vector<1x16xf32> to vector<16xf32>
    %swap3A_1352 = vector.shape_cast %div3A_1346 : vector<16xf32> to vector<1x16xf32>
    tpu.vector_store %arg11[%swap3A_1348, %swap3A_1349], %swap3A_1352 {strides = array<i32>} : memref<16x128xf32, #tpu.memory_space<vmem>>, vector<1x16xf32>,
    %get3A_1353 = arith.constant 8 : i32
    %get3A_1354 = arith.index_cast %get3A_1353 : i32 to index
    %get3A_1355 = arith.constant 32 : index
    %get3A_1356 = tpu.vector_load %arg10[%get3A_1354, %get3A_1355] {strides = array<i32>} : memref<16x128xf32, #tpu.memory_space<vmem>>, vector<1x16xf32>,
    %get3A_1357 = vector.shape_cast %get3A_1356 : vector<1x16xf32> to vector<16xf32>
    %max3A_1358 = arith.constant 1.000000e-30 : f32
    %max3A_1359 = vector.broadcast %max3A_1358 : f32 to vector<16xf32>
    %max3A_1360 = arith.maximumf %get3A_1357, %max3A_1359 : vector<16xf32>
    %get3A_1361 = arith.constant 8 : i32
    %get3A_1362 = arith.index_cast %get3A_1361 : i32 to index
    %get3A_1363 = arith.constant 32 : index
    %get3A_1364 = tpu.vector_load %arg9[%get3A_1362, %get3A_1363] {strides = array<i32>} : memref<16x128xf32, #tpu.memory_space<vmem>>, vector<1x16xf32>,
    %get3A_1365 = vector.shape_cast %get3A_1364 : vector<1x16xf32> to vector<16xf32>
    %div3A_1366 = arith.divf %get3A_1365, %max3A_1360 : vector<16xf32>
    %swap3A_1367 = arith.constant 8 : i32
    %swap3A_1368 = arith.index_cast %swap3A_1367 : i32 to index
    %swap3A_1369 = arith.constant 32 : index
    %swap3A_1370 = tpu.vector_load %arg11[%swap3A_1368, %swap3A_1369] {strides = array<i32>} : memref<16x128xf32, #tpu.memory_space<vmem>>, vector<1x16xf32>,
    %swap3A_1371 = vector.shape_cast %swap3A_1370 : vector<1x16xf32> to vector<16xf32>
    %swap3A_1372 = vector.shape_cast %div3A_1366 : vector<16xf32> to vector<1x16xf32>
    tpu.vector_store %arg11[%swap3A_1368, %swap3A_1369], %swap3A_1372 {strides = array<i32>} : memref<16x128xf32, #tpu.memory_space<vmem>>, vector<1x16xf32>,
    %get3A_1373 = arith.constant 8 : i32
    %get3A_1374 = arith.index_cast %get3A_1373 : i32 to index
    %get3A_1375 = arith.constant 48 : index
    %get3A_1376 = tpu.vector_load %arg10[%get3A_1374, %get3A_1375] {strides = array<i32>} : memref<16x128xf32, #tpu.memory_space<vmem>>, vector<1x16xf32>,
    %get3A_1377 = vector.shape_cast %get3A_1376 : vector<1x16xf32> to vector<16xf32>
    %max3A_1378 = arith.constant 1.000000e-30 : f32
    %max3A_1379 = vector.broadcast %max3A_1378 : f32 to vector<16xf32>
    %max3A_1380 = arith.maximumf %get3A_1377, %max3A_1379 : vector<16xf32>
    %get3A_1381 = arith.constant 8 : i32
    %get3A_1382 = arith.index_cast %get3A_1381 : i32 to index
    %get3A_1383 = arith.constant 48 : index
    %get3A_1384 = tpu.vector_load %arg9[%get3A_1382, %get3A_1383] {strides = array<i32>} : memref<16x128xf32, #tpu.memory_space<vmem>>, vector<1x16xf32>,
    %get3A_1385 = vector.shape_cast %get3A_1384 : vector<1x16xf32> to vector<16xf32>
    %div3A_1386 = arith.divf %get3A_1385, %max3A_1380 : vector<16xf32>
    %swap3A_1387 = arith.constant 8 : i32
    %swap3A_1388 = arith.index_cast %swap3A_1387 : i32 to index
    %swap3A_1389 = arith.constant 48 : index
    %swap3A_1390 = tpu.vector_load %arg11[%swap3A_1388, %swap3A_1389] {strides = array<i32>} : memref<16x128xf32, #tpu.memory_space<vmem>>, vector<1x16xf32>,
    %swap3A_1391 = vector.shape_cast %swap3A_1390 : vector<1x16xf32> to vector<16xf32>
    %swap3A_1392 = vector.shape_cast %div3A_1386 : vector<16xf32> to vector<1x16xf32>
    tpu.vector_store %arg11[%swap3A_1388, %swap3A_1389], %swap3A_1392 {strides = array<i32>} : memref<16x128xf32, #tpu.memory_space<vmem>>, vector<1x16xf32>,
    %get3A_1393 = arith.constant 8 : i32
    %get3A_1394 = arith.index_cast %get3A_1393 : i32 to index
    %get3A_1395 = arith.constant 64 : index
    %get3A_1396 = tpu.vector_load %arg10[%get3A_1394, %get3A_1395] {strides = array<i32>} : memref<16x128xf32, #tpu.memory_space<vmem>>, vector<1x16xf32>,
    %get3A_1397 = vector.shape_cast %get3A_1396 : vector<1x16xf32> to vector<16xf32>
    %max3A_1398 = arith.constant 1.000000e-30 : f32
    %max3A_1399 = vector.broadcast %max3A_1398 : f32 to vector<16xf32>
    %max3A_1400 = arith.maximumf %get3A_1397, %max3A_1399 : vector<16xf32>
    %get3A_1401 = arith.constant 8 : i32
    %get3A_1402 = arith.index_cast %get3A_1401 : i32 to index
    %get3A_1403 = arith.constant 64 : index
    %get3A_1404 = tpu.vector_load %arg9[%get3A_1402, %get3A_1403] {strides = array<i32>} : memref<16x128xf32, #tpu.memory_space<vmem>>, vector<1x16xf32>,
    %get3A_1405 = vector.shape_cast %get3A_1404 : vector<1x16xf32> to vector<16xf32>
    %div3A_1406 = arith.divf %get3A_1405, %max3A_1400 : vector<16xf32>
    %swap3A_1407 = arith.constant 8 : i32
    %swap3A_1408 = arith.index_cast %swap3A_1407 : i32 to index
    %swap3A_1409 = arith.constant 64 : index
    %swap3A_1410 = tpu.vector_load %arg11[%swap3A_1408, %swap3A_1409] {strides = array<i32>} : memref<16x128xf32, #tpu.memory_space<vmem>>, vector<1x16xf32>,
    %swap3A_1411 = vector.shape_cast %swap3A_1410 : vector<1x16xf32> to vector<16xf32>
    %swap3A_1412 = vector.shape_cast %div3A_1406 : vector<16xf32> to vector<1x16xf32>
    tpu.vector_store %arg11[%swap3A_1408, %swap3A_1409], %swap3A_1412 {strides = array<i32>} : memref<16x128xf32, #tpu.memory_space<vmem>>, vector<1x16xf32>,
    %get3A_1413 = arith.constant 8 : i32
    %get3A_1414 = arith.index_cast %get3A_1413 : i32 to index
    %get3A_1415 = arith.constant 80 : index
    %get3A_1416 = tpu.vector_load %arg10[%get3A_1414, %get3A_1415] {strides = array<i32>} : memref<16x128xf32, #tpu.memory_space<vmem>>, vector<1x16xf32>,
    %get3A_1417 = vector.shape_cast %get3A_1416 : vector<1x16xf32> to vector<16xf32>
    %max3A_1418 = arith.constant 1.000000e-30 : f32
    %max3A_1419 = vector.broadcast %max3A_1418 : f32 to vector<16xf32>
    %max3A_1420 = arith.maximumf %get3A_1417, %max3A_1419 : vector<16xf32>
    %get3A_1421 = arith.constant 8 : i32
    %get3A_1422 = arith.index_cast %get3A_1421 : i32 to index
    %get3A_1423 = arith.constant 80 : index
    %get3A_1424 = tpu.vector_load %arg9[%get3A_1422, %get3A_1423] {strides = array<i32>} : memref<16x128xf32, #tpu.memory_space<vmem>>, vector<1x16xf32>,
    %get3A_1425 = vector.shape_cast %get3A_1424 : vector<1x16xf32> to vector<16xf32>
    %div3A_1426 = arith.divf %get3A_1425, %max3A_1420 : vector<16xf32>
    %swap3A_1427 = arith.constant 8 : i32
    %swap3A_1428 = arith.index_cast %swap3A_1427 : i32 to index
    %swap3A_1429 = arith.constant 80 : index
    %swap3A_1430 = tpu.vector_load %arg11[%swap3A_1428, %swap3A_1429] {strides = array<i32>} : memref<16x128xf32, #tpu.memory_space<vmem>>, vector<1x16xf32>,
    %swap3A_1431 = vector.shape_cast %swap3A_1430 : vector<1x16xf32> to vector<16xf32>
    %swap3A_1432 = vector.shape_cast %div3A_1426 : vector<16xf32> to vector<1x16xf32>
    tpu.vector_store %arg11[%swap3A_1428, %swap3A_1429], %swap3A_1432 {strides = array<i32>} : memref<16x128xf32, #tpu.memory_space<vmem>>, vector<1x16xf32>,
    %get3A_1433 = arith.constant 8 : i32
    %get3A_1434 = arith.index_cast %get3A_1433 : i32 to index
    %get3A_1435 = arith.constant 96 : index
    %get3A_1436 = tpu.vector_load %arg10[%get3A_1434, %get3A_1435] {strides = array<i32>} : memref<16x128xf32, #tpu.memory_space<vmem>>, vector<1x16xf32>,
    %get3A_1437 = vector.shape_cast %get3A_1436 : vector<1x16xf32> to vector<16xf32>
    %max3A_1438 = arith.constant 1.000000e-30 : f32
    %max3A_1439 = vector.broadcast %max3A_1438 : f32 to vector<16xf32>
    %max3A_1440 = arith.maximumf %get3A_1437, %max3A_1439 : vector<16xf32>
    %get3A_1441 = arith.constant 8 : i32
    %get3A_1442 = arith.index_cast %get3A_1441 : i32 to index
    %get3A_1443 = arith.constant 96 : index
    %get3A_1444 = tpu.vector_load %arg9[%get3A_1442, %get3A_1443] {strides = array<i32>} : memref<16x128xf32, #tpu.memory_space<vmem>>, vector<1x16xf32>,
    %get3A_1445 = vector.shape_cast %get3A_1444 : vector<1x16xf32> to vector<16xf32>
    %div3A_1446 = arith.divf %get3A_1445, %max3A_1440 : vector<16xf32>
    %swap3A_1447 = arith.constant 8 : i32
    %swap3A_1448 = arith.index_cast %swap3A_1447 : i32 to index
    %swap3A_1449 = arith.constant 96 : index
    %swap3A_1450 = tpu.vector_load %arg11[%swap3A_1448, %swap3A_1449] {strides = array<i32>} : memref<16x128xf32, #tpu.memory_space<vmem>>, vector<1x16xf32>,
    %swap3A_1451 = vector.shape_cast %swap3A_1450 : vector<1x16xf32> to vector<16xf32>
    %swap3A_1452 = vector.shape_cast %div3A_1446 : vector<16xf32> to vector<1x16xf32>
    tpu.vector_store %arg11[%swap3A_1448, %swap3A_1449], %swap3A_1452 {strides = array<i32>} : memref<16x128xf32, #tpu.memory_space<vmem>>, vector<1x16xf32>,
    %get3A_1453 = arith.constant 8 : i32
    %get3A_1454 = arith.index_cast %get3A_1453 : i32 to index
    %get3A_1455 = arith.constant 112 : index
    %get3A_1456 = tpu.vector_load %arg10[%get3A_1454, %get3A_1455] {strides = array<i32>} : memref<16x128xf32, #tpu.memory_space<vmem>>, vector<1x16xf32>,
    %get3A_1457 = vector.shape_cast %get3A_1456 : vector<1x16xf32> to vector<16xf32>
    %max3A_1458 = arith.constant 1.000000e-30 : f32
    %max3A_1459 = vector.broadcast %max3A_1458 : f32 to vector<16xf32>
    %max3A_1460 = arith.maximumf %get3A_1457, %max3A_1459 : vector<16xf32>
    %get3A_1461 = arith.constant 8 : i32
    %get3A_1462 = arith.index_cast %get3A_1461 : i32 to index
    %get3A_1463 = arith.constant 112 : index
    %get3A_1464 = tpu.vector_load %arg9[%get3A_1462, %get3A_1463] {strides = array<i32>} : memref<16x128xf32, #tpu.memory_space<vmem>>, vector<1x16xf32>,
    %get3A_1465 = vector.shape_cast %get3A_1464 : vector<1x16xf32> to vector<16xf32>
    %div3A_1466 = arith.divf %get3A_1465, %max3A_1460 : vector<16xf32>
    %swap3A_1467 = arith.constant 8 : i32
    %swap3A_1468 = arith.index_cast %swap3A_1467 : i32 to index
    %swap3A_1469 = arith.constant 112 : index
    %swap3A_1470 = tpu.vector_load %arg11[%swap3A_1468, %swap3A_1469] {strides = array<i32>} : memref<16x128xf32, #tpu.memory_space<vmem>>, vector<1x16xf32>,
    %swap3A_1471 = vector.shape_cast %swap3A_1470 : vector<1x16xf32> to vector<16xf32>
    %swap3A_1472 = vector.shape_cast %div3A_1466 : vector<16xf32> to vector<1x16xf32>
    tpu.vector_store %arg11[%swap3A_1468, %swap3A_1469], %swap3A_1472 {strides = array<i32>} : memref<16x128xf32, #tpu.memory_space<vmem>>, vector<1x16xf32>,
    %get3A_1473 = arith.constant 9 : i32
    %get3A_1474 = arith.index_cast %get3A_1473 : i32 to index
    %get3A_1475 = arith.constant 0 : index
    %get3A_1476 = tpu.vector_load %arg10[%get3A_1474, %get3A_1475] {strides = array<i32>} : memref<16x128xf32, #tpu.memory_space<vmem>>, vector<1x16xf32>,
    %get3A_1477 = vector.shape_cast %get3A_1476 : vector<1x16xf32> to vector<16xf32>
    %max3A_1478 = arith.constant 1.000000e-30 : f32
    %max3A_1479 = vector.broadcast %max3A_1478 : f32 to vector<16xf32>
    %max3A_1480 = arith.maximumf %get3A_1477, %max3A_1479 : vector<16xf32>
    %get3A_1481 = arith.constant 9 : i32
    %get3A_1482 = arith.index_cast %get3A_1481 : i32 to index
    %get3A_1483 = arith.constant 0 : index
    %get3A_1484 = tpu.vector_load %arg9[%get3A_1482, %get3A_1483] {strides = array<i32>} : memref<16x128xf32, #tpu.memory_space<vmem>>, vector<1x16xf32>,
    %get3A_1485 = vector.shape_cast %get3A_1484 : vector<1x16xf32> to vector<16xf32>
    %div3A_1486 = arith.divf %get3A_1485, %max3A_1480 : vector<16xf32>
    %swap3A_1487 = arith.constant 9 : i32
    %swap3A_1488 = arith.index_cast %swap3A_1487 : i32 to index
    %swap3A_1489 = arith.constant 0 : index
    %swap3A_1490 = tpu.vector_load %arg11[%swap3A_1488, %swap3A_1489] {strides = array<i32>} : memref<16x128xf32, #tpu.memory_space<vmem>>, vector<1x16xf32>,
    %swap3A_1491 = vector.shape_cast %swap3A_1490 : vector<1x16xf32> to vector<16xf32>
    %swap3A_1492 = vector.shape_cast %div3A_1486 : vector<16xf32> to vector<1x16xf32>
    tpu.vector_store %arg11[%swap3A_1488, %swap3A_1489], %swap3A_1492 {strides = array<i32>} : memref<16x128xf32, #tpu.memory_space<vmem>>, vector<1x16xf32>,
    %get3A_1493 = arith.constant 9 : i32
    %get3A_1494 = arith.index_cast %get3A_1493 : i32 to index
    %get3A_1495 = arith.constant 16 : index
    %get3A_1496 = tpu.vector_load %arg10[%get3A_1494, %get3A_1495] {strides = array<i32>} : memref<16x128xf32, #tpu.memory_space<vmem>>, vector<1x16xf32>,
    %get3A_1497 = vector.shape_cast %get3A_1496 : vector<1x16xf32> to vector<16xf32>
    %max3A_1498 = arith.constant 1.000000e-30 : f32
    %max3A_1499 = vector.broadcast %max3A_1498 : f32 to vector<16xf32>
    %max3A_1500 = arith.maximumf %get3A_1497, %max3A_1499 : vector<16xf32>
    %get3A_1501 = arith.constant 9 : i32
    %get3A_1502 = arith.index_cast %get3A_1501 : i32 to index
    %get3A_1503 = arith.constant 16 : index
    %get3A_1504 = tpu.vector_load %arg9[%get3A_1502, %get3A_1503] {strides = array<i32>} : memref<16x128xf32, #tpu.memory_space<vmem>>, vector<1x16xf32>,
    %get3A_1505 = vector.shape_cast %get3A_1504 : vector<1x16xf32> to vector<16xf32>
    %div3A_1506 = arith.divf %get3A_1505, %max3A_1500 : vector<16xf32>
    %swap3A_1507 = arith.constant 9 : i32
    %swap3A_1508 = arith.index_cast %swap3A_1507 : i32 to index
    %swap3A_1509 = arith.constant 16 : index
    %swap3A_1510 = tpu.vector_load %arg11[%swap3A_1508, %swap3A_1509] {strides = array<i32>} : memref<16x128xf32, #tpu.memory_space<vmem>>, vector<1x16xf32>,
    %swap3A_1511 = vector.shape_cast %swap3A_1510 : vector<1x16xf32> to vector<16xf32>
    %swap3A_1512 = vector.shape_cast %div3A_1506 : vector<16xf32> to vector<1x16xf32>
    tpu.vector_store %arg11[%swap3A_1508, %swap3A_1509], %swap3A_1512 {strides = array<i32>} : memref<16x128xf32, #tpu.memory_space<vmem>>, vector<1x16xf32>,
    %get3A_1513 = arith.constant 9 : i32
    %get3A_1514 = arith.index_cast %get3A_1513 : i32 to index
    %get3A_1515 = arith.constant 32 : index
    %get3A_1516 = tpu.vector_load %arg10[%get3A_1514, %get3A_1515] {strides = array<i32>} : memref<16x128xf32, #tpu.memory_space<vmem>>, vector<1x16xf32>,
    %get3A_1517 = vector.shape_cast %get3A_1516 : vector<1x16xf32> to vector<16xf32>
    %max3A_1518 = arith.constant 1.000000e-30 : f32
    %max3A_1519 = vector.broadcast %max3A_1518 : f32 to vector<16xf32>
    %max3A_1520 = arith.maximumf %get3A_1517, %max3A_1519 : vector<16xf32>
    %get3A_1521 = arith.constant 9 : i32
    %get3A_1522 = arith.index_cast %get3A_1521 : i32 to index
    %get3A_1523 = arith.constant 32 : index
    %get3A_1524 = tpu.vector_load %arg9[%get3A_1522, %get3A_1523] {strides = array<i32>} : memref<16x128xf32, #tpu.memory_space<vmem>>, vector<1x16xf32>,
    %get3A_1525 = vector.shape_cast %get3A_1524 : vector<1x16xf32> to vector<16xf32>
    %div3A_1526 = arith.divf %get3A_1525, %max3A_1520 : vector<16xf32>
    %swap3A_1527 = arith.constant 9 : i32
    %swap3A_1528 = arith.index_cast %swap3A_1527 : i32 to index
    %swap3A_1529 = arith.constant 32 : index
    %swap3A_1530 = tpu.vector_load %arg11[%swap3A_1528, %swap3A_1529] {strides = array<i32>} : memref<16x128xf32, #tpu.memory_space<vmem>>, vector<1x16xf32>,
    %swap3A_1531 = vector.shape_cast %swap3A_1530 : vector<1x16xf32> to vector<16xf32>
    %swap3A_1532 = vector.shape_cast %div3A_1526 : vector<16xf32> to vector<1x16xf32>
    tpu.vector_store %arg11[%swap3A_1528, %swap3A_1529], %swap3A_1532 {strides = array<i32>} : memref<16x128xf32, #tpu.memory_space<vmem>>, vector<1x16xf32>,
    %get3A_1533 = arith.constant 9 : i32
    %get3A_1534 = arith.index_cast %get3A_1533 : i32 to index
    %get3A_1535 = arith.constant 48 : index
    %get3A_1536 = tpu.vector_load %arg10[%get3A_1534, %get3A_1535] {strides = array<i32>} : memref<16x128xf32, #tpu.memory_space<vmem>>, vector<1x16xf32>,
    %get3A_1537 = vector.shape_cast %get3A_1536 : vector<1x16xf32> to vector<16xf32>
    %max3A_1538 = arith.constant 1.000000e-30 : f32
    %max3A_1539 = vector.broadcast %max3A_1538 : f32 to vector<16xf32>
    %max3A_1540 = arith.maximumf %get3A_1537, %max3A_1539 : vector<16xf32>
    %get3A_1541 = arith.constant 9 : i32
    %get3A_1542 = arith.index_cast %get3A_1541 : i32 to index
    %get3A_1543 = arith.constant 48 : index
    %get3A_1544 = tpu.vector_load %arg9[%get3A_1542, %get3A_1543] {strides = array<i32>} : memref<16x128xf32, #tpu.memory_space<vmem>>, vector<1x16xf32>,
    %get3A_1545 = vector.shape_cast %get3A_1544 : vector<1x16xf32> to vector<16xf32>
    %div3A_1546 = arith.divf %get3A_1545, %max3A_1540 : vector<16xf32>
    %swap3A_1547 = arith.constant 9 : i32
    %swap3A_1548 = arith.index_cast %swap3A_1547 : i32 to index
    %swap3A_1549 = arith.constant 48 : index
    %swap3A_1550 = tpu.vector_load %arg11[%swap3A_1548, %swap3A_1549] {strides = array<i32>} : memref<16x128xf32, #tpu.memory_space<vmem>>, vector<1x16xf32>,
    %swap3A_1551 = vector.shape_cast %swap3A_1550 : vector<1x16xf32> to vector<16xf32>
    %swap3A_1552 = vector.shape_cast %div3A_1546 : vector<16xf32> to vector<1x16xf32>
    tpu.vector_store %arg11[%swap3A_1548, %swap3A_1549], %swap3A_1552 {strides = array<i32>} : memref<16x128xf32, #tpu.memory_space<vmem>>, vector<1x16xf32>,
    %get3A_1553 = arith.constant 9 : i32
    %get3A_1554 = arith.index_cast %get3A_1553 : i32 to index
    %get3A_1555 = arith.constant 64 : index
    %get3A_1556 = tpu.vector_load %arg10[%get3A_1554, %get3A_1555] {strides = array<i32>} : memref<16x128xf32, #tpu.memory_space<vmem>>, vector<1x16xf32>,
    %get3A_1557 = vector.shape_cast %get3A_1556 : vector<1x16xf32> to vector<16xf32>
    %max3A_1558 = arith.constant 1.000000e-30 : f32
    %max3A_1559 = vector.broadcast %max3A_1558 : f32 to vector<16xf32>
    %max3A_1560 = arith.maximumf %get3A_1557, %max3A_1559 : vector<16xf32>
    %get3A_1561 = arith.constant 9 : i32
    %get3A_1562 = arith.index_cast %get3A_1561 : i32 to index
    %get3A_1563 = arith.constant 64 : index
    %get3A_1564 = tpu.vector_load %arg9[%get3A_1562, %get3A_1563] {strides = array<i32>} : memref<16x128xf32, #tpu.memory_space<vmem>>, vector<1x16xf32>,
    %get3A_1565 = vector.shape_cast %get3A_1564 : vector<1x16xf32> to vector<16xf32>
    %div3A_1566 = arith.divf %get3A_1565, %max3A_1560 : vector<16xf32>
    %swap3A_1567 = arith.constant 9 : i32
    %swap3A_1568 = arith.index_cast %swap3A_1567 : i32 to index
    %swap3A_1569 = arith.constant 64 : index
    %swap3A_1570 = tpu.vector_load %arg11[%swap3A_1568, %swap3A_1569] {strides = array<i32>} : memref<16x128xf32, #tpu.memory_space<vmem>>, vector<1x16xf32>,
    %swap3A_1571 = vector.shape_cast %swap3A_1570 : vector<1x16xf32> to vector<16xf32>
    %swap3A_1572 = vector.shape_cast %div3A_1566 : vector<16xf32> to vector<1x16xf32>
    tpu.vector_store %arg11[%swap3A_1568, %swap3A_1569], %swap3A_1572 {strides = array<i32>} : memref<16x128xf32, #tpu.memory_space<vmem>>, vector<1x16xf32>,
    %get3A_1573 = arith.constant 9 : i32
    %get3A_1574 = arith.index_cast %get3A_1573 : i32 to index
    %get3A_1575 = arith.constant 80 : index
    %get3A_1576 = tpu.vector_load %arg10[%get3A_1574, %get3A_1575] {strides = array<i32>} : memref<16x128xf32, #tpu.memory_space<vmem>>, vector<1x16xf32>,
    %get3A_1577 = vector.shape_cast %get3A_1576 : vector<1x16xf32> to vector<16xf32>
    %max3A_1578 = arith.constant 1.000000e-30 : f32
    %max3A_1579 = vector.broadcast %max3A_1578 : f32 to vector<16xf32>
    %max3A_1580 = arith.maximumf %get3A_1577, %max3A_1579 : vector<16xf32>
    %get3A_1581 = arith.constant 9 : i32
    %get3A_1582 = arith.index_cast %get3A_1581 : i32 to index
    %get3A_1583 = arith.constant 80 : index
    %get3A_1584 = tpu.vector_load %arg9[%get3A_1582, %get3A_1583] {strides = array<i32>} : memref<16x128xf32, #tpu.memory_space<vmem>>, vector<1x16xf32>,
    %get3A_1585 = vector.shape_cast %get3A_1584 : vector<1x16xf32> to vector<16xf32>
    %div3A_1586 = arith.divf %get3A_1585, %max3A_1580 : vector<16xf32>
    %swap3A_1587 = arith.constant 9 : i32
    %swap3A_1588 = arith.index_cast %swap3A_1587 : i32 to index
    %swap3A_1589 = arith.constant 80 : index
    %swap3A_1590 = tpu.vector_load %arg11[%swap3A_1588, %swap3A_1589] {strides = array<i32>} : memref<16x128xf32, #tpu.memory_space<vmem>>, vector<1x16xf32>,
    %swap3A_1591 = vector.shape_cast %swap3A_1590 : vector<1x16xf32> to vector<16xf32>
    %swap3A_1592 = vector.shape_cast %div3A_1586 : vector<16xf32> to vector<1x16xf32>
    tpu.vector_store %arg11[%swap3A_1588, %swap3A_1589], %swap3A_1592 {strides = array<i32>} : memref<16x128xf32, #tpu.memory_space<vmem>>, vector<1x16xf32>,
    %get3A_1593 = arith.constant 9 : i32
    %get3A_1594 = arith.index_cast %get3A_1593 : i32 to index
    %get3A_1595 = arith.constant 96 : index
    %get3A_1596 = tpu.vector_load %arg10[%get3A_1594, %get3A_1595] {strides = array<i32>} : memref<16x128xf32, #tpu.memory_space<vmem>>, vector<1x16xf32>,
    %get3A_1597 = vector.shape_cast %get3A_1596 : vector<1x16xf32> to vector<16xf32>
    %max3A_1598 = arith.constant 1.000000e-30 : f32
    %max3A_1599 = vector.broadcast %max3A_1598 : f32 to vector<16xf32>
    %max3A_1600 = arith.maximumf %get3A_1597, %max3A_1599 : vector<16xf32>
    %get3A_1601 = arith.constant 9 : i32
    %get3A_1602 = arith.index_cast %get3A_1601 : i32 to index
    %get3A_1603 = arith.constant 96 : index
    %get3A_1604 = tpu.vector_load %arg9[%get3A_1602, %get3A_1603] {strides = array<i32>} : memref<16x128xf32, #tpu.memory_space<vmem>>, vector<1x16xf32>,
    %get3A_1605 = vector.shape_cast %get3A_1604 : vector<1x16xf32> to vector<16xf32>
    %div3A_1606 = arith.divf %get3A_1605, %max3A_1600 : vector<16xf32>
    %swap3A_1607 = arith.constant 9 : i32
    %swap3A_1608 = arith.index_cast %swap3A_1607 : i32 to index
    %swap3A_1609 = arith.constant 96 : index
    %swap3A_1610 = tpu.vector_load %arg11[%swap3A_1608, %swap3A_1609] {strides = array<i32>} : memref<16x128xf32, #tpu.memory_space<vmem>>, vector<1x16xf32>,
    %swap3A_1611 = vector.shape_cast %swap3A_1610 : vector<1x16xf32> to vector<16xf32>
    %swap3A_1612 = vector.shape_cast %div3A_1606 : vector<16xf32> to vector<1x16xf32>
    tpu.vector_store %arg11[%swap3A_1608, %swap3A_1609], %swap3A_1612 {strides = array<i32>} : memref<16x128xf32, #tpu.memory_space<vmem>>, vector<1x16xf32>,
    %get3A_1613 = arith.constant 9 : i32
    %get3A_1614 = arith.index_cast %get3A_1613 : i32 to index
    %get3A_1615 = arith.constant 112 : index
    %get3A_1616 = tpu.vector_load %arg10[%get3A_1614, %get3A_1615] {strides = array<i32>} : memref<16x128xf32, #tpu.memory_space<vmem>>, vector<1x16xf32>,
    %get3A_1617 = vector.shape_cast %get3A_1616 : vector<1x16xf32> to vector<16xf32>
    %max3A_1618 = arith.constant 1.000000e-30 : f32
    %max3A_1619 = vector.broadcast %max3A_1618 : f32 to vector<16xf32>
    %max3A_1620 = arith.maximumf %get3A_1617, %max3A_1619 : vector<16xf32>
    %get3A_1621 = arith.constant 9 : i32
    %get3A_1622 = arith.index_cast %get3A_1621 : i32 to index
    %get3A_1623 = arith.constant 112 : index
    %get3A_1624 = tpu.vector_load %arg9[%get3A_1622, %get3A_1623] {strides = array<i32>} : memref<16x128xf32, #tpu.memory_space<vmem>>, vector<1x16xf32>,
    %get3A_1625 = vector.shape_cast %get3A_1624 : vector<1x16xf32> to vector<16xf32>
    %div3A_1626 = arith.divf %get3A_1625, %max3A_1620 : vector<16xf32>
    %swap3A_1627 = arith.constant 9 : i32
    %swap3A_1628 = arith.index_cast %swap3A_1627 : i32 to index
    %swap3A_1629 = arith.constant 112 : index
    %swap3A_1630 = tpu.vector_load %arg11[%swap3A_1628, %swap3A_1629] {strides = array<i32>} : memref<16x128xf32, #tpu.memory_space<vmem>>, vector<1x16xf32>,
    %swap3A_1631 = vector.shape_cast %swap3A_1630 : vector<1x16xf32> to vector<16xf32>
    %swap3A_1632 = vector.shape_cast %div3A_1626 : vector<16xf32> to vector<1x16xf32>
    tpu.vector_store %arg11[%swap3A_1628, %swap3A_1629], %swap3A_1632 {strides = array<i32>} : memref<16x128xf32, #tpu.memory_space<vmem>>, vector<1x16xf32>,
    %get3A_1633 = arith.constant 10 : i32
    %get3A_1634 = arith.index_cast %get3A_1633 : i32 to index
    %get3A_1635 = arith.constant 0 : index
    %get3A_1636 = tpu.vector_load %arg10[%get3A_1634, %get3A_1635] {strides = array<i32>} : memref<16x128xf32, #tpu.memory_space<vmem>>, vector<1x16xf32>,
    %get3A_1637 = vector.shape_cast %get3A_1636 : vector<1x16xf32> to vector<16xf32>
    %max3A_1638 = arith.constant 1.000000e-30 : f32
    %max3A_1639 = vector.broadcast %max3A_1638 : f32 to vector<16xf32>
    %max3A_1640 = arith.maximumf %get3A_1637, %max3A_1639 : vector<16xf32>
    %get3A_1641 = arith.constant 10 : i32
    %get3A_1642 = arith.index_cast %get3A_1641 : i32 to index
    %get3A_1643 = arith.constant 0 : index
    %get3A_1644 = tpu.vector_load %arg9[%get3A_1642, %get3A_1643] {strides = array<i32>} : memref<16x128xf32, #tpu.memory_space<vmem>>, vector<1x16xf32>,
    %get3A_1645 = vector.shape_cast %get3A_1644 : vector<1x16xf32> to vector<16xf32>
    %div3A_1646 = arith.divf %get3A_1645, %max3A_1640 : vector<16xf32>
    %swap3A_1647 = arith.constant 10 : i32
    %swap3A_1648 = arith.index_cast %swap3A_1647 : i32 to index
    %swap3A_1649 = arith.constant 0 : index
    %swap3A_1650 = tpu.vector_load %arg11[%swap3A_1648, %swap3A_1649] {strides = array<i32>} : memref<16x128xf32, #tpu.memory_space<vmem>>, vector<1x16xf32>,
    %swap3A_1651 = vector.shape_cast %swap3A_1650 : vector<1x16xf32> to vector<16xf32>
    %swap3A_1652 = vector.shape_cast %div3A_1646 : vector<16xf32> to vector<1x16xf32>
    tpu.vector_store %arg11[%swap3A_1648, %swap3A_1649], %swap3A_1652 {strides = array<i32>} : memref<16x128xf32, #tpu.memory_space<vmem>>, vector<1x16xf32>,
    %get3A_1653 = arith.constant 10 : i32
    %get3A_1654 = arith.index_cast %get3A_1653 : i32 to index
    %get3A_1655 = arith.constant 16 : index
    %get3A_1656 = tpu.vector_load %arg10[%get3A_1654, %get3A_1655] {strides = array<i32>} : memref<16x128xf32, #tpu.memory_space<vmem>>, vector<1x16xf32>,
    %get3A_1657 = vector.shape_cast %get3A_1656 : vector<1x16xf32> to vector<16xf32>
    %max3A_1658 = arith.constant 1.000000e-30 : f32
    %max3A_1659 = vector.broadcast %max3A_1658 : f32 to vector<16xf32>
    %max3A_1660 = arith.maximumf %get3A_1657, %max3A_1659 : vector<16xf32>
    %get3A_1661 = arith.constant 10 : i32
    %get3A_1662 = arith.index_cast %get3A_1661 : i32 to index
    %get3A_1663 = arith.constant 16 : index
    %get3A_1664 = tpu.vector_load %arg9[%get3A_1662, %get3A_1663] {strides = array<i32>} : memref<16x128xf32, #tpu.memory_space<vmem>>, vector<1x16xf32>,
    %get3A_1665 = vector.shape_cast %get3A_1664 : vector<1x16xf32> to vector<16xf32>
    %div3A_1666 = arith.divf %get3A_1665, %max3A_1660 : vector<16xf32>
    %swap3A_1667 = arith.constant 10 : i32
    %swap3A_1668 = arith.index_cast %swap3A_1667 : i32 to index
    %swap3A_1669 = arith.constant 16 : index
    %swap3A_1670 = tpu.vector_load %arg11[%swap3A_1668, %swap3A_1669] {strides = array<i32>} : memref<16x128xf32, #tpu.memory_space<vmem>>, vector<1x16xf32>,
    %swap3A_1671 = vector.shape_cast %swap3A_1670 : vector<1x16xf32> to vector<16xf32>
    %swap3A_1672 = vector.shape_cast %div3A_1666 : vector<16xf32> to vector<1x16xf32>
    tpu.vector_store %arg11[%swap3A_1668, %swap3A_1669], %swap3A_1672 {strides = array<i32>} : memref<16x128xf32, #tpu.memory_space<vmem>>, vector<1x16xf32>,
    %get3A_1673 = arith.constant 10 : i32
    %get3A_1674 = arith.index_cast %get3A_1673 : i32 to index
    %get3A_1675 = arith.constant 32 : index
    %get3A_1676 = tpu.vector_load %arg10[%get3A_1674, %get3A_1675] {strides = array<i32>} : memref<16x128xf32, #tpu.memory_space<vmem>>, vector<1x16xf32>,
    %get3A_1677 = vector.shape_cast %get3A_1676 : vector<1x16xf32> to vector<16xf32>
    %max3A_1678 = arith.constant 1.000000e-30 : f32
    %max3A_1679 = vector.broadcast %max3A_1678 : f32 to vector<16xf32>
    %max3A_1680 = arith.maximumf %get3A_1677, %max3A_1679 : vector<16xf32>
    %get3A_1681 = arith.constant 10 : i32
    %get3A_1682 = arith.index_cast %get3A_1681 : i32 to index
    %get3A_1683 = arith.constant 32 : index
    %get3A_1684 = tpu.vector_load %arg9[%get3A_1682, %get3A_1683] {strides = array<i32>} : memref<16x128xf32, #tpu.memory_space<vmem>>, vector<1x16xf32>,
    %get3A_1685 = vector.shape_cast %get3A_1684 : vector<1x16xf32> to vector<16xf32>
    %div3A_1686 = arith.divf %get3A_1685, %max3A_1680 : vector<16xf32>
    %swap3A_1687 = arith.constant 10 : i32
    %swap3A_1688 = arith.index_cast %swap3A_1687 : i32 to index
    %swap3A_1689 = arith.constant 32 : index
    %swap3A_1690 = tpu.vector_load %arg11[%swap3A_1688, %swap3A_1689] {strides = array<i32>} : memref<16x128xf32, #tpu.memory_space<vmem>>, vector<1x16xf32>,
    %swap3A_1691 = vector.shape_cast %swap3A_1690 : vector<1x16xf32> to vector<16xf32>
    %swap3A_1692 = vector.shape_cast %div3A_1686 : vector<16xf32> to vector<1x16xf32>
    tpu.vector_store %arg11[%swap3A_1688, %swap3A_1689], %swap3A_1692 {strides = array<i32>} : memref<16x128xf32, #tpu.memory_space<vmem>>, vector<1x16xf32>,
    %get3A_1693 = arith.constant 10 : i32
    %get3A_1694 = arith.index_cast %get3A_1693 : i32 to index
    %get3A_1695 = arith.constant 48 : index
    %get3A_1696 = tpu.vector_load %arg10[%get3A_1694, %get3A_1695] {strides = array<i32>} : memref<16x128xf32, #tpu.memory_space<vmem>>, vector<1x16xf32>,
    %get3A_1697 = vector.shape_cast %get3A_1696 : vector<1x16xf32> to vector<16xf32>
    %max3A_1698 = arith.constant 1.000000e-30 : f32
    %max3A_1699 = vector.broadcast %max3A_1698 : f32 to vector<16xf32>
    %max3A_1700 = arith.maximumf %get3A_1697, %max3A_1699 : vector<16xf32>
    %get3A_1701 = arith.constant 10 : i32
    %get3A_1702 = arith.index_cast %get3A_1701 : i32 to index
    %get3A_1703 = arith.constant 48 : index
    %get3A_1704 = tpu.vector_load %arg9[%get3A_1702, %get3A_1703] {strides = array<i32>} : memref<16x128xf32, #tpu.memory_space<vmem>>, vector<1x16xf32>,
    %get3A_1705 = vector.shape_cast %get3A_1704 : vector<1x16xf32> to vector<16xf32>
    %div3A_1706 = arith.divf %get3A_1705, %max3A_1700 : vector<16xf32>
    %swap3A_1707 = arith.constant 10 : i32
    %swap3A_1708 = arith.index_cast %swap3A_1707 : i32 to index
    %swap3A_1709 = arith.constant 48 : index
    %swap3A_1710 = tpu.vector_load %arg11[%swap3A_1708, %swap3A_1709] {strides = array<i32>} : memref<16x128xf32, #tpu.memory_space<vmem>>, vector<1x16xf32>,
    %swap3A_1711 = vector.shape_cast %swap3A_1710 : vector<1x16xf32> to vector<16xf32>
    %swap3A_1712 = vector.shape_cast %div3A_1706 : vector<16xf32> to vector<1x16xf32>
    tpu.vector_store %arg11[%swap3A_1708, %swap3A_1709], %swap3A_1712 {strides = array<i32>} : memref<16x128xf32, #tpu.memory_space<vmem>>, vector<1x16xf32>,
    %get3A_1713 = arith.constant 10 : i32
    %get3A_1714 = arith.index_cast %get3A_1713 : i32 to index
    %get3A_1715 = arith.constant 64 : index
    %get3A_1716 = tpu.vector_load %arg10[%get3A_1714, %get3A_1715] {strides = array<i32>} : memref<16x128xf32, #tpu.memory_space<vmem>>, vector<1x16xf32>,
    %get3A_1717 = vector.shape_cast %get3A_1716 : vector<1x16xf32> to vector<16xf32>
    %max3A_1718 = arith.constant 1.000000e-30 : f32
    %max3A_1719 = vector.broadcast %max3A_1718 : f32 to vector<16xf32>
    %max3A_1720 = arith.maximumf %get3A_1717, %max3A_1719 : vector<16xf32>
    %get3A_1721 = arith.constant 10 : i32
    %get3A_1722 = arith.index_cast %get3A_1721 : i32 to index
    %get3A_1723 = arith.constant 64 : index
    %get3A_1724 = tpu.vector_load %arg9[%get3A_1722, %get3A_1723] {strides = array<i32>} : memref<16x128xf32, #tpu.memory_space<vmem>>, vector<1x16xf32>,
    %get3A_1725 = vector.shape_cast %get3A_1724 : vector<1x16xf32> to vector<16xf32>
    %div3A_1726 = arith.divf %get3A_1725, %max3A_1720 : vector<16xf32>
    %swap3A_1727 = arith.constant 10 : i32
    %swap3A_1728 = arith.index_cast %swap3A_1727 : i32 to index
    %swap3A_1729 = arith.constant 64 : index
    %swap3A_1730 = tpu.vector_load %arg11[%swap3A_1728, %swap3A_1729] {strides = array<i32>} : memref<16x128xf32, #tpu.memory_space<vmem>>, vector<1x16xf32>,
    %swap3A_1731 = vector.shape_cast %swap3A_1730 : vector<1x16xf32> to vector<16xf32>
    %swap3A_1732 = vector.shape_cast %div3A_1726 : vector<16xf32> to vector<1x16xf32>
    tpu.vector_store %arg11[%swap3A_1728, %swap3A_1729], %swap3A_1732 {strides = array<i32>} : memref<16x128xf32, #tpu.memory_space<vmem>>, vector<1x16xf32>,
    %get3A_1733 = arith.constant 10 : i32
    %get3A_1734 = arith.index_cast %get3A_1733 : i32 to index
    %get3A_1735 = arith.constant 80 : index
    %get3A_1736 = tpu.vector_load %arg10[%get3A_1734, %get3A_1735] {strides = array<i32>} : memref<16x128xf32, #tpu.memory_space<vmem>>, vector<1x16xf32>,
    %get3A_1737 = vector.shape_cast %get3A_1736 : vector<1x16xf32> to vector<16xf32>
    %max3A_1738 = arith.constant 1.000000e-30 : f32
    %max3A_1739 = vector.broadcast %max3A_1738 : f32 to vector<16xf32>
    %max3A_1740 = arith.maximumf %get3A_1737, %max3A_1739 : vector<16xf32>
    %get3A_1741 = arith.constant 10 : i32
    %get3A_1742 = arith.index_cast %get3A_1741 : i32 to index
    %get3A_1743 = arith.constant 80 : index
    %get3A_1744 = tpu.vector_load %arg9[%get3A_1742, %get3A_1743] {strides = array<i32>} : memref<16x128xf32, #tpu.memory_space<vmem>>, vector<1x16xf32>,
    %get3A_1745 = vector.shape_cast %get3A_1744 : vector<1x16xf32> to vector<16xf32>
    %div3A_1746 = arith.divf %get3A_1745, %max3A_1740 : vector<16xf32>
    %swap3A_1747 = arith.constant 10 : i32
    %swap3A_1748 = arith.index_cast %swap3A_1747 : i32 to index
    %swap3A_1749 = arith.constant 80 : index
    %swap3A_1750 = tpu.vector_load %arg11[%swap3A_1748, %swap3A_1749] {strides = array<i32>} : memref<16x128xf32, #tpu.memory_space<vmem>>, vector<1x16xf32>,
    %swap3A_1751 = vector.shape_cast %swap3A_1750 : vector<1x16xf32> to vector<16xf32>
    %swap3A_1752 = vector.shape_cast %div3A_1746 : vector<16xf32> to vector<1x16xf32>
    tpu.vector_store %arg11[%swap3A_1748, %swap3A_1749], %swap3A_1752 {strides = array<i32>} : memref<16x128xf32, #tpu.memory_space<vmem>>, vector<1x16xf32>,
    %get3A_1753 = arith.constant 10 : i32
    %get3A_1754 = arith.index_cast %get3A_1753 : i32 to index
    %get3A_1755 = arith.constant 96 : index
    %get3A_1756 = tpu.vector_load %arg10[%get3A_1754, %get3A_1755] {strides = array<i32>} : memref<16x128xf32, #tpu.memory_space<vmem>>, vector<1x16xf32>,
    %get3A_1757 = vector.shape_cast %get3A_1756 : vector<1x16xf32> to vector<16xf32>
    %max3A_1758 = arith.constant 1.000000e-30 : f32
    %max3A_1759 = vector.broadcast %max3A_1758 : f32 to vector<16xf32>
    %max3A_1760 = arith.maximumf %get3A_1757, %max3A_1759 : vector<16xf32>
    %get3A_1761 = arith.constant 10 : i32
    %get3A_1762 = arith.index_cast %get3A_1761 : i32 to index
    %get3A_1763 = arith.constant 96 : index
    %get3A_1764 = tpu.vector_load %arg9[%get3A_1762, %get3A_1763] {strides = array<i32>} : memref<16x128xf32, #tpu.memory_space<vmem>>, vector<1x16xf32>,
    %get3A_1765 = vector.shape_cast %get3A_1764 : vector<1x16xf32> to vector<16xf32>
    %div3A_1766 = arith.divf %get3A_1765, %max3A_1760 : vector<16xf32>
    %swap3A_1767 = arith.constant 10 : i32
    %swap3A_1768 = arith.index_cast %swap3A_1767 : i32 to index
    %swap3A_1769 = arith.constant 96 : index
    %swap3A_1770 = tpu.vector_load %arg11[%swap3A_1768, %swap3A_1769] {strides = array<i32>} : memref<16x128xf32, #tpu.memory_space<vmem>>, vector<1x16xf32>,
    %swap3A_1771 = vector.shape_cast %swap3A_1770 : vector<1x16xf32> to vector<16xf32>
    %swap3A_1772 = vector.shape_cast %div3A_1766 : vector<16xf32> to vector<1x16xf32>
    tpu.vector_store %arg11[%swap3A_1768, %swap3A_1769], %swap3A_1772 {strides = array<i32>} : memref<16x128xf32, #tpu.memory_space<vmem>>, vector<1x16xf32>,
    %get3A_1773 = arith.constant 10 : i32
    %get3A_1774 = arith.index_cast %get3A_1773 : i32 to index
    %get3A_1775 = arith.constant 112 : index
    %get3A_1776 = tpu.vector_load %arg10[%get3A_1774, %get3A_1775] {strides = array<i32>} : memref<16x128xf32, #tpu.memory_space<vmem>>, vector<1x16xf32>,
    %get3A_1777 = vector.shape_cast %get3A_1776 : vector<1x16xf32> to vector<16xf32>
    %max3A_1778 = arith.constant 1.000000e-30 : f32
    %max3A_1779 = vector.broadcast %max3A_1778 : f32 to vector<16xf32>
    %max3A_1780 = arith.maximumf %get3A_1777, %max3A_1779 : vector<16xf32>
    %get3A_1781 = arith.constant 10 : i32
    %get3A_1782 = arith.index_cast %get3A_1781 : i32 to index
    %get3A_1783 = arith.constant 112 : index
    %get3A_1784 = tpu.vector_load %arg9[%get3A_1782, %get3A_1783] {strides = array<i32>} : memref<16x128xf32, #tpu.memory_space<vmem>>, vector<1x16xf32>,
    %get3A_1785 = vector.shape_cast %get3A_1784 : vector<1x16xf32> to vector<16xf32>
    %div3A_1786 = arith.divf %get3A_1785, %max3A_1780 : vector<16xf32>
    %swap3A_1787 = arith.constant 10 : i32
    %swap3A_1788 = arith.index_cast %swap3A_1787 : i32 to index
    %swap3A_1789 = arith.constant 112 : index
    %swap3A_1790 = tpu.vector_load %arg11[%swap3A_1788, %swap3A_1789] {strides = array<i32>} : memref<16x128xf32, #tpu.memory_space<vmem>>, vector<1x16xf32>,
    %swap3A_1791 = vector.shape_cast %swap3A_1790 : vector<1x16xf32> to vector<16xf32>
    %swap3A_1792 = vector.shape_cast %div3A_1786 : vector<16xf32> to vector<1x16xf32>
    tpu.vector_store %arg11[%swap3A_1788, %swap3A_1789], %swap3A_1792 {strides = array<i32>} : memref<16x128xf32, #tpu.memory_space<vmem>>, vector<1x16xf32>,
    %get3A_1793 = arith.constant 11 : i32
    %get3A_1794 = arith.index_cast %get3A_1793 : i32 to index
    %get3A_1795 = arith.constant 0 : index
    %get3A_1796 = tpu.vector_load %arg10[%get3A_1794, %get3A_1795] {strides = array<i32>} : memref<16x128xf32, #tpu.memory_space<vmem>>, vector<1x16xf32>,
    %get3A_1797 = vector.shape_cast %get3A_1796 : vector<1x16xf32> to vector<16xf32>
    %max3A_1798 = arith.constant 1.000000e-30 : f32
    %max3A_1799 = vector.broadcast %max3A_1798 : f32 to vector<16xf32>
    %max3A_1800 = arith.maximumf %get3A_1797, %max3A_1799 : vector<16xf32>
    %get3A_1801 = arith.constant 11 : i32
    %get3A_1802 = arith.index_cast %get3A_1801 : i32 to index
    %get3A_1803 = arith.constant 0 : index
    %get3A_1804 = tpu.vector_load %arg9[%get3A_1802, %get3A_1803] {strides = array<i32>} : memref<16x128xf32, #tpu.memory_space<vmem>>, vector<1x16xf32>,
    %get3A_1805 = vector.shape_cast %get3A_1804 : vector<1x16xf32> to vector<16xf32>
    %div3A_1806 = arith.divf %get3A_1805, %max3A_1800 : vector<16xf32>
    %swap3A_1807 = arith.constant 11 : i32
    %swap3A_1808 = arith.index_cast %swap3A_1807 : i32 to index
    %swap3A_1809 = arith.constant 0 : index
    %swap3A_1810 = tpu.vector_load %arg11[%swap3A_1808, %swap3A_1809] {strides = array<i32>} : memref<16x128xf32, #tpu.memory_space<vmem>>, vector<1x16xf32>,
    %swap3A_1811 = vector.shape_cast %swap3A_1810 : vector<1x16xf32> to vector<16xf32>
    %swap3A_1812 = vector.shape_cast %div3A_1806 : vector<16xf32> to vector<1x16xf32>
    tpu.vector_store %arg11[%swap3A_1808, %swap3A_1809], %swap3A_1812 {strides = array<i32>} : memref<16x128xf32, #tpu.memory_space<vmem>>, vector<1x16xf32>,
    %get3A_1813 = arith.constant 11 : i32
    %get3A_1814 = arith.index_cast %get3A_1813 : i32 to index
    %get3A_1815 = arith.constant 16 : index
    %get3A_1816 = tpu.vector_load %arg10[%get3A_1814, %get3A_1815] {strides = array<i32>} : memref<16x128xf32, #tpu.memory_space<vmem>>, vector<1x16xf32>,
    %get3A_1817 = vector.shape_cast %get3A_1816 : vector<1x16xf32> to vector<16xf32>
    %max3A_1818 = arith.constant 1.000000e-30 : f32
    %max3A_1819 = vector.broadcast %max3A_1818 : f32 to vector<16xf32>
    %max3A_1820 = arith.maximumf %get3A_1817, %max3A_1819 : vector<16xf32>
    %get3A_1821 = arith.constant 11 : i32
    %get3A_1822 = arith.index_cast %get3A_1821 : i32 to index
    %get3A_1823 = arith.constant 16 : index
    %get3A_1824 = tpu.vector_load %arg9[%get3A_1822, %get3A_1823] {strides = array<i32>} : memref<16x128xf32, #tpu.memory_space<vmem>>, vector<1x16xf32>,
    %get3A_1825 = vector.shape_cast %get3A_1824 : vector<1x16xf32> to vector<16xf32>
    %div3A_1826 = arith.divf %get3A_1825, %max3A_1820 : vector<16xf32>
    %swap3A_1827 = arith.constant 11 : i32
    %swap3A_1828 = arith.index_cast %swap3A_1827 : i32 to index
    %swap3A_1829 = arith.constant 16 : index
    %swap3A_1830 = tpu.vector_load %arg11[%swap3A_1828, %swap3A_1829] {strides = array<i32>} : memref<16x128xf32, #tpu.memory_space<vmem>>, vector<1x16xf32>,
    %swap3A_1831 = vector.shape_cast %swap3A_1830 : vector<1x16xf32> to vector<16xf32>
    %swap3A_1832 = vector.shape_cast %div3A_1826 : vector<16xf32> to vector<1x16xf32>
    tpu.vector_store %arg11[%swap3A_1828, %swap3A_1829], %swap3A_1832 {strides = array<i32>} : memref<16x128xf32, #tpu.memory_space<vmem>>, vector<1x16xf32>,
    %get3A_1833 = arith.constant 11 : i32
    %get3A_1834 = arith.index_cast %get3A_1833 : i32 to index
    %get3A_1835 = arith.constant 32 : index
    %get3A_1836 = tpu.vector_load %arg10[%get3A_1834, %get3A_1835] {strides = array<i32>} : memref<16x128xf32, #tpu.memory_space<vmem>>, vector<1x16xf32>,
    %get3A_1837 = vector.shape_cast %get3A_1836 : vector<1x16xf32> to vector<16xf32>
    %max3A_1838 = arith.constant 1.000000e-30 : f32
    %max3A_1839 = vector.broadcast %max3A_1838 : f32 to vector<16xf32>
    %max3A_1840 = arith.maximumf %get3A_1837, %max3A_1839 : vector<16xf32>
    %get3A_1841 = arith.constant 11 : i32
    %get3A_1842 = arith.index_cast %get3A_1841 : i32 to index
    %get3A_1843 = arith.constant 32 : index
    %get3A_1844 = tpu.vector_load %arg9[%get3A_1842, %get3A_1843] {strides = array<i32>} : memref<16x128xf32, #tpu.memory_space<vmem>>, vector<1x16xf32>,
    %get3A_1845 = vector.shape_cast %get3A_1844 : vector<1x16xf32> to vector<16xf32>
    %div3A_1846 = arith.divf %get3A_1845, %max3A_1840 : vector<16xf32>
    %swap3A_1847 = arith.constant 11 : i32
    %swap3A_1848 = arith.index_cast %swap3A_1847 : i32 to index
    %swap3A_1849 = arith.constant 32 : index
    %swap3A_1850 = tpu.vector_load %arg11[%swap3A_1848, %swap3A_1849] {strides = array<i32>} : memref<16x128xf32, #tpu.memory_space<vmem>>, vector<1x16xf32>,
    %swap3A_1851 = vector.shape_cast %swap3A_1850 : vector<1x16xf32> to vector<16xf32>
    %swap3A_1852 = vector.shape_cast %div3A_1846 : vector<16xf32> to vector<1x16xf32>
    tpu.vector_store %arg11[%swap3A_1848, %swap3A_1849], %swap3A_1852 {strides = array<i32>} : memref<16x128xf32, #tpu.memory_space<vmem>>, vector<1x16xf32>,
    %get3A_1853 = arith.constant 11 : i32
    %get3A_1854 = arith.index_cast %get3A_1853 : i32 to index
    %get3A_1855 = arith.constant 48 : index
    %get3A_1856 = tpu.vector_load %arg10[%get3A_1854, %get3A_1855] {strides = array<i32>} : memref<16x128xf32, #tpu.memory_space<vmem>>, vector<1x16xf32>,
    %get3A_1857 = vector.shape_cast %get3A_1856 : vector<1x16xf32> to vector<16xf32>
    %max3A_1858 = arith.constant 1.000000e-30 : f32
    %max3A_1859 = vector.broadcast %max3A_1858 : f32 to vector<16xf32>
    %max3A_1860 = arith.maximumf %get3A_1857, %max3A_1859 : vector<16xf32>
    %get3A_1861 = arith.constant 11 : i32
    %get3A_1862 = arith.index_cast %get3A_1861 : i32 to index
    %get3A_1863 = arith.constant 48 : index
    %get3A_1864 = tpu.vector_load %arg9[%get3A_1862, %get3A_1863] {strides = array<i32>} : memref<16x128xf32, #tpu.memory_space<vmem>>, vector<1x16xf32>,
    %get3A_1865 = vector.shape_cast %get3A_1864 : vector<1x16xf32> to vector<16xf32>
    %div3A_1866 = arith.divf %get3A_1865, %max3A_1860 : vector<16xf32>
    %swap3A_1867 = arith.constant 11 : i32
    %swap3A_1868 = arith.index_cast %swap3A_1867 : i32 to index
    %swap3A_1869 = arith.constant 48 : index
    %swap3A_1870 = tpu.vector_load %arg11[%swap3A_1868, %swap3A_1869] {strides = array<i32>} : memref<16x128xf32, #tpu.memory_space<vmem>>, vector<1x16xf32>,
    %swap3A_1871 = vector.shape_cast %swap3A_1870 : vector<1x16xf32> to vector<16xf32>
    %swap3A_1872 = vector.shape_cast %div3A_1866 : vector<16xf32> to vector<1x16xf32>
    tpu.vector_store %arg11[%swap3A_1868, %swap3A_1869], %swap3A_1872 {strides = array<i32>} : memref<16x128xf32, #tpu.memory_space<vmem>>, vector<1x16xf32>,
    %get3A_1873 = arith.constant 11 : i32
    %get3A_1874 = arith.index_cast %get3A_1873 : i32 to index
    %get3A_1875 = arith.constant 64 : index
    %get3A_1876 = tpu.vector_load %arg10[%get3A_1874, %get3A_1875] {strides = array<i32>} : memref<16x128xf32, #tpu.memory_space<vmem>>, vector<1x16xf32>,
    %get3A_1877 = vector.shape_cast %get3A_1876 : vector<1x16xf32> to vector<16xf32>
    %max3A_1878 = arith.constant 1.000000e-30 : f32
    %max3A_1879 = vector.broadcast %max3A_1878 : f32 to vector<16xf32>
    %max3A_1880 = arith.maximumf %get3A_1877, %max3A_1879 : vector<16xf32>
    %get3A_1881 = arith.constant 11 : i32
    %get3A_1882 = arith.index_cast %get3A_1881 : i32 to index
    %get3A_1883 = arith.constant 64 : index
    %get3A_1884 = tpu.vector_load %arg9[%get3A_1882, %get3A_1883] {strides = array<i32>} : memref<16x128xf32, #tpu.memory_space<vmem>>, vector<1x16xf32>,
    %get3A_1885 = vector.shape_cast %get3A_1884 : vector<1x16xf32> to vector<16xf32>
    %div3A_1886 = arith.divf %get3A_1885, %max3A_1880 : vector<16xf32>
    %swap3A_1887 = arith.constant 11 : i32
    %swap3A_1888 = arith.index_cast %swap3A_1887 : i32 to index
    %swap3A_1889 = arith.constant 64 : index
    %swap3A_1890 = tpu.vector_load %arg11[%swap3A_1888, %swap3A_1889] {strides = array<i32>} : memref<16x128xf32, #tpu.memory_space<vmem>>, vector<1x16xf32>,
    %swap3A_1891 = vector.shape_cast %swap3A_1890 : vector<1x16xf32> to vector<16xf32>
    %swap3A_1892 = vector.shape_cast %div3A_1886 : vector<16xf32> to vector<1x16xf32>
    tpu.vector_store %arg11[%swap3A_1888, %swap3A_1889], %swap3A_1892 {strides = array<i32>} : memref<16x128xf32, #tpu.memory_space<vmem>>, vector<1x16xf32>,
    %get3A_1893 = arith.constant 11 : i32
    %get3A_1894 = arith.index_cast %get3A_1893 : i32 to index
    %get3A_1895 = arith.constant 80 : index
    %get3A_1896 = tpu.vector_load %arg10[%get3A_1894, %get3A_1895] {strides = array<i32>} : memref<16x128xf32, #tpu.memory_space<vmem>>, vector<1x16xf32>,
    %get3A_1897 = vector.shape_cast %get3A_1896 : vector<1x16xf32> to vector<16xf32>
    %max3A_1898 = arith.constant 1.000000e-30 : f32
    %max3A_1899 = vector.broadcast %max3A_1898 : f32 to vector<16xf32>
    %max3A_1900 = arith.maximumf %get3A_1897, %max3A_1899 : vector<16xf32>
    %get3A_1901 = arith.constant 11 : i32
    %get3A_1902 = arith.index_cast %get3A_1901 : i32 to index
    %get3A_1903 = arith.constant 80 : index
    %get3A_1904 = tpu.vector_load %arg9[%get3A_1902, %get3A_1903] {strides = array<i32>} : memref<16x128xf32, #tpu.memory_space<vmem>>, vector<1x16xf32>,
    %get3A_1905 = vector.shape_cast %get3A_1904 : vector<1x16xf32> to vector<16xf32>
    %div3A_1906 = arith.divf %get3A_1905, %max3A_1900 : vector<16xf32>
    %swap3A_1907 = arith.constant 11 : i32
    %swap3A_1908 = arith.index_cast %swap3A_1907 : i32 to index
    %swap3A_1909 = arith.constant 80 : index
    %swap3A_1910 = tpu.vector_load %arg11[%swap3A_1908, %swap3A_1909] {strides = array<i32>} : memref<16x128xf32, #tpu.memory_space<vmem>>, vector<1x16xf32>,
    %swap3A_1911 = vector.shape_cast %swap3A_1910 : vector<1x16xf32> to vector<16xf32>
    %swap3A_1912 = vector.shape_cast %div3A_1906 : vector<16xf32> to vector<1x16xf32>
    tpu.vector_store %arg11[%swap3A_1908, %swap3A_1909], %swap3A_1912 {strides = array<i32>} : memref<16x128xf32, #tpu.memory_space<vmem>>, vector<1x16xf32>,
    %get3A_1913 = arith.constant 11 : i32
    %get3A_1914 = arith.index_cast %get3A_1913 : i32 to index
    %get3A_1915 = arith.constant 96 : index
    %get3A_1916 = tpu.vector_load %arg10[%get3A_1914, %get3A_1915] {strides = array<i32>} : memref<16x128xf32, #tpu.memory_space<vmem>>, vector<1x16xf32>,
    %get3A_1917 = vector.shape_cast %get3A_1916 : vector<1x16xf32> to vector<16xf32>
    %max3A_1918 = arith.constant 1.000000e-30 : f32
    %max3A_1919 = vector.broadcast %max3A_1918 : f32 to vector<16xf32>
    %max3A_1920 = arith.maximumf %get3A_1917, %max3A_1919 : vector<16xf32>
    %get3A_1921 = arith.constant 11 : i32
    %get3A_1922 = arith.index_cast %get3A_1921 : i32 to index
    %get3A_1923 = arith.constant 96 : index
    %get3A_1924 = tpu.vector_load %arg9[%get3A_1922, %get3A_1923] {strides = array<i32>} : memref<16x128xf32, #tpu.memory_space<vmem>>, vector<1x16xf32>,
    %get3A_1925 = vector.shape_cast %get3A_1924 : vector<1x16xf32> to vector<16xf32>
    %div3A_1926 = arith.divf %get3A_1925, %max3A_1920 : vector<16xf32>
    %swap3A_1927 = arith.constant 11 : i32
    %swap3A_1928 = arith.index_cast %swap3A_1927 : i32 to index
    %swap3A_1929 = arith.constant 96 : index
    %swap3A_1930 = tpu.vector_load %arg11[%swap3A_1928, %swap3A_1929] {strides = array<i32>} : memref<16x128xf32, #tpu.memory_space<vmem>>, vector<1x16xf32>,
    %swap3A_1931 = vector.shape_cast %swap3A_1930 : vector<1x16xf32> to vector<16xf32>
    %swap3A_1932 = vector.shape_cast %div3A_1926 : vector<16xf32> to vector<1x16xf32>
    tpu.vector_store %arg11[%swap3A_1928, %swap3A_1929], %swap3A_1932 {strides = array<i32>} : memref<16x128xf32, #tpu.memory_space<vmem>>, vector<1x16xf32>,
    %get3A_1933 = arith.constant 11 : i32
    %get3A_1934 = arith.index_cast %get3A_1933 : i32 to index
    %get3A_1935 = arith.constant 112 : index
    %get3A_1936 = tpu.vector_load %arg10[%get3A_1934, %get3A_1935] {strides = array<i32>} : memref<16x128xf32, #tpu.memory_space<vmem>>, vector<1x16xf32>,
    %get3A_1937 = vector.shape_cast %get3A_1936 : vector<1x16xf32> to vector<16xf32>
    %max3A_1938 = arith.constant 1.000000e-30 : f32
    %max3A_1939 = vector.broadcast %max3A_1938 : f32 to vector<16xf32>
    %max3A_1940 = arith.maximumf %get3A_1937, %max3A_1939 : vector<16xf32>
    %get3A_1941 = arith.constant 11 : i32
    %get3A_1942 = arith.index_cast %get3A_1941 : i32 to index
    %get3A_1943 = arith.constant 112 : index
    %get3A_1944 = tpu.vector_load %arg9[%get3A_1942, %get3A_1943] {strides = array<i32>} : memref<16x128xf32, #tpu.memory_space<vmem>>, vector<1x16xf32>,
    %get3A_1945 = vector.shape_cast %get3A_1944 : vector<1x16xf32> to vector<16xf32>
    %div3A_1946 = arith.divf %get3A_1945, %max3A_1940 : vector<16xf32>
    %swap3A_1947 = arith.constant 11 : i32
    %swap3A_1948 = arith.index_cast %swap3A_1947 : i32 to index
    %swap3A_1949 = arith.constant 112 : index
    %swap3A_1950 = tpu.vector_load %arg11[%swap3A_1948, %swap3A_1949] {strides = array<i32>} : memref<16x128xf32, #tpu.memory_space<vmem>>, vector<1x16xf32>,
    %swap3A_1951 = vector.shape_cast %swap3A_1950 : vector<1x16xf32> to vector<16xf32>
    %swap3A_1952 = vector.shape_cast %div3A_1946 : vector<16xf32> to vector<1x16xf32>
    tpu.vector_store %arg11[%swap3A_1948, %swap3A_1949], %swap3A_1952 {strides = array<i32>} : memref<16x128xf32, #tpu.memory_space<vmem>>, vector<1x16xf32>,
    %get3A_1953 = arith.constant 12 : i32
    %get3A_1954 = arith.index_cast %get3A_1953 : i32 to index
    %get3A_1955 = arith.constant 0 : index
    %get3A_1956 = tpu.vector_load %arg10[%get3A_1954, %get3A_1955] {strides = array<i32>} : memref<16x128xf32, #tpu.memory_space<vmem>>, vector<1x16xf32>,
    %get3A_1957 = vector.shape_cast %get3A_1956 : vector<1x16xf32> to vector<16xf32>
    %max3A_1958 = arith.constant 1.000000e-30 : f32
    %max3A_1959 = vector.broadcast %max3A_1958 : f32 to vector<16xf32>
    %max3A_1960 = arith.maximumf %get3A_1957, %max3A_1959 : vector<16xf32>
    %get3A_1961 = arith.constant 12 : i32
    %get3A_1962 = arith.index_cast %get3A_1961 : i32 to index
    %get3A_1963 = arith.constant 0 : index
    %get3A_1964 = tpu.vector_load %arg9[%get3A_1962, %get3A_1963] {strides = array<i32>} : memref<16x128xf32, #tpu.memory_space<vmem>>, vector<1x16xf32>,
    %get3A_1965 = vector.shape_cast %get3A_1964 : vector<1x16xf32> to vector<16xf32>
    %div3A_1966 = arith.divf %get3A_1965, %max3A_1960 : vector<16xf32>
    %swap3A_1967 = arith.constant 12 : i32
    %swap3A_1968 = arith.index_cast %swap3A_1967 : i32 to index
    %swap3A_1969 = arith.constant 0 : index
    %swap3A_1970 = tpu.vector_load %arg11[%swap3A_1968, %swap3A_1969] {strides = array<i32>} : memref<16x128xf32, #tpu.memory_space<vmem>>, vector<1x16xf32>,
    %swap3A_1971 = vector.shape_cast %swap3A_1970 : vector<1x16xf32> to vector<16xf32>
    %swap3A_1972 = vector.shape_cast %div3A_1966 : vector<16xf32> to vector<1x16xf32>
    tpu.vector_store %arg11[%swap3A_1968, %swap3A_1969], %swap3A_1972 {strides = array<i32>} : memref<16x128xf32, #tpu.memory_space<vmem>>, vector<1x16xf32>,
    %get3A_1973 = arith.constant 12 : i32
    %get3A_1974 = arith.index_cast %get3A_1973 : i32 to index
    %get3A_1975 = arith.constant 16 : index
    %get3A_1976 = tpu.vector_load %arg10[%get3A_1974, %get3A_1975] {strides = array<i32>} : memref<16x128xf32, #tpu.memory_space<vmem>>, vector<1x16xf32>,
    %get3A_1977 = vector.shape_cast %get3A_1976 : vector<1x16xf32> to vector<16xf32>
    %max3A_1978 = arith.constant 1.000000e-30 : f32
    %max3A_1979 = vector.broadcast %max3A_1978 : f32 to vector<16xf32>
    %max3A_1980 = arith.maximumf %get3A_1977, %max3A_1979 : vector<16xf32>
    %get3A_1981 = arith.constant 12 : i32
    %get3A_1982 = arith.index_cast %get3A_1981 : i32 to index
    %get3A_1983 = arith.constant 16 : index
    %get3A_1984 = tpu.vector_load %arg9[%get3A_1982, %get3A_1983] {strides = array<i32>} : memref<16x128xf32, #tpu.memory_space<vmem>>, vector<1x16xf32>,
    %get3A_1985 = vector.shape_cast %get3A_1984 : vector<1x16xf32> to vector<16xf32>
    %div3A_1986 = arith.divf %get3A_1985, %max3A_1980 : vector<16xf32>
    %swap3A_1987 = arith.constant 12 : i32
    %swap3A_1988 = arith.index_cast %swap3A_1987 : i32 to index
    %swap3A_1989 = arith.constant 16 : index
    %swap3A_1990 = tpu.vector_load %arg11[%swap3A_1988, %swap3A_1989] {strides = array<i32>} : memref<16x128xf32, #tpu.memory_space<vmem>>, vector<1x16xf32>,
    %swap3A_1991 = vector.shape_cast %swap3A_1990 : vector<1x16xf32> to vector<16xf32>
    %swap3A_1992 = vector.shape_cast %div3A_1986 : vector<16xf32> to vector<1x16xf32>
    tpu.vector_store %arg11[%swap3A_1988, %swap3A_1989], %swap3A_1992 {strides = array<i32>} : memref<16x128xf32, #tpu.memory_space<vmem>>, vector<1x16xf32>,
    %get3A_1993 = arith.constant 12 : i32
    %get3A_1994 = arith.index_cast %get3A_1993 : i32 to index
    %get3A_1995 = arith.constant 32 : index
    %get3A_1996 = tpu.vector_load %arg10[%get3A_1994, %get3A_1995] {strides = array<i32>} : memref<16x128xf32, #tpu.memory_space<vmem>>, vector<1x16xf32>,
    %get3A_1997 = vector.shape_cast %get3A_1996 : vector<1x16xf32> to vector<16xf32>
    %max3A_1998 = arith.constant 1.000000e-30 : f32
    %max3A_1999 = vector.broadcast %max3A_1998 : f32 to vector<16xf32>
    %max3A_2000 = arith.maximumf %get3A_1997, %max3A_1999 : vector<16xf32>
    %get3A_2001 = arith.constant 12 : i32
    %get3A_2002 = arith.index_cast %get3A_2001 : i32 to index
    %get3A_2003 = arith.constant 32 : index
    %get3A_2004 = tpu.vector_load %arg9[%get3A_2002, %get3A_2003] {strides = array<i32>} : memref<16x128xf32, #tpu.memory_space<vmem>>, vector<1x16xf32>,
    %get3A_2005 = vector.shape_cast %get3A_2004 : vector<1x16xf32> to vector<16xf32>
    %div3A_2006 = arith.divf %get3A_2005, %max3A_2000 : vector<16xf32>
    %swap3A_2007 = arith.constant 12 : i32
    %swap3A_2008 = arith.index_cast %swap3A_2007 : i32 to index
    %swap3A_2009 = arith.constant 32 : index
    %swap3A_2010 = tpu.vector_load %arg11[%swap3A_2008, %swap3A_2009] {strides = array<i32>} : memref<16x128xf32, #tpu.memory_space<vmem>>, vector<1x16xf32>,
    %swap3A_2011 = vector.shape_cast %swap3A_2010 : vector<1x16xf32> to vector<16xf32>
    %swap3A_2012 = vector.shape_cast %div3A_2006 : vector<16xf32> to vector<1x16xf32>
    tpu.vector_store %arg11[%swap3A_2008, %swap3A_2009], %swap3A_2012 {strides = array<i32>} : memref<16x128xf32, #tpu.memory_space<vmem>>, vector<1x16xf32>,
    %get3A_2013 = arith.constant 12 : i32
    %get3A_2014 = arith.index_cast %get3A_2013 : i32 to index
    %get3A_2015 = arith.constant 48 : index
    %get3A_2016 = tpu.vector_load %arg10[%get3A_2014, %get3A_2015] {strides = array<i32>} : memref<16x128xf32, #tpu.memory_space<vmem>>, vector<1x16xf32>,
    %get3A_2017 = vector.shape_cast %get3A_2016 : vector<1x16xf32> to vector<16xf32>
    %max3A_2018 = arith.constant 1.000000e-30 : f32
    %max3A_2019 = vector.broadcast %max3A_2018 : f32 to vector<16xf32>
    %max3A_2020 = arith.maximumf %get3A_2017, %max3A_2019 : vector<16xf32>
    %get3A_2021 = arith.constant 12 : i32
    %get3A_2022 = arith.index_cast %get3A_2021 : i32 to index
    %get3A_2023 = arith.constant 48 : index
    %get3A_2024 = tpu.vector_load %arg9[%get3A_2022, %get3A_2023] {strides = array<i32>} : memref<16x128xf32, #tpu.memory_space<vmem>>, vector<1x16xf32>,
    %get3A_2025 = vector.shape_cast %get3A_2024 : vector<1x16xf32> to vector<16xf32>
    %div3A_2026 = arith.divf %get3A_2025, %max3A_2020 : vector<16xf32>
    %swap3A_2027 = arith.constant 12 : i32
    %swap3A_2028 = arith.index_cast %swap3A_2027 : i32 to index
    %swap3A_2029 = arith.constant 48 : index
    %swap3A_2030 = tpu.vector_load %arg11[%swap3A_2028, %swap3A_2029] {strides = array<i32>} : memref<16x128xf32, #tpu.memory_space<vmem>>, vector<1x16xf32>,
    %swap3A_2031 = vector.shape_cast %swap3A_2030 : vector<1x16xf32> to vector<16xf32>
    %swap3A_2032 = vector.shape_cast %div3A_2026 : vector<16xf32> to vector<1x16xf32>
    tpu.vector_store %arg11[%swap3A_2028, %swap3A_2029], %swap3A_2032 {strides = array<i32>} : memref<16x128xf32, #tpu.memory_space<vmem>>, vector<1x16xf32>,
    %get3A_2033 = arith.constant 12 : i32
    %get3A_2034 = arith.index_cast %get3A_2033 : i32 to index
    %get3A_2035 = arith.constant 64 : index
    %get3A_2036 = tpu.vector_load %arg10[%get3A_2034, %get3A_2035] {strides = array<i32>} : memref<16x128xf32, #tpu.memory_space<vmem>>, vector<1x16xf32>,
    %get3A_2037 = vector.shape_cast %get3A_2036 : vector<1x16xf32> to vector<16xf32>
    %max3A_2038 = arith.constant 1.000000e-30 : f32
    %max3A_2039 = vector.broadcast %max3A_2038 : f32 to vector<16xf32>
    %max3A_2040 = arith.maximumf %get3A_2037, %max3A_2039 : vector<16xf32>
    %get3A_2041 = arith.constant 12 : i32
    %get3A_2042 = arith.index_cast %get3A_2041 : i32 to index
    %get3A_2043 = arith.constant 64 : index
    %get3A_2044 = tpu.vector_load %arg9[%get3A_2042, %get3A_2043] {strides = array<i32>} : memref<16x128xf32, #tpu.memory_space<vmem>>, vector<1x16xf32>,
    %get3A_2045 = vector.shape_cast %get3A_2044 : vector<1x16xf32> to vector<16xf32>
    %div3A_2046 = arith.divf %get3A_2045, %max3A_2040 : vector<16xf32>
    %swap3A_2047 = arith.constant 12 : i32
    %swap3A_2048 = arith.index_cast %swap3A_2047 : i32 to index
    %swap3A_2049 = arith.constant 64 : index
    %swap3A_2050 = tpu.vector_load %arg11[%swap3A_2048, %swap3A_2049] {strides = array<i32>} : memref<16x128xf32, #tpu.memory_space<vmem>>, vector<1x16xf32>,
    %swap3A_2051 = vector.shape_cast %swap3A_2050 : vector<1x16xf32> to vector<16xf32>
    %swap3A_2052 = vector.shape_cast %div3A_2046 : vector<16xf32> to vector<1x16xf32>
    tpu.vector_store %arg11[%swap3A_2048, %swap3A_2049], %swap3A_2052 {strides = array<i32>} : memref<16x128xf32, #tpu.memory_space<vmem>>, vector<1x16xf32>,
    %get3A_2053 = arith.constant 12 : i32
    %get3A_2054 = arith.index_cast %get3A_2053 : i32 to index
    %get3A_2055 = arith.constant 80 : index
    %get3A_2056 = tpu.vector_load %arg10[%get3A_2054, %get3A_2055] {strides = array<i32>} : memref<16x128xf32, #tpu.memory_space<vmem>>, vector<1x16xf32>,
    %get3A_2057 = vector.shape_cast %get3A_2056 : vector<1x16xf32> to vector<16xf32>
    %max3A_2058 = arith.constant 1.000000e-30 : f32
    %max3A_2059 = vector.broadcast %max3A_2058 : f32 to vector<16xf32>
    %max3A_2060 = arith.maximumf %get3A_2057, %max3A_2059 : vector<16xf32>
    %get3A_2061 = arith.constant 12 : i32
    %get3A_2062 = arith.index_cast %get3A_2061 : i32 to index
    %get3A_2063 = arith.constant 80 : index
    %get3A_2064 = tpu.vector_load %arg9[%get3A_2062, %get3A_2063] {strides = array<i32>} : memref<16x128xf32, #tpu.memory_space<vmem>>, vector<1x16xf32>,
    %get3A_2065 = vector.shape_cast %get3A_2064 : vector<1x16xf32> to vector<16xf32>
    %div3A_2066 = arith.divf %get3A_2065, %max3A_2060 : vector<16xf32>
    %swap3A_2067 = arith.constant 12 : i32
    %swap3A_2068 = arith.index_cast %swap3A_2067 : i32 to index
    %swap3A_2069 = arith.constant 80 : index
    %swap3A_2070 = tpu.vector_load %arg11[%swap3A_2068, %swap3A_2069] {strides = array<i32>} : memref<16x128xf32, #tpu.memory_space<vmem>>, vector<1x16xf32>,
    %swap3A_2071 = vector.shape_cast %swap3A_2070 : vector<1x16xf32> to vector<16xf32>
    %swap3A_2072 = vector.shape_cast %div3A_2066 : vector<16xf32> to vector<1x16xf32>
    tpu.vector_store %arg11[%swap3A_2068, %swap3A_2069], %swap3A_2072 {strides = array<i32>} : memref<16x128xf32, #tpu.memory_space<vmem>>, vector<1x16xf32>,
    %get3A_2073 = arith.constant 12 : i32
    %get3A_2074 = arith.index_cast %get3A_2073 : i32 to index
    %get3A_2075 = arith.constant 96 : index
    %get3A_2076 = tpu.vector_load %arg10[%get3A_2074, %get3A_2075] {strides = array<i32>} : memref<16x128xf32, #tpu.memory_space<vmem>>, vector<1x16xf32>,
    %get3A_2077 = vector.shape_cast %get3A_2076 : vector<1x16xf32> to vector<16xf32>
    %max3A_2078 = arith.constant 1.000000e-30 : f32
    %max3A_2079 = vector.broadcast %max3A_2078 : f32 to vector<16xf32>
    %max3A_2080 = arith.maximumf %get3A_2077, %max3A_2079 : vector<16xf32>
    %get3A_2081 = arith.constant 12 : i32
    %get3A_2082 = arith.index_cast %get3A_2081 : i32 to index
    %get3A_2083 = arith.constant 96 : index
    %get3A_2084 = tpu.vector_load %arg9[%get3A_2082, %get3A_2083] {strides = array<i32>} : memref<16x128xf32, #tpu.memory_space<vmem>>, vector<1x16xf32>,
    %get3A_2085 = vector.shape_cast %get3A_2084 : vector<1x16xf32> to vector<16xf32>
    %div3A_2086 = arith.divf %get3A_2085, %max3A_2080 : vector<16xf32>
    %swap3A_2087 = arith.constant 12 : i32
    %swap3A_2088 = arith.index_cast %swap3A_2087 : i32 to index
    %swap3A_2089 = arith.constant 96 : index
    %swap3A_2090 = tpu.vector_load %arg11[%swap3A_2088, %swap3A_2089] {strides = array<i32>} : memref<16x128xf32, #tpu.memory_space<vmem>>, vector<1x16xf32>,
    %swap3A_2091 = vector.shape_cast %swap3A_2090 : vector<1x16xf32> to vector<16xf32>
    %swap3A_2092 = vector.shape_cast %div3A_2086 : vector<16xf32> to vector<1x16xf32>
    tpu.vector_store %arg11[%swap3A_2088, %swap3A_2089], %swap3A_2092 {strides = array<i32>} : memref<16x128xf32, #tpu.memory_space<vmem>>, vector<1x16xf32>,
    %get3A_2093 = arith.constant 12 : i32
    %get3A_2094 = arith.index_cast %get3A_2093 : i32 to index
    %get3A_2095 = arith.constant 112 : index
    %get3A_2096 = tpu.vector_load %arg10[%get3A_2094, %get3A_2095] {strides = array<i32>} : memref<16x128xf32, #tpu.memory_space<vmem>>, vector<1x16xf32>,
    %get3A_2097 = vector.shape_cast %get3A_2096 : vector<1x16xf32> to vector<16xf32>
    %max3A_2098 = arith.constant 1.000000e-30 : f32
    %max3A_2099 = vector.broadcast %max3A_2098 : f32 to vector<16xf32>
    %max3A_2100 = arith.maximumf %get3A_2097, %max3A_2099 : vector<16xf32>
    %get3A_2101 = arith.constant 12 : i32
    %get3A_2102 = arith.index_cast %get3A_2101 : i32 to index
    %get3A_2103 = arith.constant 112 : index
    %get3A_2104 = tpu.vector_load %arg9[%get3A_2102, %get3A_2103] {strides = array<i32>} : memref<16x128xf32, #tpu.memory_space<vmem>>, vector<1x16xf32>,
    %get3A_2105 = vector.shape_cast %get3A_2104 : vector<1x16xf32> to vector<16xf32>
    %div3A_2106 = arith.divf %get3A_2105, %max3A_2100 : vector<16xf32>
    %swap3A_2107 = arith.constant 12 : i32
    %swap3A_2108 = arith.index_cast %swap3A_2107 : i32 to index
    %swap3A_2109 = arith.constant 112 : index
    %swap3A_2110 = tpu.vector_load %arg11[%swap3A_2108, %swap3A_2109] {strides = array<i32>} : memref<16x128xf32, #tpu.memory_space<vmem>>, vector<1x16xf32>,
    %swap3A_2111 = vector.shape_cast %swap3A_2110 : vector<1x16xf32> to vector<16xf32>
    %swap3A_2112 = vector.shape_cast %div3A_2106 : vector<16xf32> to vector<1x16xf32>
    tpu.vector_store %arg11[%swap3A_2108, %swap3A_2109], %swap3A_2112 {strides = array<i32>} : memref<16x128xf32, #tpu.memory_space<vmem>>, vector<1x16xf32>,
    %get3A_2113 = arith.constant 13 : i32
    %get3A_2114 = arith.index_cast %get3A_2113 : i32 to index
    %get3A_2115 = arith.constant 0 : index
    %get3A_2116 = tpu.vector_load %arg10[%get3A_2114, %get3A_2115] {strides = array<i32>} : memref<16x128xf32, #tpu.memory_space<vmem>>, vector<1x16xf32>,
    %get3A_2117 = vector.shape_cast %get3A_2116 : vector<1x16xf32> to vector<16xf32>
    %max3A_2118 = arith.constant 1.000000e-30 : f32
    %max3A_2119 = vector.broadcast %max3A_2118 : f32 to vector<16xf32>
    %max3A_2120 = arith.maximumf %get3A_2117, %max3A_2119 : vector<16xf32>
    %get3A_2121 = arith.constant 13 : i32
    %get3A_2122 = arith.index_cast %get3A_2121 : i32 to index
    %get3A_2123 = arith.constant 0 : index
    %get3A_2124 = tpu.vector_load %arg9[%get3A_2122, %get3A_2123] {strides = array<i32>} : memref<16x128xf32, #tpu.memory_space<vmem>>, vector<1x16xf32>,
    %get3A_2125 = vector.shape_cast %get3A_2124 : vector<1x16xf32> to vector<16xf32>
    %div3A_2126 = arith.divf %get3A_2125, %max3A_2120 : vector<16xf32>
    %swap3A_2127 = arith.constant 13 : i32
    %swap3A_2128 = arith.index_cast %swap3A_2127 : i32 to index
    %swap3A_2129 = arith.constant 0 : index
    %swap3A_2130 = tpu.vector_load %arg11[%swap3A_2128, %swap3A_2129] {strides = array<i32>} : memref<16x128xf32, #tpu.memory_space<vmem>>, vector<1x16xf32>,
    %swap3A_2131 = vector.shape_cast %swap3A_2130 : vector<1x16xf32> to vector<16xf32>
    %swap3A_2132 = vector.shape_cast %div3A_2126 : vector<16xf32> to vector<1x16xf32>
    tpu.vector_store %arg11[%swap3A_2128, %swap3A_2129], %swap3A_2132 {strides = array<i32>} : memref<16x128xf32, #tpu.memory_space<vmem>>, vector<1x16xf32>,
    %get3A_2133 = arith.constant 13 : i32
    %get3A_2134 = arith.index_cast %get3A_2133 : i32 to index
    %get3A_2135 = arith.constant 16 : index
    %get3A_2136 = tpu.vector_load %arg10[%get3A_2134, %get3A_2135] {strides = array<i32>} : memref<16x128xf32, #tpu.memory_space<vmem>>, vector<1x16xf32>,
    %get3A_2137 = vector.shape_cast %get3A_2136 : vector<1x16xf32> to vector<16xf32>
    %max3A_2138 = arith.constant 1.000000e-30 : f32
    %max3A_2139 = vector.broadcast %max3A_2138 : f32 to vector<16xf32>
    %max3A_2140 = arith.maximumf %get3A_2137, %max3A_2139 : vector<16xf32>
    %get3A_2141 = arith.constant 13 : i32
    %get3A_2142 = arith.index_cast %get3A_2141 : i32 to index
    %get3A_2143 = arith.constant 16 : index
    %get3A_2144 = tpu.vector_load %arg9[%get3A_2142, %get3A_2143] {strides = array<i32>} : memref<16x128xf32, #tpu.memory_space<vmem>>, vector<1x16xf32>,
    %get3A_2145 = vector.shape_cast %get3A_2144 : vector<1x16xf32> to vector<16xf32>
    %div3A_2146 = arith.divf %get3A_2145, %max3A_2140 : vector<16xf32>
    %swap3A_2147 = arith.constant 13 : i32
    %swap3A_2148 = arith.index_cast %swap3A_2147 : i32 to index
    %swap3A_2149 = arith.constant 16 : index
    %swap3A_2150 = tpu.vector_load %arg11[%swap3A_2148, %swap3A_2149] {strides = array<i32>} : memref<16x128xf32, #tpu.memory_space<vmem>>, vector<1x16xf32>,
    %swap3A_2151 = vector.shape_cast %swap3A_2150 : vector<1x16xf32> to vector<16xf32>
    %swap3A_2152 = vector.shape_cast %div3A_2146 : vector<16xf32> to vector<1x16xf32>
    tpu.vector_store %arg11[%swap3A_2148, %swap3A_2149], %swap3A_2152 {strides = array<i32>} : memref<16x128xf32, #tpu.memory_space<vmem>>, vector<1x16xf32>,
    %get3A_2153 = arith.constant 13 : i32
    %get3A_2154 = arith.index_cast %get3A_2153 : i32 to index
    %get3A_2155 = arith.constant 32 : index
    %get3A_2156 = tpu.vector_load %arg10[%get3A_2154, %get3A_2155] {strides = array<i32>} : memref<16x128xf32, #tpu.memory_space<vmem>>, vector<1x16xf32>,
    %get3A_2157 = vector.shape_cast %get3A_2156 : vector<1x16xf32> to vector<16xf32>
    %max3A_2158 = arith.constant 1.000000e-30 : f32
    %max3A_2159 = vector.broadcast %max3A_2158 : f32 to vector<16xf32>
    %max3A_2160 = arith.maximumf %get3A_2157, %max3A_2159 : vector<16xf32>
    %get3A_2161 = arith.constant 13 : i32
    %get3A_2162 = arith.index_cast %get3A_2161 : i32 to index
    %get3A_2163 = arith.constant 32 : index
    %get3A_2164 = tpu.vector_load %arg9[%get3A_2162, %get3A_2163] {strides = array<i32>} : memref<16x128xf32, #tpu.memory_space<vmem>>, vector<1x16xf32>,
    %get3A_2165 = vector.shape_cast %get3A_2164 : vector<1x16xf32> to vector<16xf32>
    %div3A_2166 = arith.divf %get3A_2165, %max3A_2160 : vector<16xf32>
    %swap3A_2167 = arith.constant 13 : i32
    %swap3A_2168 = arith.index_cast %swap3A_2167 : i32 to index
    %swap3A_2169 = arith.constant 32 : index
    %swap3A_2170 = tpu.vector_load %arg11[%swap3A_2168, %swap3A_2169] {strides = array<i32>} : memref<16x128xf32, #tpu.memory_space<vmem>>, vector<1x16xf32>,
    %swap3A_2171 = vector.shape_cast %swap3A_2170 : vector<1x16xf32> to vector<16xf32>
    %swap3A_2172 = vector.shape_cast %div3A_2166 : vector<16xf32> to vector<1x16xf32>
    tpu.vector_store %arg11[%swap3A_2168, %swap3A_2169], %swap3A_2172 {strides = array<i32>} : memref<16x128xf32, #tpu.memory_space<vmem>>, vector<1x16xf32>,
    %get3A_2173 = arith.constant 13 : i32
    %get3A_2174 = arith.index_cast %get3A_2173 : i32 to index
    %get3A_2175 = arith.constant 48 : index
    %get3A_2176 = tpu.vector_load %arg10[%get3A_2174, %get3A_2175] {strides = array<i32>} : memref<16x128xf32, #tpu.memory_space<vmem>>, vector<1x16xf32>,
    %get3A_2177 = vector.shape_cast %get3A_2176 : vector<1x16xf32> to vector<16xf32>
    %max3A_2178 = arith.constant 1.000000e-30 : f32
    %max3A_2179 = vector.broadcast %max3A_2178 : f32 to vector<16xf32>
    %max3A_2180 = arith.maximumf %get3A_2177, %max3A_2179 : vector<16xf32>
    %get3A_2181 = arith.constant 13 : i32
    %get3A_2182 = arith.index_cast %get3A_2181 : i32 to index
    %get3A_2183 = arith.constant 48 : index
    %get3A_2184 = tpu.vector_load %arg9[%get3A_2182, %get3A_2183] {strides = array<i32>} : memref<16x128xf32, #tpu.memory_space<vmem>>, vector<1x16xf32>,
    %get3A_2185 = vector.shape_cast %get3A_2184 : vector<1x16xf32> to vector<16xf32>
    %div3A_2186 = arith.divf %get3A_2185, %max3A_2180 : vector<16xf32>
    %swap3A_2187 = arith.constant 13 : i32
    %swap3A_2188 = arith.index_cast %swap3A_2187 : i32 to index
    %swap3A_2189 = arith.constant 48 : index
    %swap3A_2190 = tpu.vector_load %arg11[%swap3A_2188, %swap3A_2189] {strides = array<i32>} : memref<16x128xf32, #tpu.memory_space<vmem>>, vector<1x16xf32>,
    %swap3A_2191 = vector.shape_cast %swap3A_2190 : vector<1x16xf32> to vector<16xf32>
    %swap3A_2192 = vector.shape_cast %div3A_2186 : vector<16xf32> to vector<1x16xf32>
    tpu.vector_store %arg11[%swap3A_2188, %swap3A_2189], %swap3A_2192 {strides = array<i32>} : memref<16x128xf32, #tpu.memory_space<vmem>>, vector<1x16xf32>,
    %get3A_2193 = arith.constant 13 : i32
    %get3A_2194 = arith.index_cast %get3A_2193 : i32 to index
    %get3A_2195 = arith.constant 64 : index
    %get3A_2196 = tpu.vector_load %arg10[%get3A_2194, %get3A_2195] {strides = array<i32>} : memref<16x128xf32, #tpu.memory_space<vmem>>, vector<1x16xf32>,
    %get3A_2197 = vector.shape_cast %get3A_2196 : vector<1x16xf32> to vector<16xf32>
    %max3A_2198 = arith.constant 1.000000e-30 : f32
    %max3A_2199 = vector.broadcast %max3A_2198 : f32 to vector<16xf32>
    %max3A_2200 = arith.maximumf %get3A_2197, %max3A_2199 : vector<16xf32>
    %get3A_2201 = arith.constant 13 : i32
    %get3A_2202 = arith.index_cast %get3A_2201 : i32 to index
    %get3A_2203 = arith.constant 64 : index
    %get3A_2204 = tpu.vector_load %arg9[%get3A_2202, %get3A_2203] {strides = array<i32>} : memref<16x128xf32, #tpu.memory_space<vmem>>, vector<1x16xf32>,
    %get3A_2205 = vector.shape_cast %get3A_2204 : vector<1x16xf32> to vector<16xf32>
    %div3A_2206 = arith.divf %get3A_2205, %max3A_2200 : vector<16xf32>
    %swap3A_2207 = arith.constant 13 : i32
    %swap3A_2208 = arith.index_cast %swap3A_2207 : i32 to index
    %swap3A_2209 = arith.constant 64 : index
    %swap3A_2210 = tpu.vector_load %arg11[%swap3A_2208, %swap3A_2209] {strides = array<i32>} : memref<16x128xf32, #tpu.memory_space<vmem>>, vector<1x16xf32>,
    %swap3A_2211 = vector.shape_cast %swap3A_2210 : vector<1x16xf32> to vector<16xf32>
    %swap3A_2212 = vector.shape_cast %div3A_2206 : vector<16xf32> to vector<1x16xf32>
    tpu.vector_store %arg11[%swap3A_2208, %swap3A_2209], %swap3A_2212 {strides = array<i32>} : memref<16x128xf32, #tpu.memory_space<vmem>>, vector<1x16xf32>,
    %get3A_2213 = arith.constant 13 : i32
    %get3A_2214 = arith.index_cast %get3A_2213 : i32 to index
    %get3A_2215 = arith.constant 80 : index
    %get3A_2216 = tpu.vector_load %arg10[%get3A_2214, %get3A_2215] {strides = array<i32>} : memref<16x128xf32, #tpu.memory_space<vmem>>, vector<1x16xf32>,
    %get3A_2217 = vector.shape_cast %get3A_2216 : vector<1x16xf32> to vector<16xf32>
    %max3A_2218 = arith.constant 1.000000e-30 : f32
    %max3A_2219 = vector.broadcast %max3A_2218 : f32 to vector<16xf32>
    %max3A_2220 = arith.maximumf %get3A_2217, %max3A_2219 : vector<16xf32>
    %get3A_2221 = arith.constant 13 : i32
    %get3A_2222 = arith.index_cast %get3A_2221 : i32 to index
    %get3A_2223 = arith.constant 80 : index
    %get3A_2224 = tpu.vector_load %arg9[%get3A_2222, %get3A_2223] {strides = array<i32>} : memref<16x128xf32, #tpu.memory_space<vmem>>, vector<1x16xf32>,
    %get3A_2225 = vector.shape_cast %get3A_2224 : vector<1x16xf32> to vector<16xf32>
    %div3A_2226 = arith.divf %get3A_2225, %max3A_2220 : vector<16xf32>
    %swap3A_2227 = arith.constant 13 : i32
    %swap3A_2228 = arith.index_cast %swap3A_2227 : i32 to index
    %swap3A_2229 = arith.constant 80 : index
    %swap3A_2230 = tpu.vector_load %arg11[%swap3A_2228, %swap3A_2229] {strides = array<i32>} : memref<16x128xf32, #tpu.memory_space<vmem>>, vector<1x16xf32>,
    %swap3A_2231 = vector.shape_cast %swap3A_2230 : vector<1x16xf32> to vector<16xf32>
    %swap3A_2232 = vector.shape_cast %div3A_2226 : vector<16xf32> to vector<1x16xf32>
    tpu.vector_store %arg11[%swap3A_2228, %swap3A_2229], %swap3A_2232 {strides = array<i32>} : memref<16x128xf32, #tpu.memory_space<vmem>>, vector<1x16xf32>,
    %get3A_2233 = arith.constant 13 : i32
    %get3A_2234 = arith.index_cast %get3A_2233 : i32 to index
    %get3A_2235 = arith.constant 96 : index
    %get3A_2236 = tpu.vector_load %arg10[%get3A_2234, %get3A_2235] {strides = array<i32>} : memref<16x128xf32, #tpu.memory_space<vmem>>, vector<1x16xf32>,
    %get3A_2237 = vector.shape_cast %get3A_2236 : vector<1x16xf32> to vector<16xf32>
    %max3A_2238 = arith.constant 1.000000e-30 : f32
    %max3A_2239 = vector.broadcast %max3A_2238 : f32 to vector<16xf32>
    %max3A_2240 = arith.maximumf %get3A_2237, %max3A_2239 : vector<16xf32>
    %get3A_2241 = arith.constant 13 : i32
    %get3A_2242 = arith.index_cast %get3A_2241 : i32 to index
    %get3A_2243 = arith.constant 96 : index
    %get3A_2244 = tpu.vector_load %arg9[%get3A_2242, %get3A_2243] {strides = array<i32>} : memref<16x128xf32, #tpu.memory_space<vmem>>, vector<1x16xf32>,
    %get3A_2245 = vector.shape_cast %get3A_2244 : vector<1x16xf32> to vector<16xf32>
    %div3A_2246 = arith.divf %get3A_2245, %max3A_2240 : vector<16xf32>
    %swap3A_2247 = arith.constant 13 : i32
    %swap3A_2248 = arith.index_cast %swap3A_2247 : i32 to index
    %swap3A_2249 = arith.constant 96 : index
    %swap3A_2250 = tpu.vector_load %arg11[%swap3A_2248, %swap3A_2249] {strides = array<i32>} : memref<16x128xf32, #tpu.memory_space<vmem>>, vector<1x16xf32>,
    %swap3A_2251 = vector.shape_cast %swap3A_2250 : vector<1x16xf32> to vector<16xf32>
    %swap3A_2252 = vector.shape_cast %div3A_2246 : vector<16xf32> to vector<1x16xf32>
    tpu.vector_store %arg11[%swap3A_2248, %swap3A_2249], %swap3A_2252 {strides = array<i32>} : memref<16x128xf32, #tpu.memory_space<vmem>>, vector<1x16xf32>,
    %get3A_2253 = arith.constant 13 : i32
    %get3A_2254 = arith.index_cast %get3A_2253 : i32 to index
    %get3A_2255 = arith.constant 112 : index
    %get3A_2256 = tpu.vector_load %arg10[%get3A_2254, %get3A_2255] {strides = array<i32>} : memref<16x128xf32, #tpu.memory_space<vmem>>, vector<1x16xf32>,
    %get3A_2257 = vector.shape_cast %get3A_2256 : vector<1x16xf32> to vector<16xf32>
    %max3A_2258 = arith.constant 1.000000e-30 : f32
    %max3A_2259 = vector.broadcast %max3A_2258 : f32 to vector<16xf32>
    %max3A_2260 = arith.maximumf %get3A_2257, %max3A_2259 : vector<16xf32>
    %get3A_2261 = arith.constant 13 : i32
    %get3A_2262 = arith.index_cast %get3A_2261 : i32 to index
    %get3A_2263 = arith.constant 112 : index
    %get3A_2264 = tpu.vector_load %arg9[%get3A_2262, %get3A_2263] {strides = array<i32>} : memref<16x128xf32, #tpu.memory_space<vmem>>, vector<1x16xf32>,
    %get3A_2265 = vector.shape_cast %get3A_2264 : vector<1x16xf32> to vector<16xf32>
    %div3A_2266 = arith.divf %get3A_2265, %max3A_2260 : vector<16xf32>
    %swap3A_2267 = arith.constant 13 : i32
    %swap3A_2268 = arith.index_cast %swap3A_2267 : i32 to index
    %swap3A_2269 = arith.constant 112 : index
    %swap3A_2270 = tpu.vector_load %arg11[%swap3A_2268, %swap3A_2269] {strides = array<i32>} : memref<16x128xf32, #tpu.memory_space<vmem>>, vector<1x16xf32>,
    %swap3A_2271 = vector.shape_cast %swap3A_2270 : vector<1x16xf32> to vector<16xf32>
    %swap3A_2272 = vector.shape_cast %div3A_2266 : vector<16xf32> to vector<1x16xf32>
    tpu.vector_store %arg11[%swap3A_2268, %swap3A_2269], %swap3A_2272 {strides = array<i32>} : memref<16x128xf32, #tpu.memory_space<vmem>>, vector<1x16xf32>,
    %get3A_2273 = arith.constant 14 : i32
    %get3A_2274 = arith.index_cast %get3A_2273 : i32 to index
    %get3A_2275 = arith.constant 0 : index
    %get3A_2276 = tpu.vector_load %arg10[%get3A_2274, %get3A_2275] {strides = array<i32>} : memref<16x128xf32, #tpu.memory_space<vmem>>, vector<1x16xf32>,
    %get3A_2277 = vector.shape_cast %get3A_2276 : vector<1x16xf32> to vector<16xf32>
    %max3A_2278 = arith.constant 1.000000e-30 : f32
    %max3A_2279 = vector.broadcast %max3A_2278 : f32 to vector<16xf32>
    %max3A_2280 = arith.maximumf %get3A_2277, %max3A_2279 : vector<16xf32>
    %get3A_2281 = arith.constant 14 : i32
    %get3A_2282 = arith.index_cast %get3A_2281 : i32 to index
    %get3A_2283 = arith.constant 0 : index
    %get3A_2284 = tpu.vector_load %arg9[%get3A_2282, %get3A_2283] {strides = array<i32>} : memref<16x128xf32, #tpu.memory_space<vmem>>, vector<1x16xf32>,
    %get3A_2285 = vector.shape_cast %get3A_2284 : vector<1x16xf32> to vector<16xf32>
    %div3A_2286 = arith.divf %get3A_2285, %max3A_2280 : vector<16xf32>
    %swap3A_2287 = arith.constant 14 : i32
    %swap3A_2288 = arith.index_cast %swap3A_2287 : i32 to index
    %swap3A_2289 = arith.constant 0 : index
    %swap3A_2290 = tpu.vector_load %arg11[%swap3A_2288, %swap3A_2289] {strides = array<i32>} : memref<16x128xf32, #tpu.memory_space<vmem>>, vector<1x16xf32>,
    %swap3A_2291 = vector.shape_cast %swap3A_2290 : vector<1x16xf32> to vector<16xf32>
    %swap3A_2292 = vector.shape_cast %div3A_2286 : vector<16xf32> to vector<1x16xf32>
    tpu.vector_store %arg11[%swap3A_2288, %swap3A_2289], %swap3A_2292 {strides = array<i32>} : memref<16x128xf32, #tpu.memory_space<vmem>>, vector<1x16xf32>,
    %get3A_2293 = arith.constant 14 : i32
    %get3A_2294 = arith.index_cast %get3A_2293 : i32 to index
    %get3A_2295 = arith.constant 16 : index
    %get3A_2296 = tpu.vector_load %arg10[%get3A_2294, %get3A_2295] {strides = array<i32>} : memref<16x128xf32, #tpu.memory_space<vmem>>, vector<1x16xf32>,
    %get3A_2297 = vector.shape_cast %get3A_2296 : vector<1x16xf32> to vector<16xf32>
    %max3A_2298 = arith.constant 1.000000e-30 : f32
    %max3A_2299 = vector.broadcast %max3A_2298 : f32 to vector<16xf32>
    %max3A_2300 = arith.maximumf %get3A_2297, %max3A_2299 : vector<16xf32>
    %get3A_2301 = arith.constant 14 : i32
    %get3A_2302 = arith.index_cast %get3A_2301 : i32 to index
    %get3A_2303 = arith.constant 16 : index
    %get3A_2304 = tpu.vector_load %arg9[%get3A_2302, %get3A_2303] {strides = array<i32>} : memref<16x128xf32, #tpu.memory_space<vmem>>, vector<1x16xf32>,
    %get3A_2305 = vector.shape_cast %get3A_2304 : vector<1x16xf32> to vector<16xf32>
    %div3A_2306 = arith.divf %get3A_2305, %max3A_2300 : vector<16xf32>
    %swap3A_2307 = arith.constant 14 : i32
    %swap3A_2308 = arith.index_cast %swap3A_2307 : i32 to index
    %swap3A_2309 = arith.constant 16 : index
    %swap3A_2310 = tpu.vector_load %arg11[%swap3A_2308, %swap3A_2309] {strides = array<i32>} : memref<16x128xf32, #tpu.memory_space<vmem>>, vector<1x16xf32>,
    %swap3A_2311 = vector.shape_cast %swap3A_2310 : vector<1x16xf32> to vector<16xf32>
    %swap3A_2312 = vector.shape_cast %div3A_2306 : vector<16xf32> to vector<1x16xf32>
    tpu.vector_store %arg11[%swap3A_2308, %swap3A_2309], %swap3A_2312 {strides = array<i32>} : memref<16x128xf32, #tpu.memory_space<vmem>>, vector<1x16xf32>,
    %get3A_2313 = arith.constant 14 : i32
    %get3A_2314 = arith.index_cast %get3A_2313 : i32 to index
    %get3A_2315 = arith.constant 32 : index
    %get3A_2316 = tpu.vector_load %arg10[%get3A_2314, %get3A_2315] {strides = array<i32>} : memref<16x128xf32, #tpu.memory_space<vmem>>, vector<1x16xf32>,
    %get3A_2317 = vector.shape_cast %get3A_2316 : vector<1x16xf32> to vector<16xf32>
    %max3A_2318 = arith.constant 1.000000e-30 : f32
    %max3A_2319 = vector.broadcast %max3A_2318 : f32 to vector<16xf32>
    %max3A_2320 = arith.maximumf %get3A_2317, %max3A_2319 : vector<16xf32>
    %get3A_2321 = arith.constant 14 : i32
    %get3A_2322 = arith.index_cast %get3A_2321 : i32 to index
    %get3A_2323 = arith.constant 32 : index
    %get3A_2324 = tpu.vector_load %arg9[%get3A_2322, %get3A_2323] {strides = array<i32>} : memref<16x128xf32, #tpu.memory_space<vmem>>, vector<1x16xf32>,
    %get3A_2325 = vector.shape_cast %get3A_2324 : vector<1x16xf32> to vector<16xf32>
    %div3A_2326 = arith.divf %get3A_2325, %max3A_2320 : vector<16xf32>
    %swap3A_2327 = arith.constant 14 : i32
    %swap3A_2328 = arith.index_cast %swap3A_2327 : i32 to index
    %swap3A_2329 = arith.constant 32 : index
    %swap3A_2330 = tpu.vector_load %arg11[%swap3A_2328, %swap3A_2329] {strides = array<i32>} : memref<16x128xf32, #tpu.memory_space<vmem>>, vector<1x16xf32>,
    %swap3A_2331 = vector.shape_cast %swap3A_2330 : vector<1x16xf32> to vector<16xf32>
    %swap3A_2332 = vector.shape_cast %div3A_2326 : vector<16xf32> to vector<1x16xf32>
    tpu.vector_store %arg11[%swap3A_2328, %swap3A_2329], %swap3A_2332 {strides = array<i32>} : memref<16x128xf32, #tpu.memory_space<vmem>>, vector<1x16xf32>,
    %get3A_2333 = arith.constant 14 : i32
    %get3A_2334 = arith.index_cast %get3A_2333 : i32 to index
    %get3A_2335 = arith.constant 48 : index
    %get3A_2336 = tpu.vector_load %arg10[%get3A_2334, %get3A_2335] {strides = array<i32>} : memref<16x128xf32, #tpu.memory_space<vmem>>, vector<1x16xf32>,
    %get3A_2337 = vector.shape_cast %get3A_2336 : vector<1x16xf32> to vector<16xf32>
    %max3A_2338 = arith.constant 1.000000e-30 : f32
    %max3A_2339 = vector.broadcast %max3A_2338 : f32 to vector<16xf32>
    %max3A_2340 = arith.maximumf %get3A_2337, %max3A_2339 : vector<16xf32>
    %get3A_2341 = arith.constant 14 : i32
    %get3A_2342 = arith.index_cast %get3A_2341 : i32 to index
    %get3A_2343 = arith.constant 48 : index
    %get3A_2344 = tpu.vector_load %arg9[%get3A_2342, %get3A_2343] {strides = array<i32>} : memref<16x128xf32, #tpu.memory_space<vmem>>, vector<1x16xf32>,
    %get3A_2345 = vector.shape_cast %get3A_2344 : vector<1x16xf32> to vector<16xf32>
    %div3A_2346 = arith.divf %get3A_2345, %max3A_2340 : vector<16xf32>
    %swap3A_2347 = arith.constant 14 : i32
    %swap3A_2348 = arith.index_cast %swap3A_2347 : i32 to index
    %swap3A_2349 = arith.constant 48 : index
    %swap3A_2350 = tpu.vector_load %arg11[%swap3A_2348, %swap3A_2349] {strides = array<i32>} : memref<16x128xf32, #tpu.memory_space<vmem>>, vector<1x16xf32>,
    %swap3A_2351 = vector.shape_cast %swap3A_2350 : vector<1x16xf32> to vector<16xf32>
    %swap3A_2352 = vector.shape_cast %div3A_2346 : vector<16xf32> to vector<1x16xf32>
    tpu.vector_store %arg11[%swap3A_2348, %swap3A_2349], %swap3A_2352 {strides = array<i32>} : memref<16x128xf32, #tpu.memory_space<vmem>>, vector<1x16xf32>,
    %get3A_2353 = arith.constant 14 : i32
    %get3A_2354 = arith.index_cast %get3A_2353 : i32 to index
    %get3A_2355 = arith.constant 64 : index
    %get3A_2356 = tpu.vector_load %arg10[%get3A_2354, %get3A_2355] {strides = array<i32>} : memref<16x128xf32, #tpu.memory_space<vmem>>, vector<1x16xf32>,
    %get3A_2357 = vector.shape_cast %get3A_2356 : vector<1x16xf32> to vector<16xf32>
    %max3A_2358 = arith.constant 1.000000e-30 : f32
    %max3A_2359 = vector.broadcast %max3A_2358 : f32 to vector<16xf32>
    %max3A_2360 = arith.maximumf %get3A_2357, %max3A_2359 : vector<16xf32>
    %get3A_2361 = arith.constant 14 : i32
    %get3A_2362 = arith.index_cast %get3A_2361 : i32 to index
    %get3A_2363 = arith.constant 64 : index
    %get3A_2364 = tpu.vector_load %arg9[%get3A_2362, %get3A_2363] {strides = array<i32>} : memref<16x128xf32, #tpu.memory_space<vmem>>, vector<1x16xf32>,
    %get3A_2365 = vector.shape_cast %get3A_2364 : vector<1x16xf32> to vector<16xf32>
    %div3A_2366 = arith.divf %get3A_2365, %max3A_2360 : vector<16xf32>
    %swap3A_2367 = arith.constant 14 : i32
    %swap3A_2368 = arith.index_cast %swap3A_2367 : i32 to index
    %swap3A_2369 = arith.constant 64 : index
    %swap3A_2370 = tpu.vector_load %arg11[%swap3A_2368, %swap3A_2369] {strides = array<i32>} : memref<16x128xf32, #tpu.memory_space<vmem>>, vector<1x16xf32>,
    %swap3A_2371 = vector.shape_cast %swap3A_2370 : vector<1x16xf32> to vector<16xf32>
    %swap3A_2372 = vector.shape_cast %div3A_2366 : vector<16xf32> to vector<1x16xf32>
    tpu.vector_store %arg11[%swap3A_2368, %swap3A_2369], %swap3A_2372 {strides = array<i32>} : memref<16x128xf32, #tpu.memory_space<vmem>>, vector<1x16xf32>,
    %get3A_2373 = arith.constant 14 : i32
    %get3A_2374 = arith.index_cast %get3A_2373 : i32 to index
    %get3A_2375 = arith.constant 80 : index
    %get3A_2376 = tpu.vector_load %arg10[%get3A_2374, %get3A_2375] {strides = array<i32>} : memref<16x128xf32, #tpu.memory_space<vmem>>, vector<1x16xf32>,
    %get3A_2377 = vector.shape_cast %get3A_2376 : vector<1x16xf32> to vector<16xf32>
    %max3A_2378 = arith.constant 1.000000e-30 : f32
    %max3A_2379 = vector.broadcast %max3A_2378 : f32 to vector<16xf32>
    %max3A_2380 = arith.maximumf %get3A_2377, %max3A_2379 : vector<16xf32>
    %get3A_2381 = arith.constant 14 : i32
    %get3A_2382 = arith.index_cast %get3A_2381 : i32 to index
    %get3A_2383 = arith.constant 80 : index
    %get3A_2384 = tpu.vector_load %arg9[%get3A_2382, %get3A_2383] {strides = array<i32>} : memref<16x128xf32, #tpu.memory_space<vmem>>, vector<1x16xf32>,
    %get3A_2385 = vector.shape_cast %get3A_2384 : vector<1x16xf32> to vector<16xf32>
    %div3A_2386 = arith.divf %get3A_2385, %max3A_2380 : vector<16xf32>
    %swap3A_2387 = arith.constant 14 : i32
    %swap3A_2388 = arith.index_cast %swap3A_2387 : i32 to index
    %swap3A_2389 = arith.constant 80 : index
    %swap3A_2390 = tpu.vector_load %arg11[%swap3A_2388, %swap3A_2389] {strides = array<i32>} : memref<16x128xf32, #tpu.memory_space<vmem>>, vector<1x16xf32>,
    %swap3A_2391 = vector.shape_cast %swap3A_2390 : vector<1x16xf32> to vector<16xf32>
    %swap3A_2392 = vector.shape_cast %div3A_2386 : vector<16xf32> to vector<1x16xf32>
    tpu.vector_store %arg11[%swap3A_2388, %swap3A_2389], %swap3A_2392 {strides = array<i32>} : memref<16x128xf32, #tpu.memory_space<vmem>>, vector<1x16xf32>,
    %get3A_2393 = arith.constant 14 : i32
    %get3A_2394 = arith.index_cast %get3A_2393 : i32 to index
    %get3A_2395 = arith.constant 96 : index
    %get3A_2396 = tpu.vector_load %arg10[%get3A_2394, %get3A_2395] {strides = array<i32>} : memref<16x128xf32, #tpu.memory_space<vmem>>, vector<1x16xf32>,
    %get3A_2397 = vector.shape_cast %get3A_2396 : vector<1x16xf32> to vector<16xf32>
    %max3A_2398 = arith.constant 1.000000e-30 : f32
    %max3A_2399 = vector.broadcast %max3A_2398 : f32 to vector<16xf32>
    %max3A_2400 = arith.maximumf %get3A_2397, %max3A_2399 : vector<16xf32>
    %get3A_2401 = arith.constant 14 : i32
    %get3A_2402 = arith.index_cast %get3A_2401 : i32 to index
    %get3A_2403 = arith.constant 96 : index
    %get3A_2404 = tpu.vector_load %arg9[%get3A_2402, %get3A_2403] {strides = array<i32>} : memref<16x128xf32, #tpu.memory_space<vmem>>, vector<1x16xf32>,
    %get3A_2405 = vector.shape_cast %get3A_2404 : vector<1x16xf32> to vector<16xf32>
    %div3A_2406 = arith.divf %get3A_2405, %max3A_2400 : vector<16xf32>
    %swap3A_2407 = arith.constant 14 : i32
    %swap3A_2408 = arith.index_cast %swap3A_2407 : i32 to index
    %swap3A_2409 = arith.constant 96 : index
    %swap3A_2410 = tpu.vector_load %arg11[%swap3A_2408, %swap3A_2409] {strides = array<i32>} : memref<16x128xf32, #tpu.memory_space<vmem>>, vector<1x16xf32>,
    %swap3A_2411 = vector.shape_cast %swap3A_2410 : vector<1x16xf32> to vector<16xf32>
    %swap3A_2412 = vector.shape_cast %div3A_2406 : vector<16xf32> to vector<1x16xf32>
    tpu.vector_store %arg11[%swap3A_2408, %swap3A_2409], %swap3A_2412 {strides = array<i32>} : memref<16x128xf32, #tpu.memory_space<vmem>>, vector<1x16xf32>,
    %get3A_2413 = arith.constant 14 : i32
    %get3A_2414 = arith.index_cast %get3A_2413 : i32 to index
    %get3A_2415 = arith.constant 112 : index
    %get3A_2416 = tpu.vector_load %arg10[%get3A_2414, %get3A_2415] {strides = array<i32>} : memref<16x128xf32, #tpu.memory_space<vmem>>, vector<1x16xf32>,
    %get3A_2417 = vector.shape_cast %get3A_2416 : vector<1x16xf32> to vector<16xf32>
    %max3A_2418 = arith.constant 1.000000e-30 : f32
    %max3A_2419 = vector.broadcast %max3A_2418 : f32 to vector<16xf32>
    %max3A_2420 = arith.maximumf %get3A_2417, %max3A_2419 : vector<16xf32>
    %get3A_2421 = arith.constant 14 : i32
    %get3A_2422 = arith.index_cast %get3A_2421 : i32 to index
    %get3A_2423 = arith.constant 112 : index
    %get3A_2424 = tpu.vector_load %arg9[%get3A_2422, %get3A_2423] {strides = array<i32>} : memref<16x128xf32, #tpu.memory_space<vmem>>, vector<1x16xf32>,
    %get3A_2425 = vector.shape_cast %get3A_2424 : vector<1x16xf32> to vector<16xf32>
    %div3A_2426 = arith.divf %get3A_2425, %max3A_2420 : vector<16xf32>
    %swap3A_2427 = arith.constant 14 : i32
    %swap3A_2428 = arith.index_cast %swap3A_2427 : i32 to index
    %swap3A_2429 = arith.constant 112 : index
    %swap3A_2430 = tpu.vector_load %arg11[%swap3A_2428, %swap3A_2429] {strides = array<i32>} : memref<16x128xf32, #tpu.memory_space<vmem>>, vector<1x16xf32>,
    %swap3A_2431 = vector.shape_cast %swap3A_2430 : vector<1x16xf32> to vector<16xf32>
    %swap3A_2432 = vector.shape_cast %div3A_2426 : vector<16xf32> to vector<1x16xf32>
    tpu.vector_store %arg11[%swap3A_2428, %swap3A_2429], %swap3A_2432 {strides = array<i32>} : memref<16x128xf32, #tpu.memory_space<vmem>>, vector<1x16xf32>,
    %get3A_2433 = arith.constant 15 : i32
    %get3A_2434 = arith.index_cast %get3A_2433 : i32 to index
    %get3A_2435 = arith.constant 0 : index
    %get3A_2436 = tpu.vector_load %arg10[%get3A_2434, %get3A_2435] {strides = array<i32>} : memref<16x128xf32, #tpu.memory_space<vmem>>, vector<1x16xf32>,
    %get3A_2437 = vector.shape_cast %get3A_2436 : vector<1x16xf32> to vector<16xf32>
    %max3A_2438 = arith.constant 1.000000e-30 : f32
    %max3A_2439 = vector.broadcast %max3A_2438 : f32 to vector<16xf32>
    %max3A_2440 = arith.maximumf %get3A_2437, %max3A_2439 : vector<16xf32>
    %get3A_2441 = arith.constant 15 : i32
    %get3A_2442 = arith.index_cast %get3A_2441 : i32 to index
    %get3A_2443 = arith.constant 0 : index
    %get3A_2444 = tpu.vector_load %arg9[%get3A_2442, %get3A_2443] {strides = array<i32>} : memref<16x128xf32, #tpu.memory_space<vmem>>, vector<1x16xf32>,
    %get3A_2445 = vector.shape_cast %get3A_2444 : vector<1x16xf32> to vector<16xf32>
    %div3A_2446 = arith.divf %get3A_2445, %max3A_2440 : vector<16xf32>
    %swap3A_2447 = arith.constant 15 : i32
    %swap3A_2448 = arith.index_cast %swap3A_2447 : i32 to index
    %swap3A_2449 = arith.constant 0 : index
    %swap3A_2450 = tpu.vector_load %arg11[%swap3A_2448, %swap3A_2449] {strides = array<i32>} : memref<16x128xf32, #tpu.memory_space<vmem>>, vector<1x16xf32>,
    %swap3A_2451 = vector.shape_cast %swap3A_2450 : vector<1x16xf32> to vector<16xf32>
    %swap3A_2452 = vector.shape_cast %div3A_2446 : vector<16xf32> to vector<1x16xf32>
    tpu.vector_store %arg11[%swap3A_2448, %swap3A_2449], %swap3A_2452 {strides = array<i32>} : memref<16x128xf32, #tpu.memory_space<vmem>>, vector<1x16xf32>,
    %get3A_2453 = arith.constant 15 : i32
    %get3A_2454 = arith.index_cast %get3A_2453 : i32 to index
    %get3A_2455 = arith.constant 16 : index
    %get3A_2456 = tpu.vector_load %arg10[%get3A_2454, %get3A_2455] {strides = array<i32>} : memref<16x128xf32, #tpu.memory_space<vmem>>, vector<1x16xf32>,
    %get3A_2457 = vector.shape_cast %get3A_2456 : vector<1x16xf32> to vector<16xf32>
    %max3A_2458 = arith.constant 1.000000e-30 : f32
    %max3A_2459 = vector.broadcast %max3A_2458 : f32 to vector<16xf32>
    %max3A_2460 = arith.maximumf %get3A_2457, %max3A_2459 : vector<16xf32>
    %get3A_2461 = arith.constant 15 : i32
    %get3A_2462 = arith.index_cast %get3A_2461 : i32 to index
    %get3A_2463 = arith.constant 16 : index
    %get3A_2464 = tpu.vector_load %arg9[%get3A_2462, %get3A_2463] {strides = array<i32>} : memref<16x128xf32, #tpu.memory_space<vmem>>, vector<1x16xf32>,
    %get3A_2465 = vector.shape_cast %get3A_2464 : vector<1x16xf32> to vector<16xf32>
    %div3A_2466 = arith.divf %get3A_2465, %max3A_2460 : vector<16xf32>
    %swap3A_2467 = arith.constant 15 : i32
    %swap3A_2468 = arith.index_cast %swap3A_2467 : i32 to index
    %swap3A_2469 = arith.constant 16 : index
    %swap3A_2470 = tpu.vector_load %arg11[%swap3A_2468, %swap3A_2469] {strides = array<i32>} : memref<16x128xf32, #tpu.memory_space<vmem>>, vector<1x16xf32>,
    %swap3A_2471 = vector.shape_cast %swap3A_2470 : vector<1x16xf32> to vector<16xf32>
    %swap3A_2472 = vector.shape_cast %div3A_2466 : vector<16xf32> to vector<1x16xf32>
    tpu.vector_store %arg11[%swap3A_2468, %swap3A_2469], %swap3A_2472 {strides = array<i32>} : memref<16x128xf32, #tpu.memory_space<vmem>>, vector<1x16xf32>,
    %get3A_2473 = arith.constant 15 : i32
    %get3A_2474 = arith.index_cast %get3A_2473 : i32 to index
    %get3A_2475 = arith.constant 32 : index
    %get3A_2476 = tpu.vector_load %arg10[%get3A_2474, %get3A_2475] {strides = array<i32>} : memref<16x128xf32, #tpu.memory_space<vmem>>, vector<1x16xf32>,
    %get3A_2477 = vector.shape_cast %get3A_2476 : vector<1x16xf32> to vector<16xf32>
    %max3A_2478 = arith.constant 1.000000e-30 : f32
    %max3A_2479 = vector.broadcast %max3A_2478 : f32 to vector<16xf32>
    %max3A_2480 = arith.maximumf %get3A_2477, %max3A_2479 : vector<16xf32>
    %get3A_2481 = arith.constant 15 : i32
    %get3A_2482 = arith.index_cast %get3A_2481 : i32 to index
    %get3A_2483 = arith.constant 32 : index
    %get3A_2484 = tpu.vector_load %arg9[%get3A_2482, %get3A_2483] {strides = array<i32>} : memref<16x128xf32, #tpu.memory_space<vmem>>, vector<1x16xf32>,
    %get3A_2485 = vector.shape_cast %get3A_2484 : vector<1x16xf32> to vector<16xf32>
    %div3A_2486 = arith.divf %get3A_2485, %max3A_2480 : vector<16xf32>
    %swap3A_2487 = arith.constant 15 : i32
    %swap3A_2488 = arith.index_cast %swap3A_2487 : i32 to index
    %swap3A_2489 = arith.constant 32 : index
    %swap3A_2490 = tpu.vector_load %arg11[%swap3A_2488, %swap3A_2489] {strides = array<i32>} : memref<16x128xf32, #tpu.memory_space<vmem>>, vector<1x16xf32>,
    %swap3A_2491 = vector.shape_cast %swap3A_2490 : vector<1x16xf32> to vector<16xf32>
    %swap3A_2492 = vector.shape_cast %div3A_2486 : vector<16xf32> to vector<1x16xf32>
    tpu.vector_store %arg11[%swap3A_2488, %swap3A_2489], %swap3A_2492 {strides = array<i32>} : memref<16x128xf32, #tpu.memory_space<vmem>>, vector<1x16xf32>,
    %get3A_2493 = arith.constant 15 : i32
    %get3A_2494 = arith.index_cast %get3A_2493 : i32 to index
    %get3A_2495 = arith.constant 48 : index
    %get3A_2496 = tpu.vector_load %arg10[%get3A_2494, %get3A_2495] {strides = array<i32>} : memref<16x128xf32, #tpu.memory_space<vmem>>, vector<1x16xf32>,
    %get3A_2497 = vector.shape_cast %get3A_2496 : vector<1x16xf32> to vector<16xf32>
    %max3A_2498 = arith.constant 1.000000e-30 : f32
    %max3A_2499 = vector.broadcast %max3A_2498 : f32 to vector<16xf32>
    %max3A_2500 = arith.maximumf %get3A_2497, %max3A_2499 : vector<16xf32>
    %get3A_2501 = arith.constant 15 : i32
    %get3A_2502 = arith.index_cast %get3A_2501 : i32 to index
    %get3A_2503 = arith.constant 48 : index
    %get3A_2504 = tpu.vector_load %arg9[%get3A_2502, %get3A_2503] {strides = array<i32>} : memref<16x128xf32, #tpu.memory_space<vmem>>, vector<1x16xf32>,
    %get3A_2505 = vector.shape_cast %get3A_2504 : vector<1x16xf32> to vector<16xf32>
    %div3A_2506 = arith.divf %get3A_2505, %max3A_2500 : vector<16xf32>
    %swap3A_2507 = arith.constant 15 : i32
    %swap3A_2508 = arith.index_cast %swap3A_2507 : i32 to index
    %swap3A_2509 = arith.constant 48 : index
    %swap3A_2510 = tpu.vector_load %arg11[%swap3A_2508, %swap3A_2509] {strides = array<i32>} : memref<16x128xf32, #tpu.memory_space<vmem>>, vector<1x16xf32>,
    %swap3A_2511 = vector.shape_cast %swap3A_2510 : vector<1x16xf32> to vector<16xf32>
    %swap3A_2512 = vector.shape_cast %div3A_2506 : vector<16xf32> to vector<1x16xf32>
    tpu.vector_store %arg11[%swap3A_2508, %swap3A_2509], %swap3A_2512 {strides = array<i32>} : memref<16x128xf32, #tpu.memory_space<vmem>>, vector<1x16xf32>,
    %get3A_2513 = arith.constant 15 : i32
    %get3A_2514 = arith.index_cast %get3A_2513 : i32 to index
    %get3A_2515 = arith.constant 64 : index
    %get3A_2516 = tpu.vector_load %arg10[%get3A_2514, %get3A_2515] {strides = array<i32>} : memref<16x128xf32, #tpu.memory_space<vmem>>, vector<1x16xf32>,
    %get3A_2517 = vector.shape_cast %get3A_2516 : vector<1x16xf32> to vector<16xf32>
    %max3A_2518 = arith.constant 1.000000e-30 : f32
    %max3A_2519 = vector.broadcast %max3A_2518 : f32 to vector<16xf32>
    %max3A_2520 = arith.maximumf %get3A_2517, %max3A_2519 : vector<16xf32>
    %get3A_2521 = arith.constant 15 : i32
    %get3A_2522 = arith.index_cast %get3A_2521 : i32 to index
    %get3A_2523 = arith.constant 64 : index
    %get3A_2524 = tpu.vector_load %arg9[%get3A_2522, %get3A_2523] {strides = array<i32>} : memref<16x128xf32, #tpu.memory_space<vmem>>, vector<1x16xf32>,
    %get3A_2525 = vector.shape_cast %get3A_2524 : vector<1x16xf32> to vector<16xf32>
    %div3A_2526 = arith.divf %get3A_2525, %max3A_2520 : vector<16xf32>
    %swap3A_2527 = arith.constant 15 : i32
    %swap3A_2528 = arith.index_cast %swap3A_2527 : i32 to index
    %swap3A_2529 = arith.constant 64 : index
    %swap3A_2530 = tpu.vector_load %arg11[%swap3A_2528, %swap3A_2529] {strides = array<i32>} : memref<16x128xf32, #tpu.memory_space<vmem>>, vector<1x16xf32>,
    %swap3A_2531 = vector.shape_cast %swap3A_2530 : vector<1x16xf32> to vector<16xf32>
    %swap3A_2532 = vector.shape_cast %div3A_2526 : vector<16xf32> to vector<1x16xf32>
    tpu.vector_store %arg11[%swap3A_2528, %swap3A_2529], %swap3A_2532 {strides = array<i32>} : memref<16x128xf32, #tpu.memory_space<vmem>>, vector<1x16xf32>,
    %get3A_2533 = arith.constant 15 : i32
    %get3A_2534 = arith.index_cast %get3A_2533 : i32 to index
    %get3A_2535 = arith.constant 80 : index
    %get3A_2536 = tpu.vector_load %arg10[%get3A_2534, %get3A_2535] {strides = array<i32>} : memref<16x128xf32, #tpu.memory_space<vmem>>, vector<1x16xf32>,
    %get3A_2537 = vector.shape_cast %get3A_2536 : vector<1x16xf32> to vector<16xf32>
    %max3A_2538 = arith.constant 1.000000e-30 : f32
    %max3A_2539 = vector.broadcast %max3A_2538 : f32 to vector<16xf32>
    %max3A_2540 = arith.maximumf %get3A_2537, %max3A_2539 : vector<16xf32>
    %get3A_2541 = arith.constant 15 : i32
    %get3A_2542 = arith.index_cast %get3A_2541 : i32 to index
    %get3A_2543 = arith.constant 80 : index
    %get3A_2544 = tpu.vector_load %arg9[%get3A_2542, %get3A_2543] {strides = array<i32>} : memref<16x128xf32, #tpu.memory_space<vmem>>, vector<1x16xf32>,
    %get3A_2545 = vector.shape_cast %get3A_2544 : vector<1x16xf32> to vector<16xf32>
    %div3A_2546 = arith.divf %get3A_2545, %max3A_2540 : vector<16xf32>
    %swap3A_2547 = arith.constant 15 : i32
    %swap3A_2548 = arith.index_cast %swap3A_2547 : i32 to index
    %swap3A_2549 = arith.constant 80 : index
    %swap3A_2550 = tpu.vector_load %arg11[%swap3A_2548, %swap3A_2549] {strides = array<i32>} : memref<16x128xf32, #tpu.memory_space<vmem>>, vector<1x16xf32>,
    %swap3A_2551 = vector.shape_cast %swap3A_2550 : vector<1x16xf32> to vector<16xf32>
    %swap3A_2552 = vector.shape_cast %div3A_2546 : vector<16xf32> to vector<1x16xf32>
    tpu.vector_store %arg11[%swap3A_2548, %swap3A_2549], %swap3A_2552 {strides = array<i32>} : memref<16x128xf32, #tpu.memory_space<vmem>>, vector<1x16xf32>,
    %get3A_2553 = arith.constant 15 : i32
    %get3A_2554 = arith.index_cast %get3A_2553 : i32 to index
    %get3A_2555 = arith.constant 96 : index
    %get3A_2556 = tpu.vector_load %arg10[%get3A_2554, %get3A_2555] {strides = array<i32>} : memref<16x128xf32, #tpu.memory_space<vmem>>, vector<1x16xf32>,
    %get3A_2557 = vector.shape_cast %get3A_2556 : vector<1x16xf32> to vector<16xf32>
    %max3A_2558 = arith.constant 1.000000e-30 : f32
    %max3A_2559 = vector.broadcast %max3A_2558 : f32 to vector<16xf32>
    %max3A_2560 = arith.maximumf %get3A_2557, %max3A_2559 : vector<16xf32>
    %get3A_2561 = arith.constant 15 : i32
    %get3A_2562 = arith.index_cast %get3A_2561 : i32 to index
    %get3A_2563 = arith.constant 96 : index
    %get3A_2564 = tpu.vector_load %arg9[%get3A_2562, %get3A_2563] {strides = array<i32>} : memref<16x128xf32, #tpu.memory_space<vmem>>, vector<1x16xf32>,
    %get3A_2565 = vector.shape_cast %get3A_2564 : vector<1x16xf32> to vector<16xf32>
    %div3A_2566 = arith.divf %get3A_2565, %max3A_2560 : vector<16xf32>
    %swap3A_2567 = arith.constant 15 : i32
    %swap3A_2568 = arith.index_cast %swap3A_2567 : i32 to index
    %swap3A_2569 = arith.constant 96 : index
    %swap3A_2570 = tpu.vector_load %arg11[%swap3A_2568, %swap3A_2569] {strides = array<i32>} : memref<16x128xf32, #tpu.memory_space<vmem>>, vector<1x16xf32>,
    %swap3A_2571 = vector.shape_cast %swap3A_2570 : vector<1x16xf32> to vector<16xf32>
    %swap3A_2572 = vector.shape_cast %div3A_2566 : vector<16xf32> to vector<1x16xf32>
    tpu.vector_store %arg11[%swap3A_2568, %swap3A_2569], %swap3A_2572 {strides = array<i32>} : memref<16x128xf32, #tpu.memory_space<vmem>>, vector<1x16xf32>,
    %get3A_2573 = arith.constant 15 : i32
    %get3A_2574 = arith.index_cast %get3A_2573 : i32 to index
    %get3A_2575 = arith.constant 112 : index
    %get3A_2576 = tpu.vector_load %arg10[%get3A_2574, %get3A_2575] {strides = array<i32>} : memref<16x128xf32, #tpu.memory_space<vmem>>, vector<1x16xf32>,
    %get3A_2577 = vector.shape_cast %get3A_2576 : vector<1x16xf32> to vector<16xf32>
    %max3A_2578 = arith.constant 1.000000e-30 : f32
    %max3A_2579 = vector.broadcast %max3A_2578 : f32 to vector<16xf32>
    %max3A_2580 = arith.maximumf %get3A_2577, %max3A_2579 : vector<16xf32>
    %get3A_2581 = arith.constant 15 : i32
    %get3A_2582 = arith.index_cast %get3A_2581 : i32 to index
    %get3A_2583 = arith.constant 112 : index
    %get3A_2584 = tpu.vector_load %arg9[%get3A_2582, %get3A_2583] {strides = array<i32>} : memref<16x128xf32, #tpu.memory_space<vmem>>, vector<1x16xf32>,
    %get3A_2585 = vector.shape_cast %get3A_2584 : vector<1x16xf32> to vector<16xf32>
    %div3A_2586 = arith.divf %get3A_2585, %max3A_2580 : vector<16xf32>
    %swap3A_2587 = arith.constant 15 : i32
    %swap3A_2588 = arith.index_cast %swap3A_2587 : i32 to index
    %swap3A_2589 = arith.constant 112 : index
    %swap3A_2590 = tpu.vector_load %arg11[%swap3A_2588, %swap3A_2589] {strides = array<i32>} : memref<16x128xf32, #tpu.memory_space<vmem>>, vector<1x16xf32>,
    %swap3A_2591 = vector.shape_cast %swap3A_2590 : vector<1x16xf32> to vector<16xf32>
    %swap3A_2592 = vector.shape_cast %div3A_2586 : vector<16xf32> to vector<1x16xf32>
    tpu.vector_store %arg11[%swap3A_2588, %swap3A_2589], %swap3A_2592 {strides = array<i32>} : memref<16x128xf32, #tpu.memory_space<vmem>>, vector<1x16xf32>,
    %mul3A_2593 = arith.constant 16 : i32
    %mul3A_2594 = arith.muli %arg1, %mul3A_2593 : i32
    %add3A_2595 = arith.addi %mul3A_0, %mul3A_2594 : i32
    "tpu.region"() ({
      %run_scoped3A_2596 = tpu.sem_alloc : memref<!tpu.dma_semaphore, #tpu.memory_space<semaphore_mem>>
      %dma_start3A = arith.constant 0 : i32
      %dma_start3A_2597 = tpu.memref_slice %arg6[%add3A_2595, %dma_start3A] : memref<512x128xf32, #tpu.memory_space<hbm>> -> memref<16x128xf32, #tpu.memory_space<hbm>>
      %dma_start3A_2598 = arith.constant 0 : i32
      %dma_start3A_2599 = tpu.memref_slice %arg6[%add3A_2595, %dma_start3A_2598] : memref<512x128xf32, #tpu.memory_space<hbm>> -> memref<16x128xf32, #tpu.memory_space<hbm>>
      tpu.enqueue_dma source(%arg11 : memref<16x128xf32, #tpu.memory_space<vmem>>) target(%dma_start3A_2599 : memref<16x128xf32, #tpu.memory_space<hbm>>) target_semaphore(%run_scoped3A_2596 : memref<!tpu.dma_semaphore, #tpu.memory_space<semaphore_mem>>)
      %dma_wait3A = arith.constant 0 : i32
      %dma_wait3A_2600 = tpu.memref_slice %arg6[%add3A_2595, %dma_wait3A] : memref<512x128xf32, #tpu.memory_space<hbm>> -> memref<16x128xf32, #tpu.memory_space<hbm>>
      %dma_wait3A_2601 = arith.constant 0 : i32
      %dma_wait3A_2602 = tpu.memref_slice %arg6[%add3A_2595, %dma_wait3A_2601] : memref<512x128xf32, #tpu.memory_space<hbm>> -> memref<16x128xf32, #tpu.memory_space<hbm>>
      tpu.wait_dma2 semaphore(%run_scoped3A_2596 : memref<!tpu.dma_semaphore, #tpu.memory_space<semaphore_mem>>) src(%arg11 : memref<16x128xf32, #tpu.memory_space<vmem>>) dst(%dma_wait3A_2602 : memref<16x128xf32, #tpu.memory_space<hbm>>)
      tpu.yield
    }) : () -> ()
    return
  }
}

module attributes {stable_mosaic.version = 14 : i64} {
  func.func @_dense_body(%arg0: i32, %arg1: memref<320x128xf32, #tpu.memory_space<vmem>>, %arg2: memref<1x1x320xi32, #tpu.memory_space<vmem>>, %arg3: memref<72x128xf32, #tpu.memory_space<vmem>>, %arg4: memref<128x128xf32, #tpu.memory_space<vmem>>, %arg5: memref<320x128xf32, #tpu.memory_space<vmem>>, %arg6: memref<512x128xf32, #tpu.memory_space<vmem>>, %arg7: memref<512x128xf32, #tpu.memory_space<vmem>>) attributes {dimension_semantics = [#tpu.dimension_semantics<arbitrary>], iteration_bounds = array<i64: 32>, scalar_prefetch = 0 : i64, scratch_operands = 1 : i64, tpu.core_type = #tpu.core_type<tc>, window_params = [{transform_indices = @transform_0, window_bounds = array<i64: 320, 128>}, {transform_indices = @transform_1, window_bounds = array<i64: 1, 1, 320>}, {pipeline_mode = #tpu.pipeline_mode<synchronous>, transform_indices = @transform_2, window_bounds = array<i64: 72, 128>}, {pipeline_mode = #tpu.pipeline_mode<synchronous>, transform_indices = @transform_3, window_bounds = array<i64: 128, 128>}, {transform_indices = @transform_4, window_bounds = array<i64: 320, 128>}, {pipeline_mode = #tpu.pipeline_mode<synchronous>, transform_indices = @transform_5, window_bounds = array<i64: 512, 128>}]} {
    %get3A = arith.constant 0 : index
    %get3A_0 = arith.constant 0 : index
    %get3A_1 = vector.load %arg1[%get3A, %get3A_0] : memref<320x128xf32, #tpu.memory_space<vmem>>, vector<320x128xf32>
    %mul3A = arith.constant 1.18920708 : f32
    %mul3A_2 = vector.broadcast %mul3A : f32 to vector<320x128xf32>
    %mul3A_3 = arith.mulf %get3A_1, %mul3A_2 : vector<320x128xf32>
    %broadcast_in_dim3A = arith.constant 0.000000e+00 : f32
    %broadcast_in_dim3A_4 = vector.broadcast %broadcast_in_dim3A : f32 to vector<320x128xf32>
    %slice3A = vector.extract_strided_slice %mul3A_3 {offsets = [0, 1], sizes = [320, 127], strides = [1, 1]} : vector<320x128xf32> to vector<320x127xf32>
    %slice3A_5 = vector.extract_strided_slice %mul3A_3 {offsets = [0, 0], sizes = [320, 1], strides = [1, 1]} : vector<320x128xf32> to vector<320x1xf32>
    %concatenate3A = tpu.concatenate %slice3A, %slice3A_5 in 1 : vector<320x127xf32>, vector<320x1xf32> -> vector<320x128xf32>
    %mul3A_6 = arith.mulf %mul3A_3, %concatenate3A : vector<320x128xf32>
    %min3A = arith.constant 0.000000e+00 : f32
    %min3A_7 = vector.broadcast %min3A : f32 to vector<320x128xf32>
    %min3A_8 = arith.minimumf %mul3A_6, %min3A_7 : vector<320x128xf32>
    %exp3A = math.exp %min3A_8 : vector<320x128xf32>
    %get3A_9 = arith.constant 1 : index
    %get3A_10 = arith.constant 0 : index
    %get3A_11 = vector.load %arg3[%get3A_9, %get3A_10] : memref<72x128xf32, #tpu.memory_space<vmem>>, vector<1x128xf32>
    %mul3A_12 = vector.broadcast %get3A_11 : vector<1x128xf32> to vector<320x128xf32>
    %mul3A_13 = arith.mulf %exp3A, %mul3A_12 : vector<320x128xf32>
    %add3A = arith.addf %broadcast_in_dim3A_4, %mul3A_13 : vector<320x128xf32>
    %slice3A_14 = vector.extract_strided_slice %mul3A_3 {offsets = [0, 2], sizes = [320, 126], strides = [1, 1]} : vector<320x128xf32> to vector<320x126xf32>
    %slice3A_15 = vector.extract_strided_slice %mul3A_3 {offsets = [0, 0], sizes = [320, 2], strides = [1, 1]} : vector<320x128xf32> to vector<320x2xf32>
    %concatenate3A_16 = tpu.concatenate %slice3A_14, %slice3A_15 in 1 : vector<320x126xf32>, vector<320x2xf32> -> vector<320x128xf32>
    %mul3A_17 = arith.mulf %mul3A_3, %concatenate3A_16 : vector<320x128xf32>
    %min3A_18 = arith.constant 0.000000e+00 : f32
    %min3A_19 = vector.broadcast %min3A_18 : f32 to vector<320x128xf32>
    %min3A_20 = arith.minimumf %mul3A_17, %min3A_19 : vector<320x128xf32>
    %exp3A_21 = math.exp %min3A_20 : vector<320x128xf32>
    %get3A_22 = arith.constant 2 : index
    %get3A_23 = arith.constant 0 : index
    %get3A_24 = vector.load %arg3[%get3A_22, %get3A_23] : memref<72x128xf32, #tpu.memory_space<vmem>>, vector<1x128xf32>
    %mul3A_25 = vector.broadcast %get3A_24 : vector<1x128xf32> to vector<320x128xf32>
    %mul3A_26 = arith.mulf %exp3A_21, %mul3A_25 : vector<320x128xf32>
    %add3A_27 = arith.addf %add3A, %mul3A_26 : vector<320x128xf32>
    %slice3A_28 = vector.extract_strided_slice %mul3A_3 {offsets = [0, 3], sizes = [320, 125], strides = [1, 1]} : vector<320x128xf32> to vector<320x125xf32>
    %slice3A_29 = vector.extract_strided_slice %mul3A_3 {offsets = [0, 0], sizes = [320, 3], strides = [1, 1]} : vector<320x128xf32> to vector<320x3xf32>
    %concatenate3A_30 = tpu.concatenate %slice3A_28, %slice3A_29 in 1 : vector<320x125xf32>, vector<320x3xf32> -> vector<320x128xf32>
    %mul3A_31 = arith.mulf %mul3A_3, %concatenate3A_30 : vector<320x128xf32>
    %min3A_32 = arith.constant 0.000000e+00 : f32
    %min3A_33 = vector.broadcast %min3A_32 : f32 to vector<320x128xf32>
    %min3A_34 = arith.minimumf %mul3A_31, %min3A_33 : vector<320x128xf32>
    %exp3A_35 = math.exp %min3A_34 : vector<320x128xf32>
    %get3A_36 = arith.constant 3 : index
    %get3A_37 = arith.constant 0 : index
    %get3A_38 = vector.load %arg3[%get3A_36, %get3A_37] : memref<72x128xf32, #tpu.memory_space<vmem>>, vector<1x128xf32>
    %mul3A_39 = vector.broadcast %get3A_38 : vector<1x128xf32> to vector<320x128xf32>
    %mul3A_40 = arith.mulf %exp3A_35, %mul3A_39 : vector<320x128xf32>
    %add3A_41 = arith.addf %add3A_27, %mul3A_40 : vector<320x128xf32>
    %slice3A_42 = vector.extract_strided_slice %mul3A_3 {offsets = [0, 4], sizes = [320, 124], strides = [1, 1]} : vector<320x128xf32> to vector<320x124xf32>
    %slice3A_43 = vector.extract_strided_slice %mul3A_3 {offsets = [0, 0], sizes = [320, 4], strides = [1, 1]} : vector<320x128xf32> to vector<320x4xf32>
    %concatenate3A_44 = tpu.concatenate %slice3A_42, %slice3A_43 in 1 : vector<320x124xf32>, vector<320x4xf32> -> vector<320x128xf32>
    %mul3A_45 = arith.mulf %mul3A_3, %concatenate3A_44 : vector<320x128xf32>
    %min3A_46 = arith.constant 0.000000e+00 : f32
    %min3A_47 = vector.broadcast %min3A_46 : f32 to vector<320x128xf32>
    %min3A_48 = arith.minimumf %mul3A_45, %min3A_47 : vector<320x128xf32>
    %exp3A_49 = math.exp %min3A_48 : vector<320x128xf32>
    %get3A_50 = arith.constant 4 : index
    %get3A_51 = arith.constant 0 : index
    %get3A_52 = vector.load %arg3[%get3A_50, %get3A_51] : memref<72x128xf32, #tpu.memory_space<vmem>>, vector<1x128xf32>
    %mul3A_53 = vector.broadcast %get3A_52 : vector<1x128xf32> to vector<320x128xf32>
    %mul3A_54 = arith.mulf %exp3A_49, %mul3A_53 : vector<320x128xf32>
    %add3A_55 = arith.addf %add3A_41, %mul3A_54 : vector<320x128xf32>
    %slice3A_56 = vector.extract_strided_slice %mul3A_3 {offsets = [0, 5], sizes = [320, 123], strides = [1, 1]} : vector<320x128xf32> to vector<320x123xf32>
    %slice3A_57 = vector.extract_strided_slice %mul3A_3 {offsets = [0, 0], sizes = [320, 5], strides = [1, 1]} : vector<320x128xf32> to vector<320x5xf32>
    %concatenate3A_58 = tpu.concatenate %slice3A_56, %slice3A_57 in 1 : vector<320x123xf32>, vector<320x5xf32> -> vector<320x128xf32>
    %mul3A_59 = arith.mulf %mul3A_3, %concatenate3A_58 : vector<320x128xf32>
    %min3A_60 = arith.constant 0.000000e+00 : f32
    %min3A_61 = vector.broadcast %min3A_60 : f32 to vector<320x128xf32>
    %min3A_62 = arith.minimumf %mul3A_59, %min3A_61 : vector<320x128xf32>
    %exp3A_63 = math.exp %min3A_62 : vector<320x128xf32>
    %get3A_64 = arith.constant 5 : index
    %get3A_65 = arith.constant 0 : index
    %get3A_66 = vector.load %arg3[%get3A_64, %get3A_65] : memref<72x128xf32, #tpu.memory_space<vmem>>, vector<1x128xf32>
    %mul3A_67 = vector.broadcast %get3A_66 : vector<1x128xf32> to vector<320x128xf32>
    %mul3A_68 = arith.mulf %exp3A_63, %mul3A_67 : vector<320x128xf32>
    %add3A_69 = arith.addf %add3A_55, %mul3A_68 : vector<320x128xf32>
    %slice3A_70 = vector.extract_strided_slice %mul3A_3 {offsets = [0, 6], sizes = [320, 122], strides = [1, 1]} : vector<320x128xf32> to vector<320x122xf32>
    %slice3A_71 = vector.extract_strided_slice %mul3A_3 {offsets = [0, 0], sizes = [320, 6], strides = [1, 1]} : vector<320x128xf32> to vector<320x6xf32>
    %concatenate3A_72 = tpu.concatenate %slice3A_70, %slice3A_71 in 1 : vector<320x122xf32>, vector<320x6xf32> -> vector<320x128xf32>
    %mul3A_73 = arith.mulf %mul3A_3, %concatenate3A_72 : vector<320x128xf32>
    %min3A_74 = arith.constant 0.000000e+00 : f32
    %min3A_75 = vector.broadcast %min3A_74 : f32 to vector<320x128xf32>
    %min3A_76 = arith.minimumf %mul3A_73, %min3A_75 : vector<320x128xf32>
    %exp3A_77 = math.exp %min3A_76 : vector<320x128xf32>
    %get3A_78 = arith.constant 6 : index
    %get3A_79 = arith.constant 0 : index
    %get3A_80 = vector.load %arg3[%get3A_78, %get3A_79] : memref<72x128xf32, #tpu.memory_space<vmem>>, vector<1x128xf32>
    %mul3A_81 = vector.broadcast %get3A_80 : vector<1x128xf32> to vector<320x128xf32>
    %mul3A_82 = arith.mulf %exp3A_77, %mul3A_81 : vector<320x128xf32>
    %add3A_83 = arith.addf %add3A_69, %mul3A_82 : vector<320x128xf32>
    %slice3A_84 = vector.extract_strided_slice %mul3A_3 {offsets = [0, 7], sizes = [320, 121], strides = [1, 1]} : vector<320x128xf32> to vector<320x121xf32>
    %slice3A_85 = vector.extract_strided_slice %mul3A_3 {offsets = [0, 0], sizes = [320, 7], strides = [1, 1]} : vector<320x128xf32> to vector<320x7xf32>
    %concatenate3A_86 = tpu.concatenate %slice3A_84, %slice3A_85 in 1 : vector<320x121xf32>, vector<320x7xf32> -> vector<320x128xf32>
    %mul3A_87 = arith.mulf %mul3A_3, %concatenate3A_86 : vector<320x128xf32>
    %min3A_88 = arith.constant 0.000000e+00 : f32
    %min3A_89 = vector.broadcast %min3A_88 : f32 to vector<320x128xf32>
    %min3A_90 = arith.minimumf %mul3A_87, %min3A_89 : vector<320x128xf32>
    %exp3A_91 = math.exp %min3A_90 : vector<320x128xf32>
    %get3A_92 = arith.constant 7 : index
    %get3A_93 = arith.constant 0 : index
    %get3A_94 = vector.load %arg3[%get3A_92, %get3A_93] : memref<72x128xf32, #tpu.memory_space<vmem>>, vector<1x128xf32>
    %mul3A_95 = vector.broadcast %get3A_94 : vector<1x128xf32> to vector<320x128xf32>
    %mul3A_96 = arith.mulf %exp3A_91, %mul3A_95 : vector<320x128xf32>
    %add3A_97 = arith.addf %add3A_83, %mul3A_96 : vector<320x128xf32>
    %slice3A_98 = vector.extract_strided_slice %mul3A_3 {offsets = [0, 8], sizes = [320, 120], strides = [1, 1]} : vector<320x128xf32> to vector<320x120xf32>
    %slice3A_99 = vector.extract_strided_slice %mul3A_3 {offsets = [0, 0], sizes = [320, 8], strides = [1, 1]} : vector<320x128xf32> to vector<320x8xf32>
    %concatenate3A_100 = tpu.concatenate %slice3A_98, %slice3A_99 in 1 : vector<320x120xf32>, vector<320x8xf32> -> vector<320x128xf32>
    %mul3A_101 = arith.mulf %mul3A_3, %concatenate3A_100 : vector<320x128xf32>
    %min3A_102 = arith.constant 0.000000e+00 : f32
    %min3A_103 = vector.broadcast %min3A_102 : f32 to vector<320x128xf32>
    %min3A_104 = arith.minimumf %mul3A_101, %min3A_103 : vector<320x128xf32>
    %exp3A_105 = math.exp %min3A_104 : vector<320x128xf32>
    %get3A_106 = arith.constant 8 : index
    %get3A_107 = arith.constant 0 : index
    %get3A_108 = vector.load %arg3[%get3A_106, %get3A_107] : memref<72x128xf32, #tpu.memory_space<vmem>>, vector<1x128xf32>
    %mul3A_109 = vector.broadcast %get3A_108 : vector<1x128xf32> to vector<320x128xf32>
    %mul3A_110 = arith.mulf %exp3A_105, %mul3A_109 : vector<320x128xf32>
    %add3A_111 = arith.addf %add3A_97, %mul3A_110 : vector<320x128xf32>
    %slice3A_112 = vector.extract_strided_slice %mul3A_3 {offsets = [0, 9], sizes = [320, 119], strides = [1, 1]} : vector<320x128xf32> to vector<320x119xf32>
    %slice3A_113 = vector.extract_strided_slice %mul3A_3 {offsets = [0, 0], sizes = [320, 9], strides = [1, 1]} : vector<320x128xf32> to vector<320x9xf32>
    %concatenate3A_114 = tpu.concatenate %slice3A_112, %slice3A_113 in 1 : vector<320x119xf32>, vector<320x9xf32> -> vector<320x128xf32>
    %mul3A_115 = arith.mulf %mul3A_3, %concatenate3A_114 : vector<320x128xf32>
    %min3A_116 = arith.constant 0.000000e+00 : f32
    %min3A_117 = vector.broadcast %min3A_116 : f32 to vector<320x128xf32>
    %min3A_118 = arith.minimumf %mul3A_115, %min3A_117 : vector<320x128xf32>
    %exp3A_119 = math.exp %min3A_118 : vector<320x128xf32>
    %get3A_120 = arith.constant 9 : index
    %get3A_121 = arith.constant 0 : index
    %get3A_122 = vector.load %arg3[%get3A_120, %get3A_121] : memref<72x128xf32, #tpu.memory_space<vmem>>, vector<1x128xf32>
    %mul3A_123 = vector.broadcast %get3A_122 : vector<1x128xf32> to vector<320x128xf32>
    %mul3A_124 = arith.mulf %exp3A_119, %mul3A_123 : vector<320x128xf32>
    %add3A_125 = arith.addf %add3A_111, %mul3A_124 : vector<320x128xf32>
    %slice3A_126 = vector.extract_strided_slice %mul3A_3 {offsets = [0, 10], sizes = [320, 118], strides = [1, 1]} : vector<320x128xf32> to vector<320x118xf32>
    %slice3A_127 = vector.extract_strided_slice %mul3A_3 {offsets = [0, 0], sizes = [320, 10], strides = [1, 1]} : vector<320x128xf32> to vector<320x10xf32>
    %concatenate3A_128 = tpu.concatenate %slice3A_126, %slice3A_127 in 1 : vector<320x118xf32>, vector<320x10xf32> -> vector<320x128xf32>
    %mul3A_129 = arith.mulf %mul3A_3, %concatenate3A_128 : vector<320x128xf32>
    %min3A_130 = arith.constant 0.000000e+00 : f32
    %min3A_131 = vector.broadcast %min3A_130 : f32 to vector<320x128xf32>
    %min3A_132 = arith.minimumf %mul3A_129, %min3A_131 : vector<320x128xf32>
    %exp3A_133 = math.exp %min3A_132 : vector<320x128xf32>
    %get3A_134 = arith.constant 10 : index
    %get3A_135 = arith.constant 0 : index
    %get3A_136 = vector.load %arg3[%get3A_134, %get3A_135] : memref<72x128xf32, #tpu.memory_space<vmem>>, vector<1x128xf32>
    %mul3A_137 = vector.broadcast %get3A_136 : vector<1x128xf32> to vector<320x128xf32>
    %mul3A_138 = arith.mulf %exp3A_133, %mul3A_137 : vector<320x128xf32>
    %add3A_139 = arith.addf %add3A_125, %mul3A_138 : vector<320x128xf32>
    %slice3A_140 = vector.extract_strided_slice %mul3A_3 {offsets = [0, 11], sizes = [320, 117], strides = [1, 1]} : vector<320x128xf32> to vector<320x117xf32>
    %slice3A_141 = vector.extract_strided_slice %mul3A_3 {offsets = [0, 0], sizes = [320, 11], strides = [1, 1]} : vector<320x128xf32> to vector<320x11xf32>
    %concatenate3A_142 = tpu.concatenate %slice3A_140, %slice3A_141 in 1 : vector<320x117xf32>, vector<320x11xf32> -> vector<320x128xf32>
    %mul3A_143 = arith.mulf %mul3A_3, %concatenate3A_142 : vector<320x128xf32>
    %min3A_144 = arith.constant 0.000000e+00 : f32
    %min3A_145 = vector.broadcast %min3A_144 : f32 to vector<320x128xf32>
    %min3A_146 = arith.minimumf %mul3A_143, %min3A_145 : vector<320x128xf32>
    %exp3A_147 = math.exp %min3A_146 : vector<320x128xf32>
    %get3A_148 = arith.constant 11 : index
    %get3A_149 = arith.constant 0 : index
    %get3A_150 = vector.load %arg3[%get3A_148, %get3A_149] : memref<72x128xf32, #tpu.memory_space<vmem>>, vector<1x128xf32>
    %mul3A_151 = vector.broadcast %get3A_150 : vector<1x128xf32> to vector<320x128xf32>
    %mul3A_152 = arith.mulf %exp3A_147, %mul3A_151 : vector<320x128xf32>
    %add3A_153 = arith.addf %add3A_139, %mul3A_152 : vector<320x128xf32>
    %slice3A_154 = vector.extract_strided_slice %mul3A_3 {offsets = [0, 12], sizes = [320, 116], strides = [1, 1]} : vector<320x128xf32> to vector<320x116xf32>
    %slice3A_155 = vector.extract_strided_slice %mul3A_3 {offsets = [0, 0], sizes = [320, 12], strides = [1, 1]} : vector<320x128xf32> to vector<320x12xf32>
    %concatenate3A_156 = tpu.concatenate %slice3A_154, %slice3A_155 in 1 : vector<320x116xf32>, vector<320x12xf32> -> vector<320x128xf32>
    %mul3A_157 = arith.mulf %mul3A_3, %concatenate3A_156 : vector<320x128xf32>
    %min3A_158 = arith.constant 0.000000e+00 : f32
    %min3A_159 = vector.broadcast %min3A_158 : f32 to vector<320x128xf32>
    %min3A_160 = arith.minimumf %mul3A_157, %min3A_159 : vector<320x128xf32>
    %exp3A_161 = math.exp %min3A_160 : vector<320x128xf32>
    %get3A_162 = arith.constant 12 : index
    %get3A_163 = arith.constant 0 : index
    %get3A_164 = vector.load %arg3[%get3A_162, %get3A_163] : memref<72x128xf32, #tpu.memory_space<vmem>>, vector<1x128xf32>
    %mul3A_165 = vector.broadcast %get3A_164 : vector<1x128xf32> to vector<320x128xf32>
    %mul3A_166 = arith.mulf %exp3A_161, %mul3A_165 : vector<320x128xf32>
    %add3A_167 = arith.addf %add3A_153, %mul3A_166 : vector<320x128xf32>
    %slice3A_168 = vector.extract_strided_slice %mul3A_3 {offsets = [0, 13], sizes = [320, 115], strides = [1, 1]} : vector<320x128xf32> to vector<320x115xf32>
    %slice3A_169 = vector.extract_strided_slice %mul3A_3 {offsets = [0, 0], sizes = [320, 13], strides = [1, 1]} : vector<320x128xf32> to vector<320x13xf32>
    %concatenate3A_170 = tpu.concatenate %slice3A_168, %slice3A_169 in 1 : vector<320x115xf32>, vector<320x13xf32> -> vector<320x128xf32>
    %mul3A_171 = arith.mulf %mul3A_3, %concatenate3A_170 : vector<320x128xf32>
    %min3A_172 = arith.constant 0.000000e+00 : f32
    %min3A_173 = vector.broadcast %min3A_172 : f32 to vector<320x128xf32>
    %min3A_174 = arith.minimumf %mul3A_171, %min3A_173 : vector<320x128xf32>
    %exp3A_175 = math.exp %min3A_174 : vector<320x128xf32>
    %get3A_176 = arith.constant 13 : index
    %get3A_177 = arith.constant 0 : index
    %get3A_178 = vector.load %arg3[%get3A_176, %get3A_177] : memref<72x128xf32, #tpu.memory_space<vmem>>, vector<1x128xf32>
    %mul3A_179 = vector.broadcast %get3A_178 : vector<1x128xf32> to vector<320x128xf32>
    %mul3A_180 = arith.mulf %exp3A_175, %mul3A_179 : vector<320x128xf32>
    %add3A_181 = arith.addf %add3A_167, %mul3A_180 : vector<320x128xf32>
    %slice3A_182 = vector.extract_strided_slice %mul3A_3 {offsets = [0, 14], sizes = [320, 114], strides = [1, 1]} : vector<320x128xf32> to vector<320x114xf32>
    %slice3A_183 = vector.extract_strided_slice %mul3A_3 {offsets = [0, 0], sizes = [320, 14], strides = [1, 1]} : vector<320x128xf32> to vector<320x14xf32>
    %concatenate3A_184 = tpu.concatenate %slice3A_182, %slice3A_183 in 1 : vector<320x114xf32>, vector<320x14xf32> -> vector<320x128xf32>
    %mul3A_185 = arith.mulf %mul3A_3, %concatenate3A_184 : vector<320x128xf32>
    %min3A_186 = arith.constant 0.000000e+00 : f32
    %min3A_187 = vector.broadcast %min3A_186 : f32 to vector<320x128xf32>
    %min3A_188 = arith.minimumf %mul3A_185, %min3A_187 : vector<320x128xf32>
    %exp3A_189 = math.exp %min3A_188 : vector<320x128xf32>
    %get3A_190 = arith.constant 14 : index
    %get3A_191 = arith.constant 0 : index
    %get3A_192 = vector.load %arg3[%get3A_190, %get3A_191] : memref<72x128xf32, #tpu.memory_space<vmem>>, vector<1x128xf32>
    %mul3A_193 = vector.broadcast %get3A_192 : vector<1x128xf32> to vector<320x128xf32>
    %mul3A_194 = arith.mulf %exp3A_189, %mul3A_193 : vector<320x128xf32>
    %add3A_195 = arith.addf %add3A_181, %mul3A_194 : vector<320x128xf32>
    %slice3A_196 = vector.extract_strided_slice %mul3A_3 {offsets = [0, 15], sizes = [320, 113], strides = [1, 1]} : vector<320x128xf32> to vector<320x113xf32>
    %slice3A_197 = vector.extract_strided_slice %mul3A_3 {offsets = [0, 0], sizes = [320, 15], strides = [1, 1]} : vector<320x128xf32> to vector<320x15xf32>
    %concatenate3A_198 = tpu.concatenate %slice3A_196, %slice3A_197 in 1 : vector<320x113xf32>, vector<320x15xf32> -> vector<320x128xf32>
    %mul3A_199 = arith.mulf %mul3A_3, %concatenate3A_198 : vector<320x128xf32>
    %min3A_200 = arith.constant 0.000000e+00 : f32
    %min3A_201 = vector.broadcast %min3A_200 : f32 to vector<320x128xf32>
    %min3A_202 = arith.minimumf %mul3A_199, %min3A_201 : vector<320x128xf32>
    %exp3A_203 = math.exp %min3A_202 : vector<320x128xf32>
    %get3A_204 = arith.constant 15 : index
    %get3A_205 = arith.constant 0 : index
    %get3A_206 = vector.load %arg3[%get3A_204, %get3A_205] : memref<72x128xf32, #tpu.memory_space<vmem>>, vector<1x128xf32>
    %mul3A_207 = vector.broadcast %get3A_206 : vector<1x128xf32> to vector<320x128xf32>
    %mul3A_208 = arith.mulf %exp3A_203, %mul3A_207 : vector<320x128xf32>
    %add3A_209 = arith.addf %add3A_195, %mul3A_208 : vector<320x128xf32>
    %slice3A_210 = vector.extract_strided_slice %mul3A_3 {offsets = [0, 16], sizes = [320, 112], strides = [1, 1]} : vector<320x128xf32> to vector<320x112xf32>
    %slice3A_211 = vector.extract_strided_slice %mul3A_3 {offsets = [0, 0], sizes = [320, 16], strides = [1, 1]} : vector<320x128xf32> to vector<320x16xf32>
    %concatenate3A_212 = tpu.concatenate %slice3A_210, %slice3A_211 in 1 : vector<320x112xf32>, vector<320x16xf32> -> vector<320x128xf32>
    %mul3A_213 = arith.mulf %mul3A_3, %concatenate3A_212 : vector<320x128xf32>
    %min3A_214 = arith.constant 0.000000e+00 : f32
    %min3A_215 = vector.broadcast %min3A_214 : f32 to vector<320x128xf32>
    %min3A_216 = arith.minimumf %mul3A_213, %min3A_215 : vector<320x128xf32>
    %exp3A_217 = math.exp %min3A_216 : vector<320x128xf32>
    %get3A_218 = arith.constant 16 : index
    %get3A_219 = arith.constant 0 : index
    %get3A_220 = vector.load %arg3[%get3A_218, %get3A_219] : memref<72x128xf32, #tpu.memory_space<vmem>>, vector<1x128xf32>
    %mul3A_221 = vector.broadcast %get3A_220 : vector<1x128xf32> to vector<320x128xf32>
    %mul3A_222 = arith.mulf %exp3A_217, %mul3A_221 : vector<320x128xf32>
    %add3A_223 = arith.addf %add3A_209, %mul3A_222 : vector<320x128xf32>
    %slice3A_224 = vector.extract_strided_slice %mul3A_3 {offsets = [0, 17], sizes = [320, 111], strides = [1, 1]} : vector<320x128xf32> to vector<320x111xf32>
    %slice3A_225 = vector.extract_strided_slice %mul3A_3 {offsets = [0, 0], sizes = [320, 17], strides = [1, 1]} : vector<320x128xf32> to vector<320x17xf32>
    %concatenate3A_226 = tpu.concatenate %slice3A_224, %slice3A_225 in 1 : vector<320x111xf32>, vector<320x17xf32> -> vector<320x128xf32>
    %mul3A_227 = arith.mulf %mul3A_3, %concatenate3A_226 : vector<320x128xf32>
    %min3A_228 = arith.constant 0.000000e+00 : f32
    %min3A_229 = vector.broadcast %min3A_228 : f32 to vector<320x128xf32>
    %min3A_230 = arith.minimumf %mul3A_227, %min3A_229 : vector<320x128xf32>
    %exp3A_231 = math.exp %min3A_230 : vector<320x128xf32>
    %get3A_232 = arith.constant 17 : index
    %get3A_233 = arith.constant 0 : index
    %get3A_234 = vector.load %arg3[%get3A_232, %get3A_233] : memref<72x128xf32, #tpu.memory_space<vmem>>, vector<1x128xf32>
    %mul3A_235 = vector.broadcast %get3A_234 : vector<1x128xf32> to vector<320x128xf32>
    %mul3A_236 = arith.mulf %exp3A_231, %mul3A_235 : vector<320x128xf32>
    %add3A_237 = arith.addf %add3A_223, %mul3A_236 : vector<320x128xf32>
    %slice3A_238 = vector.extract_strided_slice %mul3A_3 {offsets = [0, 18], sizes = [320, 110], strides = [1, 1]} : vector<320x128xf32> to vector<320x110xf32>
    %slice3A_239 = vector.extract_strided_slice %mul3A_3 {offsets = [0, 0], sizes = [320, 18], strides = [1, 1]} : vector<320x128xf32> to vector<320x18xf32>
    %concatenate3A_240 = tpu.concatenate %slice3A_238, %slice3A_239 in 1 : vector<320x110xf32>, vector<320x18xf32> -> vector<320x128xf32>
    %mul3A_241 = arith.mulf %mul3A_3, %concatenate3A_240 : vector<320x128xf32>
    %min3A_242 = arith.constant 0.000000e+00 : f32
    %min3A_243 = vector.broadcast %min3A_242 : f32 to vector<320x128xf32>
    %min3A_244 = arith.minimumf %mul3A_241, %min3A_243 : vector<320x128xf32>
    %exp3A_245 = math.exp %min3A_244 : vector<320x128xf32>
    %get3A_246 = arith.constant 18 : index
    %get3A_247 = arith.constant 0 : index
    %get3A_248 = vector.load %arg3[%get3A_246, %get3A_247] : memref<72x128xf32, #tpu.memory_space<vmem>>, vector<1x128xf32>
    %mul3A_249 = vector.broadcast %get3A_248 : vector<1x128xf32> to vector<320x128xf32>
    %mul3A_250 = arith.mulf %exp3A_245, %mul3A_249 : vector<320x128xf32>
    %add3A_251 = arith.addf %add3A_237, %mul3A_250 : vector<320x128xf32>
    %slice3A_252 = vector.extract_strided_slice %mul3A_3 {offsets = [0, 19], sizes = [320, 109], strides = [1, 1]} : vector<320x128xf32> to vector<320x109xf32>
    %slice3A_253 = vector.extract_strided_slice %mul3A_3 {offsets = [0, 0], sizes = [320, 19], strides = [1, 1]} : vector<320x128xf32> to vector<320x19xf32>
    %concatenate3A_254 = tpu.concatenate %slice3A_252, %slice3A_253 in 1 : vector<320x109xf32>, vector<320x19xf32> -> vector<320x128xf32>
    %mul3A_255 = arith.mulf %mul3A_3, %concatenate3A_254 : vector<320x128xf32>
    %min3A_256 = arith.constant 0.000000e+00 : f32
    %min3A_257 = vector.broadcast %min3A_256 : f32 to vector<320x128xf32>
    %min3A_258 = arith.minimumf %mul3A_255, %min3A_257 : vector<320x128xf32>
    %exp3A_259 = math.exp %min3A_258 : vector<320x128xf32>
    %get3A_260 = arith.constant 19 : index
    %get3A_261 = arith.constant 0 : index
    %get3A_262 = vector.load %arg3[%get3A_260, %get3A_261] : memref<72x128xf32, #tpu.memory_space<vmem>>, vector<1x128xf32>
    %mul3A_263 = vector.broadcast %get3A_262 : vector<1x128xf32> to vector<320x128xf32>
    %mul3A_264 = arith.mulf %exp3A_259, %mul3A_263 : vector<320x128xf32>
    %add3A_265 = arith.addf %add3A_251, %mul3A_264 : vector<320x128xf32>
    %slice3A_266 = vector.extract_strided_slice %mul3A_3 {offsets = [0, 20], sizes = [320, 108], strides = [1, 1]} : vector<320x128xf32> to vector<320x108xf32>
    %slice3A_267 = vector.extract_strided_slice %mul3A_3 {offsets = [0, 0], sizes = [320, 20], strides = [1, 1]} : vector<320x128xf32> to vector<320x20xf32>
    %concatenate3A_268 = tpu.concatenate %slice3A_266, %slice3A_267 in 1 : vector<320x108xf32>, vector<320x20xf32> -> vector<320x128xf32>
    %mul3A_269 = arith.mulf %mul3A_3, %concatenate3A_268 : vector<320x128xf32>
    %min3A_270 = arith.constant 0.000000e+00 : f32
    %min3A_271 = vector.broadcast %min3A_270 : f32 to vector<320x128xf32>
    %min3A_272 = arith.minimumf %mul3A_269, %min3A_271 : vector<320x128xf32>
    %exp3A_273 = math.exp %min3A_272 : vector<320x128xf32>
    %get3A_274 = arith.constant 20 : index
    %get3A_275 = arith.constant 0 : index
    %get3A_276 = vector.load %arg3[%get3A_274, %get3A_275] : memref<72x128xf32, #tpu.memory_space<vmem>>, vector<1x128xf32>
    %mul3A_277 = vector.broadcast %get3A_276 : vector<1x128xf32> to vector<320x128xf32>
    %mul3A_278 = arith.mulf %exp3A_273, %mul3A_277 : vector<320x128xf32>
    %add3A_279 = arith.addf %add3A_265, %mul3A_278 : vector<320x128xf32>
    %slice3A_280 = vector.extract_strided_slice %mul3A_3 {offsets = [0, 21], sizes = [320, 107], strides = [1, 1]} : vector<320x128xf32> to vector<320x107xf32>
    %slice3A_281 = vector.extract_strided_slice %mul3A_3 {offsets = [0, 0], sizes = [320, 21], strides = [1, 1]} : vector<320x128xf32> to vector<320x21xf32>
    %concatenate3A_282 = tpu.concatenate %slice3A_280, %slice3A_281 in 1 : vector<320x107xf32>, vector<320x21xf32> -> vector<320x128xf32>
    %mul3A_283 = arith.mulf %mul3A_3, %concatenate3A_282 : vector<320x128xf32>
    %min3A_284 = arith.constant 0.000000e+00 : f32
    %min3A_285 = vector.broadcast %min3A_284 : f32 to vector<320x128xf32>
    %min3A_286 = arith.minimumf %mul3A_283, %min3A_285 : vector<320x128xf32>
    %exp3A_287 = math.exp %min3A_286 : vector<320x128xf32>
    %get3A_288 = arith.constant 21 : index
    %get3A_289 = arith.constant 0 : index
    %get3A_290 = vector.load %arg3[%get3A_288, %get3A_289] : memref<72x128xf32, #tpu.memory_space<vmem>>, vector<1x128xf32>
    %mul3A_291 = vector.broadcast %get3A_290 : vector<1x128xf32> to vector<320x128xf32>
    %mul3A_292 = arith.mulf %exp3A_287, %mul3A_291 : vector<320x128xf32>
    %add3A_293 = arith.addf %add3A_279, %mul3A_292 : vector<320x128xf32>
    %slice3A_294 = vector.extract_strided_slice %mul3A_3 {offsets = [0, 22], sizes = [320, 106], strides = [1, 1]} : vector<320x128xf32> to vector<320x106xf32>
    %slice3A_295 = vector.extract_strided_slice %mul3A_3 {offsets = [0, 0], sizes = [320, 22], strides = [1, 1]} : vector<320x128xf32> to vector<320x22xf32>
    %concatenate3A_296 = tpu.concatenate %slice3A_294, %slice3A_295 in 1 : vector<320x106xf32>, vector<320x22xf32> -> vector<320x128xf32>
    %mul3A_297 = arith.mulf %mul3A_3, %concatenate3A_296 : vector<320x128xf32>
    %min3A_298 = arith.constant 0.000000e+00 : f32
    %min3A_299 = vector.broadcast %min3A_298 : f32 to vector<320x128xf32>
    %min3A_300 = arith.minimumf %mul3A_297, %min3A_299 : vector<320x128xf32>
    %exp3A_301 = math.exp %min3A_300 : vector<320x128xf32>
    %get3A_302 = arith.constant 22 : index
    %get3A_303 = arith.constant 0 : index
    %get3A_304 = vector.load %arg3[%get3A_302, %get3A_303] : memref<72x128xf32, #tpu.memory_space<vmem>>, vector<1x128xf32>
    %mul3A_305 = vector.broadcast %get3A_304 : vector<1x128xf32> to vector<320x128xf32>
    %mul3A_306 = arith.mulf %exp3A_301, %mul3A_305 : vector<320x128xf32>
    %add3A_307 = arith.addf %add3A_293, %mul3A_306 : vector<320x128xf32>
    %slice3A_308 = vector.extract_strided_slice %mul3A_3 {offsets = [0, 23], sizes = [320, 105], strides = [1, 1]} : vector<320x128xf32> to vector<320x105xf32>
    %slice3A_309 = vector.extract_strided_slice %mul3A_3 {offsets = [0, 0], sizes = [320, 23], strides = [1, 1]} : vector<320x128xf32> to vector<320x23xf32>
    %concatenate3A_310 = tpu.concatenate %slice3A_308, %slice3A_309 in 1 : vector<320x105xf32>, vector<320x23xf32> -> vector<320x128xf32>
    %mul3A_311 = arith.mulf %mul3A_3, %concatenate3A_310 : vector<320x128xf32>
    %min3A_312 = arith.constant 0.000000e+00 : f32
    %min3A_313 = vector.broadcast %min3A_312 : f32 to vector<320x128xf32>
    %min3A_314 = arith.minimumf %mul3A_311, %min3A_313 : vector<320x128xf32>
    %exp3A_315 = math.exp %min3A_314 : vector<320x128xf32>
    %get3A_316 = arith.constant 23 : index
    %get3A_317 = arith.constant 0 : index
    %get3A_318 = vector.load %arg3[%get3A_316, %get3A_317] : memref<72x128xf32, #tpu.memory_space<vmem>>, vector<1x128xf32>
    %mul3A_319 = vector.broadcast %get3A_318 : vector<1x128xf32> to vector<320x128xf32>
    %mul3A_320 = arith.mulf %exp3A_315, %mul3A_319 : vector<320x128xf32>
    %add3A_321 = arith.addf %add3A_307, %mul3A_320 : vector<320x128xf32>
    %slice3A_322 = vector.extract_strided_slice %mul3A_3 {offsets = [0, 24], sizes = [320, 104], strides = [1, 1]} : vector<320x128xf32> to vector<320x104xf32>
    %slice3A_323 = vector.extract_strided_slice %mul3A_3 {offsets = [0, 0], sizes = [320, 24], strides = [1, 1]} : vector<320x128xf32> to vector<320x24xf32>
    %concatenate3A_324 = tpu.concatenate %slice3A_322, %slice3A_323 in 1 : vector<320x104xf32>, vector<320x24xf32> -> vector<320x128xf32>
    %mul3A_325 = arith.mulf %mul3A_3, %concatenate3A_324 : vector<320x128xf32>
    %min3A_326 = arith.constant 0.000000e+00 : f32
    %min3A_327 = vector.broadcast %min3A_326 : f32 to vector<320x128xf32>
    %min3A_328 = arith.minimumf %mul3A_325, %min3A_327 : vector<320x128xf32>
    %exp3A_329 = math.exp %min3A_328 : vector<320x128xf32>
    %get3A_330 = arith.constant 24 : index
    %get3A_331 = arith.constant 0 : index
    %get3A_332 = vector.load %arg3[%get3A_330, %get3A_331] : memref<72x128xf32, #tpu.memory_space<vmem>>, vector<1x128xf32>
    %mul3A_333 = vector.broadcast %get3A_332 : vector<1x128xf32> to vector<320x128xf32>
    %mul3A_334 = arith.mulf %exp3A_329, %mul3A_333 : vector<320x128xf32>
    %add3A_335 = arith.addf %add3A_321, %mul3A_334 : vector<320x128xf32>
    %slice3A_336 = vector.extract_strided_slice %mul3A_3 {offsets = [0, 25], sizes = [320, 103], strides = [1, 1]} : vector<320x128xf32> to vector<320x103xf32>
    %slice3A_337 = vector.extract_strided_slice %mul3A_3 {offsets = [0, 0], sizes = [320, 25], strides = [1, 1]} : vector<320x128xf32> to vector<320x25xf32>
    %concatenate3A_338 = tpu.concatenate %slice3A_336, %slice3A_337 in 1 : vector<320x103xf32>, vector<320x25xf32> -> vector<320x128xf32>
    %mul3A_339 = arith.mulf %mul3A_3, %concatenate3A_338 : vector<320x128xf32>
    %min3A_340 = arith.constant 0.000000e+00 : f32
    %min3A_341 = vector.broadcast %min3A_340 : f32 to vector<320x128xf32>
    %min3A_342 = arith.minimumf %mul3A_339, %min3A_341 : vector<320x128xf32>
    %exp3A_343 = math.exp %min3A_342 : vector<320x128xf32>
    %get3A_344 = arith.constant 25 : index
    %get3A_345 = arith.constant 0 : index
    %get3A_346 = vector.load %arg3[%get3A_344, %get3A_345] : memref<72x128xf32, #tpu.memory_space<vmem>>, vector<1x128xf32>
    %mul3A_347 = vector.broadcast %get3A_346 : vector<1x128xf32> to vector<320x128xf32>
    %mul3A_348 = arith.mulf %exp3A_343, %mul3A_347 : vector<320x128xf32>
    %add3A_349 = arith.addf %add3A_335, %mul3A_348 : vector<320x128xf32>
    %slice3A_350 = vector.extract_strided_slice %mul3A_3 {offsets = [0, 26], sizes = [320, 102], strides = [1, 1]} : vector<320x128xf32> to vector<320x102xf32>
    %slice3A_351 = vector.extract_strided_slice %mul3A_3 {offsets = [0, 0], sizes = [320, 26], strides = [1, 1]} : vector<320x128xf32> to vector<320x26xf32>
    %concatenate3A_352 = tpu.concatenate %slice3A_350, %slice3A_351 in 1 : vector<320x102xf32>, vector<320x26xf32> -> vector<320x128xf32>
    %mul3A_353 = arith.mulf %mul3A_3, %concatenate3A_352 : vector<320x128xf32>
    %min3A_354 = arith.constant 0.000000e+00 : f32
    %min3A_355 = vector.broadcast %min3A_354 : f32 to vector<320x128xf32>
    %min3A_356 = arith.minimumf %mul3A_353, %min3A_355 : vector<320x128xf32>
    %exp3A_357 = math.exp %min3A_356 : vector<320x128xf32>
    %get3A_358 = arith.constant 26 : index
    %get3A_359 = arith.constant 0 : index
    %get3A_360 = vector.load %arg3[%get3A_358, %get3A_359] : memref<72x128xf32, #tpu.memory_space<vmem>>, vector<1x128xf32>
    %mul3A_361 = vector.broadcast %get3A_360 : vector<1x128xf32> to vector<320x128xf32>
    %mul3A_362 = arith.mulf %exp3A_357, %mul3A_361 : vector<320x128xf32>
    %add3A_363 = arith.addf %add3A_349, %mul3A_362 : vector<320x128xf32>
    %slice3A_364 = vector.extract_strided_slice %mul3A_3 {offsets = [0, 27], sizes = [320, 101], strides = [1, 1]} : vector<320x128xf32> to vector<320x101xf32>
    %slice3A_365 = vector.extract_strided_slice %mul3A_3 {offsets = [0, 0], sizes = [320, 27], strides = [1, 1]} : vector<320x128xf32> to vector<320x27xf32>
    %concatenate3A_366 = tpu.concatenate %slice3A_364, %slice3A_365 in 1 : vector<320x101xf32>, vector<320x27xf32> -> vector<320x128xf32>
    %mul3A_367 = arith.mulf %mul3A_3, %concatenate3A_366 : vector<320x128xf32>
    %min3A_368 = arith.constant 0.000000e+00 : f32
    %min3A_369 = vector.broadcast %min3A_368 : f32 to vector<320x128xf32>
    %min3A_370 = arith.minimumf %mul3A_367, %min3A_369 : vector<320x128xf32>
    %exp3A_371 = math.exp %min3A_370 : vector<320x128xf32>
    %get3A_372 = arith.constant 27 : index
    %get3A_373 = arith.constant 0 : index
    %get3A_374 = vector.load %arg3[%get3A_372, %get3A_373] : memref<72x128xf32, #tpu.memory_space<vmem>>, vector<1x128xf32>
    %mul3A_375 = vector.broadcast %get3A_374 : vector<1x128xf32> to vector<320x128xf32>
    %mul3A_376 = arith.mulf %exp3A_371, %mul3A_375 : vector<320x128xf32>
    %add3A_377 = arith.addf %add3A_363, %mul3A_376 : vector<320x128xf32>
    %slice3A_378 = vector.extract_strided_slice %mul3A_3 {offsets = [0, 28], sizes = [320, 100], strides = [1, 1]} : vector<320x128xf32> to vector<320x100xf32>
    %slice3A_379 = vector.extract_strided_slice %mul3A_3 {offsets = [0, 0], sizes = [320, 28], strides = [1, 1]} : vector<320x128xf32> to vector<320x28xf32>
    %concatenate3A_380 = tpu.concatenate %slice3A_378, %slice3A_379 in 1 : vector<320x100xf32>, vector<320x28xf32> -> vector<320x128xf32>
    %mul3A_381 = arith.mulf %mul3A_3, %concatenate3A_380 : vector<320x128xf32>
    %min3A_382 = arith.constant 0.000000e+00 : f32
    %min3A_383 = vector.broadcast %min3A_382 : f32 to vector<320x128xf32>
    %min3A_384 = arith.minimumf %mul3A_381, %min3A_383 : vector<320x128xf32>
    %exp3A_385 = math.exp %min3A_384 : vector<320x128xf32>
    %get3A_386 = arith.constant 28 : index
    %get3A_387 = arith.constant 0 : index
    %get3A_388 = vector.load %arg3[%get3A_386, %get3A_387] : memref<72x128xf32, #tpu.memory_space<vmem>>, vector<1x128xf32>
    %mul3A_389 = vector.broadcast %get3A_388 : vector<1x128xf32> to vector<320x128xf32>
    %mul3A_390 = arith.mulf %exp3A_385, %mul3A_389 : vector<320x128xf32>
    %add3A_391 = arith.addf %add3A_377, %mul3A_390 : vector<320x128xf32>
    %slice3A_392 = vector.extract_strided_slice %mul3A_3 {offsets = [0, 29], sizes = [320, 99], strides = [1, 1]} : vector<320x128xf32> to vector<320x99xf32>
    %slice3A_393 = vector.extract_strided_slice %mul3A_3 {offsets = [0, 0], sizes = [320, 29], strides = [1, 1]} : vector<320x128xf32> to vector<320x29xf32>
    %concatenate3A_394 = tpu.concatenate %slice3A_392, %slice3A_393 in 1 : vector<320x99xf32>, vector<320x29xf32> -> vector<320x128xf32>
    %mul3A_395 = arith.mulf %mul3A_3, %concatenate3A_394 : vector<320x128xf32>
    %min3A_396 = arith.constant 0.000000e+00 : f32
    %min3A_397 = vector.broadcast %min3A_396 : f32 to vector<320x128xf32>
    %min3A_398 = arith.minimumf %mul3A_395, %min3A_397 : vector<320x128xf32>
    %exp3A_399 = math.exp %min3A_398 : vector<320x128xf32>
    %get3A_400 = arith.constant 29 : index
    %get3A_401 = arith.constant 0 : index
    %get3A_402 = vector.load %arg3[%get3A_400, %get3A_401] : memref<72x128xf32, #tpu.memory_space<vmem>>, vector<1x128xf32>
    %mul3A_403 = vector.broadcast %get3A_402 : vector<1x128xf32> to vector<320x128xf32>
    %mul3A_404 = arith.mulf %exp3A_399, %mul3A_403 : vector<320x128xf32>
    %add3A_405 = arith.addf %add3A_391, %mul3A_404 : vector<320x128xf32>
    %slice3A_406 = vector.extract_strided_slice %mul3A_3 {offsets = [0, 30], sizes = [320, 98], strides = [1, 1]} : vector<320x128xf32> to vector<320x98xf32>
    %slice3A_407 = vector.extract_strided_slice %mul3A_3 {offsets = [0, 0], sizes = [320, 30], strides = [1, 1]} : vector<320x128xf32> to vector<320x30xf32>
    %concatenate3A_408 = tpu.concatenate %slice3A_406, %slice3A_407 in 1 : vector<320x98xf32>, vector<320x30xf32> -> vector<320x128xf32>
    %mul3A_409 = arith.mulf %mul3A_3, %concatenate3A_408 : vector<320x128xf32>
    %min3A_410 = arith.constant 0.000000e+00 : f32
    %min3A_411 = vector.broadcast %min3A_410 : f32 to vector<320x128xf32>
    %min3A_412 = arith.minimumf %mul3A_409, %min3A_411 : vector<320x128xf32>
    %exp3A_413 = math.exp %min3A_412 : vector<320x128xf32>
    %get3A_414 = arith.constant 30 : index
    %get3A_415 = arith.constant 0 : index
    %get3A_416 = vector.load %arg3[%get3A_414, %get3A_415] : memref<72x128xf32, #tpu.memory_space<vmem>>, vector<1x128xf32>
    %mul3A_417 = vector.broadcast %get3A_416 : vector<1x128xf32> to vector<320x128xf32>
    %mul3A_418 = arith.mulf %exp3A_413, %mul3A_417 : vector<320x128xf32>
    %add3A_419 = arith.addf %add3A_405, %mul3A_418 : vector<320x128xf32>
    %slice3A_420 = vector.extract_strided_slice %mul3A_3 {offsets = [0, 31], sizes = [320, 97], strides = [1, 1]} : vector<320x128xf32> to vector<320x97xf32>
    %slice3A_421 = vector.extract_strided_slice %mul3A_3 {offsets = [0, 0], sizes = [320, 31], strides = [1, 1]} : vector<320x128xf32> to vector<320x31xf32>
    %concatenate3A_422 = tpu.concatenate %slice3A_420, %slice3A_421 in 1 : vector<320x97xf32>, vector<320x31xf32> -> vector<320x128xf32>
    %mul3A_423 = arith.mulf %mul3A_3, %concatenate3A_422 : vector<320x128xf32>
    %min3A_424 = arith.constant 0.000000e+00 : f32
    %min3A_425 = vector.broadcast %min3A_424 : f32 to vector<320x128xf32>
    %min3A_426 = arith.minimumf %mul3A_423, %min3A_425 : vector<320x128xf32>
    %exp3A_427 = math.exp %min3A_426 : vector<320x128xf32>
    %get3A_428 = arith.constant 31 : index
    %get3A_429 = arith.constant 0 : index
    %get3A_430 = vector.load %arg3[%get3A_428, %get3A_429] : memref<72x128xf32, #tpu.memory_space<vmem>>, vector<1x128xf32>
    %mul3A_431 = vector.broadcast %get3A_430 : vector<1x128xf32> to vector<320x128xf32>
    %mul3A_432 = arith.mulf %exp3A_427, %mul3A_431 : vector<320x128xf32>
    %add3A_433 = arith.addf %add3A_419, %mul3A_432 : vector<320x128xf32>
    %slice3A_434 = vector.extract_strided_slice %mul3A_3 {offsets = [0, 32], sizes = [320, 96], strides = [1, 1]} : vector<320x128xf32> to vector<320x96xf32>
    %slice3A_435 = vector.extract_strided_slice %mul3A_3 {offsets = [0, 0], sizes = [320, 32], strides = [1, 1]} : vector<320x128xf32> to vector<320x32xf32>
    %concatenate3A_436 = tpu.concatenate %slice3A_434, %slice3A_435 in 1 : vector<320x96xf32>, vector<320x32xf32> -> vector<320x128xf32>
    %mul3A_437 = arith.mulf %mul3A_3, %concatenate3A_436 : vector<320x128xf32>
    %min3A_438 = arith.constant 0.000000e+00 : f32
    %min3A_439 = vector.broadcast %min3A_438 : f32 to vector<320x128xf32>
    %min3A_440 = arith.minimumf %mul3A_437, %min3A_439 : vector<320x128xf32>
    %exp3A_441 = math.exp %min3A_440 : vector<320x128xf32>
    %get3A_442 = arith.constant 32 : index
    %get3A_443 = arith.constant 0 : index
    %get3A_444 = vector.load %arg3[%get3A_442, %get3A_443] : memref<72x128xf32, #tpu.memory_space<vmem>>, vector<1x128xf32>
    %mul3A_445 = vector.broadcast %get3A_444 : vector<1x128xf32> to vector<320x128xf32>
    %mul3A_446 = arith.mulf %exp3A_441, %mul3A_445 : vector<320x128xf32>
    %add3A_447 = arith.addf %add3A_433, %mul3A_446 : vector<320x128xf32>
    %slice3A_448 = vector.extract_strided_slice %mul3A_3 {offsets = [0, 33], sizes = [320, 95], strides = [1, 1]} : vector<320x128xf32> to vector<320x95xf32>
    %slice3A_449 = vector.extract_strided_slice %mul3A_3 {offsets = [0, 0], sizes = [320, 33], strides = [1, 1]} : vector<320x128xf32> to vector<320x33xf32>
    %concatenate3A_450 = tpu.concatenate %slice3A_448, %slice3A_449 in 1 : vector<320x95xf32>, vector<320x33xf32> -> vector<320x128xf32>
    %mul3A_451 = arith.mulf %mul3A_3, %concatenate3A_450 : vector<320x128xf32>
    %min3A_452 = arith.constant 0.000000e+00 : f32
    %min3A_453 = vector.broadcast %min3A_452 : f32 to vector<320x128xf32>
    %min3A_454 = arith.minimumf %mul3A_451, %min3A_453 : vector<320x128xf32>
    %exp3A_455 = math.exp %min3A_454 : vector<320x128xf32>
    %get3A_456 = arith.constant 33 : index
    %get3A_457 = arith.constant 0 : index
    %get3A_458 = vector.load %arg3[%get3A_456, %get3A_457] : memref<72x128xf32, #tpu.memory_space<vmem>>, vector<1x128xf32>
    %mul3A_459 = vector.broadcast %get3A_458 : vector<1x128xf32> to vector<320x128xf32>
    %mul3A_460 = arith.mulf %exp3A_455, %mul3A_459 : vector<320x128xf32>
    %add3A_461 = arith.addf %add3A_447, %mul3A_460 : vector<320x128xf32>
    %slice3A_462 = vector.extract_strided_slice %mul3A_3 {offsets = [0, 34], sizes = [320, 94], strides = [1, 1]} : vector<320x128xf32> to vector<320x94xf32>
    %slice3A_463 = vector.extract_strided_slice %mul3A_3 {offsets = [0, 0], sizes = [320, 34], strides = [1, 1]} : vector<320x128xf32> to vector<320x34xf32>
    %concatenate3A_464 = tpu.concatenate %slice3A_462, %slice3A_463 in 1 : vector<320x94xf32>, vector<320x34xf32> -> vector<320x128xf32>
    %mul3A_465 = arith.mulf %mul3A_3, %concatenate3A_464 : vector<320x128xf32>
    %min3A_466 = arith.constant 0.000000e+00 : f32
    %min3A_467 = vector.broadcast %min3A_466 : f32 to vector<320x128xf32>
    %min3A_468 = arith.minimumf %mul3A_465, %min3A_467 : vector<320x128xf32>
    %exp3A_469 = math.exp %min3A_468 : vector<320x128xf32>
    %get3A_470 = arith.constant 34 : index
    %get3A_471 = arith.constant 0 : index
    %get3A_472 = vector.load %arg3[%get3A_470, %get3A_471] : memref<72x128xf32, #tpu.memory_space<vmem>>, vector<1x128xf32>
    %mul3A_473 = vector.broadcast %get3A_472 : vector<1x128xf32> to vector<320x128xf32>
    %mul3A_474 = arith.mulf %exp3A_469, %mul3A_473 : vector<320x128xf32>
    %add3A_475 = arith.addf %add3A_461, %mul3A_474 : vector<320x128xf32>
    %slice3A_476 = vector.extract_strided_slice %mul3A_3 {offsets = [0, 35], sizes = [320, 93], strides = [1, 1]} : vector<320x128xf32> to vector<320x93xf32>
    %slice3A_477 = vector.extract_strided_slice %mul3A_3 {offsets = [0, 0], sizes = [320, 35], strides = [1, 1]} : vector<320x128xf32> to vector<320x35xf32>
    %concatenate3A_478 = tpu.concatenate %slice3A_476, %slice3A_477 in 1 : vector<320x93xf32>, vector<320x35xf32> -> vector<320x128xf32>
    %mul3A_479 = arith.mulf %mul3A_3, %concatenate3A_478 : vector<320x128xf32>
    %min3A_480 = arith.constant 0.000000e+00 : f32
    %min3A_481 = vector.broadcast %min3A_480 : f32 to vector<320x128xf32>
    %min3A_482 = arith.minimumf %mul3A_479, %min3A_481 : vector<320x128xf32>
    %exp3A_483 = math.exp %min3A_482 : vector<320x128xf32>
    %get3A_484 = arith.constant 35 : index
    %get3A_485 = arith.constant 0 : index
    %get3A_486 = vector.load %arg3[%get3A_484, %get3A_485] : memref<72x128xf32, #tpu.memory_space<vmem>>, vector<1x128xf32>
    %mul3A_487 = vector.broadcast %get3A_486 : vector<1x128xf32> to vector<320x128xf32>
    %mul3A_488 = arith.mulf %exp3A_483, %mul3A_487 : vector<320x128xf32>
    %add3A_489 = arith.addf %add3A_475, %mul3A_488 : vector<320x128xf32>
    %slice3A_490 = vector.extract_strided_slice %mul3A_3 {offsets = [0, 36], sizes = [320, 92], strides = [1, 1]} : vector<320x128xf32> to vector<320x92xf32>
    %slice3A_491 = vector.extract_strided_slice %mul3A_3 {offsets = [0, 0], sizes = [320, 36], strides = [1, 1]} : vector<320x128xf32> to vector<320x36xf32>
    %concatenate3A_492 = tpu.concatenate %slice3A_490, %slice3A_491 in 1 : vector<320x92xf32>, vector<320x36xf32> -> vector<320x128xf32>
    %mul3A_493 = arith.mulf %mul3A_3, %concatenate3A_492 : vector<320x128xf32>
    %min3A_494 = arith.constant 0.000000e+00 : f32
    %min3A_495 = vector.broadcast %min3A_494 : f32 to vector<320x128xf32>
    %min3A_496 = arith.minimumf %mul3A_493, %min3A_495 : vector<320x128xf32>
    %exp3A_497 = math.exp %min3A_496 : vector<320x128xf32>
    %get3A_498 = arith.constant 36 : index
    %get3A_499 = arith.constant 0 : index
    %get3A_500 = vector.load %arg3[%get3A_498, %get3A_499] : memref<72x128xf32, #tpu.memory_space<vmem>>, vector<1x128xf32>
    %mul3A_501 = vector.broadcast %get3A_500 : vector<1x128xf32> to vector<320x128xf32>
    %mul3A_502 = arith.mulf %exp3A_497, %mul3A_501 : vector<320x128xf32>
    %add3A_503 = arith.addf %add3A_489, %mul3A_502 : vector<320x128xf32>
    %slice3A_504 = vector.extract_strided_slice %mul3A_3 {offsets = [0, 37], sizes = [320, 91], strides = [1, 1]} : vector<320x128xf32> to vector<320x91xf32>
    %slice3A_505 = vector.extract_strided_slice %mul3A_3 {offsets = [0, 0], sizes = [320, 37], strides = [1, 1]} : vector<320x128xf32> to vector<320x37xf32>
    %concatenate3A_506 = tpu.concatenate %slice3A_504, %slice3A_505 in 1 : vector<320x91xf32>, vector<320x37xf32> -> vector<320x128xf32>
    %mul3A_507 = arith.mulf %mul3A_3, %concatenate3A_506 : vector<320x128xf32>
    %min3A_508 = arith.constant 0.000000e+00 : f32
    %min3A_509 = vector.broadcast %min3A_508 : f32 to vector<320x128xf32>
    %min3A_510 = arith.minimumf %mul3A_507, %min3A_509 : vector<320x128xf32>
    %exp3A_511 = math.exp %min3A_510 : vector<320x128xf32>
    %get3A_512 = arith.constant 37 : index
    %get3A_513 = arith.constant 0 : index
    %get3A_514 = vector.load %arg3[%get3A_512, %get3A_513] : memref<72x128xf32, #tpu.memory_space<vmem>>, vector<1x128xf32>
    %mul3A_515 = vector.broadcast %get3A_514 : vector<1x128xf32> to vector<320x128xf32>
    %mul3A_516 = arith.mulf %exp3A_511, %mul3A_515 : vector<320x128xf32>
    %add3A_517 = arith.addf %add3A_503, %mul3A_516 : vector<320x128xf32>
    %slice3A_518 = vector.extract_strided_slice %mul3A_3 {offsets = [0, 38], sizes = [320, 90], strides = [1, 1]} : vector<320x128xf32> to vector<320x90xf32>
    %slice3A_519 = vector.extract_strided_slice %mul3A_3 {offsets = [0, 0], sizes = [320, 38], strides = [1, 1]} : vector<320x128xf32> to vector<320x38xf32>
    %concatenate3A_520 = tpu.concatenate %slice3A_518, %slice3A_519 in 1 : vector<320x90xf32>, vector<320x38xf32> -> vector<320x128xf32>
    %mul3A_521 = arith.mulf %mul3A_3, %concatenate3A_520 : vector<320x128xf32>
    %min3A_522 = arith.constant 0.000000e+00 : f32
    %min3A_523 = vector.broadcast %min3A_522 : f32 to vector<320x128xf32>
    %min3A_524 = arith.minimumf %mul3A_521, %min3A_523 : vector<320x128xf32>
    %exp3A_525 = math.exp %min3A_524 : vector<320x128xf32>
    %get3A_526 = arith.constant 38 : index
    %get3A_527 = arith.constant 0 : index
    %get3A_528 = vector.load %arg3[%get3A_526, %get3A_527] : memref<72x128xf32, #tpu.memory_space<vmem>>, vector<1x128xf32>
    %mul3A_529 = vector.broadcast %get3A_528 : vector<1x128xf32> to vector<320x128xf32>
    %mul3A_530 = arith.mulf %exp3A_525, %mul3A_529 : vector<320x128xf32>
    %add3A_531 = arith.addf %add3A_517, %mul3A_530 : vector<320x128xf32>
    %slice3A_532 = vector.extract_strided_slice %mul3A_3 {offsets = [0, 39], sizes = [320, 89], strides = [1, 1]} : vector<320x128xf32> to vector<320x89xf32>
    %slice3A_533 = vector.extract_strided_slice %mul3A_3 {offsets = [0, 0], sizes = [320, 39], strides = [1, 1]} : vector<320x128xf32> to vector<320x39xf32>
    %concatenate3A_534 = tpu.concatenate %slice3A_532, %slice3A_533 in 1 : vector<320x89xf32>, vector<320x39xf32> -> vector<320x128xf32>
    %mul3A_535 = arith.mulf %mul3A_3, %concatenate3A_534 : vector<320x128xf32>
    %min3A_536 = arith.constant 0.000000e+00 : f32
    %min3A_537 = vector.broadcast %min3A_536 : f32 to vector<320x128xf32>
    %min3A_538 = arith.minimumf %mul3A_535, %min3A_537 : vector<320x128xf32>
    %exp3A_539 = math.exp %min3A_538 : vector<320x128xf32>
    %get3A_540 = arith.constant 39 : index
    %get3A_541 = arith.constant 0 : index
    %get3A_542 = vector.load %arg3[%get3A_540, %get3A_541] : memref<72x128xf32, #tpu.memory_space<vmem>>, vector<1x128xf32>
    %mul3A_543 = vector.broadcast %get3A_542 : vector<1x128xf32> to vector<320x128xf32>
    %mul3A_544 = arith.mulf %exp3A_539, %mul3A_543 : vector<320x128xf32>
    %add3A_545 = arith.addf %add3A_531, %mul3A_544 : vector<320x128xf32>
    %slice3A_546 = vector.extract_strided_slice %mul3A_3 {offsets = [0, 40], sizes = [320, 88], strides = [1, 1]} : vector<320x128xf32> to vector<320x88xf32>
    %slice3A_547 = vector.extract_strided_slice %mul3A_3 {offsets = [0, 0], sizes = [320, 40], strides = [1, 1]} : vector<320x128xf32> to vector<320x40xf32>
    %concatenate3A_548 = tpu.concatenate %slice3A_546, %slice3A_547 in 1 : vector<320x88xf32>, vector<320x40xf32> -> vector<320x128xf32>
    %mul3A_549 = arith.mulf %mul3A_3, %concatenate3A_548 : vector<320x128xf32>
    %min3A_550 = arith.constant 0.000000e+00 : f32
    %min3A_551 = vector.broadcast %min3A_550 : f32 to vector<320x128xf32>
    %min3A_552 = arith.minimumf %mul3A_549, %min3A_551 : vector<320x128xf32>
    %exp3A_553 = math.exp %min3A_552 : vector<320x128xf32>
    %get3A_554 = arith.constant 40 : index
    %get3A_555 = arith.constant 0 : index
    %get3A_556 = vector.load %arg3[%get3A_554, %get3A_555] : memref<72x128xf32, #tpu.memory_space<vmem>>, vector<1x128xf32>
    %mul3A_557 = vector.broadcast %get3A_556 : vector<1x128xf32> to vector<320x128xf32>
    %mul3A_558 = arith.mulf %exp3A_553, %mul3A_557 : vector<320x128xf32>
    %add3A_559 = arith.addf %add3A_545, %mul3A_558 : vector<320x128xf32>
    %slice3A_560 = vector.extract_strided_slice %mul3A_3 {offsets = [0, 41], sizes = [320, 87], strides = [1, 1]} : vector<320x128xf32> to vector<320x87xf32>
    %slice3A_561 = vector.extract_strided_slice %mul3A_3 {offsets = [0, 0], sizes = [320, 41], strides = [1, 1]} : vector<320x128xf32> to vector<320x41xf32>
    %concatenate3A_562 = tpu.concatenate %slice3A_560, %slice3A_561 in 1 : vector<320x87xf32>, vector<320x41xf32> -> vector<320x128xf32>
    %mul3A_563 = arith.mulf %mul3A_3, %concatenate3A_562 : vector<320x128xf32>
    %min3A_564 = arith.constant 0.000000e+00 : f32
    %min3A_565 = vector.broadcast %min3A_564 : f32 to vector<320x128xf32>
    %min3A_566 = arith.minimumf %mul3A_563, %min3A_565 : vector<320x128xf32>
    %exp3A_567 = math.exp %min3A_566 : vector<320x128xf32>
    %get3A_568 = arith.constant 41 : index
    %get3A_569 = arith.constant 0 : index
    %get3A_570 = vector.load %arg3[%get3A_568, %get3A_569] : memref<72x128xf32, #tpu.memory_space<vmem>>, vector<1x128xf32>
    %mul3A_571 = vector.broadcast %get3A_570 : vector<1x128xf32> to vector<320x128xf32>
    %mul3A_572 = arith.mulf %exp3A_567, %mul3A_571 : vector<320x128xf32>
    %add3A_573 = arith.addf %add3A_559, %mul3A_572 : vector<320x128xf32>
    %slice3A_574 = vector.extract_strided_slice %mul3A_3 {offsets = [0, 42], sizes = [320, 86], strides = [1, 1]} : vector<320x128xf32> to vector<320x86xf32>
    %slice3A_575 = vector.extract_strided_slice %mul3A_3 {offsets = [0, 0], sizes = [320, 42], strides = [1, 1]} : vector<320x128xf32> to vector<320x42xf32>
    %concatenate3A_576 = tpu.concatenate %slice3A_574, %slice3A_575 in 1 : vector<320x86xf32>, vector<320x42xf32> -> vector<320x128xf32>
    %mul3A_577 = arith.mulf %mul3A_3, %concatenate3A_576 : vector<320x128xf32>
    %min3A_578 = arith.constant 0.000000e+00 : f32
    %min3A_579 = vector.broadcast %min3A_578 : f32 to vector<320x128xf32>
    %min3A_580 = arith.minimumf %mul3A_577, %min3A_579 : vector<320x128xf32>
    %exp3A_581 = math.exp %min3A_580 : vector<320x128xf32>
    %get3A_582 = arith.constant 42 : index
    %get3A_583 = arith.constant 0 : index
    %get3A_584 = vector.load %arg3[%get3A_582, %get3A_583] : memref<72x128xf32, #tpu.memory_space<vmem>>, vector<1x128xf32>
    %mul3A_585 = vector.broadcast %get3A_584 : vector<1x128xf32> to vector<320x128xf32>
    %mul3A_586 = arith.mulf %exp3A_581, %mul3A_585 : vector<320x128xf32>
    %add3A_587 = arith.addf %add3A_573, %mul3A_586 : vector<320x128xf32>
    %slice3A_588 = vector.extract_strided_slice %mul3A_3 {offsets = [0, 43], sizes = [320, 85], strides = [1, 1]} : vector<320x128xf32> to vector<320x85xf32>
    %slice3A_589 = vector.extract_strided_slice %mul3A_3 {offsets = [0, 0], sizes = [320, 43], strides = [1, 1]} : vector<320x128xf32> to vector<320x43xf32>
    %concatenate3A_590 = tpu.concatenate %slice3A_588, %slice3A_589 in 1 : vector<320x85xf32>, vector<320x43xf32> -> vector<320x128xf32>
    %mul3A_591 = arith.mulf %mul3A_3, %concatenate3A_590 : vector<320x128xf32>
    %min3A_592 = arith.constant 0.000000e+00 : f32
    %min3A_593 = vector.broadcast %min3A_592 : f32 to vector<320x128xf32>
    %min3A_594 = arith.minimumf %mul3A_591, %min3A_593 : vector<320x128xf32>
    %exp3A_595 = math.exp %min3A_594 : vector<320x128xf32>
    %get3A_596 = arith.constant 43 : index
    %get3A_597 = arith.constant 0 : index
    %get3A_598 = vector.load %arg3[%get3A_596, %get3A_597] : memref<72x128xf32, #tpu.memory_space<vmem>>, vector<1x128xf32>
    %mul3A_599 = vector.broadcast %get3A_598 : vector<1x128xf32> to vector<320x128xf32>
    %mul3A_600 = arith.mulf %exp3A_595, %mul3A_599 : vector<320x128xf32>
    %add3A_601 = arith.addf %add3A_587, %mul3A_600 : vector<320x128xf32>
    %slice3A_602 = vector.extract_strided_slice %mul3A_3 {offsets = [0, 44], sizes = [320, 84], strides = [1, 1]} : vector<320x128xf32> to vector<320x84xf32>
    %slice3A_603 = vector.extract_strided_slice %mul3A_3 {offsets = [0, 0], sizes = [320, 44], strides = [1, 1]} : vector<320x128xf32> to vector<320x44xf32>
    %concatenate3A_604 = tpu.concatenate %slice3A_602, %slice3A_603 in 1 : vector<320x84xf32>, vector<320x44xf32> -> vector<320x128xf32>
    %mul3A_605 = arith.mulf %mul3A_3, %concatenate3A_604 : vector<320x128xf32>
    %min3A_606 = arith.constant 0.000000e+00 : f32
    %min3A_607 = vector.broadcast %min3A_606 : f32 to vector<320x128xf32>
    %min3A_608 = arith.minimumf %mul3A_605, %min3A_607 : vector<320x128xf32>
    %exp3A_609 = math.exp %min3A_608 : vector<320x128xf32>
    %get3A_610 = arith.constant 44 : index
    %get3A_611 = arith.constant 0 : index
    %get3A_612 = vector.load %arg3[%get3A_610, %get3A_611] : memref<72x128xf32, #tpu.memory_space<vmem>>, vector<1x128xf32>
    %mul3A_613 = vector.broadcast %get3A_612 : vector<1x128xf32> to vector<320x128xf32>
    %mul3A_614 = arith.mulf %exp3A_609, %mul3A_613 : vector<320x128xf32>
    %add3A_615 = arith.addf %add3A_601, %mul3A_614 : vector<320x128xf32>
    %slice3A_616 = vector.extract_strided_slice %mul3A_3 {offsets = [0, 45], sizes = [320, 83], strides = [1, 1]} : vector<320x128xf32> to vector<320x83xf32>
    %slice3A_617 = vector.extract_strided_slice %mul3A_3 {offsets = [0, 0], sizes = [320, 45], strides = [1, 1]} : vector<320x128xf32> to vector<320x45xf32>
    %concatenate3A_618 = tpu.concatenate %slice3A_616, %slice3A_617 in 1 : vector<320x83xf32>, vector<320x45xf32> -> vector<320x128xf32>
    %mul3A_619 = arith.mulf %mul3A_3, %concatenate3A_618 : vector<320x128xf32>
    %min3A_620 = arith.constant 0.000000e+00 : f32
    %min3A_621 = vector.broadcast %min3A_620 : f32 to vector<320x128xf32>
    %min3A_622 = arith.minimumf %mul3A_619, %min3A_621 : vector<320x128xf32>
    %exp3A_623 = math.exp %min3A_622 : vector<320x128xf32>
    %get3A_624 = arith.constant 45 : index
    %get3A_625 = arith.constant 0 : index
    %get3A_626 = vector.load %arg3[%get3A_624, %get3A_625] : memref<72x128xf32, #tpu.memory_space<vmem>>, vector<1x128xf32>
    %mul3A_627 = vector.broadcast %get3A_626 : vector<1x128xf32> to vector<320x128xf32>
    %mul3A_628 = arith.mulf %exp3A_623, %mul3A_627 : vector<320x128xf32>
    %add3A_629 = arith.addf %add3A_615, %mul3A_628 : vector<320x128xf32>
    %slice3A_630 = vector.extract_strided_slice %mul3A_3 {offsets = [0, 46], sizes = [320, 82], strides = [1, 1]} : vector<320x128xf32> to vector<320x82xf32>
    %slice3A_631 = vector.extract_strided_slice %mul3A_3 {offsets = [0, 0], sizes = [320, 46], strides = [1, 1]} : vector<320x128xf32> to vector<320x46xf32>
    %concatenate3A_632 = tpu.concatenate %slice3A_630, %slice3A_631 in 1 : vector<320x82xf32>, vector<320x46xf32> -> vector<320x128xf32>
    %mul3A_633 = arith.mulf %mul3A_3, %concatenate3A_632 : vector<320x128xf32>
    %min3A_634 = arith.constant 0.000000e+00 : f32
    %min3A_635 = vector.broadcast %min3A_634 : f32 to vector<320x128xf32>
    %min3A_636 = arith.minimumf %mul3A_633, %min3A_635 : vector<320x128xf32>
    %exp3A_637 = math.exp %min3A_636 : vector<320x128xf32>
    %get3A_638 = arith.constant 46 : index
    %get3A_639 = arith.constant 0 : index
    %get3A_640 = vector.load %arg3[%get3A_638, %get3A_639] : memref<72x128xf32, #tpu.memory_space<vmem>>, vector<1x128xf32>
    %mul3A_641 = vector.broadcast %get3A_640 : vector<1x128xf32> to vector<320x128xf32>
    %mul3A_642 = arith.mulf %exp3A_637, %mul3A_641 : vector<320x128xf32>
    %add3A_643 = arith.addf %add3A_629, %mul3A_642 : vector<320x128xf32>
    %slice3A_644 = vector.extract_strided_slice %mul3A_3 {offsets = [0, 47], sizes = [320, 81], strides = [1, 1]} : vector<320x128xf32> to vector<320x81xf32>
    %slice3A_645 = vector.extract_strided_slice %mul3A_3 {offsets = [0, 0], sizes = [320, 47], strides = [1, 1]} : vector<320x128xf32> to vector<320x47xf32>
    %concatenate3A_646 = tpu.concatenate %slice3A_644, %slice3A_645 in 1 : vector<320x81xf32>, vector<320x47xf32> -> vector<320x128xf32>
    %mul3A_647 = arith.mulf %mul3A_3, %concatenate3A_646 : vector<320x128xf32>
    %min3A_648 = arith.constant 0.000000e+00 : f32
    %min3A_649 = vector.broadcast %min3A_648 : f32 to vector<320x128xf32>
    %min3A_650 = arith.minimumf %mul3A_647, %min3A_649 : vector<320x128xf32>
    %exp3A_651 = math.exp %min3A_650 : vector<320x128xf32>
    %get3A_652 = arith.constant 47 : index
    %get3A_653 = arith.constant 0 : index
    %get3A_654 = vector.load %arg3[%get3A_652, %get3A_653] : memref<72x128xf32, #tpu.memory_space<vmem>>, vector<1x128xf32>
    %mul3A_655 = vector.broadcast %get3A_654 : vector<1x128xf32> to vector<320x128xf32>
    %mul3A_656 = arith.mulf %exp3A_651, %mul3A_655 : vector<320x128xf32>
    %add3A_657 = arith.addf %add3A_643, %mul3A_656 : vector<320x128xf32>
    %slice3A_658 = vector.extract_strided_slice %mul3A_3 {offsets = [0, 48], sizes = [320, 80], strides = [1, 1]} : vector<320x128xf32> to vector<320x80xf32>
    %slice3A_659 = vector.extract_strided_slice %mul3A_3 {offsets = [0, 0], sizes = [320, 48], strides = [1, 1]} : vector<320x128xf32> to vector<320x48xf32>
    %concatenate3A_660 = tpu.concatenate %slice3A_658, %slice3A_659 in 1 : vector<320x80xf32>, vector<320x48xf32> -> vector<320x128xf32>
    %mul3A_661 = arith.mulf %mul3A_3, %concatenate3A_660 : vector<320x128xf32>
    %min3A_662 = arith.constant 0.000000e+00 : f32
    %min3A_663 = vector.broadcast %min3A_662 : f32 to vector<320x128xf32>
    %min3A_664 = arith.minimumf %mul3A_661, %min3A_663 : vector<320x128xf32>
    %exp3A_665 = math.exp %min3A_664 : vector<320x128xf32>
    %get3A_666 = arith.constant 48 : index
    %get3A_667 = arith.constant 0 : index
    %get3A_668 = vector.load %arg3[%get3A_666, %get3A_667] : memref<72x128xf32, #tpu.memory_space<vmem>>, vector<1x128xf32>
    %mul3A_669 = vector.broadcast %get3A_668 : vector<1x128xf32> to vector<320x128xf32>
    %mul3A_670 = arith.mulf %exp3A_665, %mul3A_669 : vector<320x128xf32>
    %add3A_671 = arith.addf %add3A_657, %mul3A_670 : vector<320x128xf32>
    %slice3A_672 = vector.extract_strided_slice %mul3A_3 {offsets = [0, 49], sizes = [320, 79], strides = [1, 1]} : vector<320x128xf32> to vector<320x79xf32>
    %slice3A_673 = vector.extract_strided_slice %mul3A_3 {offsets = [0, 0], sizes = [320, 49], strides = [1, 1]} : vector<320x128xf32> to vector<320x49xf32>
    %concatenate3A_674 = tpu.concatenate %slice3A_672, %slice3A_673 in 1 : vector<320x79xf32>, vector<320x49xf32> -> vector<320x128xf32>
    %mul3A_675 = arith.mulf %mul3A_3, %concatenate3A_674 : vector<320x128xf32>
    %min3A_676 = arith.constant 0.000000e+00 : f32
    %min3A_677 = vector.broadcast %min3A_676 : f32 to vector<320x128xf32>
    %min3A_678 = arith.minimumf %mul3A_675, %min3A_677 : vector<320x128xf32>
    %exp3A_679 = math.exp %min3A_678 : vector<320x128xf32>
    %get3A_680 = arith.constant 49 : index
    %get3A_681 = arith.constant 0 : index
    %get3A_682 = vector.load %arg3[%get3A_680, %get3A_681] : memref<72x128xf32, #tpu.memory_space<vmem>>, vector<1x128xf32>
    %mul3A_683 = vector.broadcast %get3A_682 : vector<1x128xf32> to vector<320x128xf32>
    %mul3A_684 = arith.mulf %exp3A_679, %mul3A_683 : vector<320x128xf32>
    %add3A_685 = arith.addf %add3A_671, %mul3A_684 : vector<320x128xf32>
    %slice3A_686 = vector.extract_strided_slice %mul3A_3 {offsets = [0, 50], sizes = [320, 78], strides = [1, 1]} : vector<320x128xf32> to vector<320x78xf32>
    %slice3A_687 = vector.extract_strided_slice %mul3A_3 {offsets = [0, 0], sizes = [320, 50], strides = [1, 1]} : vector<320x128xf32> to vector<320x50xf32>
    %concatenate3A_688 = tpu.concatenate %slice3A_686, %slice3A_687 in 1 : vector<320x78xf32>, vector<320x50xf32> -> vector<320x128xf32>
    %mul3A_689 = arith.mulf %mul3A_3, %concatenate3A_688 : vector<320x128xf32>
    %min3A_690 = arith.constant 0.000000e+00 : f32
    %min3A_691 = vector.broadcast %min3A_690 : f32 to vector<320x128xf32>
    %min3A_692 = arith.minimumf %mul3A_689, %min3A_691 : vector<320x128xf32>
    %exp3A_693 = math.exp %min3A_692 : vector<320x128xf32>
    %get3A_694 = arith.constant 50 : index
    %get3A_695 = arith.constant 0 : index
    %get3A_696 = vector.load %arg3[%get3A_694, %get3A_695] : memref<72x128xf32, #tpu.memory_space<vmem>>, vector<1x128xf32>
    %mul3A_697 = vector.broadcast %get3A_696 : vector<1x128xf32> to vector<320x128xf32>
    %mul3A_698 = arith.mulf %exp3A_693, %mul3A_697 : vector<320x128xf32>
    %add3A_699 = arith.addf %add3A_685, %mul3A_698 : vector<320x128xf32>
    %slice3A_700 = vector.extract_strided_slice %mul3A_3 {offsets = [0, 51], sizes = [320, 77], strides = [1, 1]} : vector<320x128xf32> to vector<320x77xf32>
    %slice3A_701 = vector.extract_strided_slice %mul3A_3 {offsets = [0, 0], sizes = [320, 51], strides = [1, 1]} : vector<320x128xf32> to vector<320x51xf32>
    %concatenate3A_702 = tpu.concatenate %slice3A_700, %slice3A_701 in 1 : vector<320x77xf32>, vector<320x51xf32> -> vector<320x128xf32>
    %mul3A_703 = arith.mulf %mul3A_3, %concatenate3A_702 : vector<320x128xf32>
    %min3A_704 = arith.constant 0.000000e+00 : f32
    %min3A_705 = vector.broadcast %min3A_704 : f32 to vector<320x128xf32>
    %min3A_706 = arith.minimumf %mul3A_703, %min3A_705 : vector<320x128xf32>
    %exp3A_707 = math.exp %min3A_706 : vector<320x128xf32>
    %get3A_708 = arith.constant 51 : index
    %get3A_709 = arith.constant 0 : index
    %get3A_710 = vector.load %arg3[%get3A_708, %get3A_709] : memref<72x128xf32, #tpu.memory_space<vmem>>, vector<1x128xf32>
    %mul3A_711 = vector.broadcast %get3A_710 : vector<1x128xf32> to vector<320x128xf32>
    %mul3A_712 = arith.mulf %exp3A_707, %mul3A_711 : vector<320x128xf32>
    %add3A_713 = arith.addf %add3A_699, %mul3A_712 : vector<320x128xf32>
    %slice3A_714 = vector.extract_strided_slice %mul3A_3 {offsets = [0, 52], sizes = [320, 76], strides = [1, 1]} : vector<320x128xf32> to vector<320x76xf32>
    %slice3A_715 = vector.extract_strided_slice %mul3A_3 {offsets = [0, 0], sizes = [320, 52], strides = [1, 1]} : vector<320x128xf32> to vector<320x52xf32>
    %concatenate3A_716 = tpu.concatenate %slice3A_714, %slice3A_715 in 1 : vector<320x76xf32>, vector<320x52xf32> -> vector<320x128xf32>
    %mul3A_717 = arith.mulf %mul3A_3, %concatenate3A_716 : vector<320x128xf32>
    %min3A_718 = arith.constant 0.000000e+00 : f32
    %min3A_719 = vector.broadcast %min3A_718 : f32 to vector<320x128xf32>
    %min3A_720 = arith.minimumf %mul3A_717, %min3A_719 : vector<320x128xf32>
    %exp3A_721 = math.exp %min3A_720 : vector<320x128xf32>
    %get3A_722 = arith.constant 52 : index
    %get3A_723 = arith.constant 0 : index
    %get3A_724 = vector.load %arg3[%get3A_722, %get3A_723] : memref<72x128xf32, #tpu.memory_space<vmem>>, vector<1x128xf32>
    %mul3A_725 = vector.broadcast %get3A_724 : vector<1x128xf32> to vector<320x128xf32>
    %mul3A_726 = arith.mulf %exp3A_721, %mul3A_725 : vector<320x128xf32>
    %add3A_727 = arith.addf %add3A_713, %mul3A_726 : vector<320x128xf32>
    %slice3A_728 = vector.extract_strided_slice %mul3A_3 {offsets = [0, 53], sizes = [320, 75], strides = [1, 1]} : vector<320x128xf32> to vector<320x75xf32>
    %slice3A_729 = vector.extract_strided_slice %mul3A_3 {offsets = [0, 0], sizes = [320, 53], strides = [1, 1]} : vector<320x128xf32> to vector<320x53xf32>
    %concatenate3A_730 = tpu.concatenate %slice3A_728, %slice3A_729 in 1 : vector<320x75xf32>, vector<320x53xf32> -> vector<320x128xf32>
    %mul3A_731 = arith.mulf %mul3A_3, %concatenate3A_730 : vector<320x128xf32>
    %min3A_732 = arith.constant 0.000000e+00 : f32
    %min3A_733 = vector.broadcast %min3A_732 : f32 to vector<320x128xf32>
    %min3A_734 = arith.minimumf %mul3A_731, %min3A_733 : vector<320x128xf32>
    %exp3A_735 = math.exp %min3A_734 : vector<320x128xf32>
    %get3A_736 = arith.constant 53 : index
    %get3A_737 = arith.constant 0 : index
    %get3A_738 = vector.load %arg3[%get3A_736, %get3A_737] : memref<72x128xf32, #tpu.memory_space<vmem>>, vector<1x128xf32>
    %mul3A_739 = vector.broadcast %get3A_738 : vector<1x128xf32> to vector<320x128xf32>
    %mul3A_740 = arith.mulf %exp3A_735, %mul3A_739 : vector<320x128xf32>
    %add3A_741 = arith.addf %add3A_727, %mul3A_740 : vector<320x128xf32>
    %slice3A_742 = vector.extract_strided_slice %mul3A_3 {offsets = [0, 54], sizes = [320, 74], strides = [1, 1]} : vector<320x128xf32> to vector<320x74xf32>
    %slice3A_743 = vector.extract_strided_slice %mul3A_3 {offsets = [0, 0], sizes = [320, 54], strides = [1, 1]} : vector<320x128xf32> to vector<320x54xf32>
    %concatenate3A_744 = tpu.concatenate %slice3A_742, %slice3A_743 in 1 : vector<320x74xf32>, vector<320x54xf32> -> vector<320x128xf32>
    %mul3A_745 = arith.mulf %mul3A_3, %concatenate3A_744 : vector<320x128xf32>
    %min3A_746 = arith.constant 0.000000e+00 : f32
    %min3A_747 = vector.broadcast %min3A_746 : f32 to vector<320x128xf32>
    %min3A_748 = arith.minimumf %mul3A_745, %min3A_747 : vector<320x128xf32>
    %exp3A_749 = math.exp %min3A_748 : vector<320x128xf32>
    %get3A_750 = arith.constant 54 : index
    %get3A_751 = arith.constant 0 : index
    %get3A_752 = vector.load %arg3[%get3A_750, %get3A_751] : memref<72x128xf32, #tpu.memory_space<vmem>>, vector<1x128xf32>
    %mul3A_753 = vector.broadcast %get3A_752 : vector<1x128xf32> to vector<320x128xf32>
    %mul3A_754 = arith.mulf %exp3A_749, %mul3A_753 : vector<320x128xf32>
    %add3A_755 = arith.addf %add3A_741, %mul3A_754 : vector<320x128xf32>
    %slice3A_756 = vector.extract_strided_slice %mul3A_3 {offsets = [0, 55], sizes = [320, 73], strides = [1, 1]} : vector<320x128xf32> to vector<320x73xf32>
    %slice3A_757 = vector.extract_strided_slice %mul3A_3 {offsets = [0, 0], sizes = [320, 55], strides = [1, 1]} : vector<320x128xf32> to vector<320x55xf32>
    %concatenate3A_758 = tpu.concatenate %slice3A_756, %slice3A_757 in 1 : vector<320x73xf32>, vector<320x55xf32> -> vector<320x128xf32>
    %mul3A_759 = arith.mulf %mul3A_3, %concatenate3A_758 : vector<320x128xf32>
    %min3A_760 = arith.constant 0.000000e+00 : f32
    %min3A_761 = vector.broadcast %min3A_760 : f32 to vector<320x128xf32>
    %min3A_762 = arith.minimumf %mul3A_759, %min3A_761 : vector<320x128xf32>
    %exp3A_763 = math.exp %min3A_762 : vector<320x128xf32>
    %get3A_764 = arith.constant 55 : index
    %get3A_765 = arith.constant 0 : index
    %get3A_766 = vector.load %arg3[%get3A_764, %get3A_765] : memref<72x128xf32, #tpu.memory_space<vmem>>, vector<1x128xf32>
    %mul3A_767 = vector.broadcast %get3A_766 : vector<1x128xf32> to vector<320x128xf32>
    %mul3A_768 = arith.mulf %exp3A_763, %mul3A_767 : vector<320x128xf32>
    %add3A_769 = arith.addf %add3A_755, %mul3A_768 : vector<320x128xf32>
    %slice3A_770 = vector.extract_strided_slice %mul3A_3 {offsets = [0, 56], sizes = [320, 72], strides = [1, 1]} : vector<320x128xf32> to vector<320x72xf32>
    %slice3A_771 = vector.extract_strided_slice %mul3A_3 {offsets = [0, 0], sizes = [320, 56], strides = [1, 1]} : vector<320x128xf32> to vector<320x56xf32>
    %concatenate3A_772 = tpu.concatenate %slice3A_770, %slice3A_771 in 1 : vector<320x72xf32>, vector<320x56xf32> -> vector<320x128xf32>
    %mul3A_773 = arith.mulf %mul3A_3, %concatenate3A_772 : vector<320x128xf32>
    %min3A_774 = arith.constant 0.000000e+00 : f32
    %min3A_775 = vector.broadcast %min3A_774 : f32 to vector<320x128xf32>
    %min3A_776 = arith.minimumf %mul3A_773, %min3A_775 : vector<320x128xf32>
    %exp3A_777 = math.exp %min3A_776 : vector<320x128xf32>
    %get3A_778 = arith.constant 56 : index
    %get3A_779 = arith.constant 0 : index
    %get3A_780 = vector.load %arg3[%get3A_778, %get3A_779] : memref<72x128xf32, #tpu.memory_space<vmem>>, vector<1x128xf32>
    %mul3A_781 = vector.broadcast %get3A_780 : vector<1x128xf32> to vector<320x128xf32>
    %mul3A_782 = arith.mulf %exp3A_777, %mul3A_781 : vector<320x128xf32>
    %add3A_783 = arith.addf %add3A_769, %mul3A_782 : vector<320x128xf32>
    %slice3A_784 = vector.extract_strided_slice %mul3A_3 {offsets = [0, 57], sizes = [320, 71], strides = [1, 1]} : vector<320x128xf32> to vector<320x71xf32>
    %slice3A_785 = vector.extract_strided_slice %mul3A_3 {offsets = [0, 0], sizes = [320, 57], strides = [1, 1]} : vector<320x128xf32> to vector<320x57xf32>
    %concatenate3A_786 = tpu.concatenate %slice3A_784, %slice3A_785 in 1 : vector<320x71xf32>, vector<320x57xf32> -> vector<320x128xf32>
    %mul3A_787 = arith.mulf %mul3A_3, %concatenate3A_786 : vector<320x128xf32>
    %min3A_788 = arith.constant 0.000000e+00 : f32
    %min3A_789 = vector.broadcast %min3A_788 : f32 to vector<320x128xf32>
    %min3A_790 = arith.minimumf %mul3A_787, %min3A_789 : vector<320x128xf32>
    %exp3A_791 = math.exp %min3A_790 : vector<320x128xf32>
    %get3A_792 = arith.constant 57 : index
    %get3A_793 = arith.constant 0 : index
    %get3A_794 = vector.load %arg3[%get3A_792, %get3A_793] : memref<72x128xf32, #tpu.memory_space<vmem>>, vector<1x128xf32>
    %mul3A_795 = vector.broadcast %get3A_794 : vector<1x128xf32> to vector<320x128xf32>
    %mul3A_796 = arith.mulf %exp3A_791, %mul3A_795 : vector<320x128xf32>
    %add3A_797 = arith.addf %add3A_783, %mul3A_796 : vector<320x128xf32>
    %slice3A_798 = vector.extract_strided_slice %mul3A_3 {offsets = [0, 58], sizes = [320, 70], strides = [1, 1]} : vector<320x128xf32> to vector<320x70xf32>
    %slice3A_799 = vector.extract_strided_slice %mul3A_3 {offsets = [0, 0], sizes = [320, 58], strides = [1, 1]} : vector<320x128xf32> to vector<320x58xf32>
    %concatenate3A_800 = tpu.concatenate %slice3A_798, %slice3A_799 in 1 : vector<320x70xf32>, vector<320x58xf32> -> vector<320x128xf32>
    %mul3A_801 = arith.mulf %mul3A_3, %concatenate3A_800 : vector<320x128xf32>
    %min3A_802 = arith.constant 0.000000e+00 : f32
    %min3A_803 = vector.broadcast %min3A_802 : f32 to vector<320x128xf32>
    %min3A_804 = arith.minimumf %mul3A_801, %min3A_803 : vector<320x128xf32>
    %exp3A_805 = math.exp %min3A_804 : vector<320x128xf32>
    %get3A_806 = arith.constant 58 : index
    %get3A_807 = arith.constant 0 : index
    %get3A_808 = vector.load %arg3[%get3A_806, %get3A_807] : memref<72x128xf32, #tpu.memory_space<vmem>>, vector<1x128xf32>
    %mul3A_809 = vector.broadcast %get3A_808 : vector<1x128xf32> to vector<320x128xf32>
    %mul3A_810 = arith.mulf %exp3A_805, %mul3A_809 : vector<320x128xf32>
    %add3A_811 = arith.addf %add3A_797, %mul3A_810 : vector<320x128xf32>
    %slice3A_812 = vector.extract_strided_slice %mul3A_3 {offsets = [0, 59], sizes = [320, 69], strides = [1, 1]} : vector<320x128xf32> to vector<320x69xf32>
    %slice3A_813 = vector.extract_strided_slice %mul3A_3 {offsets = [0, 0], sizes = [320, 59], strides = [1, 1]} : vector<320x128xf32> to vector<320x59xf32>
    %concatenate3A_814 = tpu.concatenate %slice3A_812, %slice3A_813 in 1 : vector<320x69xf32>, vector<320x59xf32> -> vector<320x128xf32>
    %mul3A_815 = arith.mulf %mul3A_3, %concatenate3A_814 : vector<320x128xf32>
    %min3A_816 = arith.constant 0.000000e+00 : f32
    %min3A_817 = vector.broadcast %min3A_816 : f32 to vector<320x128xf32>
    %min3A_818 = arith.minimumf %mul3A_815, %min3A_817 : vector<320x128xf32>
    %exp3A_819 = math.exp %min3A_818 : vector<320x128xf32>
    %get3A_820 = arith.constant 59 : index
    %get3A_821 = arith.constant 0 : index
    %get3A_822 = vector.load %arg3[%get3A_820, %get3A_821] : memref<72x128xf32, #tpu.memory_space<vmem>>, vector<1x128xf32>
    %mul3A_823 = vector.broadcast %get3A_822 : vector<1x128xf32> to vector<320x128xf32>
    %mul3A_824 = arith.mulf %exp3A_819, %mul3A_823 : vector<320x128xf32>
    %add3A_825 = arith.addf %add3A_811, %mul3A_824 : vector<320x128xf32>
    %slice3A_826 = vector.extract_strided_slice %mul3A_3 {offsets = [0, 60], sizes = [320, 68], strides = [1, 1]} : vector<320x128xf32> to vector<320x68xf32>
    %slice3A_827 = vector.extract_strided_slice %mul3A_3 {offsets = [0, 0], sizes = [320, 60], strides = [1, 1]} : vector<320x128xf32> to vector<320x60xf32>
    %concatenate3A_828 = tpu.concatenate %slice3A_826, %slice3A_827 in 1 : vector<320x68xf32>, vector<320x60xf32> -> vector<320x128xf32>
    %mul3A_829 = arith.mulf %mul3A_3, %concatenate3A_828 : vector<320x128xf32>
    %min3A_830 = arith.constant 0.000000e+00 : f32
    %min3A_831 = vector.broadcast %min3A_830 : f32 to vector<320x128xf32>
    %min3A_832 = arith.minimumf %mul3A_829, %min3A_831 : vector<320x128xf32>
    %exp3A_833 = math.exp %min3A_832 : vector<320x128xf32>
    %get3A_834 = arith.constant 60 : index
    %get3A_835 = arith.constant 0 : index
    %get3A_836 = vector.load %arg3[%get3A_834, %get3A_835] : memref<72x128xf32, #tpu.memory_space<vmem>>, vector<1x128xf32>
    %mul3A_837 = vector.broadcast %get3A_836 : vector<1x128xf32> to vector<320x128xf32>
    %mul3A_838 = arith.mulf %exp3A_833, %mul3A_837 : vector<320x128xf32>
    %add3A_839 = arith.addf %add3A_825, %mul3A_838 : vector<320x128xf32>
    %slice3A_840 = vector.extract_strided_slice %mul3A_3 {offsets = [0, 61], sizes = [320, 67], strides = [1, 1]} : vector<320x128xf32> to vector<320x67xf32>
    %slice3A_841 = vector.extract_strided_slice %mul3A_3 {offsets = [0, 0], sizes = [320, 61], strides = [1, 1]} : vector<320x128xf32> to vector<320x61xf32>
    %concatenate3A_842 = tpu.concatenate %slice3A_840, %slice3A_841 in 1 : vector<320x67xf32>, vector<320x61xf32> -> vector<320x128xf32>
    %mul3A_843 = arith.mulf %mul3A_3, %concatenate3A_842 : vector<320x128xf32>
    %min3A_844 = arith.constant 0.000000e+00 : f32
    %min3A_845 = vector.broadcast %min3A_844 : f32 to vector<320x128xf32>
    %min3A_846 = arith.minimumf %mul3A_843, %min3A_845 : vector<320x128xf32>
    %exp3A_847 = math.exp %min3A_846 : vector<320x128xf32>
    %get3A_848 = arith.constant 61 : index
    %get3A_849 = arith.constant 0 : index
    %get3A_850 = vector.load %arg3[%get3A_848, %get3A_849] : memref<72x128xf32, #tpu.memory_space<vmem>>, vector<1x128xf32>
    %mul3A_851 = vector.broadcast %get3A_850 : vector<1x128xf32> to vector<320x128xf32>
    %mul3A_852 = arith.mulf %exp3A_847, %mul3A_851 : vector<320x128xf32>
    %add3A_853 = arith.addf %add3A_839, %mul3A_852 : vector<320x128xf32>
    %slice3A_854 = vector.extract_strided_slice %mul3A_3 {offsets = [0, 62], sizes = [320, 66], strides = [1, 1]} : vector<320x128xf32> to vector<320x66xf32>
    %slice3A_855 = vector.extract_strided_slice %mul3A_3 {offsets = [0, 0], sizes = [320, 62], strides = [1, 1]} : vector<320x128xf32> to vector<320x62xf32>
    %concatenate3A_856 = tpu.concatenate %slice3A_854, %slice3A_855 in 1 : vector<320x66xf32>, vector<320x62xf32> -> vector<320x128xf32>
    %mul3A_857 = arith.mulf %mul3A_3, %concatenate3A_856 : vector<320x128xf32>
    %min3A_858 = arith.constant 0.000000e+00 : f32
    %min3A_859 = vector.broadcast %min3A_858 : f32 to vector<320x128xf32>
    %min3A_860 = arith.minimumf %mul3A_857, %min3A_859 : vector<320x128xf32>
    %exp3A_861 = math.exp %min3A_860 : vector<320x128xf32>
    %get3A_862 = arith.constant 62 : index
    %get3A_863 = arith.constant 0 : index
    %get3A_864 = vector.load %arg3[%get3A_862, %get3A_863] : memref<72x128xf32, #tpu.memory_space<vmem>>, vector<1x128xf32>
    %mul3A_865 = vector.broadcast %get3A_864 : vector<1x128xf32> to vector<320x128xf32>
    %mul3A_866 = arith.mulf %exp3A_861, %mul3A_865 : vector<320x128xf32>
    %add3A_867 = arith.addf %add3A_853, %mul3A_866 : vector<320x128xf32>
    %slice3A_868 = vector.extract_strided_slice %mul3A_3 {offsets = [0, 63], sizes = [320, 65], strides = [1, 1]} : vector<320x128xf32> to vector<320x65xf32>
    %slice3A_869 = vector.extract_strided_slice %mul3A_3 {offsets = [0, 0], sizes = [320, 63], strides = [1, 1]} : vector<320x128xf32> to vector<320x63xf32>
    %concatenate3A_870 = tpu.concatenate %slice3A_868, %slice3A_869 in 1 : vector<320x65xf32>, vector<320x63xf32> -> vector<320x128xf32>
    %mul3A_871 = arith.mulf %mul3A_3, %concatenate3A_870 : vector<320x128xf32>
    %min3A_872 = arith.constant 0.000000e+00 : f32
    %min3A_873 = vector.broadcast %min3A_872 : f32 to vector<320x128xf32>
    %min3A_874 = arith.minimumf %mul3A_871, %min3A_873 : vector<320x128xf32>
    %exp3A_875 = math.exp %min3A_874 : vector<320x128xf32>
    %get3A_876 = arith.constant 63 : index
    %get3A_877 = arith.constant 0 : index
    %get3A_878 = vector.load %arg3[%get3A_876, %get3A_877] : memref<72x128xf32, #tpu.memory_space<vmem>>, vector<1x128xf32>
    %mul3A_879 = vector.broadcast %get3A_878 : vector<1x128xf32> to vector<320x128xf32>
    %mul3A_880 = arith.mulf %exp3A_875, %mul3A_879 : vector<320x128xf32>
    %add3A_881 = arith.addf %add3A_867, %mul3A_880 : vector<320x128xf32>
    %slice3A_882 = vector.extract_strided_slice %mul3A_3 {offsets = [0, 64], sizes = [320, 64], strides = [1, 1]} : vector<320x128xf32> to vector<320x64xf32>
    %slice3A_883 = vector.extract_strided_slice %mul3A_3 {offsets = [0, 0], sizes = [320, 64], strides = [1, 1]} : vector<320x128xf32> to vector<320x64xf32>
    %concatenate3A_884 = tpu.concatenate %slice3A_882, %slice3A_883 in 1 : vector<320x64xf32>, vector<320x64xf32> -> vector<320x128xf32>
    %mul3A_885 = arith.mulf %mul3A_3, %concatenate3A_884 : vector<320x128xf32>
    %min3A_886 = arith.constant 0.000000e+00 : f32
    %min3A_887 = vector.broadcast %min3A_886 : f32 to vector<320x128xf32>
    %min3A_888 = arith.minimumf %mul3A_885, %min3A_887 : vector<320x128xf32>
    %exp3A_889 = math.exp %min3A_888 : vector<320x128xf32>
    %get3A_890 = arith.constant 64 : index
    %get3A_891 = arith.constant 0 : index
    %get3A_892 = vector.load %arg3[%get3A_890, %get3A_891] : memref<72x128xf32, #tpu.memory_space<vmem>>, vector<1x128xf32>
    %mul3A_893 = vector.broadcast %get3A_892 : vector<1x128xf32> to vector<320x128xf32>
    %mul3A_894 = arith.mulf %exp3A_889, %mul3A_893 : vector<320x128xf32>
    %add3A_895 = arith.addf %add3A_881, %mul3A_894 : vector<320x128xf32>
    %abs3A = math.absf %get3A_1 : vector<320x128xf32>
    %get3A_896 = arith.constant 0 : index
    %get3A_897 = arith.constant 0 : index
    %get3A_898 = vector.load %arg4[%get3A_896, %get3A_897] : memref<128x128xf32, #tpu.memory_space<vmem>>, vector<128x128xf32>
    %dot_general3A = arith.constant dense<0.000000e+00> : vector<320x128xf32>
    %dot_general3A_899 = tpu.matmul %get3A_1, %get3A_898, %dot_general3A {dimension_numbers = #tpu.dot_dimension_numbers<[1], [0], [0], [1], [0, 0, 1, 1], [], []>, transpose_lhs_hint = false} : vector<320x128xf32>, vector<128x128xf32>, vector<320x128xf32> -> vector<320x128xf32>
    %mul3A_900 = arith.mulf %dot_general3A_899, %get3A_1 : vector<320x128xf32>
    %reduce_sum3A = arith.constant dense<0.000000e+00> : vector<320xf32>
    %reduce_sum3A_901 = vector.multi_reduction <add>, %mul3A_900, %reduce_sum3A [1] : vector<320x128xf32> to vector<320xf32>
    %broadcast_in_dim3A_902 = vector.shape_cast %reduce_sum3A_901 : vector<320xf32> to vector<320x1xf32>
    %get3A_903 = arith.constant 0 : index
    %get3A_904 = arith.constant 0 : index
    %get3A_905 = vector.load %arg4[%get3A_903, %get3A_904] : memref<128x128xf32, #tpu.memory_space<vmem>>, vector<128x128xf32>
    %dot_general3A_906 = arith.constant dense<0.000000e+00> : vector<320x128xf32>
    %dot_general3A_907 = tpu.matmul %abs3A, %get3A_905, %dot_general3A_906 {dimension_numbers = #tpu.dot_dimension_numbers<[1], [0], [0], [1], [0, 0, 1, 1], [], []>, transpose_lhs_hint = false} : vector<320x128xf32>, vector<128x128xf32>, vector<320x128xf32> -> vector<320x128xf32>
    %mul3A_908 = arith.mulf %dot_general3A_907, %abs3A : vector<320x128xf32>
    %reduce_sum3A_909 = arith.constant dense<0.000000e+00> : vector<320xf32>
    %reduce_sum3A_910 = vector.multi_reduction <add>, %mul3A_908, %reduce_sum3A_909 [1] : vector<320x128xf32> to vector<320xf32>
    %broadcast_in_dim3A_911 = vector.shape_cast %reduce_sum3A_910 : vector<320xf32> to vector<320x1xf32>
    %get3A_912 = arith.constant 0 : index
    %get3A_913 = arith.constant 0 : index
    %get3A_914 = vector.load %arg3[%get3A_912, %get3A_913] : memref<72x128xf32, #tpu.memory_space<vmem>>, vector<72x128xf32>
    %reduce_sum3A_915 = vector.shape_cast %get3A_914 : vector<72x128xf32> to vector<1x72x128xf32>
    %reduce_sum3A_916 = arith.constant dense<0.000000e+00> : vector<1xf32>
    %reduce_sum3A_917 = vector.multi_reduction <add>, %reduce_sum3A_915, %reduce_sum3A_916 [1, 2] : vector<1x72x128xf32> to vector<1xf32>
    %reduce_sum3A_918 = vector.shape_cast %reduce_sum3A_917 : vector<1xf32> to vector<1x1x1xf32>
    %reduce_sum3A_919 = vector.extract %reduce_sum3A_918[0, 0, 0] : f32 from vector<1x1x1xf32>
    %add3A_920 = arith.addf %broadcast_in_dim3A_902, %broadcast_in_dim3A_911 : vector<320x1xf32>
    %reduce_sum3A_921 = arith.constant dense<0.000000e+00> : vector<320xf32>
    %reduce_sum3A_922 = vector.multi_reduction <add>, %add3A_895, %reduce_sum3A_921 [1] : vector<320x128xf32> to vector<320xf32>
    %broadcast_in_dim3A_923 = vector.shape_cast %reduce_sum3A_922 : vector<320xf32> to vector<320x1xf32>
    %add3A_924 = arith.addf %add3A_920, %broadcast_in_dim3A_923 : vector<320x1xf32>
    %sub3A = vector.broadcast %reduce_sum3A_919 : f32 to vector<320x1xf32>
    %sub3A_925 = arith.subf %add3A_924, %sub3A : vector<320x1xf32>
    %mul3A_926 = arith.constant 320 : i32
    %mul3A_927 = arith.muli %arg0, %mul3A_926 : i32
    %iota3A = tpu.iota {dimensions = array<i32: 0>} : vector<320x1xi32>
    %add3A_928 = vector.broadcast %mul3A_927 : i32 to vector<320x1xi32>
    %add3A_929 = arith.addi %add3A_928, %iota3A : vector<320x1xi32>
    %lt3A = arith.constant 10000 : i32
    %lt3A_930 = vector.broadcast %lt3A : i32 to vector<320x1xi32>
    %lt3A_931 = arith.cmpi slt, %add3A_929, %lt3A_930 : vector<320x1xi32>
    %exp3A_932 = math.exp %sub3A_925 : vector<320x1xf32>
    %jit3A = arith.constant 0.000000e+00 : f32
    %broadcast_in_dim3A_933 = vector.broadcast %jit3A : f32 to vector<320x1xf32>
    %select_n3A = arith.select %lt3A_931, %exp3A_932, %broadcast_in_dim3A_933 : vector<320x1xi1>, vector<320x1xf32>
    %mul3A_934 = vector.broadcast %select_n3A : vector<320x1xf32> to vector<320x128xf32>
    %mul3A_935 = arith.mulf %get3A_1, %mul3A_934 : vector<320x128xf32>
    %swap3A = arith.constant 0 : index
    %swap3A_936 = arith.constant 0 : index
    %swap3A_937 = vector.load %arg5[%swap3A, %swap3A_936] : memref<320x128xf32, #tpu.memory_space<vmem>>, vector<320x128xf32>
    tpu.vector_store %arg5[%swap3A, %swap3A_936], %mul3A_935 {strides = array<i32>} : memref<320x128xf32, #tpu.memory_space<vmem>>, vector<320x128xf32>,
    %get3A_938 = arith.constant 0 : index
    %get3A_939 = arith.constant 0 : index
    %get3A_940 = arith.constant 0 : index
    %get3A_941 = vector.load %arg2[%get3A_938, %get3A_939, %get3A_940] : memref<1x1x320xi32, #tpu.memory_space<vmem>>, vector<1x1x320xi32>
    %reshape3A = vector.shape_cast %get3A_941 : vector<1x1x320xi32> to vector<1x320xi32>
    %iota3A_942 = tpu.iota {dimensions = array<i32: 0>} : vector<512x320xi32>
    %eq3A = vector.broadcast %reshape3A : vector<1x320xi32> to vector<512x320xi32>
    %eq3A_943 = arith.cmpi eq, %iota3A_942, %eq3A : vector<512x320xi32>
    %convert_element_type3A = arith.extui %eq3A_943 : vector<512x320xi1> to vector<512x320xi32>
    %convert_element_type3A_944 = arith.sitofp %convert_element_type3A : vector<512x320xi32> to vector<512x320xf32>
    %eq3A_945 = arith.constant 0 : i32
    %eq3A_946 = arith.cmpi eq, %arg0, %eq3A_945 : i32
    %convert_element_type3A_947 = arith.extui %eq3A_946 : i1 to i32
    %cond3A = arith.constant 0 : i32
    %cond3A_948 = arith.cmpi ne, %convert_element_type3A_947, %cond3A : i32
    scf.if %cond3A_948 {
      %broadcast_in_dim3A_965 = arith.constant 0.000000e+00 : f32
      %broadcast_in_dim3A_966 = vector.broadcast %broadcast_in_dim3A_965 : f32 to vector<512x128xf32>
      %swap3A_967 = arith.constant 0 : index
      %swap3A_968 = arith.constant 0 : index
      %swap3A_969 = vector.load %arg7[%swap3A_967, %swap3A_968] : memref<512x128xf32, #tpu.memory_space<vmem>>, vector<512x128xf32>
      tpu.vector_store %arg7[%swap3A_967, %swap3A_968], %broadcast_in_dim3A_966 {strides = array<i32>} : memref<512x128xf32, #tpu.memory_space<vmem>>, vector<512x128xf32>,
    } else {
    }
    %get3A_949 = arith.constant 0 : index
    %get3A_950 = arith.constant 0 : index
    %get3A_951 = vector.load %arg7[%get3A_949, %get3A_950] : memref<512x128xf32, #tpu.memory_space<vmem>>, vector<512x128xf32>
    %broadcast_in_dim3A_952 = vector.shape_cast %select_n3A : vector<320x1xf32> to vector<320x1xf32>
    %broadcast_in_dim3A_953 = vector.broadcast %broadcast_in_dim3A_952 : vector<320x1xf32> to vector<320x128xf32>
    %dot_general3A_954 = arith.constant dense<0.000000e+00> : vector<512x128xf32>
    %dot_general3A_955 = tpu.matmul %convert_element_type3A_944, %broadcast_in_dim3A_953, %dot_general3A_954 {dimension_numbers = #tpu.dot_dimension_numbers<[1], [0], [0], [1], [0, 0, 1, 1], [], []>, transpose_lhs_hint = false} : vector<512x320xf32>, vector<320x128xf32>, vector<512x128xf32> -> vector<512x128xf32>
    %add3A_956 = arith.addf %get3A_951, %dot_general3A_955 : vector<512x128xf32>
    %swap3A_957 = arith.constant 0 : index
    %swap3A_958 = arith.constant 0 : index
    %swap3A_959 = vector.load %arg7[%swap3A_957, %swap3A_958] : memref<512x128xf32, #tpu.memory_space<vmem>>, vector<512x128xf32>
    tpu.vector_store %arg7[%swap3A_957, %swap3A_958], %add3A_956 {strides = array<i32>} : memref<512x128xf32, #tpu.memory_space<vmem>>, vector<512x128xf32>,
    %eq3A_960 = arith.constant 31 : i32
    %eq3A_961 = arith.cmpi eq, %arg0, %eq3A_960 : i32
    %convert_element_type3A_962 = arith.extui %eq3A_961 : i1 to i32
    %cond3A_963 = arith.constant 0 : i32
    %cond3A_964 = arith.cmpi ne, %convert_element_type3A_962, %cond3A_963 : i32
    scf.if %cond3A_964 {
      %get3A_965 = arith.constant 0 : index
      %get3A_966 = arith.constant 0 : index
      %get3A_967 = vector.load %arg7[%get3A_965, %get3A_966] : memref<512x128xf32, #tpu.memory_space<vmem>>, vector<512x128xf32>
      %swap3A_968 = arith.constant 0 : index
      %swap3A_969 = arith.constant 0 : index
      %swap3A_970 = vector.load %arg6[%swap3A_968, %swap3A_969] : memref<512x128xf32, #tpu.memory_space<vmem>>, vector<512x128xf32>
      tpu.vector_store %arg6[%swap3A_968, %swap3A_969], %get3A_967 {strides = array<i32>} : memref<512x128xf32, #tpu.memory_space<vmem>>, vector<512x128xf32>,
    } else {
    }
    return
  }
  func.func @transform_0(%arg0: i32) -> (i32, i32) {
    %c0_i32 = arith.constant 0 : i32
    %c0_i32_0 = arith.constant 0 : i32
    return %arg0, %c0_i32 : i32, i32
  }
  func.func @transform_1(%arg0: i32) -> (i32, i32, i32) {
    %c0_i32 = arith.constant 0 : i32
    %c0_i32_0 = arith.constant 0 : i32
    %c0_i32_1 = arith.constant 0 : i32
    return %arg0, %c0_i32, %c0_i32_0 : i32, i32, i32
  }
  func.func @transform_2(%arg0: i32) -> (i32, i32) {
    %c0_i32 = arith.constant 0 : i32
    %c0_i32_0 = arith.constant 0 : i32
    %c0_i32_1 = arith.constant 0 : i32
    return %c0_i32, %c0_i32_0 : i32, i32
  }
  func.func @transform_3(%arg0: i32) -> (i32, i32) {
    %c0_i32 = arith.constant 0 : i32
    %c0_i32_0 = arith.constant 0 : i32
    %c0_i32_1 = arith.constant 0 : i32
    return %c0_i32, %c0_i32_0 : i32, i32
  }
  func.func @transform_4(%arg0: i32) -> (i32, i32) {
    %c0_i32 = arith.constant 0 : i32
    %c0_i32_0 = arith.constant 0 : i32
    return %arg0, %c0_i32 : i32, i32
  }
  func.func @transform_5(%arg0: i32) -> (i32, i32) {
    %c0_i32 = arith.constant 0 : i32
    %c0_i32_0 = arith.constant 0 : i32
    %c0_i32_1 = arith.constant 0 : i32
    return %c0_i32, %c0_i32_0 : i32, i32
  }
}

</mosaic_0001>

<sc_bundles>
// kernel: gather_offload_async_start.1
scs
__scs_entry_jumppad:
0x0: {  	(pc) =	sbr.rel $0x88, $3  }
0x1: {  	(tag) =	ssettag $0x0;
	lr =	simm.s32 $0x1  }
0x2: {  	[smem:$0x3F9D] =	sst lr;
	_ =	strace $0xD0000000  }
0x3: {  	_ = 	snop  }
0x4: {  	_ = 	snop  }
0x5: {  	_ = 	snop  }
0x6: {  	_ = 	snop  }
0x7: {  	_ = 	snop  }
__scs_overlays_trampoline_lowered:
0x8: {  	[smem:$0x3FAC] =	sst s0  }
0x9: {  	[smem:$0x3FAD] =	sst s1  }
0xa: {  	[smem:$0x3FAE] =	sst s2  }
0xb: {  	[smem:$0x3FAF] =	sst s3  }
0xc: {  	[smem:$0x3FB0] =	sst s4  }
0xd: {  	[smem:$0x3FB1] =	sst s5  }
0xe: {  	[smem:$0x3FB2] =	sst s6  }
0xf: {  	[smem:$0x3FB3] =	sst s7  }
0x10: {  	[smem:$0x3FB4] =	sst s8  }
0x11: {  	[smem:$0x3FB5] =	sst s9;
	s0 =	simm.s32 @!p0 $0x0  }
0x12: {  	s1 =	sld [smem:$0x3F9B];
	s0 =	simm.s32 @p0 $0x1  }
0x13: {  	[smem:$0x3FB6] =	sst s0;
	s0 =	simm.s32 @!p1 $0x0  }
0x14: {  	s2 =	sld [smem:$0x3F9A];
	s0 =	simm.s32 @p1 $0x1  }
0x15: {  	[smem:$0x3FB7] =	sst s0;
	s0 =	simm.s32 @!p2 $0x0  }
0x16: {  	s3 =	sld [smem:$0x3FDB];
	s0 =	simm.s32 @p2 $0x1  }
0x17: {  	s4 =	simm.s32 $0x1BF5;
	[smem:$0x3FB9] =	sst s0  }
0x18: {  	s0 =	sld [smem:$0x3F9C];
	_ =	swait.ge [sflag:s4], $0x0  }
0x19: {  	s7 =	sld [smem:$0x3F9D]  }
0x1a: {  	s8 =	sadd.s32 $0xFFFFE003, lr  }
0x1b: {  	s9 =	sadd.s32 $0xFFFFFEF7, lr;
	s5 =	simm.s32 $0xFFFFFFFF;
	p2 =	slt.u32 s8, $0xFFFFF086  }
0x1c: {  	p1 =	slt.u32 s9, $0xF7A;
	s5 =	simm.s32 @!p2 $0x0  }
0x1d: {  	s5 =	simm.s32 @p1 $0x1;
	p0 =	seq.s32 s7, s2  }
0x1e: {  	s7 =	smul.u32 @!p0 $0xF7A, s2;
	p2 =	seq.s32 @!p0 s5, $0x0  }
0x1f: {  	s9 =	smul.u32 $0xF7A, s1;
	s8 =	simm.s32 @!p0 $0x1BF5;
	p2 =	por !p2, p0  }
0x20: {  	[sflag:s8] =	ssyncset.s32 @!p0 $0xFFFFF086;
	s6 =	sadd.s32 @!p0 s3, s7;
	s7 =	simm.s32 @!p0 $0x108  }
0x21: {  	s3 =	sadd.s32 s3, s9;
	s6 =	sadd.s32 @!p0 $0x88, s6;
	s7 =	simm.s32 @p2 $0x1082  }
0x22: {  	[simem:s7], [sflag:s8] =	dma.local @!p0 [hbm:s6], $0xF7A  }
0x23: {  	s9 =	sor.u32 $0xD0000000, s2;
	s6 =	simm.s32 $0x108;
	_ =	swait.ge @!p0 [sflag:s8], $0x0  }
0x24: {  	s3 =	sadd.s32 $0x88, s3;
	s6 =	simm.s32 @!p1 $0x1082;
	[sflag:s4] =	ssyncset.s32 $0xFFFFF086  }
0x25: {  	[simem:s6], [sflag:s4] =	dma.local [hbm:s3], $0xF7A  }
0x26: {  	[smem:$0x3F9D] =	sst s1;
	(tag) =	ssettag s2;
	_ =	strace s9  }
0x27: {  	s1 =	sld [smem:$0x3FAD]  }
0x28: {  	s2 =	sld [smem:$0x3FAE]  }
0x29: {  	s4 =	sld [smem:$0x3FB0]  }
0x2a: {  	p0 =	seq.s32 s5, $0x0;
	s5 =	sld [smem:$0x3FB1]  }
0x2b: {  	s6 =	sld [smem:$0x3FB2]  }
0x2c: {  	s7 =	sld [smem:$0x3FB3]  }
0x2d: {  	s3 =	simm.s32 $0x108;
	s8 =	sld [smem:$0x3FB4]  }
0x2e: {  	s3 =	simm.s32 @!p0 $0x1082;
	s9 =	sld [smem:$0x3FB5]  }
0x2f: {  	lr =	sadd.s32 s0, s3;
	s0 =	sld [smem:$0x3FAC]  }
0x30: {  	s3 =	sld [smem:$0x3FAF]  }
0x31: {  	[smem:$0x3FB8] =	sst s10  }
0x32: {  	s10 =	sld [smem:$0x3FB6];
	_ =	sdelay $0x3  }
0x33: {  	p0 =	seq.s32 s10, $0x1;
	s10 =	sld [smem:$0x3FB8];
	_ =	sdelay $0x3  }
0x34: {  	[smem:$0x3FB8] =	sst s10  }
0x35: {  	s10 =	sld [smem:$0x3FB7];
	_ =	sdelay $0x3  }
0x36: {  	p1 =	seq.s32 s10, $0x1;
	s10 =	sld [smem:$0x3FB8];
	_ =	sdelay $0x3  }
0x37: {  	[smem:$0x3FB8] =	sst s10  }
0x38: {  	s10 =	sld [smem:$0x3FB9]  }
0x39: {  	_ = 	snop;
	(pc) =	sbr.ind lr, $3  }
0x3a: {  	_ = 	snop  }
0x3b: {  	_ = 	snop  }
0x3c: {  	p2 =	seq.s32 s10, $0x1;
	s10 =	sld [smem:$0x3FB8]  }
0x3d: {  	_ =	shalt  }
0x3e: {  	_ =	shalt  }
0x3f: {  	_ =	shalt  }
0x40: {  	_ =	shalt  }
0x41: {  	_ =	shalt  }
0x42: {  	_ =	shalt  }
0x43: {  	_ =	shalt  }
0x44: {  	_ =	shalt  }
0x45: {  	_ =	shalt  }
0x46: {  	_ =	shalt  }
0x47: {  	_ =	shalt  }
0x48: {  	_ =	shalt  }
0x49: {  	_ =	shalt  }
0x4a: {  	_ =	shalt  }
0x4b: {  	_ =	shalt  }
0x4c: {  	_ =	shalt  }
0x4d: {  	_ =	shalt  }
0x4e: {  	_ =	shalt  }
0x4f: {  	_ =	shalt  }
0x50: {  	_ =	shalt  }
0x51: {  	_ =	shalt  }
0x52: {  	_ =	shalt  }
0x53: {  	_ =	shalt  }
0x54: {  	_ =	shalt  }
0x55: {  	_ =	shalt  }
0x56: {  	_ =	shalt  }
0x57: {  	_ =	shalt  }
0x58: {  	_ =	shalt  }
0x59: {  	_ =	shalt  }
0x5a: {  	_ =	shalt  }
0x5b: {  	_ =	shalt  }
0x5c: {  	_ =	shalt  }
0x5d: {  	_ =	shalt  }
0x5e: {  	_ =	shalt  }
0x5f: {  	_ =	shalt  }
0x60: {  	_ =	shalt  }
0x61: {  	_ =	shalt  }
0x62: {  	_ =	shalt  }
0x63: {  	_ =	shalt  }
0x64: {  	_ =	shalt  }
0x65: {  	_ =	shalt  }
0x66: {  	_ =	shalt  }
0x67: {  	_ =	shalt  }
0x68: {  	_ =	shalt  }
0x69: {  	_ =	shalt  }
0x6a: {  	_ =	shalt  }
0x6b: {  	_ =	shalt  }
0x6c: {  	_ =	shalt  }
0x6d: {  	_ =	shalt  }
0x6e: {  	_ =	shalt  }
0x6f: {  	_ =	shalt  }
0x70: {  	_ =	shalt  }
0x71: {  	_ =	shalt  }
0x72: {  	_ =	shalt  }
0x73: {  	_ =	shalt  }
0x74: {  	_ =	shalt  }
0x75: {  	_ =	shalt  }
0x76: {  	_ =	shalt  }
0x77: {  	_ =	shalt  }
0x78: {  	_ =	shalt  }
0x79: {  	_ =	shalt  }
0x7a: {  	_ =	shalt  }
0x7b: {  	_ =	shalt  }
0x7c: {  	_ =	shalt  }
0x7d: {  	_ =	shalt  }
0x7e: {  	_ =	shalt  }
0x7f: {  	_ =	shalt  }
0x80: {  	_ =	shalt  }
0x81: {  	_ =	shalt  }
0x82: {  	_ =	shalt  }
0x83: {  	_ =	shalt  }
0x84: {  	_ =	shalt  }
0x85: {  	_ =	shalt  }
0x86: {  	_ =	shalt  }
0x87: {  	_ =	shalt  }
.Lfunc_end0:
.L_simem_size_0:
called_computation.1_lowered:
.L_overlay_start_0:
0x88: {  	s2 =	sld [smem:$0x3FD9]  }
0x89: {  	s3 =	sld [smem:$0x3FFE];
	_ =	sdelay $0x1  }
0x8a: {  	s1 =	srdreg.scid  }
0x8b: {  	s0 =	sand.u32 $0x1, s1  }
0x8c: {  	s17 =	sshll.u32 s0, $0xA;
	s2 =	sadd.s32 s3, s2  }
0x8d: {  	s2 =	sadd.s32 s2, s17  }
0x8e: {  	[smem:$0x3FC4] =	sst s2  }
0x8f: {  	_ = 	snop  }
0x90: {  	s2 =	sld [smem:$0x3FC6]  }
0x91: {  	s18 =	sld [smem:$0x3FD0];
	(tm) =	ssettm $0x1  }
0x92: {  	s4 =	sld [smem:$0x3FFB];
	_ =	sdelay $0x3  }
0x93: {  	_ =	strace s4  }
0x94: {  	s4 =	sld [smem:$0x3FFC];
	_ =	sdelay $0x3  }
0x95: {  	_ =	strace s4  }
0x96: {  	s4 =	sld [smem:$0x3FFD];
	_ =	sdelay $0x3  }
0x97: {  	_ =	strace s4  }
0x98: {  	_ =	strace $0x8FFFFFFF  }
0x99: {  	s19 =	sld [smem:$0x3FDB];
	_ =	sdelay $0x1  }
0x9a: {  	s5 =	simm.s32 $_scs_section_size  }
0x9b: {  	s6 =	simm.s32 $_size__tile_overlayer_lowered;
	s7 =	simm.s32 $_tile_overlayer_lowered  }
0x9c: {  	s22 =	simm.s32 $0x1BFF;
	s21 =	sshll.u32 s7, $0x1;
	s4 =	sadd.s32 s5, s19  }
0x9d: {  	s8 =	simm.s32 $0x0;
	s20 =	sshll.u32 s6, $0x1;
	s6 =	sadd.s32 s21, s4  }
0x9e: {  	[timem:s8], [sflag:s22] =	dma.local [hbm:s6], s20  }
0x9f: {  	_ =	swait.ge [sflag:s22], s20  }
0xa0: {  	s5 =	ssub.s32 $0x0, s20;
	[sflag:s22] =	ssyncset.done $0x0  }
0xa1: {  	[sflag:s22] =	ssyncadd.s32 s5;
	_ =	sdelay $0x1  }
0xa2: {  	s23 =	simm.s32 $0x1B8B  }
0xa3: {  	_ =	swait.ge [sflag:s23], $0x1  }
0xa4: {  	[sflag:s23] =	ssyncset.done $0x0  }
0xa5: {  	s25 =	simm.s32 $0x1B8E;
	s24 =	sld [smem:$0x3FFE];
	[sflag:s23] =	ssyncadd.s32 $0xFFFFFFFF  }
0xa6: {  	s26 =	simm.s32 $execute0_lowered;
	[smem:$0x3FD2] =	sst s25  }
0xa7: {  	s6 =	sshll.u32 s26, $0x1;
	_ =	strace $0x80000049;
	[dreg:$0x1] =	wrdreg $0xFFFFFFFF  }
0xa8: {  	s28 =	simm.s32 $_size_execute0_lowered;
	s4 =	sadd.s32 s4, s6;
	[dreg:$0x0] =	wrdreg $0x0  }
0xa9: {  	s6 =	sshll.u32 s28, $0x1;
	[dreg:$0x2] =	wrdreg s4  }
0xaa: {  	[dreg:$0x3] =	wrdreg s6  }
0xab: {  	[dreg:$0x4] =	wrdreg $0xC0  }
0xac: {  	_ =	task [dreg:s8], $0x5FFFF  }
0xad: {  	[dreg:$0x1] =	wrdreg $0xFFFFFFFF  }
0xae: {  	[dreg:$0x0] =	wrdreg $0x60  }
0xaf: {  	[dreg:$0x2] =	wrdreg s2  }
0xb0: {  	[dreg:$0x3] =	wrdreg s18  }
0xb1: {  	[dreg:$0x4] =	wrdreg s24  }
0xb2: {  	[dreg:$0x5] =	wrdreg $0x9  }
0xb3: {  	_ =	task.clear_ibuf [dreg:s8], $0x6FFFF;
	_ =	strace $0x90000049  }
0xb4: {  	s29 =	simm.s32 $0x9;
	_ =	strace $0x8000004B  }
0xb5: {  	_ =	swait.ge [sflag:s29], $0x1  }
0xb6: {  	[sflag:s29] =	ssyncadd.s32 $0xFFFFFFFF  }
0xb7: {  	_ =	strace $0x9000004B  }
0xb8: {  	_ =	sfence  }
0xb9: {  	s30 =	sld [smem:$0x0];
	_ =	sdelay $0x2  }
0xba: {  	s31 =	sshll.u32 s1, $0xD;
	s1 =	sshrl.u32 s1, $0x2  }
0xbb: {  	s3 =	sand.u32 $0x4000, s31;
	s1 =	sadd.s32 s1, s30  }
0xbc: {  	s0 =	sor.u32 s3, s0;
	s1 =	sshll.u32 s1, $0x11  }
0xbd: {  	s0 =	sor.u32 s1, s0  }
0xbe: {  	s0 =	sadd.s32 $0x8F2B, s0  }
0xbf: {  	[sflag:s0] =	ssyncadd.remote.s32 $0x1  }
0xc0: {  	_ =	sfence.sel $0xFFFF  }
0xc1: {  	[dreg:$0x0] =	wrdreg $0xFFFFFFFF;
	(pc) =	sbr.abs _section_cstart, $3  }
0xc2: {  	[dreg:$0x1] =	wrdreg $0xFFFFFFFF  }
0xc3: {  	_ =	task.clear_ibuf [dreg:s8], $0x2FFFF;
	_ =	strace $0x9FFFFFFF  }
0xc4: {  	(tm) =	ssettm $0x7FFFFFFF  }
0xc5: {  	_ =	shalt  }
tec
execute0_lowered:
.L_overlay_start_1:
0x0: {  	(tag) =	ssettag $0x1  }
0x1: {  	s2 =	rddreg [dreg:$0x0]  }
0x2: {  	s1 =	srdreg.scid;
	s3 =	rddreg [dreg:$0x1]  }
0x3: {  	s0 =	stileid.u32;
	s5 =	rddreg [dreg:$0x2]  }
0x4: {  	s9 =	simm.s32 $0x1;
	s10 =	simm.s32 $0x3;
	s1 =	sshll.u32 s1, $0x8  }
0x5: {  	s13 =	simm.s32 $0x0;
	s4 =	sshll.u32 s0, $0x9;
	s6 =	sand.u32 $0x100, s1  }
0x6: {  	s12 =	simm.s32 $0x0;
	s5 =	sadd.s32 $0x3000, s5;
	s4 =	sor.u32 s4, s6  }
0x7: {  	s1 =	rddreg [dreg:$0x3];
	_ =	strace $0x8000004A;
	s8 =	ssub.s32 $0x4000, s4  }
.Ltmp0:
0x8: {  	s6 =	simm.s32 $0x1;
	s7 =	sand.u32 $0x1F00, s8;
	(pc) =	sbr.rel .LBB2_1-.Ltmp0, $4  }
0x9: {  	[sflag:s6] =	ssyncpa.u1 $0x0;
	s11 =	smov.u32 s4;
	p0 =	sne.s32 s7, $0x0  }
0xa: {  	s8 =	sshrl.u32 s8, $0xD;
	s7 =	simm.s32 $0x2;
	s9 =	simm.s32 @!p0 $0x0  }
0xb: {  	[sflag:s7] =	ssyncpa.u1 $0x0;
	p0 =	por $0x0, $0x0;
	s8 =	sadd.s32 s9, s8  }
0xc: {  	vm0 =	vmmov $0xffff;
	[sflag:s10] =	ssyncpa.u1 $0x0;
	s10 =	simm.s32 $0x0;
	s9 =	sadd.s32 $0x1, s8  }
.LBB2_4:
0xd: {  	v2 =	vnsel vm1, $0x0, v2  }
0xe: {  	vm1 =	vgt.s32 v0, $0x0;
	v2 =	vmin.u32 v2, $0x203F  }
0xf: {  	v0 =	vnsel vm1, $0x0, v0  }
0x10: {  	v0 =	vmin.u32 v0, $0x203F  }
0x11: {  	[tilespmem:s15], [sflag:$0x1] =	stream.indirect_vreg.gather [hbm4b:s2+s10], $0x1, v1, vm0, $0x4038;
	[tilespmem:$0x400] =	vst v63  }
0x12: {  	(ifvalue) =	ssetifvalue $0x7FFFFFFF  }
0x13: {  	[tilespmem:s16], [sflag:$0x1] =	stream.indirect_vreg.gather [hbm4b:s2+s10], $0x1, v2, vm0, $0x4038;
	[tilespmem:$0x400] =	vst v63  }
0x14: {  	s29 =	sadd.s32 $0x10, s16;
	(ifvalue) =	ssetifvalue $0x7FFFFFFF  }
0x15: {  	[tilespmem:s29], [sflag:$0x1] =	stream.indirect_vreg.gather [hbm4b:s2+s10], $0x1, v0, vm0, $0x4038;
	[tilespmem:$0x400] =	vst v63  }
0x16: {  	_ =	swait.ge [sflag:s6], $0x100  }
0x17: {  	s30 =	sshrl.u32 s13, $0x3;
	[sflag:s6] =	ssyncset.done $0x0  }
0x18: {  	s31 =	sand.u32 $0x7, s13;
	s15 =	sadd.s32 s5, s30;
	[sflag:s6] =	ssyncadd.s32 $0xFFFFFF00  }
0x19: {  	[hbm4b:s15+s31] =	stream.linear.scatter [tilespmem:s14], [sflag:$0x3], $0x100, $0x38;
	[tilespmem:$0x400] =	vst v63  }
.LBB2_5:
0x1a: {  	s15 =	sadd.s32 $0x2000, s11  }
0x1b: {  	p2 =	sgt.s32 s15, $0x3FFF  }
0x1c: {  	s15 =	smov.u32 @p2 s4;
	p2 =	sne.s32 s12, s9  }
.Ltmp1:
0x1d: {  	p1 =	slt.u32 s12, $0x2;
	(pc) =	sbr.rel @!p2 .LBB2_6-.Ltmp1, $4  }
0x1e: {  	s14 =	simm.s32 @!p1 $0x3  }
0x1f: {  	s16 =	sadd.s32 $0x1, s12;
	_ =	swait.ge @!p1 [sflag:s14], $0x100  }
0x20: {  	s13 =	smov.u32 s11;
	p0 =	por !p0, !p0;
	[sflag:s14] =	ssyncset.done @!p1 $0x0  }
0x21: {  	s12 =	smov.u32 s16;
	s11 =	smov.u32 s15;
	[sflag:s14] =	ssyncadd.s32 @!p1 $0xFFFFFF00  }
.LBB2_1:
0x22: {  	p1 =	sge.u32 s12, s8  }
0x23: {  	s14 =	sxor.u32 @!p1 $0xFFFFFFFF, s12  }
0x24: {  	s31 =	sadd.s32 $0xFFFFFFFF, s12;
	s15 =	sshrl.u32 @!p1 s11, $0x3;
	s14 =	sshll.u32 @!p1 s14, $0x8  }
0x25: {  	s16 =	sand.u32 @!p1 $0x7, s11;
	s15 =	sadd.s32 @!p1 s3, s15;
	s14 =	sand.u32 @!p1 $0x100, s14  }
0x26: {  	[tilespmem:s14], [sflag:$0x2] =	stream.linear.gather @!p1 [hbm4b:s15+s16], $0x100, $0x38;
	[tilespmem:$0x400] =	vst v63  }
0x27: {  	p1 =	sge.u32 s31, s8  }
.Ltmp2:
0x28: {  	_ = 	snop;
	(pc) =	sbr.rel @p1 .LBB2_5-.Ltmp2, $1  }
0x29: {  	_ =	sdelay $0x3  }
0x2a: {  	s14 =	simm.s32 $0x1  }
0x2b: {  	_ =	swait.ge [sflag:s7], $0x100;
	s14 =	simm.s32 @!p0 $0x0  }
0x2c: {  	[sflag:s7] =	ssyncset.done $0x0;
	s14 =	sshll.u32 s14, $0x8  }
0x2d: {  	[sflag:s7] =	ssyncadd.s32 $0xFFFFFF00;
	(ifvalue) =	ssetifvalue $0x7FFFFFFF;
	v0 =	vld.msk [tilespmem:s14+$0x0 ss:$0x1], $0xffff;
	_ =	sdelay $0x4  }
0x2e: {  	s15 =	sadd.s32 $0x10, s14;
	vm1 =	vgt.s32 v0, $0x0  }
0x2f: {  	v2 =	vld.msk [tilespmem:s15+$0x0 ss:$0x1], $0xffff;
	v1 =	vnsel vm1, $0x0, v0  }
0x30: {  	v1 =	vmin.u32 v1, $0x203F;
	_ =	sdelay $0x1  }
0x31: {  	s16 =	sshll.u32 s12, $0x8;
	s18 =	simm.s32 $0x20  }
0x32: {  	s16 =	sand.u32 $0x100, s16;
	s17 =	sadd.s32 $0x10, s15;
	s15 =	sor.u32 $0x200, s14  }
0x33: {  	s14 =	sor.u32 $0x200, s16;
	s16 =	sadd.s32 $0x10, s15;
	v0 =	vld.msk [tilespmem:s17+$0x0 ss:$0x1], $0xffff;
	vm1 =	vgt.s32 v2, $0x0;
	(ifvalue) =	ssetifvalue $0x7FFFFFFF  }
.LBB2_3:
0x34: {  	[tilespmem:s15], [sflag:$0x1] =	stream.indirect_vreg.gather [hbm4b:s2+s10], $0x1, v1, vm0, $0x4038;
	[tilespmem:$0x400] =	vst v63  }
0x35: {  	s18 =	sadd.s32 $0x10, s18  }
0x36: {  	v2 =	vnsel vm1, $0x0, v2;
	p1 =	slt.u32 s18, $0xF0  }
.Ltmp3:
0x37: {  	s15 =	smov.u32 s16;
	v1 =	vmin.u32 v2, $0x203F;
	(pc) =	sbr.rel @p1 .LBB2_3-.Ltmp3, $3  }
0x38: {  	_ =	sdelay $0x1  }
0x39: {  	s17 =	sadd.s32 $0x10, s17  }
0x3a: {  	vm1 =	vgt.s32 v0, $0x0;
	s16 =	sadd.s32 $0x10, s16;
	v2 =	vmov v0;
	(ifvalue) =	ssetifvalue $0x7FFFFFFF;
	v0 =	vld.msk [tilespmem:s17+$0x0 ss:$0x1], $0xffff  }
.Ltmp4:
0x3b: {  	_ = 	snop;
	(pc) =	sbr.rel .LBB2_4-.Ltmp4, $1  }
0x3c: {  	_ =	sdelay $0x3  }
.LBB2_6:
0x3d: {  	_ =	sfence.sel $0x180000  }
0x3e: {  	s2 =	simm.s32 $0x2;
	[bflag:$0x0] =	sbarrier.arrive $0xFFFF  }
0x3f: {  	s30 =	simm.s32 $0x3;
	[sflag:s2] =	ssyncpa.u1 $0x1  }
0x40: {  	s31 =	simm.s32 $0x1;
	[sflag:s30] =	ssyncpa.u1 $0x1  }
0x41: {  	[sflag:s31] =	ssyncpa.u1 $0x1  }
0x42: {  	p0 =	sne.s32 s0, $0x0;
	_ =	strace $0x9000004A  }
0x43: {  	s0 =	sadd.s32 @!p0 $0x100000, s1;
	[bflag:$0x2] =	sbarrier.arrive $0xFFFF  }
0x44: {  	[sflag:s0] =	ssyncadd.tile.s32 @!p0 $0x1;
	_ =	shalt  }
.Lfunc_end2:
_tile_overlayer_lowered:
.L_overlay_start_2:
0x45: {  	(tag) =	ssettag $0x2  }
0x46: {  	s0 =	rddreg [dreg:$0x0];
	s2 =	stileid.u32  }
0x47: {  	s1 =	rddreg [dreg:$0x1];
	p0 =	sne.s32 s2, $0x0  }
0x48: {  	s3 =	rddreg [dreg:$0x2];
	[bflag:$0x3] =	sbarrier.arrive $0xFFFF;
	s2 =	simm.s32 @!p0 $0x1C01  }
0x49: {  	[timem:s3], [sflag:s2] =	dma.local @!p0 [hbm:s0], s1  }
0x4a: {  	s0 =	simm.s32 @!p0 $0x1  }
0x4b: {  	_ =	swait.ge @!p0 [sflag:s0], s1  }
0x4c: {  	s1 =	ssub.s32 @!p0 $0x0, s1;
	[sflag:s0] =	ssyncset.done @!p0 $0x0  }
0x4d: {  	[sflag:s0] =	ssyncadd.s32 @!p0 s1  }
0x4e: {  	[bflag:$0x3] =	sbarrier.arrive $0xFFFF  }
0x4f: {  	_ =	shalt  }

// kernel: gather_offload_async_start
scs
__scs_entry_jumppad:
0x0: {  	(pc) =	sbr.rel $0x88, $3  }
0x1: {  	(tag) =	ssettag $0x0;
	lr =	simm.s32 $0x1  }
0x2: {  	[smem:$0x3F9D] =	sst lr;
	_ =	strace $0xD0000000  }
0x3: {  	_ = 	snop  }
0x4: {  	_ = 	snop  }
0x5: {  	_ = 	snop  }
0x6: {  	_ = 	snop  }
0x7: {  	_ = 	snop  }
__scs_overlays_trampoline_lowered:
0x8: {  	[smem:$0x3FAC] =	sst s0  }
0x9: {  	[smem:$0x3FAD] =	sst s1  }
0xa: {  	[smem:$0x3FAE] =	sst s2  }
0xb: {  	[smem:$0x3FAF] =	sst s3  }
0xc: {  	[smem:$0x3FB0] =	sst s4  }
0xd: {  	[smem:$0x3FB1] =	sst s5  }
0xe: {  	[smem:$0x3FB2] =	sst s6  }
0xf: {  	[smem:$0x3FB3] =	sst s7  }
0x10: {  	[smem:$0x3FB4] =	sst s8  }
0x11: {  	[smem:$0x3FB5] =	sst s9;
	s0 =	simm.s32 @!p0 $0x0  }
0x12: {  	s1 =	sld [smem:$0x3F9B];
	s0 =	simm.s32 @p0 $0x1  }
0x13: {  	[smem:$0x3FB6] =	sst s0;
	s0 =	simm.s32 @!p1 $0x0  }
0x14: {  	s2 =	sld [smem:$0x3F9A];
	s0 =	simm.s32 @p1 $0x1  }
0x15: {  	[smem:$0x3FB7] =	sst s0;
	s0 =	simm.s32 @!p2 $0x0  }
0x16: {  	s3 =	sld [smem:$0x3FDB];
	s0 =	simm.s32 @p2 $0x1  }
0x17: {  	s4 =	simm.s32 $0x1BF5;
	[smem:$0x3FB9] =	sst s0  }
0x18: {  	s0 =	sld [smem:$0x3F9C];
	_ =	swait.ge [sflag:s4], $0x0  }
0x19: {  	s7 =	sld [smem:$0x3F9D]  }
0x1a: {  	s8 =	sadd.s32 $0xFFFFE003, lr  }
0x1b: {  	s9 =	sadd.s32 $0xFFFFFEF7, lr;
	s5 =	simm.s32 $0xFFFFFFFF;
	p2 =	slt.u32 s8, $0xFFFFF086  }
0x1c: {  	p1 =	slt.u32 s9, $0xF7A;
	s5 =	simm.s32 @!p2 $0x0  }
0x1d: {  	s5 =	simm.s32 @p1 $0x1;
	p0 =	seq.s32 s7, s2  }
0x1e: {  	s7 =	smul.u32 @!p0 $0xF7A, s2;
	p2 =	seq.s32 @!p0 s5, $0x0  }
0x1f: {  	s9 =	smul.u32 $0xF7A, s1;
	s8 =	simm.s32 @!p0 $0x1BF5;
	p2 =	por !p2, p0  }
0x20: {  	[sflag:s8] =	ssyncset.s32 @!p0 $0xFFFFF086;
	s6 =	sadd.s32 @!p0 s3, s7;
	s7 =	simm.s32 @!p0 $0x108  }
0x21: {  	s3 =	sadd.s32 s3, s9;
	s6 =	sadd.s32 @!p0 $0x88, s6;
	s7 =	simm.s32 @p2 $0x1082  }
0x22: {  	[simem:s7], [sflag:s8] =	dma.local @!p0 [hbm:s6], $0xF7A  }
0x23: {  	s9 =	sor.u32 $0xD0000000, s2;
	s6 =	simm.s32 $0x108;
	_ =	swait.ge @!p0 [sflag:s8], $0x0  }
0x24: {  	s3 =	sadd.s32 $0x88, s3;
	s6 =	simm.s32 @!p1 $0x1082;
	[sflag:s4] =	ssyncset.s32 $0xFFFFF086  }
0x25: {  	[simem:s6], [sflag:s4] =	dma.local [hbm:s3], $0xF7A  }
0x26: {  	[smem:$0x3F9D] =	sst s1;
	(tag) =	ssettag s2;
	_ =	strace s9  }
0x27: {  	s1 =	sld [smem:$0x3FAD]  }
0x28: {  	s2 =	sld [smem:$0x3FAE]  }
0x29: {  	s4 =	sld [smem:$0x3FB0]  }
0x2a: {  	p0 =	seq.s32 s5, $0x0;
	s5 =	sld [smem:$0x3FB1]  }
0x2b: {  	s6 =	sld [smem:$0x3FB2]  }
0x2c: {  	s7 =	sld [smem:$0x3FB3]  }
0x2d: {  	s3 =	simm.s32 $0x108;
	s8 =	sld [smem:$0x3FB4]  }
0x2e: {  	s3 =	simm.s32 @!p0 $0x1082;
	s9 =	sld [smem:$0x3FB5]  }
0x2f: {  	lr =	sadd.s32 s0, s3;
	s0 =	sld [smem:$0x3FAC]  }
0x30: {  	s3 =	sld [smem:$0x3FAF]  }
0x31: {  	[smem:$0x3FB8] =	sst s10  }
0x32: {  	s10 =	sld [smem:$0x3FB6];
	_ =	sdelay $0x3  }
0x33: {  	p0 =	seq.s32 s10, $0x1;
	s10 =	sld [smem:$0x3FB8];
	_ =	sdelay $0x3  }
0x34: {  	[smem:$0x3FB8] =	sst s10  }
0x35: {  	s10 =	sld [smem:$0x3FB7];
	_ =	sdelay $0x3  }
0x36: {  	p1 =	seq.s32 s10, $0x1;
	s10 =	sld [smem:$0x3FB8];
	_ =	sdelay $0x3  }
0x37: {  	[smem:$0x3FB8] =	sst s10  }
0x38: {  	s10 =	sld [smem:$0x3FB9]  }
0x39: {  	_ = 	snop;
	(pc) =	sbr.ind lr, $3  }
0x3a: {  	_ = 	snop  }
0x3b: {  	_ = 	snop  }
0x3c: {  	p2 =	seq.s32 s10, $0x1;
	s10 =	sld [smem:$0x3FB8]  }
0x3d: {  	_ =	shalt  }
0x3e: {  	_ =	shalt  }
0x3f: {  	_ =	shalt  }
0x40: {  	_ =	shalt  }
0x41: {  	_ =	shalt  }
0x42: {  	_ =	shalt  }
0x43: {  	_ =	shalt  }
0x44: {  	_ =	shalt  }
0x45: {  	_ =	shalt  }
0x46: {  	_ =	shalt  }
0x47: {  	_ =	shalt  }
0x48: {  	_ =	shalt  }
0x49: {  	_ =	shalt  }
0x4a: {  	_ =	shalt  }
0x4b: {  	_ =	shalt  }
0x4c: {  	_ =	shalt  }
0x4d: {  	_ =	shalt  }
0x4e: {  	_ =	shalt  }
0x4f: {  	_ =	shalt  }
0x50: {  	_ =	shalt  }
0x51: {  	_ =	shalt  }
0x52: {  	_ =	shalt  }
0x53: {  	_ =	shalt  }
0x54: {  	_ =	shalt  }
0x55: {  	_ =	shalt  }
0x56: {  	_ =	shalt  }
0x57: {  	_ =	shalt  }
0x58: {  	_ =	shalt  }
0x59: {  	_ =	shalt  }
0x5a: {  	_ =	shalt  }
0x5b: {  	_ =	shalt  }
0x5c: {  	_ =	shalt  }
0x5d: {  	_ =	shalt  }
0x5e: {  	_ =	shalt  }
0x5f: {  	_ =	shalt  }
0x60: {  	_ =	shalt  }
0x61: {  	_ =	shalt  }
0x62: {  	_ =	shalt  }
0x63: {  	_ =	shalt  }
0x64: {  	_ =	shalt  }
0x65: {  	_ =	shalt  }
0x66: {  	_ =	shalt  }
0x67: {  	_ =	shalt  }
0x68: {  	_ =	shalt  }
0x69: {  	_ =	shalt  }
0x6a: {  	_ =	shalt  }
0x6b: {  	_ =	shalt  }
0x6c: {  	_ =	shalt  }
0x6d: {  	_ =	shalt  }
0x6e: {  	_ =	shalt  }
0x6f: {  	_ =	shalt  }
0x70: {  	_ =	shalt  }
0x71: {  	_ =	shalt  }
0x72: {  	_ =	shalt  }
0x73: {  	_ =	shalt  }
0x74: {  	_ =	shalt  }
0x75: {  	_ =	shalt  }
0x76: {  	_ =	shalt  }
0x77: {  	_ =	shalt  }
0x78: {  	_ =	shalt  }
0x79: {  	_ =	shalt  }
0x7a: {  	_ =	shalt  }
0x7b: {  	_ =	shalt  }
0x7c: {  	_ =	shalt  }
0x7d: {  	_ =	shalt  }
0x7e: {  	_ =	shalt  }
0x7f: {  	_ =	shalt  }
0x80: {  	_ =	shalt  }
0x81: {  	_ =	shalt  }
0x82: {  	_ =	shalt  }
0x83: {  	_ =	shalt  }
0x84: {  	_ =	shalt  }
0x85: {  	_ =	shalt  }
0x86: {  	_ =	shalt  }
0x87: {  	_ =	shalt  }
.Lfunc_end0:
.L_simem_size_0:
called_computation_lowered:
.L_overlay_start_0:
0x88: {  	s2 =	sld [smem:$0x3FD9]  }
0x89: {  	s3 =	sld [smem:$0x3FFE];
	_ =	sdelay $0x1  }
0x8a: {  	s1 =	srdreg.scid  }
0x8b: {  	s0 =	sand.u32 $0x1, s1  }
0x8c: {  	s17 =	sshll.u32 s0, $0xA;
	s2 =	sadd.s32 s3, s2  }
0x8d: {  	s2 =	sadd.s32 s2, s17  }
0x8e: {  	[smem:$0x3FC4] =	sst s2  }
0x8f: {  	_ = 	snop  }
0x90: {  	s2 =	sld [smem:$0x3FC6];
	(tm) =	ssettm $0x1  }
0x91: {  	s18 =	sld [smem:$0x3FFB];
	_ =	sdelay $0x3  }
0x92: {  	_ =	strace s18  }
0x93: {  	s3 =	sld [smem:$0x3FFC];
	_ =	sdelay $0x3  }
0x94: {  	_ =	strace s3  }
0x95: {  	s3 =	sld [smem:$0x3FFD];
	_ =	sdelay $0x3  }
0x96: {  	_ =	strace s3  }
0x97: {  	_ =	strace $0x8FFFFFFF  }
0x98: {  	s19 =	sld [smem:$0x3FDB];
	_ =	sdelay $0x1  }
0x99: {  	s4 =	simm.s32 $_scs_section_size  }
0x9a: {  	s5 =	simm.s32 $_size__tile_overlayer_lowered;
	s6 =	simm.s32 $_tile_overlayer_lowered  }
0x9b: {  	s22 =	simm.s32 $0x1BFF;
	s21 =	sshll.u32 s6, $0x1;
	s3 =	sadd.s32 s4, s19  }
0x9c: {  	s7 =	simm.s32 $0x0;
	s20 =	sshll.u32 s5, $0x1;
	s5 =	sadd.s32 s21, s3  }
0x9d: {  	[timem:s7], [sflag:s22] =	dma.local [hbm:s5], s20  }
0x9e: {  	_ =	swait.ge [sflag:s22], s20  }
0x9f: {  	s4 =	ssub.s32 $0x0, s20;
	[sflag:s22] =	ssyncset.done $0x0  }
0xa0: {  	[sflag:s22] =	ssyncadd.s32 s4;
	_ =	sdelay $0x1  }
0xa1: {  	s23 =	simm.s32 $0x1B8B  }
0xa2: {  	_ =	swait.ge [sflag:s23], $0x1  }
0xa3: {  	[sflag:s23] =	ssyncset.done $0x0  }
0xa4: {  	s25 =	simm.s32 $0x1B8E;
	s24 =	sld [smem:$0x3FFE];
	[sflag:s23] =	ssyncadd.s32 $0xFFFFFFFF  }
0xa5: {  	s26 =	simm.s32 $execute0_lowered;
	[smem:$0x3FD2] =	sst s25  }
0xa6: {  	s5 =	sshll.u32 s26, $0x1;
	_ =	strace $0x80000046;
	[dreg:$0x1] =	wrdreg $0xFFFFFFFF  }
0xa7: {  	s28 =	simm.s32 $_size_execute0_lowered;
	s3 =	sadd.s32 s3, s5;
	[dreg:$0x0] =	wrdreg $0x0  }
0xa8: {  	s5 =	sshll.u32 s28, $0x1;
	[dreg:$0x2] =	wrdreg s3  }
0xa9: {  	[dreg:$0x3] =	wrdreg s5  }
0xaa: {  	[dreg:$0x4] =	wrdreg $0xC0  }
0xab: {  	_ =	task [dreg:s7], $0x5FFFF  }
0xac: {  	[dreg:$0x1] =	wrdreg $0xFFFFFFFF  }
0xad: {  	[dreg:$0x0] =	wrdreg $0x60  }
0xae: {  	[dreg:$0x2] =	wrdreg s2  }
0xaf: {  	[dreg:$0x3] =	wrdreg s24  }
0xb0: {  	[dreg:$0x4] =	wrdreg $0x9  }
0xb1: {  	_ =	task.clear_ibuf [dreg:s7], $0x5FFFF;
	_ =	strace $0x90000046  }
0xb2: {  	s29 =	simm.s32 $0x9;
	_ =	strace $0x80000048  }
0xb3: {  	_ =	swait.ge [sflag:s29], $0x1  }
0xb4: {  	[sflag:s29] =	ssyncadd.s32 $0xFFFFFFFF  }
0xb5: {  	_ =	strace $0x90000048  }
0xb6: {  	_ =	sfence  }
0xb7: {  	s30 =	sld [smem:$0x0];
	_ =	sdelay $0x2  }
0xb8: {  	s31 =	sshll.u32 s1, $0xD;
	s1 =	sshrl.u32 s1, $0x2  }
0xb9: {  	s3 =	sand.u32 $0x4000, s31;
	s1 =	sadd.s32 s1, s30  }
0xba: {  	s0 =	sor.u32 s3, s0;
	s1 =	sshll.u32 s1, $0x11  }
0xbb: {  	s0 =	sor.u32 s1, s0  }
0xbc: {  	s0 =	sadd.s32 $0x8F2B, s0  }
0xbd: {  	[sflag:s0] =	ssyncadd.remote.s32 $0x1  }
0xbe: {  	_ =	sfence.sel $0xFFFF  }
0xbf: {  	[dreg:$0x0] =	wrdreg $0xFFFFFFFF;
	(pc) =	sbr.abs _section_cstart, $3  }
0xc0: {  	[dreg:$0x1] =	wrdreg $0xFFFFFFFF  }
0xc1: {  	_ =	task.clear_ibuf [dreg:s7], $0x2FFFF;
	_ =	strace $0x9FFFFFFF  }
0xc2: {  	(tm) =	ssettm $0x7FFFFFFF  }
0xc3: {  	_ =	shalt  }
tec
execute0_lowered:
.L_overlay_start_1:
0x0: {  	(tag) =	ssettag $0x1  }
0x1: {  	s2 =	rddreg [dreg:$0x0]  }
0x2: {  	s8 =	rddreg [dreg:$0x1]  }
0x3: {  	s0 =	rddreg [dreg:$0x2];
	s1 =	stileid.u32  }
0x4: {  	s3 =	srdreg.scid;
	_ =	strace $0x80000047;
	s4 =	simm.s32 $0x1  }
0x5: {  	s7 =	simm.s32 $0x1;
	s9 =	simm.s32 $0x1;
	s10 =	simm.s32 $0x3  }
0x6: {  	s13 =	simm.s32 $0x0;
	s5 =	sand.u32 $0x1, s3;
	s6 =	sshll.u32 s1, $0x1  }
0x7: {  	s12 =	simm.s32 $0x0;
	s3 =	sadd.s32 $0x1A00, s8;
	s5 =	sor.u32 s6, s5  }
.Ltmp0:
0x8: {  	[sflag:s4] =	ssyncpa.u1 $0x0;
	p0 =	slt.u32 s5, $0x9;
	(pc) =	sbr.rel .LBB2_1-.Ltmp0, $4  }
0x9: {  	s6 =	simm.s32 $0x2;
	s7 =	simm.s32 @!p0 $0x0;
	p0 =	sne.s32 s5, $0x8  }
0xa: {  	[sflag:s6] =	ssyncpa.u1 $0x0;
	s5 =	smul.u32 $0xD0, s5;
	s9 =	simm.s32 @!p0 $0x0  }
0xb: {  	s8 =	sadd.s32 $0x3000, s8;
	[sflag:s10] =	ssyncpa.u1 $0x0;
	s7 =	sadd.s32 s9, s7  }
0xc: {  	vm0 =	vmmov $0xffff;
	s10 =	simm.s32 $0x0;
	s11 =	smov.u32 s5;
	s9 =	sadd.s32 $0x1, s7  }
.LBB2_4:
0xd: {  	v2 =	vnsel vm1, $0x0, v2  }
0xe: {  	vm1 =	vgt.s32 v0, $0x0;
	v2 =	vmin.u32 v2, $0x203F  }
0xf: {  	v0 =	vnsel vm1, $0x0, v0  }
0x10: {  	v0 =	vmin.u32 v0, $0x203F  }
0x11: {  	[tilespmem:s18], [sflag:$0x1] =	stream.indirect_vreg.gather [hbm4b:s2+s10], $0x1, v1, vm0, $0x4038;
	[tilespmem:$0x340] =	vst v63  }
0x12: {  	(ifvalue) =	ssetifvalue $0x7FFFFFFF  }
0x13: {  	[tilespmem:s15], [sflag:$0x1] =	stream.indirect_vreg.gather [hbm4b:s2+s10], $0x1, v2, vm0, $0x4038;
	[tilespmem:$0x340] =	vst v63  }
0x14: {  	s29 =	sadd.s32 $0x10, s15;
	(ifvalue) =	ssetifvalue $0x7FFFFFFF  }
0x15: {  	[tilespmem:s29], [sflag:$0x1] =	stream.indirect_vreg.gather [hbm4b:s2+s10], $0x1, v0, vm0, $0x4038;
	[tilespmem:$0x340] =	vst v63  }
0x16: {  	_ =	swait.ge [sflag:s4], $0xD0  }
0x17: {  	s30 =	sshrl.u32 s13, $0x3;
	[sflag:s4] =	ssyncset.done $0x0  }
0x18: {  	s31 =	sand.u32 $0x7, s13;
	s15 =	sadd.s32 s8, s30;
	[sflag:s4] =	ssyncadd.s32 $0xFFFFFF30  }
0x19: {  	[hbm4b:s15+s31] =	stream.linear.scatter [tilespmem:s14], [sflag:$0x3], $0xD0, $0x38;
	[tilespmem:$0x340] =	vst v63  }
.LBB2_5:
0x1a: {  	s15 =	sadd.s32 $0x1A00, s11  }
0x1b: {  	p1 =	sgt.s32 s15, $0x207F  }
0x1c: {  	s15 =	smov.u32 @p1 s5;
	p1 =	sne.s32 s12, s9  }
.Ltmp1:
0x1d: {  	p0 =	slt.u32 s12, $0x2;
	(pc) =	sbr.rel @!p1 .LBB2_6-.Ltmp1, $4  }
0x1e: {  	s14 =	simm.s32 @!p0 $0x3  }
0x1f: {  	_ =	swait.ge @!p0 [sflag:s14], $0xD0  }
0x20: {  	s16 =	sadd.s32 $0x1, s12;
	s13 =	smov.u32 s11;
	[sflag:s14] =	ssyncset.done @!p0 $0x0  }
0x21: {  	s12 =	smov.u32 s16;
	s11 =	smov.u32 s15;
	[sflag:s14] =	ssyncadd.s32 @!p0 $0xFFFFFF30  }
.LBB2_1:
0x22: {  	p0 =	sge.u32 s12, s7  }
0x23: {  	s14 =	sxor.u32 @!p0 $0x1, s12  }
0x24: {  	s14 =	smul.u32 @!p0 $0x340, s14  }
0x25: {  	s31 =	sadd.s32 $0xFFFFFFFF, s12;
	s15 =	sshrl.u32 @!p0 s11, $0x3  }
0x26: {  	s16 =	sand.u32 @!p0 $0x7, s11;
	s15 =	sadd.s32 @!p0 s3, s15;
	s14 =	sshra.s32 @!p0 s14, $0x2  }
0x27: {  	[tilespmem:s14], [sflag:$0x2] =	stream.linear.gather @!p0 [hbm4b:s15+s16], $0xD0, $0x38;
	[tilespmem:$0x340] =	vst v63  }
0x28: {  	p0 =	sge.u32 s31, s7  }
.Ltmp2:
0x29: {  	_ = 	snop;
	(pc) =	sbr.rel @p0 .LBB2_5-.Ltmp2, $1  }
0x2a: {  	_ =	sdelay $0x3  }
0x2b: {  	s14 =	sand.u32 $0x1, s12  }
0x2c: {  	_ =	swait.ge [sflag:s6], $0xD0;
	p0 =	seq.s32 s14, $0x1;
	s14 =	simm.s32 $0xD0  }
0x2d: {  	[sflag:s6] =	ssyncset.done $0x0;
	s14 =	simm.s32 @!p0 $0x0  }
0x2e: {  	[sflag:s6] =	ssyncadd.s32 $0xFFFFFF30;
	(ifvalue) =	ssetifvalue $0x7FFFFFFF;
	v0 =	vld.msk [tilespmem:s14+$0x0 ss:$0x1], $0xffff;
	_ =	sdelay $0x4  }
0x2f: {  	s15 =	sadd.s32 $0x10, s14;
	vm1 =	vgt.s32 v0, $0x0  }
0x30: {  	v2 =	vld.msk [tilespmem:s15+$0x0 ss:$0x1], $0xffff;
	v1 =	vnsel vm1, $0x0, v0  }
0x31: {  	v1 =	vmin.u32 v1, $0x203F;
	_ =	sdelay $0x2  }
0x32: {  	s17 =	simm.s32 $0x20;
	s14 =	sadd.s32 $0x1A0, s14;
	s16 =	sadd.s32 $0x10, s15  }
0x33: {  	s15 =	sadd.s32 $0x10, s14;
	s18 =	smov.u32 s14;
	v0 =	vld.msk [tilespmem:s16+$0x0 ss:$0x1], $0xffff;
	vm1 =	vgt.s32 v2, $0x0;
	(ifvalue) =	ssetifvalue $0x7FFFFFFF  }
.LBB2_3:
0x34: {  	[tilespmem:s18], [sflag:$0x1] =	stream.indirect_vreg.gather [hbm4b:s2+s10], $0x1, v1, vm0, $0x4038;
	[tilespmem:$0x340] =	vst v63  }
0x35: {  	s17 =	sadd.s32 $0x10, s17  }
0x36: {  	v2 =	vnsel vm1, $0x0, v2;
	p0 =	slt.u32 s17, $0xC0  }
.Ltmp3:
0x37: {  	s18 =	smov.u32 s15;
	v1 =	vmin.u32 v2, $0x203F;
	(pc) =	sbr.rel @p0 .LBB2_3-.Ltmp3, $3  }
0x38: {  	_ =	sdelay $0x1  }
0x39: {  	s16 =	sadd.s32 $0x10, s16  }
0x3a: {  	vm1 =	vgt.s32 v0, $0x0;
	s15 =	sadd.s32 $0x10, s15;
	v2 =	vmov v0;
	(ifvalue) =	ssetifvalue $0x7FFFFFFF;
	v0 =	vld.msk [tilespmem:s16+$0x0 ss:$0x1], $0xffff  }
.Ltmp4:
0x3b: {  	_ = 	snop;
	(pc) =	sbr.rel .LBB2_4-.Ltmp4, $1  }
0x3c: {  	_ =	sdelay $0x3  }
.LBB2_6:
0x3d: {  	_ =	sfence.sel $0x180000  }
0x3e: {  	s2 =	simm.s32 $0x2;
	[bflag:$0x0] =	sbarrier.arrive $0xFFFF  }
0x3f: {  	s30 =	simm.s32 $0x3;
	[sflag:s2] =	ssyncpa.u1 $0x1  }
0x40: {  	s31 =	simm.s32 $0x1;
	[sflag:s30] =	ssyncpa.u1 $0x1  }
0x41: {  	[sflag:s31] =	ssyncpa.u1 $0x1  }
0x42: {  	p0 =	sne.s32 s1, $0x0;
	_ =	strace $0x90000047  }
0x43: {  	s0 =	sadd.s32 @!p0 $0x100000, s0;
	[bflag:$0x2] =	sbarrier.arrive $0xFFFF  }
0x44: {  	[sflag:s0] =	ssyncadd.tile.s32 @!p0 $0x1;
	_ =	shalt  }
.Lfunc_end2:
_tile_overlayer_lowered:
.L_overlay_start_2:
0x45: {  	(tag) =	ssettag $0x2  }
0x46: {  	s0 =	rddreg [dreg:$0x0];
	s2 =	stileid.u32  }
0x47: {  	s1 =	rddreg [dreg:$0x1];
	p0 =	sne.s32 s2, $0x0  }
0x48: {  	s3 =	rddreg [dreg:$0x2];
	[bflag:$0x3] =	sbarrier.arrive $0xFFFF;
	s2 =	simm.s32 @!p0 $0x1C01  }
0x49: {  	[timem:s3], [sflag:s2] =	dma.local @!p0 [hbm:s0], s1  }
0x4a: {  	s0 =	simm.s32 @!p0 $0x1  }
0x4b: {  	_ =	swait.ge @!p0 [sflag:s0], s1  }
0x4c: {  	s1 =	ssub.s32 @!p0 $0x0, s1;
	[sflag:s0] =	ssyncset.done @!p0 $0x0  }
0x4d: {  	[sflag:s0] =	ssyncadd.s32 @!p0 s1  }
0x4e: {  	[bflag:$0x3] =	sbarrier.arrive $0xFFFF  }
0x4f: {  	_ =	shalt  }

// kernel: kernel.4.cloned.1.call-start
scs
__scs_entry_jumppad:
0x0: {  	(pc) =	sbr.rel $0x88, $3  }
0x1: {  	(tag) =	ssettag $0x0;
	lr =	simm.s32 $0x1  }
0x2: {  	[smem:$0x3F9D] =	sst lr;
	_ =	strace $0xD0000000  }
0x3: {  	_ = 	snop  }
0x4: {  	_ = 	snop  }
0x5: {  	_ = 	snop  }
0x6: {  	_ = 	snop  }
0x7: {  	_ = 	snop  }
__scs_overlays_trampoline_lowered:
0x8: {  	[smem:$0x3FAC] =	sst s0  }
0x9: {  	[smem:$0x3FAD] =	sst s1  }
0xa: {  	[smem:$0x3FAE] =	sst s2  }
0xb: {  	[smem:$0x3FAF] =	sst s3  }
0xc: {  	[smem:$0x3FB0] =	sst s4  }
0xd: {  	[smem:$0x3FB1] =	sst s5  }
0xe: {  	[smem:$0x3FB2] =	sst s6  }
0xf: {  	[smem:$0x3FB3] =	sst s7  }
0x10: {  	[smem:$0x3FB4] =	sst s8  }
0x11: {  	[smem:$0x3FB5] =	sst s9;
	s0 =	simm.s32 @!p0 $0x0  }
0x12: {  	s1 =	sld [smem:$0x3F9B];
	s0 =	simm.s32 @p0 $0x1  }
0x13: {  	[smem:$0x3FB6] =	sst s0;
	s0 =	simm.s32 @!p1 $0x0  }
0x14: {  	s2 =	sld [smem:$0x3F9A];
	s0 =	simm.s32 @p1 $0x1  }
0x15: {  	[smem:$0x3FB7] =	sst s0;
	s0 =	simm.s32 @!p2 $0x0  }
0x16: {  	s3 =	sld [smem:$0x3FDB];
	s0 =	simm.s32 @p2 $0x1  }
0x17: {  	s4 =	simm.s32 $0x1BF5;
	[smem:$0x3FB9] =	sst s0  }
0x18: {  	s0 =	sld [smem:$0x3F9C];
	_ =	swait.ge [sflag:s4], $0x0  }
0x19: {  	s7 =	sld [smem:$0x3F9D]  }
0x1a: {  	s8 =	sadd.s32 $0xFFFFE003, lr  }
0x1b: {  	s9 =	sadd.s32 $0xFFFFFEF7, lr;
	s5 =	simm.s32 $0xFFFFFFFF;
	p2 =	slt.u32 s8, $0xFFFFF086  }
0x1c: {  	p1 =	slt.u32 s9, $0xF7A;
	s5 =	simm.s32 @!p2 $0x0  }
0x1d: {  	s5 =	simm.s32 @p1 $0x1;
	p0 =	seq.s32 s7, s2  }
0x1e: {  	s7 =	smul.u32 @!p0 $0xF7A, s2;
	p2 =	seq.s32 @!p0 s5, $0x0  }
0x1f: {  	s9 =	smul.u32 $0xF7A, s1;
	s8 =	simm.s32 @!p0 $0x1BF5;
	p2 =	por !p2, p0  }
0x20: {  	[sflag:s8] =	ssyncset.s32 @!p0 $0xFFFFF086;
	s6 =	sadd.s32 @!p0 s3, s7;
	s7 =	simm.s32 @!p0 $0x108  }
0x21: {  	s3 =	sadd.s32 s3, s9;
	s6 =	sadd.s32 @!p0 $0x88, s6;
	s7 =	simm.s32 @p2 $0x1082  }
0x22: {  	[simem:s7], [sflag:s8] =	dma.local @!p0 [hbm:s6], $0xF7A  }
0x23: {  	s9 =	sor.u32 $0xD0000000, s2;
	s6 =	simm.s32 $0x108;
	_ =	swait.ge @!p0 [sflag:s8], $0x0  }
0x24: {  	s3 =	sadd.s32 $0x88, s3;
	s6 =	simm.s32 @!p1 $0x1082;
	[sflag:s4] =	ssyncset.s32 $0xFFFFF086  }
0x25: {  	[simem:s6], [sflag:s4] =	dma.local [hbm:s3], $0xF7A  }
0x26: {  	[smem:$0x3F9D] =	sst s1;
	(tag) =	ssettag s2;
	_ =	strace s9  }
0x27: {  	s1 =	sld [smem:$0x3FAD]  }
0x28: {  	s2 =	sld [smem:$0x3FAE]  }
0x29: {  	s4 =	sld [smem:$0x3FB0]  }
0x2a: {  	p0 =	seq.s32 s5, $0x0;
	s5 =	sld [smem:$0x3FB1]  }
0x2b: {  	s6 =	sld [smem:$0x3FB2]  }
0x2c: {  	s7 =	sld [smem:$0x3FB3]  }
0x2d: {  	s3 =	simm.s32 $0x108;
	s8 =	sld [smem:$0x3FB4]  }
0x2e: {  	s3 =	simm.s32 @!p0 $0x1082;
	s9 =	sld [smem:$0x3FB5]  }
0x2f: {  	lr =	sadd.s32 s0, s3;
	s0 =	sld [smem:$0x3FAC]  }
0x30: {  	s3 =	sld [smem:$0x3FAF]  }
0x31: {  	[smem:$0x3FB8] =	sst s10  }
0x32: {  	s10 =	sld [smem:$0x3FB6];
	_ =	sdelay $0x3  }
0x33: {  	p0 =	seq.s32 s10, $0x1;
	s10 =	sld [smem:$0x3FB8];
	_ =	sdelay $0x3  }
0x34: {  	[smem:$0x3FB8] =	sst s10  }
0x35: {  	s10 =	sld [smem:$0x3FB7];
	_ =	sdelay $0x3  }
0x36: {  	p1 =	seq.s32 s10, $0x1;
	s10 =	sld [smem:$0x3FB8];
	_ =	sdelay $0x3  }
0x37: {  	[smem:$0x3FB8] =	sst s10  }
0x38: {  	s10 =	sld [smem:$0x3FB9]  }
0x39: {  	_ = 	snop;
	(pc) =	sbr.ind lr, $3  }
0x3a: {  	_ = 	snop  }
0x3b: {  	_ = 	snop  }
0x3c: {  	p2 =	seq.s32 s10, $0x1;
	s10 =	sld [smem:$0x3FB8]  }
0x3d: {  	_ =	shalt  }
0x3e: {  	_ =	shalt  }
0x3f: {  	_ =	shalt  }
0x40: {  	_ =	shalt  }
0x41: {  	_ =	shalt  }
0x42: {  	_ =	shalt  }
0x43: {  	_ =	shalt  }
0x44: {  	_ =	shalt  }
0x45: {  	_ =	shalt  }
0x46: {  	_ =	shalt  }
0x47: {  	_ =	shalt  }
0x48: {  	_ =	shalt  }
0x49: {  	_ =	shalt  }
0x4a: {  	_ =	shalt  }
0x4b: {  	_ =	shalt  }
0x4c: {  	_ =	shalt  }
0x4d: {  	_ =	shalt  }
0x4e: {  	_ =	shalt  }
0x4f: {  	_ =	shalt  }
0x50: {  	_ =	shalt  }
0x51: {  	_ =	shalt  }
0x52: {  	_ =	shalt  }
0x53: {  	_ =	shalt  }
0x54: {  	_ =	shalt  }
0x55: {  	_ =	shalt  }
0x56: {  	_ =	shalt  }
0x57: {  	_ =	shalt  }
0x58: {  	_ =	shalt  }
0x59: {  	_ =	shalt  }
0x5a: {  	_ =	shalt  }
0x5b: {  	_ =	shalt  }
0x5c: {  	_ =	shalt  }
0x5d: {  	_ =	shalt  }
0x5e: {  	_ =	shalt  }
0x5f: {  	_ =	shalt  }
0x60: {  	_ =	shalt  }
0x61: {  	_ =	shalt  }
0x62: {  	_ =	shalt  }
0x63: {  	_ =	shalt  }
0x64: {  	_ =	shalt  }
0x65: {  	_ =	shalt  }
0x66: {  	_ =	shalt  }
0x67: {  	_ =	shalt  }
0x68: {  	_ =	shalt  }
0x69: {  	_ =	shalt  }
0x6a: {  	_ =	shalt  }
0x6b: {  	_ =	shalt  }
0x6c: {  	_ =	shalt  }
0x6d: {  	_ =	shalt  }
0x6e: {  	_ =	shalt  }
0x6f: {  	_ =	shalt  }
0x70: {  	_ =	shalt  }
0x71: {  	_ =	shalt  }
0x72: {  	_ =	shalt  }
0x73: {  	_ =	shalt  }
0x74: {  	_ =	shalt  }
0x75: {  	_ =	shalt  }
0x76: {  	_ =	shalt  }
0x77: {  	_ =	shalt  }
0x78: {  	_ =	shalt  }
0x79: {  	_ =	shalt  }
0x7a: {  	_ =	shalt  }
0x7b: {  	_ =	shalt  }
0x7c: {  	_ =	shalt  }
0x7d: {  	_ =	shalt  }
0x7e: {  	_ =	shalt  }
0x7f: {  	_ =	shalt  }
0x80: {  	_ =	shalt  }
0x81: {  	_ =	shalt  }
0x82: {  	_ =	shalt  }
0x83: {  	_ =	shalt  }
0x84: {  	_ =	shalt  }
0x85: {  	_ =	shalt  }
0x86: {  	_ =	shalt  }
0x87: {  	_ =	shalt  }
.Lfunc_end0:
.L_simem_size_0:
called_computation.2_lowered:
.L_overlay_start_0:
0x88: {  	s2 =	sld [smem:$0x3FD9]  }
0x89: {  	s3 =	sld [smem:$0x3FFE];
	_ =	sdelay $0x1  }
0x8a: {  	s1 =	srdreg.scid  }
0x8b: {  	s0 =	sand.u32 $0x1, s1  }
0x8c: {  	s17 =	sshll.u32 s0, $0xA;
	s2 =	sadd.s32 s3, s2  }
0x8d: {  	s2 =	sadd.s32 s2, s17  }
0x8e: {  	[smem:$0x3FC4] =	sst s2  }
0x8f: {  	_ = 	snop  }
0x90: {  	s2 =	sld [smem:$0x3FD0];
	(tm) =	ssettm $0x1  }
0x91: {  	s18 =	sld [smem:$0x3FFB];
	_ =	sdelay $0x3  }
0x92: {  	_ =	strace s18  }
0x93: {  	s3 =	sld [smem:$0x3FFC];
	_ =	sdelay $0x3  }
0x94: {  	_ =	strace s3  }
0x95: {  	s3 =	sld [smem:$0x3FFD];
	_ =	sdelay $0x3  }
0x96: {  	_ =	strace s3  }
0x97: {  	_ =	strace $0x8FFFFFFF  }
0x98: {  	s19 =	sld [smem:$0x3FDB];
	_ =	sdelay $0x1  }
0x99: {  	s4 =	simm.s32 $_scs_section_size  }
0x9a: {  	s5 =	simm.s32 $_size__tile_overlayer_lowered;
	s6 =	simm.s32 $_tile_overlayer_lowered  }
0x9b: {  	s22 =	simm.s32 $0x1BFF;
	s21 =	sshll.u32 s6, $0x1;
	s3 =	sadd.s32 s4, s19  }
0x9c: {  	s7 =	simm.s32 $0x0;
	s20 =	sshll.u32 s5, $0x1;
	s5 =	sadd.s32 s21, s3  }
0x9d: {  	[timem:s7], [sflag:s22] =	dma.local [hbm:s5], s20  }
0x9e: {  	_ =	swait.ge [sflag:s22], s20  }
0x9f: {  	s4 =	ssub.s32 $0x0, s20;
	[sflag:s22] =	ssyncset.done $0x0  }
0xa0: {  	[sflag:s22] =	ssyncadd.s32 s4;
	_ =	sdelay $0x1  }
0xa1: {  	s23 =	simm.s32 $0x1B8B  }
0xa2: {  	_ =	swait.ge [sflag:s23], $0x1  }
0xa3: {  	[sflag:s23] =	ssyncset.done $0x0  }
0xa4: {  	s25 =	simm.s32 $0x1B8E;
	s24 =	sld [smem:$0x3FFE];
	[sflag:s23] =	ssyncadd.s32 $0xFFFFFFFF  }
0xa5: {  	s26 =	simm.s32 $execute0_lowered;
	[smem:$0x3FD2] =	sst s25  }
0xa6: {  	s5 =	sshll.u32 s26, $0x1;
	_ =	strace $0x8000004C;
	[dreg:$0x1] =	wrdreg $0xFFFFFFFF  }
0xa7: {  	s28 =	simm.s32 $_size_execute0_lowered;
	s3 =	sadd.s32 s3, s5;
	[dreg:$0x0] =	wrdreg $0x0  }
0xa8: {  	s5 =	sshll.u32 s28, $0x1;
	[dreg:$0x2] =	wrdreg s3  }
0xa9: {  	[dreg:$0x3] =	wrdreg s5  }
0xaa: {  	[dreg:$0x4] =	wrdreg $0xC0  }
0xab: {  	_ =	task [dreg:s7], $0x5FFFF  }
0xac: {  	[dreg:$0x1] =	wrdreg $0xFFFFFFFF  }
0xad: {  	[dreg:$0x0] =	wrdreg $0x60  }
0xae: {  	[dreg:$0x2] =	wrdreg s24  }
0xaf: {  	[dreg:$0x3] =	wrdreg s2  }
0xb0: {  	[dreg:$0x4] =	wrdreg $0x5C000  }
0xb1: {  	[dreg:$0x5] =	wrdreg $0x9  }
0xb2: {  	_ =	task.clear_ibuf [dreg:s7], $0x6FFFF;
	_ =	strace $0x9000004C  }
0xb3: {  	s29 =	simm.s32 $0x9;
	_ =	strace $0x8000004E  }
0xb4: {  	_ =	swait.ge [sflag:s29], $0x1  }
0xb5: {  	[sflag:s29] =	ssyncadd.s32 $0xFFFFFFFF  }
0xb6: {  	_ =	strace $0x9000004E  }
0xb7: {  	_ =	sfence  }
0xb8: {  	s30 =	sld [smem:$0x0];
	_ =	sdelay $0x2  }
0xb9: {  	s31 =	sshll.u32 s1, $0xD;
	s1 =	sshrl.u32 s1, $0x2  }
0xba: {  	s3 =	sand.u32 $0x4000, s31;
	s1 =	sadd.s32 s1, s30  }
0xbb: {  	s0 =	sor.u32 s3, s0;
	s1 =	sshll.u32 s1, $0x11  }
0xbc: {  	s0 =	sor.u32 s1, s0  }
0xbd: {  	s0 =	sadd.s32 $0x8F2B, s0  }
0xbe: {  	[sflag:s0] =	ssyncadd.remote.s32 $0x1  }
0xbf: {  	_ =	sfence.sel $0xFFFF  }
0xc0: {  	[dreg:$0x0] =	wrdreg $0xFFFFFFFF;
	(pc) =	sbr.abs _section_cstart, $3  }
0xc1: {  	[dreg:$0x1] =	wrdreg $0xFFFFFFFF  }
0xc2: {  	_ =	task.clear_ibuf [dreg:s7], $0x2FFFF;
	_ =	strace $0x9FFFFFFF  }
0xc3: {  	(tm) =	ssettm $0x7FFFFFFF  }
tec
execute0_lowered:
.L_overlay_start_1:
0x0: {  	(tag) =	ssettag $0x1  }
0x1: {  	s4 =	rddreg [dreg:$0x0]  }
0x2: {  	s13 =	rddreg [dreg:$0x1]  }
0x3: {  	s1 =	rddreg [dreg:$0x2]  }
0x4: {  	s0 =	rddreg [dreg:$0x3];
	s3 =	simm.s32 $0x0  }
0x5: {  	s2 =	stileid.u32;
	s6 =	srdreg.scid;
	s18 =	simm.s32 $0x4000  }
0x6: {  	s19 =	simm.s32 $0x80;
	s20 =	simm.s32 $0x4080;
	s21 =	simm.s32 $0x4100  }
0x7: {  	s22 =	simm.s32 $0x4180;
	s23 =	simm.s32 $0x4200;
	s8 =	smul.u32 $0x180, s2  }
0x8: {  	[smem:$0x7FF] =	sst s3;
	s7 =	sadd.s32 $0x3000, s4;
	s11 =	smul.u32 $0x3000, s2  }
0x9: {  	s5 =	sshll.u32 s2, $0x7;
	s6 =	sand.u32 $0x1, s6;
	s28 =	smul.u32 $0x14000, s2  }
0xa: {  	s10 =	sshll.u32 s2, $0x8;
	s29 =	sshll.u32 s2, $0x6;
	s30 =	smul.u32 $0x2800, s2  }
0xb: {  	s12 =	sshll.u32 s2, $0xB;
	_ =	strace $0x8000004D;
	s5 =	sadd.s32 s5, s4  }
0xc: {  	s9 =	sshll.u32 s6, $0xC;
	s24 =	ssub.s32 $0x2, s6;
	s6 =	sshll.u32 s6, $0xB  }
0xd: {  	s12 =	sadd.s32 s12, s1;
	s8 =	sadd.s32 s8, s4;
	s14 =	sor.u32 s10, s9  }
0xe: {  	s25 =	sshrl.u32 s24, $0x1;
	s26 =	sshrl.u32 s11, $0x2;
	s6 =	sadd.s32 s6, s5  }
0xf: {  	s9 =	sshrl.u32 s28, $0x3;
	s5 =	sor.u32 $0x1C01, s29;
	s15 =	sadd.s32 s14, s4  }
0x10: {  	s16 =	ssub.s32 s24, s25;
	s17 =	sadd.s32 s26, s1;
	s4 =	sadd.s32 $0x2B000, s8  }
0x11: {  	s6 =	sadd.s32 $0x2000, s6;
	s31 =	sadd.s32 s7, s9;
	s7 =	sadd.s32 s7, s30  }
0x12: {  	s13 =	sadd.s32 s13, s14;
	s24 =	simm.s32 $0x4400;
	s25 =	simm.s32 $0x4C00  }
0x13: {  	s26 =	simm.s32 $0x5400;
	s8 =	sadd.s32 $0x800, s31;
	s9 =	sadd.s32 $0x1000, s31  }
0x14: {  	s10 =	sadd.s32 $0x1800, s31;
	s11 =	sadd.s32 $0x2000, s31;
	s14 =	sadd.s32 $0x2C800, s15  }
0x15: {  	s15 =	smax.u32 s16, $0x1;
	s16 =	sshrl.u32 s17, $0x3;
	s17 =	simm.s32 $0x1  }
.LBB2_1:
0x16: {  	[spmem:s16], [sflag:s5] =	dma.local [hbm:s4], $0x180  }
0x17: {  	_ =	swait.ge [sflag:s17], $0x180  }
0x18: {  	[sflag:s17] =	ssyncset.done $0x0  }
0x19: {  	[sflag:s17] =	ssyncadd.s32 $0xFFFFFE80  }
0x1a: {  	[tilespmem:s18], [sflag:$0x1] =	stream.linear.gather [hbm4b:s6+s3], $0x280, $0x38;
	[tilespmem:$0x6800] =	vst v63  }
0x1b: {  	_ =	swait.ge [sflag:s17], $0x280  }
0x1c: {  	[sflag:s17] =	ssyncset.done $0x0  }
0x1d: {  	[sflag:s17] =	ssyncadd.s32 $0xFFFFFD80  }
0x1e: {  	[bflag:$0x0] =	sbarrier.arrive $0xFFFF  }
0x1f: {  	[tilespmem:s3], [sflag:$0x1] =	stream.linear.gather [hbm4b:s7+s3], $0x4000, $0x38;
	[tilespmem:$0x6800] =	vst v63  }
0x20: {  	_ =	swait.ge [sflag:s17], $0x4000  }
0x21: {  	[sflag:s17] =	ssyncset.done $0x0  }
0x22: {  	[sflag:s17] =	ssyncadd.s32 $0xFFFFC000  }
0x23: {  	[spmem:s1] =	stream.indirect.scatter.add.f32 [tilespmem:s3], [sflag:$0x1], $0x80, s18, s19, $0xb8;
	[tilespmem:$0x6800] =	vst v63  }
0x24: {  	_ =	swait.ge [sflag:s17], $0x4000  }
0x25: {  	[sflag:s17] =	ssyncset.done $0x0  }
0x26: {  	[sflag:s17] =	ssyncadd.s32 $0xFFFFC000  }
0x27: {  	[tilespmem:s3], [sflag:$0x1] =	stream.linear.gather [hbm4b:s8+s3], $0x4000, $0x38;
	[tilespmem:$0x6800] =	vst v63  }
0x28: {  	_ =	swait.ge [sflag:s17], $0x4000  }
0x29: {  	[sflag:s17] =	ssyncset.done $0x0  }
0x2a: {  	[sflag:s17] =	ssyncadd.s32 $0xFFFFC000  }
0x2b: {  	[spmem:s1] =	stream.indirect.scatter.add.f32 [tilespmem:s3], [sflag:$0x1], $0x80, s20, s19, $0xb8;
	[tilespmem:$0x6800] =	vst v63  }
0x2c: {  	_ =	swait.ge [sflag:s17], $0x4000  }
0x2d: {  	[sflag:s17] =	ssyncset.done $0x0  }
0x2e: {  	[sflag:s17] =	ssyncadd.s32 $0xFFFFC000  }
0x2f: {  	[tilespmem:s3], [sflag:$0x1] =	stream.linear.gather [hbm4b:s9+s3], $0x4000, $0x38;
	[tilespmem:$0x6800] =	vst v63  }
0x30: {  	_ =	swait.ge [sflag:s17], $0x4000  }
0x31: {  	[sflag:s17] =	ssyncset.done $0x0  }
0x32: {  	[sflag:s17] =	ssyncadd.s32 $0xFFFFC000  }
0x33: {  	[spmem:s1] =	stream.indirect.scatter.add.f32 [tilespmem:s3], [sflag:$0x1], $0x80, s21, s19, $0xb8;
	[tilespmem:$0x6800] =	vst v63  }
0x34: {  	_ =	swait.ge [sflag:s17], $0x4000  }
0x35: {  	[sflag:s17] =	ssyncset.done $0x0  }
0x36: {  	[sflag:s17] =	ssyncadd.s32 $0xFFFFC000  }
0x37: {  	[tilespmem:s3], [sflag:$0x1] =	stream.linear.gather [hbm4b:s10+s3], $0x4000, $0x38;
	[tilespmem:$0x6800] =	vst v63  }
0x38: {  	_ =	swait.ge [sflag:s17], $0x4000  }
0x39: {  	[sflag:s17] =	ssyncset.done $0x0  }
0x3a: {  	[sflag:s17] =	ssyncadd.s32 $0xFFFFC000  }
0x3b: {  	[spmem:s1] =	stream.indirect.scatter.add.f32 [tilespmem:s3], [sflag:$0x1], $0x80, s22, s19, $0xb8;
	[tilespmem:$0x6800] =	vst v63  }
0x3c: {  	_ =	swait.ge [sflag:s17], $0x4000  }
0x3d: {  	[sflag:s17] =	ssyncset.done $0x0  }
0x3e: {  	[sflag:s17] =	ssyncadd.s32 $0xFFFFC000  }
0x3f: {  	[tilespmem:s3], [sflag:$0x1] =	stream.linear.gather [hbm4b:s11+s3], $0x4000, $0x38;
	[tilespmem:$0x6800] =	vst v63  }
0x40: {  	_ =	swait.ge [sflag:s17], $0x4000  }
0x41: {  	[sflag:s17] =	ssyncset.done $0x0  }
0x42: {  	[sflag:s17] =	ssyncadd.s32 $0xFFFFC000  }
0x43: {  	[spmem:s1] =	stream.indirect.scatter.add.f32 [tilespmem:s3], [sflag:$0x1], $0x80, s23, s19, $0xb8;
	[tilespmem:$0x6800] =	vst v63  }
0x44: {  	_ =	swait.ge [sflag:s17], $0x4000  }
0x45: {  	[sflag:s17] =	ssyncset.done $0x0  }
0x46: {  	[sflag:s17] =	ssyncadd.s32 $0xFFFFC000  }
0x47: {  	[bflag:$0x0] =	sbarrier.arrive $0xFFFF  }
0x48: {  	[tilespmem:s24], [sflag:$0x1] =	stream.linear.gather [spmem:s12], $0x800, $0x38;
	[tilespmem:$0x6800] =	vst v63  }
0x49: {  	_ =	swait.ge [sflag:s17], $0x800  }
0x4a: {  	[sflag:s17] =	ssyncset.done $0x0  }
0x4b: {  	[sflag:s17] =	ssyncadd.s32 $0xFFFFF800  }
0x4c: {  	[tilespmem:s25], [sflag:$0x1] =	stream.linear.gather [hbm4b:s13+s3], $0x800, $0x38;
	[tilespmem:$0x6800] =	vst v63  }
0x4d: {  	_ =	swait.ge [sflag:s17], $0x800  }
0x4e: {  	[sflag:s17] =	ssyncset.done $0x0  }
0x4f: {  	[sflag:s17] =	ssyncadd.s32 $0xFFFFF800  }
0x50: {  	v0 =	vld [tilespmem:$0x4C00]  }
0x51: {  	v1 =	vld [tilespmem:$0x4400]  }
0x52: {  	v2 =	vld [tilespmem:$0x4C10]  }
0x53: {  	v3 =	vld [tilespmem:$0x4410]  }
0x54: {  	v4 =	vld [tilespmem:$0x4C20]  }
0x55: {  	v5 =	vld [tilespmem:$0x4420]  }
0x56: {  	v6 =	vld [tilespmem:$0x4C30]  }
0x57: {  	v7 =	vld [tilespmem:$0x4430]  }
0x58: {  	v8 =	vld [tilespmem:$0x4C40]  }
0x59: {  	v9 =	vld [tilespmem:$0x4440]  }
0x5a: {  	v10 =	vld [tilespmem:$0x4C50]  }
0x5b: {  	v11 =	vld [tilespmem:$0x4450]  }
0x5c: {  	v12 =	vld [tilespmem:$0x4C60]  }
0x5d: {  	v13 =	vld [tilespmem:$0x4460]  }
0x5e: {  	v14 =	vld [tilespmem:$0x4C70]  }
0x5f: {  	v15 =	vld [tilespmem:$0x4470]  }
0x60: {  	v16 =	vld [tilespmem:$0x4C80]  }
0x61: {  	v17 =	vld [tilespmem:$0x4480]  }
0x62: {  	v18 =	vld [tilespmem:$0x4C90]  }
0x63: {  	v19 =	vld [tilespmem:$0x4490]  }
0x64: {  	v20 =	vld [tilespmem:$0x4CA0]  }
0x65: {  	v21 =	vld [tilespmem:$0x44A0]  }
0x66: {  	v22 =	vld [tilespmem:$0x4CB0]  }
0x67: {  	v23 =	vld [tilespmem:$0x44B0]  }
0x68: {  	v45 =	vld [tilespmem:$0x4CC0]  }
0x69: {  	v48 =	vld [tilespmem:$0x4CD0]  }
0x6a: {  	v51 =	vld [tilespmem:$0x4CE0]  }
0x6b: {  	v54 =	vld [tilespmem:$0x4CF0]  }
0x6c: {  	v57 =	vld [tilespmem:$0x4D00]  }
0x6d: {  	v61 =	vld [tilespmem:$0x4D10]  }
0x6e: {  	v27 =	vld [tilespmem:$0x4D20]  }
0x6f: {  	v31 =	vld [tilespmem:$0x4D30]  }
0x70: {  	v35 =	vld [tilespmem:$0x4D40]  }
0x71: {  	v39 =	vld [tilespmem:$0x4D50]  }
0x72: {  	v43 =	vld [tilespmem:$0x4D60]  }
0x73: {  	v46 =	vmax.f32 v4, $1.000000000e-30;
	v4 =	vld [tilespmem:$0x44C0]  }
0x74: {  	v49 =	vmax.f32 v8, $1.000000000e-30;
	v8 =	vld [tilespmem:$0x44D0]  }
0x75: {  	v0 =	vmax.f32 v0, $1.000000000e-30;
	v52 =	vmax.f32 v12, $1.000000000e-30;
	v12 =	vld [tilespmem:$0x44E0]  }
0x76: {  	v44 =	vmax.f32 v2, $1.000000000e-30;
	v55 =	vmax.f32 v16, $1.000000000e-30;
	v16 =	vld [tilespmem:$0x44F0];
	(erf) = vrcp.f32 v0  }
0x77: {  	v58 =	vmax.f32 v20, $1.000000000e-30;
	v20 =	vld [tilespmem:$0x4500];
	(erf) = vrcp.f32 v44  }
0x78: {  	v47 =	vmax.f32 v6, $1.000000000e-30;
	v2 =	vld [tilespmem:$0x4510];
	(erf) = vrcp.f32 v46  }
0x79: {  	v30 =	vmax.f32 v51, $1.000000000e-30;
	v51 =	vld [tilespmem:$0x4D80];
	(erf) = vrcp.f32 v47  }
0x7a: {  	v50 =	vmax.f32 v10, $1.000000000e-30;
	v6 =	vld [tilespmem:$0x4E40];
	(erf) = vrcp.f32 v49  }
0x7b: {  	v10 =	vld [tilespmem:$0x4E80];
	(erf) = vrcp.f32 v50  }
0x7c: {  	v53 =	vmax.f32 v14, $1.000000000e-30;
	v0 =	vld [tilespmem:$0x4DE0];
	(erf) = vrcp.f32 v52  }
0x7d: {  	v56 =	vmax.f32 v18, $1.000000000e-30;
	v47 =	vld [tilespmem:$0x4D70];
	(erf) = vrcp.f32 v53  }
0x7e: {  	v60 =	vmax.f32 v22, $1.000000000e-30;
	v22 =	vmax.f32 v51, $1.000000000e-30;
	v51 =	vld [tilespmem:$0x45B0];
	(erf) = vrcp.f32 v55  }
0x7f: {  	v55 =	vld [tilespmem:$0x4D90];
	v24 =	vpop (erf);
	(erf) = vrcp.f32 v56  }
0x80: {  	v59 =	vpop (erf);
	(erf) = vrcp.f32 v58;
	v58 =	vmax.f32 v39, $1.000000000e-30;
	v39 =	vld [tilespmem:$0x4570]  }
0x81: {  	v63 =	vmax.f32 v45, $1.000000000e-30;
	v3 =	vmul.f32 v59, v3;
	(erf) = vrcp.f32 v60;
	v59 =	vld [tilespmem:$0x4DA0]  }
0x82: {  	v62 =	vpop (erf);
	(erf) = vrcp.f32 v63;
	v63 =	vld [tilespmem:$0x4DB0]  }
0x83: {  	v1 =	vmul.f32 v24, v1;
	v24 =	vmul.f32 v62, v5;
	v25 =	vpop (erf);
	v5 =	vld [tilespmem:$0x4E30]  }
0x84: {  	v28 =	vmul.f32 v25, v7;
	v25 =	vld [tilespmem:$0x4540]  }
0x85: {  	v26 =	vmax.f32 v48, $1.000000000e-30;
	[tilespmem:$0x5410] =	vst v3;
	v3 =	vld [tilespmem:$0x4E10]  }
0x86: {  	(erf) = vrcp.f32 v26;
	v7 =	vld [tilespmem:$0x4E50]  }
0x87: {  	v29 =	vpop (erf);
	(erf) = vrcp.f32 v30;
	v30 =	vld [tilespmem:$0x4DC0]  }
0x88: {  	v32 =	vmul.f32 v29, v9;
	v33 =	vpop (erf);
	v9 =	vld [tilespmem:$0x4E70]  }
0x89: {  	v36 =	vmul.f32 v33, v11;
	v37 =	vpop (erf);
	v33 =	vld [tilespmem:$0x4550]  }
0x8a: {  	v11 =	vld [tilespmem:$0x4E90];
	v41 =	vpop (erf)  }
0x8b: {  	v44 =	vmul.f32 v41, v15;
	v15 =	vld [tilespmem:$0x4520]  }
0x8c: {  	v34 =	vmax.f32 v54, $1.000000000e-30;
	[tilespmem:$0x5450] =	vst v36;
	v36 =	vld [tilespmem:$0x4560]  }
0x8d: {  	v38 =	vmax.f32 v57, $1.000000000e-30;
	(erf) = vrcp.f32 v34;
	v41 =	vld [tilespmem:$0x4580]  }
0x8e: {  	v42 =	vmax.f32 v61, $1.000000000e-30;
	(erf) = vrcp.f32 v38;
	v45 =	vpop (erf);
	v34 =	vmax.f32 v63, $1.000000000e-30;
	v63 =	vld [tilespmem:$0x5010]  }
0x8f: {  	v46 =	vmax.f32 v27, $1.000000000e-30;
	v50 =	vmax.f32 v31, $1.000000000e-30;
	(erf) = vrcp.f32 v42;
	v49 =	vpop (erf);
	[tilespmem:$0x5470] =	vst v44;
	v44 =	vld [tilespmem:$0x4590]  }
0x90: {  	v48 =	vmul.f32 v45, v17;
	(erf) = vrcp.f32 v46;
	v53 =	vpop (erf);
	v45 =	vmax.f32 v30, $1.000000000e-30;
	v30 =	vld [tilespmem:$0x4660]  }
0x91: {  	v54 =	vmax.f32 v35, $1.000000000e-30;
	(erf) = vrcp.f32 v50;
	v56 =	vmul.f32 v53, v21;
	v57 =	vpop (erf);
	v21 =	vld [tilespmem:$0x4530]  }
0x92: {  	v40 =	vmul.f32 v37, v13;
	[tilespmem:$0x5480] =	vst v48;
	(erf) = vrcp.f32 v54;
	v48 =	vld [tilespmem:$0x45A0];
	v61 =	vpop (erf)  }
0x93: {  	v62 =	vmax.f32 v43, $1.000000000e-30;
	(erf) = vrcp.f32 v58;
	v13 =	vmul.f32 v61, v4;
	v4 =	vld [tilespmem:$0x4E20]  }
0x94: {  	(erf) = vrcp.f32 v62;
	v62 =	vld [tilespmem:$0x4690]  }
0x95: {  	v14 =	vpop (erf);
	v61 =	vld [tilespmem:$0x4810]  }
0x96: {  	v17 =	vmax.f32 v47, $1.000000000e-30;
	v18 =	vmul.f32 v14, v8;
	v8 =	vld [tilespmem:$0x4E60]  }
0x97: {  	v52 =	vmul.f32 v49, v19;
	v19 =	vpop (erf);
	(erf) = vrcp.f32 v17;
	v17 =	vld [tilespmem:$0x4ED0]  }
0x98: {  	v60 =	vmul.f32 v57, v23;
	v23 =	vmul.f32 v19, v12;
	v12 =	vld [tilespmem:$0x4EA0]  }
0x99: {  	[tilespmem:$0x54C0] =	vst v13;
	v13 =	vld [tilespmem:$0x4EB0]  }
0x9a: {  	v19 =	vld [tilespmem:$0x4EE0]  }
0x9b: {  	[tilespmem:$0x5420] =	vst v24;
	v24 =	vpop (erf);
	(erf) = vrcp.f32 v22;
	v22 =	vld [tilespmem:$0x4F00]  }
0x9c: {  	v27 =	vmul.f32 v24, v16;
	v16 =	vld [tilespmem:$0x45D0]  }
0x9d: {  	[tilespmem:$0x54D0] =	vst v18;
	v18 =	vld [tilespmem:$0x45E0]  }
0x9e: {  	v26 =	vmax.f32 v55, $1.000000000e-30;
	v24 =	vld [tilespmem:$0x4620]  }
0x9f: {  	[tilespmem:$0x5430] =	vst v28;
	v28 =	vpop (erf);
	(erf) = vrcp.f32 v26;
	v26 =	vld [tilespmem:$0x4F30]  }
0xa0: {  	v31 =	vmul.f32 v28, v20;
	v20 =	vld [tilespmem:$0x4EF0]  }
0xa1: {  	[tilespmem:$0x54E0] =	vst v23;
	v23 =	vld [tilespmem:$0x4F10]  }
0xa2: {  	v29 =	vmax.f32 v59, $1.000000000e-30;
	v28 =	vld [tilespmem:$0x4F40]  }
0xa3: {  	[tilespmem:$0x5440] =	vst v32;
	v32 =	vpop (erf);
	(erf) = vrcp.f32 v29;
	v29 =	vld [tilespmem:$0x4740]  }
0xa4: {  	[tilespmem:$0x54F0] =	vst v27;
	v27 =	vld [tilespmem:$0x4640]  }
0xa5: {  	v35 =	vpop (erf);
	(erf) = vrcp.f32 v34;
	v34 =	vld [tilespmem:$0x4680]  }
0xa6: {  	v2 =	vmul.f32 v32, v2;
	v32 =	vld [tilespmem:$0x4760]  }
0xa7: {  	[tilespmem:$0x1FE70] =	vst v61;
	v61 =	vld [tilespmem:$0x5020]  }
0xa8: {  	v37 =	vmul.f32 v35, v15;
	v15 =	vld [tilespmem:$0x4EC0]  }
0xa9: {  	[tilespmem:$0x5500] =	vst v31;
	v31 =	vld [tilespmem:$0x4750]  }
0xaa: {  	v38 =	vpop (erf);
	v35 =	vld [tilespmem:$0x4770]  }
0xab: {  	[tilespmem:$0x5400] =	vst v1;
	v1 =	vmul.f32 v38, v21;
	v38 =	vld [tilespmem:$0x45C0]  }
0xac: {  	[tilespmem:$0x5510] =	vst v2;
	v2 =	vld [tilespmem:$0x4E00]  }
0xad: {  	[tilespmem:$0x5460] =	vst v40;
	v21 =	vld [tilespmem:$0x4600]  }
0xae: {  	v40 =	vpop (erf);
	[tilespmem:$0x5520] =	vst v37;
	v37 =	vld [tilespmem:$0x46A0]  }
0xaf: {  	v42 =	vmul.f32 v40, v25;
	v40 =	vld [tilespmem:$0x46B0]  }
0xb0: {  	v43 =	vpop (erf);
	v25 =	vld [tilespmem:$0x4F20]  }
0xb1: {  	v46 =	vmul.f32 v43, v33;
	v33 =	vld [tilespmem:$0x4DD0]  }
0xb2: {  	[tilespmem:$0x5530] =	vst v1;
	v1 =	vld [tilespmem:$0x4DF0]  }
0xb3: {  	v43 =	vld [tilespmem:$0x45F0]  }
0xb4: {  	v47 =	vpop (erf);
	(erf) = vrcp.f32 v45;
	v45 =	vld [tilespmem:$0x46D0]  }
0xb5: {  	[tilespmem:$0x1FD10] =	vst v29;
	v29 =	vld [tilespmem:$0x4F50]  }
0xb6: {  	[tilespmem:$0x5540] =	vst v42;
	v42 =	vld [tilespmem:$0x46C0]  }
0xb7: {  	v49 =	vmul.f32 v47, v36;
	v47 =	vld [tilespmem:$0x46E0]  }
0xb8: {  	[tilespmem:$0x1FD30] =	vst v32;
	v32 =	vld [tilespmem:$0x4F70]  }
0xb9: {  	v50 =	vpop (erf);
	v36 =	vld [tilespmem:$0x4780]  }
0xba: {  	[tilespmem:$0x5490] =	vst v52;
	v52 =	vmul.f32 v50, v39;
	v50 =	vld [tilespmem:$0x46F0]  }
0xbb: {  	[tilespmem:$0x1FD20] =	vst v31;
	v31 =	vld [tilespmem:$0x4F60]  }
0xbc: {  	[tilespmem:$0x1FD40] =	vst v35;
	v35 =	vld [tilespmem:$0x4F80]  }
0xbd: {  	v39 =	vld [tilespmem:$0x4790]  }
0xbe: {  	[tilespmem:$0x5550] =	vst v46;
	v53 =	vpop (erf);
	v46 =	vld [tilespmem:$0x47C0]  }
0xbf: {  	v54 =	vmul.f32 v53, v41;
	v53 =	vld [tilespmem:$0x4630]  }
0xc0: {  	v41 =	vld [tilespmem:$0x47A0]  }
0xc1: {  	[tilespmem:$0x5560] =	vst v49;
	v49 =	vld [tilespmem:$0x47D0]  }
0xc2: {  	v55 =	vpop (erf);
	[tilespmem:$0x5570] =	vst v52;
	v52 =	vld [tilespmem:$0x4700]  }
0xc3: {  	[tilespmem:$0x54A0] =	vst v56;
	v56 =	vmul.f32 v55, v44;
	v55 =	vld [tilespmem:$0x4710]  }
0xc4: {  	v57 =	vpop (erf);
	v44 =	vld [tilespmem:$0x47B0]  }
0xc5: {  	v58 =	vmul.f32 v57, v48;
	v48 =	vld [tilespmem:$0x4610]  }
0xc6: {  	v57 =	vld [tilespmem:$0x4720]  }
0xc7: {  	[tilespmem:$0x55A0] =	vst v58;
	v58 =	vld [tilespmem:$0x4800]  }
0xc8: {  	[tilespmem:$0x5580] =	vst v54;
	v54 =	vld [tilespmem:$0x47F0]  }
0xc9: {  	v59 =	vpop (erf);
	[tilespmem:$0x5590] =	vst v56;
	v56 =	vld [tilespmem:$0x4650]  }
0xca: {  	[tilespmem:$0x54B0] =	vst v60;
	v60 =	vmul.f32 v59, v51;
	v59 =	vld [tilespmem:$0x4670]  }
0xcb: {  	[tilespmem:$0x1FD50] =	vst v36;
	v36 =	vld [tilespmem:$0x4F90]  }
0xcc: {  	[tilespmem:$0x1FE50] =	vst v58;
	v58 =	vld [tilespmem:$0x4820]  }
0xcd: {  	v51 =	vld [tilespmem:$0x47E0];
	[tilespmem:$0x1FD70] =	vst v39  }
0xce: {  	v39 =	vld [tilespmem:$0x4FA0];
	[tilespmem:$0x1FDD0] =	vst v46  }
0xcf: {  	v46 =	vld [tilespmem:$0x4FD0];
	[tilespmem:$0x55B0] =	vst v60  }
0xd0: {  	v60 =	vld [tilespmem:$0x4730];
	[tilespmem:$0x1FD90] =	vst v41  }
0xd1: {  	[tilespmem:$0x1FE90] =	vst v58;
	v58 =	vld [tilespmem:$0x5030]  }
0xd2: {  	v41 =	vld [tilespmem:$0x4FB0];
	[tilespmem:$0x1FDF0] =	vst v49  }
0xd3: {  	v49 =	vld [tilespmem:$0x4FE0];
	[tilespmem:$0x1FDB0] =	vst v44  }
0xd4: {  	v44 =	vld [tilespmem:$0x4FC0];
	[tilespmem:$0x1FE30] =	vst v54  }
0xd5: {  	v54 =	vld [tilespmem:$0x5000];
	[tilespmem:$0x1FE10] =	vst v51  }
0xd6: {  	v33 =	vmax.f32 v33, $1.000000000e-30;
	v14 =	vpop (erf);
	v51 =	vld [tilespmem:$0x4FF0];
	[tilespmem:$0x1FD60] =	vst v58  }
0xd7: {  	v0 =	vmax.f32 v0, $1.000000000e-30;
	v58 =	vld [tilespmem:$0x4830];
	(erf) = vrcp.f32 v33  }
0xd8: {  	v33 =	vmax.f32 v1, $1.000000000e-30;
	(erf) = vrcp.f32 v0  }
0xd9: {  	(erf) = vrcp.f32 v33;
	v33 =	vld [tilespmem:$0x50D0];
	_ =	sdelay $0x3  }
0xda: {  	[tilespmem:$0x1FEB0] =	vst v58;
	v58 =	vld [tilespmem:$0x5040]  }
0xdb: {  	[tilespmem:$0x1FEA0] =	vst v33;
	v33 =	vld [tilespmem:$0x48D0];
	_ =	sdelay $0x2  }
0xdc: {  	v0 =	vmax.f32 v2, $1.000000000e-30  }
0xdd: {  	(erf) = vrcp.f32 v0;
	v0 =	vmax.f32 v3, $1.000000000e-30;
	[tilespmem:$0x1FD80] =	vst v58;
	v58 =	vld [tilespmem:$0x4840]  }
0xde: {  	(erf) = vrcp.f32 v0;
	[tilespmem:$0x1FF60] =	vst v33;
	v33 =	vmax.f32 v4, $1.000000000e-30;
	v4 =	vld [tilespmem:$0x50E0]  }
0xdf: {  	v5 =	vmax.f32 v5, $1.000000000e-30;
	v14 =	vmul.f32 v14, v38;
	v38 =	vld [tilespmem:$0x5110];
	(erf) = vrcp.f32 v33  }
0xe0: {  	(erf) = vrcp.f32 v5;
	v5 =	vmax.f32 v7, $1.000000000e-30;
	v7 =	vmax.f32 v8, $1.000000000e-30;
	v8 =	vld [tilespmem:$0x5100]  }
0xe1: {  	v33 =	vld [tilespmem:$0x48E0]  }
0xe2: {  	[tilespmem:$0x1FED0] =	vst v58;
	v58 =	vld [tilespmem:$0x5050]  }
0xe3: {  	[tilespmem:$0x1FEC0] =	vst v4;
	v4 =	vmax.f32 v6, $1.000000000e-30;
	v6 =	vld [tilespmem:$0x48F0]  }
0xe4: {  	[tilespmem:$0x55C0] =	vst v14;
	v0 =	vld [tilespmem:$0x51A0];
	(erf) = vrcp.f32 v4  }
0xe5: {  	(erf) = vrcp.f32 v5;
	[tilespmem:$0x1FEF0] =	vst v8;
	v8 =	vld [tilespmem:$0x4900]  }
0xe6: {  	[tilespmem:$0x1FF70] =	vst v33;
	v33 =	vld [tilespmem:$0x50F0];
	(erf) = vrcp.f32 v7;
	v7 =	vpop (erf)  }
0xe7: {  	v5 =	vld [tilespmem:$0x5190];
	[tilespmem:$0x1FDA0] =	vst v58;
	v2 =	vmul.f32 v7, v16  }
0xe8: {  	v58 =	vld [tilespmem:$0x4850];
	[tilespmem:$0x1FF80] =	vst v6  }
0xe9: {  	v6 =	vmax.f32 v9, $1.000000000e-30;
	v9 =	vmax.f32 v10, $1.000000000e-30;
	v10 =	vpop (erf);
	[tilespmem:$0x55D0] =	vst v2;
	v2 =	vld [tilespmem:$0x51C0]  }
0xea: {  	v16 =	vmax.f32 v11, $1.000000000e-30;
	(erf) = vrcp.f32 v6;
	v14 =	vmul.f32 v10, v18;
	v18 =	vpop (erf);
	[tilespmem:$0x1FF90] =	vst v8;
	v8 =	vld [tilespmem:$0x4910]  }
0xeb: {  	(erf) = vrcp.f32 v9;
	v9 =	vmul.f32 v18, v43;
	v43 =	vld [tilespmem:$0x5120]  }
0xec: {  	v10 =	vmax.f32 v12, $1.000000000e-30;
	v11 =	vpop (erf);
	v18 =	vld [tilespmem:$0x4920]  }
0xed: {  	[tilespmem:$0x1FEE0] =	vst v58;
	v58 =	vld [tilespmem:$0x5060];
	(erf) = vrcp.f32 v16;
	v16 =	vpop (erf)  }
0xee: {  	[tilespmem:$0x55E0] =	vst v14;
	v12 =	vmul.f32 v11, v21;
	v14 =	vmax.f32 v13, $1.000000000e-30;
	v11 =	vld [tilespmem:$0x4930];
	v7 =	vpop (erf)  }
0xef: {  	(erf) = vrcp.f32 v10;
	v21 =	vmul.f32 v16, v48;
	v48 =	vld [tilespmem:$0x5130];
	v10 =	vpop (erf)  }
0xf0: {  	[tilespmem:$0x5600] =	vst v12;
	v12 =	vmul.f32 v10, v53;
	v53 =	vld [tilespmem:$0x5140]  }
0xf1: {  	(erf) = vrcp.f32 v14;
	v14 =	vpop (erf);
	[tilespmem:$0x1FFB0] =	vst v18;
	v18 =	vld [tilespmem:$0x4940]  }
0xf2: {  	v6 =	vmax.f32 v15, $1.000000000e-30;
	[tilespmem:$0x55F0] =	vst v9;
	v15 =	vmul.f32 v14, v27;
	v27 =	vld [tilespmem:$0x4950]  }
0xf3: {  	[tilespmem:$0x1FFA0] =	vst v8;
	v8 =	vmul.f32 v7, v24;
	v7 =	vld [tilespmem:$0x5180]  }
0xf4: {  	v9 =	vmax.f32 v17, $1.000000000e-30;
	(erf) = vrcp.f32 v6;
	v17 =	vpop (erf);
	[tilespmem:$0x1FDC0] =	vst v58;
	v58 =	vld [tilespmem:$0x4860]  }
0xf5: {  	v13 =	vmax.f32 v19, $1.000000000e-30;
	(erf) = vrcp.f32 v9;
	v19 =	vmul.f32 v17, v56;
	v56 =	vld [tilespmem:$0x5150]  }
0xf6: {  	v16 =	vmax.f32 v20, $1.000000000e-30;
	[tilespmem:$0x5610] =	vst v21;
	(erf) = vrcp.f32 v13;
	v21 =	vpop (erf);
	v13 =	vld [tilespmem:$0x4960]  }
0xf7: {  	v20 =	vmax.f32 v22, $1.000000000e-30;
	(erf) = vrcp.f32 v16;
	v22 =	vmul.f32 v21, v30;
	v21 =	vld [tilespmem:$0x1FD20]  }
0xf8: {  	(erf) = vrcp.f32 v20;
	v24 =	vpop (erf);
	v20 =	vld [tilespmem:$0x49B0]  }
0xf9: {  	v23 =	vmax.f32 v23, $1.000000000e-30;
	v30 =	vmul.f32 v24, v59;
	v59 =	vld [tilespmem:$0x5160]  }
0xfa: {  	[tilespmem:$0x5620] =	vst v8;
	v8 =	vmax.f32 v25, $1.000000000e-30;
	(erf) = vrcp.f32 v23;
	v23 =	vld [tilespmem:$0x4970]  }
0xfb: {  	[tilespmem:$0x5630] =	vst v12;
	v9 =	vpop (erf);
	(erf) = vrcp.f32 v8;
	v8 =	vld [tilespmem:$0x51B0]  }
0xfc: {  	v12 =	vpop (erf);
	[tilespmem:$0x1FF00] =	vst v58;
	v58 =	vld [tilespmem:$0x5070]  }
0xfd: {  	[tilespmem:$0x1FFC0] =	vst v11;
	v11 =	vmax.f32 v26, $1.000000000e-30;
	v14 =	vmul.f32 v12, v62;
	v62 =	vld [tilespmem:$0x5170]  }
0xfe: {  	[tilespmem:$0x5640] =	vst v15;
	v15 =	vmax.f32 v28, $1.000000000e-30;
	(erf) = vrcp.f32 v11;
	v16 =	vpop (erf);
	v12 =	vmax.f32 v46, $1.000000000e-30;
	v46 =	vld [tilespmem:$0x1FDB0]  }
0xff: {  	[tilespmem:$0x1FFD0] =	vst v18;
	v18 =	vmax.f32 v29, $1.000000000e-30;
	v17 =	vmul.f32 v16, v37;
	(erf) = vrcp.f32 v15;
	v16 =	vld [tilespmem:$0x1FD10]  }
0x100: {  	[tilespmem:$0x5650] =	vst v19;
	v19 =	vpop (erf);
	(erf) = vrcp.f32 v18;
	v18 =	vld [tilespmem:$0x4980]  }
0x101: {  	v25 =	vmax.f32 v31, $1.000000000e-30;
	[tilespmem:$0x5690] =	vst v14;
	v14 =	vmax.f32 v49, $1.000000000e-30;
	v49 =	vld [tilespmem:$0x1FDC0]  }
0x102: {  	v26 =	vpop (erf);
	(erf) = vrcp.f32 v25;
	v25 =	vld [tilespmem:$0x49A0]  }
0x103: {  	[tilespmem:$0x1FFE0] =	vst v27;
	v24 =	vmul.f32 v19, v40;
	v27 =	vmul.f32 v26, v42;
	v26 =	vld [tilespmem:$0x49C0]  }
0x104: {  	[tilespmem:$0x56A0] =	vst v17;
	v17 =	vmax.f32 v51, $1.000000000e-30;
	v51 =	vld [tilespmem:$0x49D0]  }
0x105: {  	v28 =	vmax.f32 v32, $1.000000000e-30;
	[tilespmem:$0x56B0] =	vst v24;
	v24 =	vld [tilespmem:$0x4990]  }
0x106: {  	v29 =	vpop (erf);
	(erf) = vrcp.f32 v28;
	v28 =	vld [tilespmem:$0x1FD30]  }
0x107: {  	[tilespmem:$0x5670] =	vst v30;
	v30 =	vmul.f32 v29, v45;
	v29 =	vmax.f32 v63, $1.000000000e-30;
	v63 =	vld [tilespmem:$0x1FE10]  }
0x108: {  	v31 =	vmax.f32 v35, $1.000000000e-30;
	[tilespmem:$0x1FDE0] =	vst v58;
	v58 =	vld [tilespmem:$0x4870]  }
0x109: {  	v35 =	vmax.f32 v36, $1.000000000e-30;
	v32 =	vpop (erf);
	(erf) = vrcp.f32 v31;
	v31 =	vld [tilespmem:$0x1FD40]  }
0x10a: {  	v36 =	vpop (erf);
	(erf) = vrcp.f32 v35;
	v35 =	vld [tilespmem:$0x1FD50]  }
0x10b: {  	v39 =	vmax.f32 v39, $1.000000000e-30;
	v37 =	vmul.f32 v36, v50;
	v36 =	vld [tilespmem:$0x1FD60]  }
0x10c: {  	v40 =	vpop (erf);
	(erf) = vrcp.f32 v39;
	v39 =	vld [tilespmem:$0x1FD70]  }
0x10d: {  	v42 =	vmul.f32 v40, v52;
	v40 =	vld [tilespmem:$0x1FD80]  }
0x10e: {  	v10 =	vmul.f32 v9, v34;
	v34 =	vmul.f32 v32, v47;
	v47 =	vpop (erf);
	v52 =	vmax.f32 v44, $1.000000000e-30;
	v44 =	vld [tilespmem:$0x1FDA0]  }
0x10f: {  	v45 =	vmax.f32 v41, $1.000000000e-30;
	v50 =	vmul.f32 v47, v55;
	v47 =	vld [tilespmem:$0x49E0]  }
0x110: {  	(erf) = vrcp.f32 v45;
	[tilespmem:$0x5700] =	vst v42;
	v42 =	vld [tilespmem:$0x1FD90]  }
0x111: {  	v55 =	vpop (erf);
	(erf) = vrcp.f32 v52;
	v52 =	vld [tilespmem:$0x1FDD0]  }
0x112: {  	v11 =	vmul.f32 v55, v57;
	v55 =	vld [tilespmem:$0x1FDE0]  }
0x113: {  	[tilespmem:$0x1FF10] =	vst v58;
	v58 =	vld [tilespmem:$0x5080]  }
0x114: {  	[tilespmem:$0x1FFF0] =	vst v13;
	v13 =	vpop (erf);
	v57 =	vld [tilespmem:$0x1FDF0]  }
0x115: {  	v4 =	vmul.f32 v13, v60;
	v13 =	vld [tilespmem:$0x51E0]  }
0x116: {  	(erf) = vrcp.f32 v12;
	v12 =	vld [tilespmem:$0x1FE30]  }
0x117: {  	[tilespmem:$0x5720] =	vst v11;
	v11 =	vld [tilespmem:$0x51D0]  }
0x118: {  	v15 =	vpop (erf);
	[tilespmem:$0x1FE00] =	vst v58;
	v58 =	vld [tilespmem:$0x4880]  }
0x119: {  	v1 =	vmul.f32 v15, v16;
	v15 =	vld [tilespmem:$0x51F0]  }
0x11a: {  	[tilespmem:$0x5660] =	vst v22;
	v19 =	vpop (erf);
	v16 =	vld [tilespmem:$0x5200]  }
0x11b: {  	(erf) = vrcp.f32 v14;
	[tilespmem:$0x5730] =	vst v4;
	v4 =	vmul.f32 v19, v21;
	v19 =	vld [tilespmem:$0x5210]  }
0x11c: {  	[tilespmem:$0x56C0] =	vst v27;
	(erf) = vrcp.f32 v17;
	v17 =	vld [tilespmem:$0x4A10]  }
0x11d: {  	v22 =	vmax.f32 v54, $1.000000000e-30;
	[tilespmem:$0x1FF20] =	vst v58;
	v58 =	vld [tilespmem:$0x5090]  }
0x11e: {  	[tilespmem:$0x56D0] =	vst v30;
	v27 =	vpop (erf);
	(erf) = vrcp.f32 v22;
	v22 =	vld [tilespmem:$0x1FE50]  }
0x11f: {  	[tilespmem:$0x56E0] =	vst v34;
	v30 =	vpop (erf);
	(erf) = vrcp.f32 v29;
	v29 =	vld [tilespmem:$0x4A00]  }
0x120: {  	[tilespmem:$0x5750] =	vst v4;
	v4 =	vmul.f32 v30, v31;
	v31 =	vld [tilespmem:$0x1FE70]  }
0x121: {  	[tilespmem:$0x5740] =	vst v1;
	v1 =	vmul.f32 v27, v28;
	v6 =	vmax.f32 v55, $1.000000000e-30;
	v55 =	vld [tilespmem:$0x1FF00]  }
0x122: {  	v32 =	vmax.f32 v61, $1.000000000e-30;
	v34 =	vpop (erf);
	[tilespmem:$0x1FE20] =	vst v58;
	v58 =	vld [tilespmem:$0x4890]  }
0x123: {  	v3 =	vmax.f32 v36, $1.000000000e-30;
	[tilespmem:$0x5760] =	vst v1;
	v1 =	vmul.f32 v34, v35;
	(erf) = vrcp.f32 v32;
	v35 =	vld [tilespmem:$0x1FE90]  }
0x124: {  	[tilespmem:$0x56F0] =	vst v37;
	v37 =	vpop (erf);
	(erf) = vrcp.f32 v3;
	v3 =	vmax.f32 v40, $1.000000000e-30;
	v40 =	vld [tilespmem:$0x49F0]  }
0x125: {  	v61 =	vld [tilespmem:$0x1FE00]  }
0x126: {  	[tilespmem:$0x5770] =	vst v4;
	v4 =	vmul.f32 v37, v39;
	v37 =	vld [tilespmem:$0x1FEA0]  }
0x127: {  	v41 =	vpop (erf);
	[tilespmem:$0x1FF30] =	vst v58;
	v58 =	vld [tilespmem:$0x50A0]  }
0x128: {  	[tilespmem:$0x5780] =	vst v1;
	v1 =	vmul.f32 v41, v42;
	v41 =	vld [tilespmem:$0x1FEB0]  }
0x129: {  	(erf) = vrcp.f32 v3;
	v3 =	vmax.f32 v44, $1.000000000e-30;
	v45 =	vpop (erf);
	v44 =	vld [tilespmem:$0x1FEC0]  }
0x12a: {  	[tilespmem:$0x5790] =	vst v4;
	v4 =	vmul.f32 v45, v46;
	(erf) = vrcp.f32 v3;
	v3 =	vmax.f32 v49, $1.000000000e-30;
	v45 =	vld [tilespmem:$0x1FED0]  }
0x12b: {  	[tilespmem:$0x5710] =	vst v50;
	v49 =	vmax.f32 v33, $1.000000000e-30;
	v33 =	vmax.f32 v43, $1.000000000e-30;
	v43 =	vmax.f32 v56, $1.000000000e-30;
	v56 =	vld [tilespmem:$0x1FF80]  }
0x12c: {  	v50 =	vpop (erf);
	[tilespmem:$0x1FE40] =	vst v58;
	v58 =	vld [tilespmem:$0x48A0]  }
0x12d: {  	[tilespmem:$0x57A0] =	vst v1;
	v1 =	vmul.f32 v50, v52;
	v54 =	vpop (erf);
	v50 =	vld [tilespmem:$0x1FEE0]  }
0x12e: {  	(erf) = vrcp.f32 v3;
	[tilespmem:$0x57B0] =	vst v4;
	v3 =	vmul.f32 v54, v57;
	v4 =	vld [tilespmem:$0x4A20]  }
0x12f: {  	v60 =	vpop (erf);
	v54 =	vld [tilespmem:$0x1FEF0];
	[tilespmem:$0x57C0] =	vst v1  }
0x130: {  	(erf) = vrcp.f32 v6;
	v6 =	vmax.f32 v61, $1.000000000e-30;
	v1 =	vmul.f32 v60, v63;
	v9 =	vpop (erf);
	v61 =	vld [tilespmem:$0x1FF10];
	[tilespmem:$0x57D0] =	vst v3  }
0x131: {  	v3 =	vmul.f32 v9, v12;
	v14 =	vpop (erf);
	[tilespmem:$0x1FF40] =	vst v58;
	v58 =	vld [tilespmem:$0x50B0]  }
0x132: {  	[tilespmem:$0x57E0] =	vst v1;
	v1 =	vmul.f32 v14, v22;
	v22 =	vld [tilespmem:$0x5240]  }
0x133: {  	[tilespmem:$0x57F0] =	vst v3;
	v3 =	vld [tilespmem:$0x4A30]  }
0x134: {  	[tilespmem:$0x5680] =	vst v10;
	v10 =	vld [tilespmem:$0x1FE20]  }
0x135: {  	v27 =	vpop (erf);
	v21 =	vld [tilespmem:$0x1FE40]  }
0x136: {  	v9 =	vmul.f32 v27, v31;
	v32 =	vpop (erf);
	[tilespmem:$0x1FE60] =	vst v58;
	v58 =	vld [tilespmem:$0x48B0]  }
0x137: {  	v27 =	vld [tilespmem:$0x5250];
	[tilespmem:$0x5800] =	vst v1;
	v1 =	vmul.f32 v32, v35;
	v36 =	vpop (erf)  }
0x138: {  	v32 =	vld [tilespmem:$0x5270];
	[tilespmem:$0x5810] =	vst v9;
	v9 =	vmul.f32 v36, v41;
	v42 =	vpop (erf)  }
0x139: {  	(erf) = vrcp.f32 v6;
	v14 =	vmax.f32 v54, $1.000000000e-30;
	v54 =	vld [tilespmem:$0x1FF70];
	[tilespmem:$0x5820] =	vst v1;
	v1 =	vmul.f32 v42, v45;
	v46 =	vpop (erf)  }
0x13a: {  	[tilespmem:$0x5830] =	vst v9;
	v9 =	vmul.f32 v46, v50;
	v50 =	vmax.f32 v62, $1.000000000e-30;
	v62 =	vld [tilespmem:$0x1FFB0];
	v6 =	vmax.f32 v10, $1.000000000e-30  }
0x13b: {  	(erf) = vrcp.f32 v6;
	v6 =	vmax.f32 v21, $1.000000000e-30;
	[tilespmem:$0x1FF50] =	vst v58;
	v58 =	vld [tilespmem:$0x50C0]  }
0x13c: {  	v52 =	vpop (erf);
	[tilespmem:$0x5840] =	vst v1;
	v1 =	vld [tilespmem:$0x4A50];
	(erf) = vrcp.f32 v6  }
0x13d: {  	v12 =	vmul.f32 v52, v55;
	v52 =	vld [tilespmem:$0x1FF60]  }
0x13e: {  	[tilespmem:$0x5850] =	vst v9;
	v9 =	vld [tilespmem:$0x4A60]  }
0x13f: {  	v28 =	vld [tilespmem:$0x1FE60]  }
0x140: {  	v41 =	vld [tilespmem:$0x1FF40];
	[tilespmem:$0x1FE80] =	vst v58  }
0x141: {  	v34 =	vld [tilespmem:$0x1FE80]  }
0x142: {  	v39 =	vmax.f32 v37, $1.000000000e-30;
	v57 =	vpop (erf);
	v37 =	vld [tilespmem:$0x1FF30]  }
0x143: {  	v10 =	vld [tilespmem:$0x5230];
	v63 =	vpop (erf)  }
0x144: {  	v21 =	vld [tilespmem:$0x5220];
	v35 =	vpop (erf);
	v30 =	vmax.f32 v28, $1.000000000e-30  }
0x145: {  	v60 =	vmax.f32 v38, $1.000000000e-30;
	v28 =	vmul.f32 v57, v61;
	v38 =	vpop (erf);
	(erf) = vrcp.f32 v30;
	v30 =	vld [tilespmem:$0x5260]  }
0x146: {  	v31 =	vmul.f32 v38, v41;
	v41 =	vld [tilespmem:$0x1FFD0];
	v6 =	vmax.f32 v34, $1.000000000e-30  }
0x147: {  	[tilespmem:$0x5870] =	vst v28;
	v28 =	vmul.f32 v35, v37;
	v35 =	vld [tilespmem:$0x5290];
	(erf) = vrcp.f32 v6  }
0x148: {  	v34 =	vld [tilespmem:$0x1FF20]  }
0x149: {  	v37 =	vld [tilespmem:$0x1FFC0];
	v6 =	vmax.f32 v44, $1.000000000e-30;
	(erf) = vrcp.f32 v39  }
0x14a: {  	v58 =	vld [tilespmem:$0x48C0];
	(erf) = vrcp.f32 v6  }
0x14b: {  	v44 =	vld [tilespmem:$0x1FF50];
	(erf) = vrcp.f32 v49  }
0x14c: {  	v6 =	vld [tilespmem:$0x4A40];
	(erf) = vrcp.f32 v14  }
0x14d: {  	[tilespmem:$0x5860] =	vst v12;
	v12 =	vmul.f32 v63, v34;
	v34 =	vld [tilespmem:$0x5280];
	(erf) = vrcp.f32 v60  }
0x14e: {  	v36 =	vmax.f32 v48, $1.000000000e-30;
	v14 =	vld [tilespmem:$0x4A80];
	(erf) = vrcp.f32 v33  }
0x14f: {  	v42 =	vpop (erf);
	v39 =	vmax.f32 v53, $1.000000000e-30;
	v60 =	vld [tilespmem:$0x1FFA0];
	(erf) = vrcp.f32 v36  }
0x150: {  	[tilespmem:$0x5890] =	vst v28;
	v28 =	vmul.f32 v42, v44;
	v44 =	vld [tilespmem:$0x1FFE0];
	(erf) = vrcp.f32 v39;
	v45 =	vpop (erf)  }
0x151: {  	v46 =	vmax.f32 v59, $1.000000000e-30;
	[tilespmem:$0x58A0] =	vst v31;
	(erf) = vrcp.f32 v43;
	v48 =	vmul.f32 v45, v58;
	v58 =	vld [tilespmem:$0x1FF90]  }
0x152: {  	v0 =	vmax.f32 v0, $1.000000000e-30;
	v5 =	vmax.f32 v5, $1.000000000e-30;
	[tilespmem:$0x5880] =	vst v12;
	v12 =	vld [tilespmem:$0x4A70];
	v49 =	vpop (erf);
	(erf) = vrcp.f32 v46  }
0x153: {  	v7 =	vmax.f32 v7, $1.000000000e-30;
	v33 =	vld [tilespmem:$0x52B0];
	[tilespmem:$0x58B0] =	vst v28;
	v28 =	vmul.f32 v49, v52;
	v53 =	vpop (erf);
	(erf) = vrcp.f32 v50  }
0x154: {  	v8 =	vmax.f32 v8, $1.000000000e-30;
	v36 =	vld [tilespmem:$0x52A0];
	[tilespmem:$0x58C0] =	vst v48;
	v31 =	vmul.f32 v53, v54;
	v55 =	vpop (erf);
	(erf) = vrcp.f32 v7  }
0x155: {  	v39 =	vmax.f32 v13, $1.000000000e-30;
	v13 =	vld [tilespmem:$0x52C0];
	[tilespmem:$0x58D0] =	vst v28;
	v28 =	vmul.f32 v55, v56;
	v57 =	vpop (erf);
	(erf) = vrcp.f32 v5  }
0x156: {  	v43 =	vmax.f32 v15, $1.000000000e-30;
	v15 =	vld [tilespmem:$0x4B40];
	[tilespmem:$0x58E0] =	vst v31;
	v59 =	vpop (erf);
	(erf) = vrcp.f32 v0;
	v5 =	vmul.f32 v57, v58  }
0x157: {  	v2 =	vmax.f32 v2, $1.000000000e-30;
	v49 =	vld [tilespmem:$0x1FFF0];
	[tilespmem:$0x58F0] =	vst v28;
	v28 =	vmul.f32 v59, v60;
	v61 =	vpop (erf);
	(erf) = vrcp.f32 v8  }
0x158: {  	v11 =	vmax.f32 v11, $1.000000000e-30;
	v7 =	vld [tilespmem:$0x4A90];
	v63 =	vpop (erf);
	(erf) = vrcp.f32 v2;
	[tilespmem:$0x5900] =	vst v5;
	v5 =	vmul.f32 v61, v62  }
0x159: {  	v48 =	vmax.f32 v16, $1.000000000e-30;
	v16 =	vld [tilespmem:$0x52D0];
	[tilespmem:$0x5910] =	vst v28;
	v8 =	vmul.f32 v63, v37;
	v38 =	vpop (erf);
	(erf) = vrcp.f32 v11  }
0x15a: {  	v55 =	vmax.f32 v21, $1.000000000e-30;
	v21 =	vld [tilespmem:$0x52E0];
	v28 =	vmul.f32 v38, v41;
	v42 =	vpop (erf);
	(erf) = vrcp.f32 v39;
	[tilespmem:$0x5920] =	vst v5  }
0x15b: {  	v52 =	vmax.f32 v19, $1.000000000e-30;
	v0 =	vld [tilespmem:$0x4AA0];
	[tilespmem:$0x5930] =	vst v8;
	v45 =	vmul.f32 v42, v44;
	v46 =	vpop (erf);
	(erf) = vrcp.f32 v43  }
0x15c: {  	v59 =	vmax.f32 v22, $1.000000000e-30;
	v22 =	vld [tilespmem:$0x52F0];
	[tilespmem:$0x5940] =	vst v28;
	v28 =	vmul.f32 v46, v49;
	v50 =	vpop (erf);
	(erf) = vrcp.f32 v48  }
0x15d: {  	v10 =	vmax.f32 v10, $1.000000000e-30;
	v2 =	vld [tilespmem:$0x4AB0];
	[tilespmem:$0x5950] =	vst v45;
	v53 =	vmul.f32 v50, v23;
	v54 =	vpop (erf);
	(erf) = vrcp.f32 v52  }
0x15e: {  	v31 =	vmax.f32 v30, $1.000000000e-30;
	v11 =	vld [tilespmem:$0x4AE0];
	[tilespmem:$0x5960] =	vst v28;
	v18 =	vmul.f32 v54, v18;
	v56 =	vpop (erf);
	(erf) = vrcp.f32 v55  }
0x15f: {  	v62 =	vmax.f32 v27, $1.000000000e-30;
	v5 =	vld [tilespmem:$0x4AC0];
	[tilespmem:$0x5970] =	vst v53;
	v57 =	vmul.f32 v56, v24;
	v58 =	vpop (erf);
	(erf) = vrcp.f32 v10  }
0x160: {  	v39 =	vmax.f32 v32, $1.000000000e-30;
	v8 =	vld [tilespmem:$0x4AD0];
	[tilespmem:$0x5980] =	vst v18;
	v60 =	vmul.f32 v58, v25;
	v61 =	vpop (erf);
	(erf) = vrcp.f32 v59  }
0x161: {  	v43 =	vmax.f32 v34, $1.000000000e-30;
	v44 =	vld [tilespmem:$0x5310];
	[tilespmem:$0x5990] =	vst v57;
	v63 =	vmul.f32 v61, v20;
	v28 =	vpop (erf);
	(erf) = vrcp.f32 v62  }
0x162: {  	v23 =	vld [tilespmem:$0x4AF0];
	v50 =	vmax.f32 v36, $1.000000000e-30;
	[tilespmem:$0x59A0] =	vst v60;
	v37 =	vmul.f32 v28, v26;
	v38 =	vpop (erf);
	(erf) = vrcp.f32 v31  }
0x163: {  	v36 =	vld [tilespmem:$0x5360];
	v54 =	vmax.f32 v33, $1.000000000e-30;
	[tilespmem:$0x59B0] =	vst v63;
	v41 =	vmul.f32 v38, v51;
	v42 =	vpop (erf);
	(erf) = vrcp.f32 v39  }
0x164: {  	v33 =	vld [tilespmem:$0x5350];
	[tilespmem:$0x59C0] =	vst v37;
	v45 =	vmul.f32 v42, v47;
	v46 =	vpop (erf);
	(erf) = vrcp.f32 v43;
	v47 =	vmax.f32 v35, $1.000000000e-30  }
0x165: {  	v24 =	vld [tilespmem:$0x4B00];
	[tilespmem:$0x59D0] =	vst v41;
	v48 =	vmul.f32 v46, v40;
	v49 =	vpop (erf);
	(erf) = vrcp.f32 v47  }
0x166: {  	v20 =	vld [tilespmem:$0x5300];
	[tilespmem:$0x59E0] =	vst v45;
	v52 =	vmul.f32 v49, v29;
	v53 =	vpop (erf);
	(erf) = vrcp.f32 v50  }
0x167: {  	v58 =	vld [tilespmem:$0x5330];
	v57 =	vmax.f32 v13, $1.000000000e-30;
	[tilespmem:$0x59F0] =	vst v48;
	v55 =	vmul.f32 v53, v17;
	v56 =	vpop (erf);
	(erf) = vrcp.f32 v54  }
0x168: {  	v60 =	vmax.f32 v16, $1.000000000e-30;
	v51 =	vld [tilespmem:$0x5320];
	[tilespmem:$0x5A00] =	vst v52;
	v4 =	vmul.f32 v56, v4;
	v59 =	vpop (erf);
	(erf) = vrcp.f32 v57  }
0x169: {  	v62 =	vmax.f32 v21, $1.000000000e-30;
	v26 =	vld [tilespmem:$0x4B10];
	[tilespmem:$0x5A10] =	vst v55;
	v3 =	vmul.f32 v59, v3;
	v61 =	vpop (erf);
	(erf) = vrcp.f32 v60  }
0x16a: {  	v30 =	vmax.f32 v22, $1.000000000e-30;
	v63 =	vld [tilespmem:$0x5340];
	[tilespmem:$0x5A20] =	vst v4;
	v21 =	vmul.f32 v61, v6;
	v29 =	vpop (erf);
	(erf) = vrcp.f32 v62  }
0x16b: {  	v28 =	vld [tilespmem:$0x4B20];
	v32 =	vmax.f32 v20, $1.000000000e-30;
	[tilespmem:$0x5A30] =	vst v3;
	v1 =	vmul.f32 v29, v1;
	v31 =	vpop (erf);
	(erf) = vrcp.f32 v30  }
0x16c: {  	v16 =	vld [tilespmem:$0x4B30];
	v35 =	vmax.f32 v44, $1.000000000e-30;
	[tilespmem:$0x5A40] =	vst v21;
	v3 =	vmul.f32 v31, v9;
	v34 =	vpop (erf);
	(erf) = vrcp.f32 v32  }
0x16d: {  	v40 =	vld [tilespmem:$0x5370];
	v39 =	vmax.f32 v51, $1.000000000e-30;
	[tilespmem:$0x5A50] =	vst v1;
	v37 =	vmul.f32 v34, v12;
	v38 =	vpop (erf);
	(erf) = vrcp.f32 v35  }
0x16e: {  	v44 =	vld [tilespmem:$0x5380];
	v43 =	vmax.f32 v58, $1.000000000e-30;
	[tilespmem:$0x5A60] =	vst v3;
	v41 =	vmul.f32 v38, v14;
	v42 =	vpop (erf);
	(erf) = vrcp.f32 v39  }
0x16f: {  	v48 =	vld [tilespmem:$0x5390];
	v47 =	vmax.f32 v63, $1.000000000e-30;
	[tilespmem:$0x5A70] =	vst v37;
	v45 =	vmul.f32 v42, v7;
	v46 =	vpop (erf);
	(erf) = vrcp.f32 v43  }
0x170: {  	v50 =	vmax.f32 v33, $1.000000000e-30;
	v51 =	vld [tilespmem:$0x53A0];
	[tilespmem:$0x5A80] =	vst v41;
	v0 =	vmul.f32 v46, v0;
	v49 =	vpop (erf);
	(erf) = vrcp.f32 v47  }
0x171: {  	v54 =	vmax.f32 v36, $1.000000000e-30;
	v55 =	vld [tilespmem:$0x53B0];
	[tilespmem:$0x5A90] =	vst v45;
	v52 =	vmul.f32 v49, v2;
	v53 =	vpop (erf);
	(erf) = vrcp.f32 v50  }
0x172: {  	v59 =	vld [tilespmem:$0x53C0];
	v58 =	vmax.f32 v40, $1.000000000e-30;
	[tilespmem:$0x5AA0] =	vst v0;
	v56 =	vmul.f32 v53, v5;
	v57 =	vpop (erf);
	(erf) = vrcp.f32 v54  }
0x173: {  	v63 =	vld [tilespmem:$0x53D0];
	v62 =	vmax.f32 v44, $1.000000000e-30;
	[tilespmem:$0x5AB0] =	vst v52;
	v60 =	vmul.f32 v57, v8;
	v61 =	vpop (erf);
	(erf) = vrcp.f32 v58  }
0x174: {  	v17 =	vld [tilespmem:$0x53E0];
	v14 =	vmax.f32 v48, $1.000000000e-30;
	[tilespmem:$0x5AC0] =	vst v56;
	v12 =	vmul.f32 v61, v11;
	v13 =	vpop (erf);
	(erf) = vrcp.f32 v62  }
0x175: {  	v21 =	vld [tilespmem:$0x53F0];
	v20 =	vmax.f32 v51, $1.000000000e-30;
	[tilespmem:$0x5AD0] =	vst v60;
	v18 =	vmul.f32 v13, v23;
	v19 =	vpop (erf);
	(erf) = vrcp.f32 v14  }
0x176: {  	v4 =	vmax.f32 v55, $1.000000000e-30;
	[tilespmem:$0x5AE0] =	vst v12;
	v22 =	vmul.f32 v19, v24;
	v23 =	vpop (erf);
	(erf) = vrcp.f32 v20;
	v24 =	vld [tilespmem:$0x4B50]  }
0x177: {  	v27 =	vld [tilespmem:$0x4B60];
	v5 =	vmax.f32 v59, $1.000000000e-30;
	[tilespmem:$0x5AF0] =	vst v18;
	v25 =	vmul.f32 v23, v26;
	v26 =	vpop (erf);
	(erf) = vrcp.f32 v4  }
0x178: {  	v30 =	vld [tilespmem:$0x4B70];
	v8 =	vmax.f32 v63, $1.000000000e-30;
	[tilespmem:$0x5B00] =	vst v22;
	v28 =	vmul.f32 v26, v28;
	v29 =	vpop (erf);
	(erf) = vrcp.f32 v5  }
0x179: {  	v33 =	vld [tilespmem:$0x4B80];
	v7 =	vmax.f32 v17, $1.000000000e-30;
	[tilespmem:$0x5B10] =	vst v25;
	v31 =	vmul.f32 v29, v16;
	v32 =	vpop (erf);
	(erf) = vrcp.f32 v8  }
0x17a: {  	v36 =	vld [tilespmem:$0x4B90];
	v6 =	vmax.f32 v21, $1.000000000e-30;
	[tilespmem:$0x5B20] =	vst v28;
	v34 =	vmul.f32 v32, v15;
	v35 =	vpop (erf);
	(erf) = vrcp.f32 v7  }
0x17b: {  	v39 =	vld [tilespmem:$0x4BA0];
	[tilespmem:$0x5B30] =	vst v31;
	v37 =	vmul.f32 v35, v24;
	v38 =	vpop (erf);
	(erf) = vrcp.f32 v6  }
0x17c: {  	v42 =	vld [tilespmem:$0x4BB0];
	v40 =	vpop (erf);
	[tilespmem:$0x5B40] =	vst v34;
	v41 =	vmul.f32 v38, v27  }
0x17d: {  	v45 =	vld [tilespmem:$0x4BC0];
	v43 =	vpop (erf);
	[tilespmem:$0x5B50] =	vst v37;
	v44 =	vmul.f32 v40, v30  }
0x17e: {  	v48 =	vld [tilespmem:$0x4BD0];
	v46 =	vpop (erf);
	[tilespmem:$0x5B60] =	vst v41;
	v47 =	vmul.f32 v43, v33  }
0x17f: {  	v51 =	vld [tilespmem:$0x4BE0];
	v49 =	vpop (erf);
	[tilespmem:$0x5B70] =	vst v44;
	v50 =	vmul.f32 v46, v36  }
0x180: {  	v54 =	vld [tilespmem:$0x4BF0];
	v52 =	vpop (erf);
	[tilespmem:$0x5B80] =	vst v47;
	v53 =	vmul.f32 v49, v39  }
0x181: {  	v55 =	vpop (erf);
	[tilespmem:$0x5B90] =	vst v50;
	v56 =	vmul.f32 v52, v42  }
0x182: {  	v57 =	vpop (erf);
	[tilespmem:$0x5BA0] =	vst v53;
	v58 =	vmul.f32 v55, v45  }
0x183: {  	v59 =	vpop (erf);
	[tilespmem:$0x5BB0] =	vst v56;
	v60 =	vmul.f32 v57, v48  }
0x184: {  	[tilespmem:$0x5BC0] =	vst v58;
	v61 =	vmul.f32 v59, v51;
	v62 =	vpop (erf)  }
0x185: {  	[tilespmem:$0x5BD0] =	vst v60;
	v63 =	vmul.f32 v62, v54  }
0x186: {  	p0 =	sne.s32 s15, $0x1;
	[tilespmem:$0x5BE0] =	vst v61  }
.Ltmp0:
0x187: {  	[tilespmem:$0x5BF0] =	vst v63;
	(pc) =	sbr.rel @p0 .LBB2_1-.Ltmp0, $4  }
0x188: {  	[hbm4b:s14+s3] =	stream.linear.scatter [tilespmem:s26], [sflag:$0x1], $0x800, $0x38;
	[tilespmem:$0x6800] =	vst v63  }
0x189: {  	_ =	swait.ge [sflag:s17], $0x800  }
0x18a: {  	[sflag:s17] =	ssyncset.done $0x0  }
0x18b: {  	s15 =	sadd.s32 $0xFFFFFFFF, s15;
	[sflag:s17] =	ssyncadd.s32 $0xFFFFF800  }
0x18c: {  	_ =	sfence.sel $0x180000  }
0x18d: {  	[bflag:$0x0] =	sbarrier.arrive $0xFFFF  }
0x18e: {  	p0 =	sne.s32 s2, $0x0;
	_ =	strace $0x9000004D  }
0x18f: {  	s0 =	sadd.s32 @!p0 $0x100000, s0;
	[bflag:$0x2] =	sbarrier.arrive $0xFFFF  }
0x190: {  	[sflag:s0] =	ssyncadd.tile.s32 @!p0 $0x1;
	_ =	shalt  }
.Lfunc_end2:
_tile_overlayer_lowered:
.L_overlay_start_2:
0x191: {  	(tag) =	ssettag $0x2  }
0x192: {  	s0 =	rddreg [dreg:$0x0];
	s2 =	stileid.u32  }
0x193: {  	s1 =	rddreg [dreg:$0x1];
	p0 =	sne.s32 s2, $0x0  }
0x194: {  	s3 =	rddreg [dreg:$0x2];
	[bflag:$0x3] =	sbarrier.arrive $0xFFFF;
	s2 =	simm.s32 @!p0 $0x1C01  }
0x195: {  	[timem:s3], [sflag:s2] =	dma.local @!p0 [hbm:s0], s1  }
0x196: {  	s0 =	simm.s32 @!p0 $0x1  }
0x197: {  	_ =	swait.ge @!p0 [sflag:s0], s1  }
0x198: {  	s1 =	ssub.s32 @!p0 $0x0, s1;
	[sflag:s0] =	ssyncset.done @!p0 $0x0  }
0x199: {  	[sflag:s0] =	ssyncadd.s32 @!p0 s1  }
0x19a: {  	[bflag:$0x3] =	sbarrier.arrive $0xFFFF  }
0x19b: {  	_ =	shalt  }

</sc_bundles>
